<compile_context>
chip_gen: v7x
topology: tpu7x:2x2x1
jax: 0.10.2.dev20260603
libtpu: 0.0.44.dev20260713+nightly
codegen_flags: <defaults>
</compile_context>

<pallas_src>
import functools

import jax
import jax.numpy as jnp
from jax import lax
from jax.experimental import pallas as pl
from jax.experimental.pallas import tpu as pltpu
from jax.experimental.pallas import tpu_sc as plsc

NC = 2
NS = 16
NW = NC * NS
EK = 128

_mesh = plsc.VectorSubcoreMesh(
    core_axis_name="c", subcore_axis_name="s", num_cores=NC, num_subcores=NS)
_params = pltpu.CompilerParams(use_tc_tiling_on_sc=False)


def _hist_kernel(ce, m, cp, mp):
  rt = m // NS
  rtp = mp // NS

  @functools.partial(
      pl.kernel,
      out_type=(jax.ShapeDtypeStruct((m, 16), jnp.float32),
                jax.ShapeDtypeStruct((m, 16), jnp.float32),
                jax.ShapeDtypeStruct((mp, 16), jnp.float32),
                jax.ShapeDtypeStruct((mp, 16), jnp.float32)),
      mesh=_mesh,
      compiler_params=_params,
      scratch_types=[
          pltpu.VMEM_SHARED((m, 16), jnp.float32),
          pltpu.VMEM_SHARED((mp, 16), jnp.float32),
          pltpu.VMEM((ce, EK), jnp.int32),
          pltpu.VMEM((cp, EK), jnp.int32),
          pltpu.VMEM((EK, 16), jnp.float32),
      ],
  )
  def k(dst_hbm, bat_hbm, ones_hbm, zd_hbm, zc_hbm, deg0_hbm, deg1_hbm,
        cnt0_hbm, cnt1_hbm, acc_d, acc_c, dst_st, bat_st, ones_st):
    c = lax.axis_index("c")
    s = lax.axis_index("s")
    wid = c * NS + s
    pltpu.sync_copy(dst_hbm.at[wid], dst_st)
    pltpu.sync_copy(bat_hbm.at[wid], bat_st)
    pltpu.sync_copy(zd_hbm, acc_d.at[pl.ds(s * rt, rt)])
    pltpu.sync_copy(zc_hbm, acc_c.at[pl.ds(s * rtp, rtp)])
    pltpu.sync_copy(ones_hbm, ones_st)
    plsc.subcore_barrier()

    def step(j, carry):
      pltpu.sync_copy(ones_st, acc_d.at[dst_st.at[j]], add=True)
      return carry

    lax.fori_loop(0, ce, step, 0)

    def stepb(j, carry):
      pltpu.sync_copy(ones_st, acc_c.at[bat_st.at[j]], add=True)
      return carry

    lax.fori_loop(0, cp, stepb, 0)
    plsc.subcore_barrier()

    @pl.when(c == 0)
    def _():
      pltpu.sync_copy(acc_d.at[pl.ds(s * rt, rt)],
                      deg0_hbm.at[pl.ds(s * rt, rt)])
      pltpu.sync_copy(acc_c.at[pl.ds(s * rtp, rtp)],
                      cnt0_hbm.at[pl.ds(s * rtp, rtp)])

    @pl.when(c == 1)
    def _():
      pltpu.sync_copy(acc_d.at[pl.ds(s * rt, rt)],
                      deg1_hbm.at[pl.ds(s * rt, rt)])
      pltpu.sync_copy(acc_c.at[pl.ds(s * rtp, rtp)],
                      cnt1_hbm.at[pl.ds(s * rtp, rtp)])

  return k


def _edge_body(ce, m, d, nn, g_hbm, src_hbm, dst_hbm, zeros_hbm, acc,
               g_spm, src_st, dst_st, msg0, msg1, sem0, sem1, ssem0,
               ssem1, c, s):
  rt = m // NS
  wid = c * NS + s
  rows8 = nn // 8
  tail = nn - (NS - 1) * rt
  pltpu.sync_copy(src_hbm.at[wid], src_st)
  pltpu.sync_copy(dst_hbm.at[wid], dst_st)

  @pl.when(jnp.logical_and(c == 0, s < NS - 1))
  def _():
    pltpu.sync_copy(g_hbm.at[pl.ds(s * rt, rt)], acc.at[pl.ds(s * rt, rt)])

  @pl.when(jnp.logical_and(c == 0, s == NS - 1))
  def _():
    pltpu.sync_copy(zeros_hbm, acc.at[pl.ds((NS - 1) * rt, rt)])
    pltpu.sync_copy(g_hbm.at[pl.ds((NS - 1) * rt, tail)],
                    acc.at[pl.ds((NS - 1) * rt, tail)])

  @pl.when(c == 1)
  def _():
    pltpu.sync_copy(zeros_hbm, acc.at[pl.ds(s * rt, rt)])

  @pl.when(s < 8)
  def _():
    pltpu.sync_copy(g_hbm.at[pl.ds(s * rows8, rows8)],
                    g_spm.at[pl.ds(s * rows8, rows8)])

  plsc.subcore_barrier()
  pltpu.async_copy(g_spm.at[src_st.at[0]], msg0, sem0)

  msgs = (msg0, msg1)
  sems = (sem0, sem1)
  ssems = (ssem0, ssem1)

  def step(gidx, carry):
    for b in (0, 1):
      j = 2 * gidx + b
      nxt = j + 1

      @pl.when(j >= 1)
      def _():
        pltpu.make_async_copy(msgs[1 - b], acc.at[pl.ds(0, EK)],
                              ssems[1 - b]).wait()

      @pl.when(nxt < ce)
      def _():
        pltpu.async_copy(g_spm.at[src_st.at[nxt]], msgs[1 - b],
                         sems[1 - b])

      pltpu.make_async_copy(g_spm.at[pl.ds(0, EK)], msgs[b],
                            sems[b]).wait()
      pltpu.async_copy(msgs[b], acc.at[dst_st.at[j]], ssems[b], add=True)
    return carry

  lax.fori_loop(0, ce // 2, step, 0)
  pltpu.make_async_copy(msgs[1], acc.at[pl.ds(0, EK)], ssems[1]).wait()
  plsc.subcore_barrier()


def _edge_scatter(ce, m, d, nn):
  rt = m // NS

  @functools.partial(
      pl.kernel,
      out_type=(jax.ShapeDtypeStruct((m, d), jnp.float32),
                jax.ShapeDtypeStruct((m, d), jnp.float32)),
      mesh=_mesh,
      compiler_params=_params,
      scratch_types=[
          pltpu.VMEM_SHARED((m, d), jnp.float32),
          pltpu.VMEM_SHARED((nn, d), jnp.float32),
          pltpu.VMEM((ce, EK), jnp.int32),
          pltpu.VMEM((ce, EK), jnp.int32),
          pltpu.VMEM((EK, d), jnp.float32),
          pltpu.VMEM((EK, d), jnp.float32),
          pltpu.SemaphoreType.DMA,
          pltpu.SemaphoreType.DMA,
          pltpu.SemaphoreType.DMA,
          pltpu.SemaphoreType.DMA,
      ],
  )
  def k(g_hbm, src_hbm, dst_hbm, zeros_hbm, out0_hbm, out1_hbm, acc,
        g_spm, src_st, dst_st, msg0, msg1, sem0, sem1, ssem0, ssem1):
    c = lax.axis_index("c")
    s = lax.axis_index("s")
    _edge_body(ce, m, d, nn, g_hbm, src_hbm, dst_hbm, zeros_hbm, acc,
               g_spm, src_st, dst_st, msg0, msg1, sem0, sem1, ssem0,
               ssem1, c, s)

    @pl.when(c == 0)
    def _():
      pltpu.sync_copy(acc.at[pl.ds(s * rt, rt)],
                      out0_hbm.at[pl.ds(s * rt, rt)])

    @pl.when(c == 1)
    def _():
      pltpu.sync_copy(acc.at[pl.ds(s * rt, rt)],
                      out1_hbm.at[pl.ds(s * rt, rt)])

  return k


def _edge_pool_scatter(ce, m, d, nn, mp, zk):
  rt = m // NS
  rtp = mp // NS
  nz = rt // zk

  @functools.partial(
      pl.kernel,
      out_type=(jax.ShapeDtypeStruct((mp, d), jnp.float32),
                jax.ShapeDtypeStruct((mp, d), jnp.float32)),
      mesh=_mesh,
      compiler_params=_params,
      scratch_types=[
          pltpu.VMEM_SHARED((m, d), jnp.float32),
          pltpu.VMEM_SHARED((nn, d), jnp.float32),
          pltpu.VMEM_SHARED((mp, d), jnp.float32),
          pltpu.VMEM((ce, EK), jnp.int32),
          pltpu.VMEM((ce, EK), jnp.int32),
          pltpu.VMEM((EK, d), jnp.float32),
          pltpu.VMEM((EK, d), jnp.float32),
          pltpu.VMEM((zk, d), jnp.float32),
          pltpu.VMEM((zk, 16), jnp.float32),
          pltpu.VMEM((nz, zk), jnp.int32),
          pltpu.SemaphoreType.DMA,
          pltpu.SemaphoreType.DMA,
          pltpu.SemaphoreType.DMA,
          pltpu.SemaphoreType.DMA,
      ],
  )
  def k(g_hbm, src_hbm, dst_hbm, zeros_hbm, dinv_hbm, batz_hbm, zp_hbm,
        pool0_hbm, pool1_hbm, acc, g_spm, acc_p, src_st, dst_st, msg0,
        msg1, z_st, dv_st, bat_st, sem0, sem1, ssem0, ssem1):
    c = lax.axis_index("c")
    s = lax.axis_index("s")
    pltpu.sync_copy(batz_hbm.at[s], bat_st)
    pltpu.sync_copy(zp_hbm, acc_p.at[pl.ds(s * rtp, rtp)])
    _edge_body(ce, m, d, nn, g_hbm, src_hbm, dst_hbm, zeros_hbm, acc,
               g_spm, src_st, dst_st, msg0, msg1, sem0, sem1, ssem0,
               ssem1, c, s)

    def pool(j, carry):
      pltpu.sync_copy(acc.at[pl.ds(s * rt + j * zk, zk)], z_st)
      pltpu.sync_copy(dinv_hbm.at[pl.ds(s * rt + j * zk, zk)], dv_st)

      def scale(r, carry2):
        dv = dv_st[r, :]
        for cg in range(d // 16):
          z_st[r, pl.ds(cg * 16, 16)] = z_st[r, pl.ds(cg * 16, 16)] * dv
        return carry2

      lax.fori_loop(0, zk, scale, 0)
      pltpu.sync_copy(z_st, acc_p.at[bat_st.at[j]], add=True)
      return carry

    lax.fori_loop(0, nz, pool, 0)
    plsc.subcore_barrier()

    @pl.when(c == 0)
    def _():
      pltpu.sync_copy(acc_p.at[pl.ds(s * rtp, rtp)],
                      pool0_hbm.at[pl.ds(s * rtp, rtp)])

    @pl.when(c == 1)
    def _():
      pltpu.sync_copy(acc_p.at[pl.ds(s * rtp, rtp)],
                      pool1_hbm.at[pl.ds(s * rtp, rtp)])

  return k


def _tc_matmul(x, w):
  n, din = x.shape
  dout = w.shape[1]
  r = 1000

  def body(x_ref, w_ref, o_ref):
    o_ref[...] = jnp.dot(x_ref[...], w_ref[...],
                         preferred_element_type=jnp.float32)

  return pl.pallas_call(
      body,
      grid=(n // r,),
      in_specs=[pl.BlockSpec((r, din), lambda i: (i, 0)),
                pl.BlockSpec((din, dout), lambda i: (0, 0))],
      out_specs=pl.BlockSpec((r, dout), lambda i: (i, 0)),
      out_shape=jax.ShapeDtypeStruct((n, dout), jnp.float32),
  )(x, w)


def _tc_dinv_g(deg0, deg1, h1):
  n, d1 = h1.shape
  r = 1000

  def body(dp0_ref, dp1_ref, h_ref, dv8_ref, dv16_ref, g_ref):
    deg = dp0_ref[:, 0:1] + dp1_ref[:, 0:1] + 1.0
    dv = lax.rsqrt(jnp.maximum(deg, 1e-12))
    dv8_ref[...] = jnp.broadcast_to(dv, dv8_ref.shape)
    dv16_ref[...] = jnp.broadcast_to(dv, dv16_ref.shape)
    g_ref[...] = dv * h_ref[...]

  return pl.pallas_call(
      body,
      grid=(n // r,),
      in_specs=[pl.BlockSpec((r, 16), lambda i: (i, 0)),
                pl.BlockSpec((r, 16), lambda i: (i, 0)),
                pl.BlockSpec((r, d1), lambda i: (i, 0))],
      out_specs=[pl.BlockSpec((r, 8), lambda i: (i, 0)),
                 pl.BlockSpec((r, 16), lambda i: (i, 0)),
                 pl.BlockSpec((r, d1), lambda i: (i, 0))],
      out_shape=[jax.ShapeDtypeStruct((n, 8), jnp.float32),
                 jax.ShapeDtypeStruct((n, 16), jnp.float32),
                 jax.ShapeDtypeStruct((n, d1), jnp.float32)],
  )(deg0, deg1, h1)


def _tc_layer1(tp0, tp1, dinv8, b1_2d):
  n = dinv8.shape[0]
  d = tp0.shape[1]
  r = 1000

  def body(tp0_ref, tp1_ref, dv_ref, b_ref, g_ref):
    dv = dv_ref[:, 0:1]
    o = jnp.tanh(dv * (tp0_ref[...] + tp1_ref[...]) + b_ref[...])
    g_ref[...] = dv * o

  return pl.pallas_call(
      body,
      grid=(n // r,),
      in_specs=[pl.BlockSpec((r, d), lambda i: (i, 0)),
                pl.BlockSpec((r, d), lambda i: (i, 0)),
                pl.BlockSpec((r, 8), lambda i: (i, 0)),
                pl.BlockSpec((1, d), lambda i: (0, 0))],
      out_specs=pl.BlockSpec((r, d), lambda i: (i, 0)),
      out_shape=jax.ShapeDtypeStruct((n, d), jnp.float32),
  )(tp0, tp1, dinv8, b1_2d)


def _tc_layer(tp0, tp1, dinv8, w, b2d):
  n = dinv8.shape[0]
  d = tp0.shape[1]
  dn = w.shape[1]
  r = 1000

  def body(tp0_ref, tp1_ref, dv_ref, w_ref, b_ref, g_ref):
    dv = dv_ref[:, 0:1]
    t = dv * (tp0_ref[...] + tp1_ref[...])
    o = jnp.tanh(jnp.dot(t, w_ref[...],
                         preferred_element_type=jnp.float32) + b_ref[...])
    g_ref[...] = dv * o

  return pl.pallas_call(
      body,
      grid=(n // r,),
      in_specs=[pl.BlockSpec((r, d), lambda i: (i, 0)),
                pl.BlockSpec((r, d), lambda i: (i, 0)),
                pl.BlockSpec((r, 8), lambda i: (i, 0)),
                pl.BlockSpec((d, dn), lambda i: (0, 0)),
                pl.BlockSpec((1, dn), lambda i: (0, 0))],
      out_specs=pl.BlockSpec((r, dn), lambda i: (i, 0)),
      out_shape=jax.ShapeDtypeStruct((n, dn), jnp.float32),
  )(tp0, tp1, dinv8, w, b2d)


def _tc_final(qs0, qs1, cp0, cp1, w4, b4_2d, wl, bl2d, g):
  mp, d = qs0.shape
  mpc = cp0.shape[0]
  d4 = w4.shape[1]
  dn = wl.shape[1]

  def body(qs0_ref, qs1_ref, cp0_ref, cp1_ref, w4_ref, b4_ref, wl_ref,
           bl_ref, o_ref):
    qsum = qs0_ref[:g, :] + qs1_ref[:g, :]
    cnt = cp0_ref[:g, 0:1] + cp1_ref[:g, 0:1]
    maxc = jnp.maximum(cnt, 1.0)
    pooled = jnp.dot(qsum / maxc, w4_ref[...],
                     preferred_element_type=jnp.float32)
    pooled = pooled + (cnt / maxc) * b4_ref[...]
    o_ref[...] = jnp.dot(pooled, wl_ref[...],
                         preferred_element_type=jnp.float32) + bl_ref[...]

  return pl.pallas_call(
      body,
      in_specs=[pl.BlockSpec((mp, d), lambda: (0, 0)),
                pl.BlockSpec((mp, d), lambda: (0, 0)),
                pl.BlockSpec((mpc, 16), lambda: (0, 0)),
                pl.BlockSpec((mpc, 16), lambda: (0, 0)),
                pl.BlockSpec((d, d4), lambda: (0, 0)),
                pl.BlockSpec((1, d4), lambda: (0, 0)),
                pl.BlockSpec((d4, dn), lambda: (0, 0)),
                pl.BlockSpec((1, dn), lambda: (0, 0))],
      out_specs=pl.BlockSpec((g, dn), lambda: (0, 0)),
      out_shape=jax.ShapeDtypeStruct((g, dn), jnp.float32),
  )(qs0, qs1, cp0, cp1, w4, b4_2d, wl, bl2d)


def kernel(x, edge_index, batch, W1, b1, W2, b2, W3, b3, W4, b4, Wl, bl):
  n = x.shape[0]
  e = edge_index.shape[1]
  g = 64

  ce = -(-e // (NW * EK))
  ce = ce + (ce % 2)
  e_pad = ce * NW * EK
  src_p = jnp.concatenate(
      [edge_index[0], jnp.zeros((e_pad - e,), jnp.int32)]).reshape(
          NW, ce, EK)
  dst_p = jnp.concatenate(
      [edge_index[1], jnp.full((e_pad - e,), n, jnp.int32)]).reshape(
          NW, ce, EK)
  m = -(-(n + 1) // (NS * 64)) * (NS * 64)
  rt = m // NS

  cpool = -(-n // (NW * EK))
  n_pad = cpool * NW * EK
  bat_p = jnp.concatenate(
      [batch, jnp.full((n_pad - n,), g, jnp.int32)]).reshape(NW, cpool, EK)
  mp = -(-(g + 1) // (NS * 8)) * (NS * 8)
  rtp = mp // NS

  zk = rt // 8
  bat_z = jnp.concatenate(
      [batch, jnp.full((m - n,), g, jnp.int32)]).reshape(NS, rt // zk, zk)

  ones16 = jnp.ones((EK, 16), jnp.float32)
  z16 = jnp.zeros((rt, 16), jnp.float32)
  zc16 = jnp.zeros((rtp, 16), jnp.float32)
  zeros_d = {dd: jnp.zeros((rt, dd), jnp.float32) for dd in (16, 32, 64)}
  zp64 = jnp.zeros((rtp, 64), jnp.float32)

  deg0, deg1, cnt0, cnt1 = _hist_kernel(ce, m, cpool, mp)(
      dst_p, bat_p, ones16, z16, zc16)
  h1 = _tc_matmul(x, W1)
  dinv8, dinv16, g1 = _tc_dinv_g(deg0, deg1, h1)
  dinv16m = jnp.concatenate(
      [dinv16, jnp.zeros((m - n, 16), jnp.float32)])

  t1a, t1b = _edge_scatter(ce, m, 16, n)(g1, src_p, dst_p, zeros_d[16])
  g2 = _tc_layer1(t1a, t1b, dinv8, b1[None, :])
  t2a, t2b = _edge_scatter(ce, m, 16, n)(g2, src_p, dst_p, zeros_d[16])
  g3 = _tc_layer(t2a, t2b, dinv8, W2, b2[None, :])
  t3a, t3b = _edge_scatter(ce, m, 32, n)(g3, src_p, dst_p, zeros_d[32])
  g4 = _tc_layer(t3a, t3b, dinv8, W3, b3[None, :])

  qs0, qs1 = _edge_pool_scatter(ce, m, 64, n, mp, zk)(
      g4, src_p, dst_p, zeros_d[64], dinv16m, bat_z, zp64)
  return _tc_final(qs0, qs1, cnt0, cnt1, W4, b4[None, :],
                   Wl, bl[None, :], g)

# --- scband reference (transcript-rebuilt; emitter-appended) ---
"""Pipeline reference for scband-gcn-56487409877354 (READ-ONLY COPY).

The authoritative reference and input builder live on the scoring server;
editing this copy changes nothing except your own understanding.
"""

import jax, jax.numpy as jnp
import numpy as np

N = 10000
E = 320000
G = 64
IN_FEAT = 128
H = 16
OUT = 16


def gcn_conv(x, W, b, src, dst, n):
    # PyG GCNConv (default): add self-loops, symmetric normalization, linear then propagate, bias after.
    h = x @ W
    loop = jnp.arange(n, dtype=src.dtype)
    src2 = jnp.concatenate([src, loop])
    dst2 = jnp.concatenate([dst, loop])
    deg = jax.ops.segment_sum(jnp.ones(src2.shape[0], h.dtype), dst2, num_segments=n)
    dinv = jax.lax.rsqrt(jnp.maximum(deg, 1e-12))
    norm = dinv[src2] * dinv[dst2]
    msg = h[src2] * norm[:, None]
    out = jax.ops.segment_sum(msg, dst2, num_segments=n)
    return out + b


def setup_inputs(seed: int = 0) -> dict:
    key = jax.random.key(seed)
    ks = jax.random.split(key, 12)
    x = jax.random.normal(ks[0], (N, IN_FEAT), dtype=jnp.float32)
    edge_index = jax.random.randint(ks[1], (2, E), 0, N, dtype=jnp.int32)
    batch = jnp.sort(jax.random.randint(ks[2], (N,), 0, G, dtype=jnp.int32))
    def glorot(k, fan_in, fan_out):
        s = np.sqrt(6.0 / (fan_in + fan_out))
        return jax.random.uniform(k, (fan_in, fan_out), jnp.float32, -s, s)
    W1 = glorot(ks[3], IN_FEAT, H)
    b1 = jnp.zeros((H,), jnp.float32)
    W2 = glorot(ks[4], H, H * 2)
    b2 = jnp.zeros((H * 2,), jnp.float32)
    W3 = glorot(ks[5], H * 2, H * 4)
    b3 = jnp.zeros((H * 4,), jnp.float32)
    W4 = glorot(ks[6], H * 4, H * 8)
    b4 = jnp.zeros((H * 8,), jnp.float32)
    Wl = glorot(ks[7], H * 8, OUT)
    bl = jnp.zeros((OUT,), jnp.float32)
    return {"x": x, "edge_index": edge_index, "batch": batch,
            "W1": W1, "b1": b1, "W2": W2, "b2": b2,
            "W3": W3, "b3": b3, "W4": W4, "b4": b4,
            "Wl": Wl, "bl": bl}


def reference(x, edge_index, batch, W1, b1, W2, b2, W3, b3, W4, b4, Wl, bl):
    src = edge_index[0]
    dst = edge_index[1]
    h = jnp.tanh(gcn_conv(x, W1, b1, src, dst, N))
    h = jnp.tanh(gcn_conv(h, W2, b2, src, dst, N))
    h = jnp.tanh(gcn_conv(h, W3, b3, src, dst, N))
    h = gcn_conv(h, W4, b4, src, dst, N)
    sums = jax.ops.segment_sum(h, batch, num_segments=G)
    cnts = jax.ops.segment_sum(jnp.ones((N,), h.dtype), batch, num_segments=G)
    pooled = sums / jnp.maximum(cnts, 1.0)[:, None]
    # dropout is identity in eval mode
    out = pooled @ Wl + bl
    return out

if __name__ == "__main__":
    import jax
    _d = setup_inputs()
    print(jax.jit(kernel)(*tuple(_d.values())))

</pallas_src>

<mosaic_0001>
#map = affine_map<(d0, d1) -> (0, 0)>
#map1 = affine_map<(d0, d1) -> (0, 0, 0)>
module attributes {stable_mosaic.version = 14 : i64} {
  func.func @k(%arg0: i32, %arg1: i32, %arg2: memref<10000x16xf32, #tpu.memory_space<hbm>>, %arg3: memref<32x80x128xi32, #tpu.memory_space<hbm>>, %arg4: memref<32x80x128xi32, #tpu.memory_space<hbm>>, %arg5: memref<640x16xf32, #tpu.memory_space<hbm>>, %arg6: memref<10240x16xf32, #tpu.memory_space<hbm>>, %arg7: memref<10240x16xf32, #tpu.memory_space<hbm>>, %arg8: memref<10240x16xf32, #tpu.memory_space<vmem_shared>>, %arg9: memref<10000x16xf32, #tpu.memory_space<vmem_shared>>, %arg10: memref<80x128xi32, #tpu.memory_space<vmem>>, %arg11: memref<80x128xi32, #tpu.memory_space<vmem>>, %arg12: memref<128x16xf32, #tpu.memory_space<vmem>>, %arg13: memref<128x16xf32, #tpu.memory_space<vmem>>, %arg14: memref<!tpu.dma_semaphore, #tpu.memory_space<semaphore_mem>>, %arg15: memref<!tpu.dma_semaphore, #tpu.memory_space<semaphore_mem>>, %arg16: memref<!tpu.dma_semaphore, #tpu.memory_space<semaphore_mem>>, %arg17: memref<!tpu.dma_semaphore, #tpu.memory_space<semaphore_mem>>) attributes {dimension_semantics = [#tpu.dimension_semantics<core_parallel>, #tpu.dimension_semantics<subcore_parallel>], iteration_bounds = array<i64: 2, 16>, scalar_prefetch = 0 : i64, scratch_operands = 10 : i64, tpu.core_type = #tpu.core_type<sc_vector_subcore>, window_params = [{transform_indices = #map}, {transform_indices = #map1}, {transform_indices = #map1}, {transform_indices = #map}, {transform_indices = #map}, {transform_indices = #map}]} {
    %mul3A = arith.constant 16 : i32
    %mul3A_0 = arith.muli %arg0, %mul3A : i32
    %add3A = arith.addi %mul3A_0, %arg1 : i32
    "tpu.region"() ({
      %run_scoped3A = tpu.sem_alloc : memref<!tpu.dma_semaphore, #tpu.memory_space<semaphore_mem>>
      %dma_start3A_49 = arith.constant 0 : i32
      %dma_start3A_50 = arith.constant 0 : i32
      %dma_start3A_51 = tpu.memref_slice %arg3[%add3A, %dma_start3A_49, %dma_start3A_50] : memref<32x80x128xi32, #tpu.memory_space<hbm>> -> memref<1x80x128xi32, #tpu.memory_space<hbm>>
      %dma_start3A_52 = tpu.memref_squeeze %dma_start3A_51 : memref<1x80x128xi32, #tpu.memory_space<hbm>> -> memref<80x128xi32, #tpu.memory_space<hbm>>
      %dma_start3A_53 = arith.constant 0 : i32
      %dma_start3A_54 = arith.constant 0 : i32
      %dma_start3A_55 = tpu.memref_slice %arg3[%add3A, %dma_start3A_53, %dma_start3A_54] : memref<32x80x128xi32, #tpu.memory_space<hbm>> -> memref<1x80x128xi32, #tpu.memory_space<hbm>>
      %dma_start3A_56 = tpu.memref_squeeze %dma_start3A_55 : memref<1x80x128xi32, #tpu.memory_space<hbm>> -> memref<80x128xi32, #tpu.memory_space<hbm>>
      tpu.enqueue_dma source(%dma_start3A_56 : memref<80x128xi32, #tpu.memory_space<hbm>>) target(%arg10 : memref<80x128xi32, #tpu.memory_space<vmem>>) target_semaphore(%run_scoped3A : memref<!tpu.dma_semaphore, #tpu.memory_space<semaphore_mem>>)
      %dma_wait3A_57 = arith.constant 0 : i32
      %dma_wait3A_58 = arith.constant 0 : i32
      %dma_wait3A_59 = tpu.memref_slice %arg3[%add3A, %dma_wait3A_57, %dma_wait3A_58] : memref<32x80x128xi32, #tpu.memory_space<hbm>> -> memref<1x80x128xi32, #tpu.memory_space<hbm>>
      %dma_wait3A_60 = tpu.memref_squeeze %dma_wait3A_59 : memref<1x80x128xi32, #tpu.memory_space<hbm>> -> memref<80x128xi32, #tpu.memory_space<hbm>>
      %dma_wait3A_61 = arith.constant 0 : i32
      %dma_wait3A_62 = arith.constant 0 : i32
      %dma_wait3A_63 = tpu.memref_slice %arg3[%add3A, %dma_wait3A_61, %dma_wait3A_62] : memref<32x80x128xi32, #tpu.memory_space<hbm>> -> memref<1x80x128xi32, #tpu.memory_space<hbm>>
      %dma_wait3A_64 = tpu.memref_squeeze %dma_wait3A_63 : memref<1x80x128xi32, #tpu.memory_space<hbm>> -> memref<80x128xi32, #tpu.memory_space<hbm>>
      tpu.wait_dma2 semaphore(%run_scoped3A : memref<!tpu.dma_semaphore, #tpu.memory_space<semaphore_mem>>) src(%dma_wait3A_64 : memref<80x128xi32, #tpu.memory_space<hbm>>) dst(%arg10 : memref<80x128xi32, #tpu.memory_space<vmem>>)
      tpu.yield
    }) : () -> ()
    "tpu.region"() ({
      %run_scoped3A = tpu.sem_alloc : memref<!tpu.dma_semaphore, #tpu.memory_space<semaphore_mem>>
      %dma_start3A_49 = arith.constant 0 : i32
      %dma_start3A_50 = arith.constant 0 : i32
      %dma_start3A_51 = tpu.memref_slice %arg4[%add3A, %dma_start3A_49, %dma_start3A_50] : memref<32x80x128xi32, #tpu.memory_space<hbm>> -> memref<1x80x128xi32, #tpu.memory_space<hbm>>
      %dma_start3A_52 = tpu.memref_squeeze %dma_start3A_51 : memref<1x80x128xi32, #tpu.memory_space<hbm>> -> memref<80x128xi32, #tpu.memory_space<hbm>>
      %dma_start3A_53 = arith.constant 0 : i32
      %dma_start3A_54 = arith.constant 0 : i32
      %dma_start3A_55 = tpu.memref_slice %arg4[%add3A, %dma_start3A_53, %dma_start3A_54] : memref<32x80x128xi32, #tpu.memory_space<hbm>> -> memref<1x80x128xi32, #tpu.memory_space<hbm>>
      %dma_start3A_56 = tpu.memref_squeeze %dma_start3A_55 : memref<1x80x128xi32, #tpu.memory_space<hbm>> -> memref<80x128xi32, #tpu.memory_space<hbm>>
      tpu.enqueue_dma source(%dma_start3A_56 : memref<80x128xi32, #tpu.memory_space<hbm>>) target(%arg11 : memref<80x128xi32, #tpu.memory_space<vmem>>) target_semaphore(%run_scoped3A : memref<!tpu.dma_semaphore, #tpu.memory_space<semaphore_mem>>)
      %dma_wait3A_57 = arith.constant 0 : i32
      %dma_wait3A_58 = arith.constant 0 : i32
      %dma_wait3A_59 = tpu.memref_slice %arg4[%add3A, %dma_wait3A_57, %dma_wait3A_58] : memref<32x80x128xi32, #tpu.memory_space<hbm>> -> memref<1x80x128xi32, #tpu.memory_space<hbm>>
      %dma_wait3A_60 = tpu.memref_squeeze %dma_wait3A_59 : memref<1x80x128xi32, #tpu.memory_space<hbm>> -> memref<80x128xi32, #tpu.memory_space<hbm>>
      %dma_wait3A_61 = arith.constant 0 : i32
      %dma_wait3A_62 = arith.constant 0 : i32
      %dma_wait3A_63 = tpu.memref_slice %arg4[%add3A, %dma_wait3A_61, %dma_wait3A_62] : memref<32x80x128xi32, #tpu.memory_space<hbm>> -> memref<1x80x128xi32, #tpu.memory_space<hbm>>
      %dma_wait3A_64 = tpu.memref_squeeze %dma_wait3A_63 : memref<1x80x128xi32, #tpu.memory_space<hbm>> -> memref<80x128xi32, #tpu.memory_space<hbm>>
      tpu.wait_dma2 semaphore(%run_scoped3A : memref<!tpu.dma_semaphore, #tpu.memory_space<semaphore_mem>>) src(%dma_wait3A_64 : memref<80x128xi32, #tpu.memory_space<hbm>>) dst(%arg11 : memref<80x128xi32, #tpu.memory_space<vmem>>)
      tpu.yield
    }) : () -> ()
    %eq3A = arith.constant 0 : i32
    %eq3A_1 = arith.cmpi eq, %arg0, %eq3A : i32
    %lt3A = arith.constant 15 : i32
    %lt3A_2 = arith.cmpi slt, %arg1, %lt3A : i32
    %and3A = arith.andi %eq3A_1, %lt3A_2 : i1
    %convert_element_type3A = arith.extui %and3A : i1 to i32
    %cond3A = arith.constant 0 : i32
    %cond3A_3 = arith.cmpi ne, %convert_element_type3A, %cond3A : i32
    scf.if %cond3A_3 {
      %mul3A_49 = arith.constant 640 : i32
      %mul3A_50 = arith.muli %arg1, %mul3A_49 : i32
      %mul3A_51 = arith.constant 640 : i32
      %mul3A_52 = arith.muli %arg1, %mul3A_51 : i32
      "tpu.region"() ({
        %run_scoped3A = tpu.sem_alloc : memref<!tpu.dma_semaphore, #tpu.memory_space<semaphore_mem>>
        %dma_start3A_53 = arith.constant 0 : i32
        %dma_start3A_54 = tpu.memref_slice %arg8[%mul3A_52, %dma_start3A_53] : memref<10240x16xf32, #tpu.memory_space<vmem_shared>> -> memref<640x16xf32, #tpu.memory_space<vmem_shared>>
        %dma_start3A_55 = arith.constant 0 : i32
        %dma_start3A_56 = tpu.memref_slice %arg2[%mul3A_50, %dma_start3A_55] : memref<10000x16xf32, #tpu.memory_space<hbm>> -> memref<640x16xf32, #tpu.memory_space<hbm>>
        tpu.enqueue_dma source(%dma_start3A_56 : memref<640x16xf32, #tpu.memory_space<hbm>>) target(%dma_start3A_54 : memref<640x16xf32, #tpu.memory_space<vmem_shared>>) target_semaphore(%run_scoped3A : memref<!tpu.dma_semaphore, #tpu.memory_space<semaphore_mem>>)
        %dma_wait3A_57 = arith.constant 0 : i32
        %dma_wait3A_58 = tpu.memref_slice %arg8[%mul3A_52, %dma_wait3A_57] : memref<10240x16xf32, #tpu.memory_space<vmem_shared>> -> memref<640x16xf32, #tpu.memory_space<vmem_shared>>
        %dma_wait3A_59 = arith.constant 0 : i32
        %dma_wait3A_60 = tpu.memref_slice %arg2[%mul3A_50, %dma_wait3A_59] : memref<10000x16xf32, #tpu.memory_space<hbm>> -> memref<640x16xf32, #tpu.memory_space<hbm>>
        tpu.wait_dma2 semaphore(%run_scoped3A : memref<!tpu.dma_semaphore, #tpu.memory_space<semaphore_mem>>) src(%dma_wait3A_60 : memref<640x16xf32, #tpu.memory_space<hbm>>) dst(%dma_wait3A_58 : memref<640x16xf32, #tpu.memory_space<vmem_shared>>)
        tpu.yield
      }) : () -> ()
    } else {
    }
    %eq3A_4 = arith.constant 0 : i32
    %eq3A_5 = arith.cmpi eq, %arg0, %eq3A_4 : i32
    %eq3A_6 = arith.constant 15 : i32
    %eq3A_7 = arith.cmpi eq, %arg1, %eq3A_6 : i32
    %and3A_8 = arith.andi %eq3A_5, %eq3A_7 : i1
    %convert_element_type3A_9 = arith.extui %and3A_8 : i1 to i32
    %cond3A_10 = arith.constant 0 : i32
    %cond3A_11 = arith.cmpi ne, %convert_element_type3A_9, %cond3A_10 : i32
    scf.if %cond3A_11 {
      "tpu.region"() ({
        %run_scoped3A = tpu.sem_alloc : memref<!tpu.dma_semaphore, #tpu.memory_space<semaphore_mem>>
        %dma_start3A_49 = arith.constant 9600 : i32
        %dma_start3A_50 = arith.constant 0 : i32
        %dma_start3A_51 = tpu.memref_slice %arg8[%dma_start3A_49, %dma_start3A_50] : memref<10240x16xf32, #tpu.memory_space<vmem_shared>> -> memref<640x16xf32, #tpu.memory_space<vmem_shared>>
        tpu.enqueue_dma source(%arg5 : memref<640x16xf32, #tpu.memory_space<hbm>>) target(%dma_start3A_51 : memref<640x16xf32, #tpu.memory_space<vmem_shared>>) target_semaphore(%run_scoped3A : memref<!tpu.dma_semaphore, #tpu.memory_space<semaphore_mem>>)
        %dma_wait3A_52 = arith.constant 9600 : i32
        %dma_wait3A_53 = arith.constant 0 : i32
        %dma_wait3A_54 = tpu.memref_slice %arg8[%dma_wait3A_52, %dma_wait3A_53] : memref<10240x16xf32, #tpu.memory_space<vmem_shared>> -> memref<640x16xf32, #tpu.memory_space<vmem_shared>>
        tpu.wait_dma2 semaphore(%run_scoped3A : memref<!tpu.dma_semaphore, #tpu.memory_space<semaphore_mem>>) src(%arg5 : memref<640x16xf32, #tpu.memory_space<hbm>>) dst(%dma_wait3A_54 : memref<640x16xf32, #tpu.memory_space<vmem_shared>>)
        tpu.yield
      }) : () -> ()
      "tpu.region"() ({
        %run_scoped3A = tpu.sem_alloc : memref<!tpu.dma_semaphore, #tpu.memory_space<semaphore_mem>>
        %dma_start3A_49 = arith.constant 9600 : i32
        %dma_start3A_50 = arith.constant 0 : i32
        %dma_start3A_51 = tpu.memref_slice %arg8[%dma_start3A_49, %dma_start3A_50] : memref<10240x16xf32, #tpu.memory_space<vmem_shared>> -> memref<400x16xf32, #tpu.memory_space<vmem_shared>>
        %dma_start3A_52 = arith.constant 9600 : i32
        %dma_start3A_53 = arith.constant 0 : i32
        %dma_start3A_54 = tpu.memref_slice %arg2[%dma_start3A_52, %dma_start3A_53] : memref<10000x16xf32, #tpu.memory_space<hbm>> -> memref<400x16xf32, #tpu.memory_space<hbm>>
        tpu.enqueue_dma source(%dma_start3A_54 : memref<400x16xf32, #tpu.memory_space<hbm>>) target(%dma_start3A_51 : memref<400x16xf32, #tpu.memory_space<vmem_shared>>) target_semaphore(%run_scoped3A : memref<!tpu.dma_semaphore, #tpu.memory_space<semaphore_mem>>)
        %dma_wait3A_55 = arith.constant 9600 : i32
        %dma_wait3A_56 = arith.constant 0 : i32
        %dma_wait3A_57 = tpu.memref_slice %arg8[%dma_wait3A_55, %dma_wait3A_56] : memref<10240x16xf32, #tpu.memory_space<vmem_shared>> -> memref<400x16xf32, #tpu.memory_space<vmem_shared>>
        %dma_wait3A_58 = arith.constant 9600 : i32
        %dma_wait3A_59 = arith.constant 0 : i32
        %dma_wait3A_60 = tpu.memref_slice %arg2[%dma_wait3A_58, %dma_wait3A_59] : memref<10000x16xf32, #tpu.memory_space<hbm>> -> memref<400x16xf32, #tpu.memory_space<hbm>>
        tpu.wait_dma2 semaphore(%run_scoped3A : memref<!tpu.dma_semaphore, #tpu.memory_space<semaphore_mem>>) src(%dma_wait3A_60 : memref<400x16xf32, #tpu.memory_space<hbm>>) dst(%dma_wait3A_57 : memref<400x16xf32, #tpu.memory_space<vmem_shared>>)
        tpu.yield
      }) : () -> ()
    } else {
    }
    %eq3A_12 = arith.constant 1 : i32
    %eq3A_13 = arith.cmpi eq, %arg0, %eq3A_12 : i32
    %convert_element_type3A_14 = arith.extui %eq3A_13 : i1 to i32
    %cond3A_15 = arith.constant 0 : i32
    %cond3A_16 = arith.cmpi ne, %convert_element_type3A_14, %cond3A_15 : i32
    scf.if %cond3A_16 {
      %mul3A_49 = arith.constant 640 : i32
      %mul3A_50 = arith.muli %arg1, %mul3A_49 : i32
      "tpu.region"() ({
        %run_scoped3A = tpu.sem_alloc : memref<!tpu.dma_semaphore, #tpu.memory_space<semaphore_mem>>
        %dma_start3A_51 = arith.constant 0 : i32
        %dma_start3A_52 = tpu.memref_slice %arg8[%mul3A_50, %dma_start3A_51] : memref<10240x16xf32, #tpu.memory_space<vmem_shared>> -> memref<640x16xf32, #tpu.memory_space<vmem_shared>>
        tpu.enqueue_dma source(%arg5 : memref<640x16xf32, #tpu.memory_space<hbm>>) target(%dma_start3A_52 : memref<640x16xf32, #tpu.memory_space<vmem_shared>>) target_semaphore(%run_scoped3A : memref<!tpu.dma_semaphore, #tpu.memory_space<semaphore_mem>>)
        %dma_wait3A_53 = arith.constant 0 : i32
        %dma_wait3A_54 = tpu.memref_slice %arg8[%mul3A_50, %dma_wait3A_53] : memref<10240x16xf32, #tpu.memory_space<vmem_shared>> -> memref<640x16xf32, #tpu.memory_space<vmem_shared>>
        tpu.wait_dma2 semaphore(%run_scoped3A : memref<!tpu.dma_semaphore, #tpu.memory_space<semaphore_mem>>) src(%arg5 : memref<640x16xf32, #tpu.memory_space<hbm>>) dst(%dma_wait3A_54 : memref<640x16xf32, #tpu.memory_space<vmem_shared>>)
        tpu.yield
      }) : () -> ()
    } else {
    }
    %lt3A_17 = arith.constant 8 : i32
    %lt3A_18 = arith.cmpi slt, %arg1, %lt3A_17 : i32
    %convert_element_type3A_19 = arith.extui %lt3A_18 : i1 to i32
    %cond3A_20 = arith.constant 0 : i32
    %cond3A_21 = arith.cmpi ne, %convert_element_type3A_19, %cond3A_20 : i32
    scf.if %cond3A_21 {
      %mul3A_49 = arith.constant 1250 : i32
      %mul3A_50 = arith.muli %arg1, %mul3A_49 : i32
      %mul3A_51 = arith.constant 1250 : i32
      %mul3A_52 = arith.muli %arg1, %mul3A_51 : i32
      "tpu.region"() ({
        %run_scoped3A = tpu.sem_alloc : memref<!tpu.dma_semaphore, #tpu.memory_space<semaphore_mem>>
        %dma_start3A_53 = arith.constant 0 : i32
        %dma_start3A_54 = tpu.memref_slice %arg9[%mul3A_52, %dma_start3A_53] : memref<10000x16xf32, #tpu.memory_space<vmem_shared>> -> memref<1250x16xf32, #tpu.memory_space<vmem_shared>>
        %dma_start3A_55 = arith.constant 0 : i32
        %dma_start3A_56 = tpu.memref_slice %arg2[%mul3A_50, %dma_start3A_55] : memref<10000x16xf32, #tpu.memory_space<hbm>> -> memref<1250x16xf32, #tpu.memory_space<hbm>>
        tpu.enqueue_dma source(%dma_start3A_56 : memref<1250x16xf32, #tpu.memory_space<hbm>>) target(%dma_start3A_54 : memref<1250x16xf32, #tpu.memory_space<vmem_shared>>) target_semaphore(%run_scoped3A : memref<!tpu.dma_semaphore, #tpu.memory_space<semaphore_mem>>)
        %dma_wait3A_57 = arith.constant 0 : i32
        %dma_wait3A_58 = tpu.memref_slice %arg9[%mul3A_52, %dma_wait3A_57] : memref<10000x16xf32, #tpu.memory_space<vmem_shared>> -> memref<1250x16xf32, #tpu.memory_space<vmem_shared>>
        %dma_wait3A_59 = arith.constant 0 : i32
        %dma_wait3A_60 = tpu.memref_slice %arg2[%mul3A_50, %dma_wait3A_59] : memref<10000x16xf32, #tpu.memory_space<hbm>> -> memref<1250x16xf32, #tpu.memory_space<hbm>>
        tpu.wait_dma2 semaphore(%run_scoped3A : memref<!tpu.dma_semaphore, #tpu.memory_space<semaphore_mem>>) src(%dma_wait3A_60 : memref<1250x16xf32, #tpu.memory_space<hbm>>) dst(%dma_wait3A_58 : memref<1250x16xf32, #tpu.memory_space<vmem_shared>>)
        tpu.yield
      }) : () -> ()
    } else {
    }
    %barrier3A = arith.constant 0 : index
    tpu.barrier barrier_id(%barrier3A)
    %dma_start3A = arith.constant 0 : i32
    %dma_start3A_22 = arith.constant 0 : i32
    %dma_start3A_23 = tpu.memref_slice %arg10[%dma_start3A, %dma_start3A_22] : memref<80x128xi32, #tpu.memory_space<vmem>> -> memref<1x128xi32, #tpu.memory_space<vmem>>
    %dma_start3A_24 = tpu.memref_squeeze %dma_start3A_23 : memref<1x128xi32, #tpu.memory_space<vmem>> -> memref<128xi32, #tpu.memory_space<vmem>>
    %dma_start3A_25 = arith.constant 0 : i32
    %dma_start3A_26 = arith.constant 0 : i32
    %dma_start3A_27 = tpu.memref_slice %arg9[%dma_start3A_25, %dma_start3A_26] : memref<10000x16xf32, #tpu.memory_space<vmem_shared>> -> memref<10000x16xf32, #tpu.memory_space<vmem_shared>>
    tpu.enqueue_indirect_dma source(%dma_start3A_27 : memref<10000x16xf32, #tpu.memory_space<vmem_shared>>) target(%arg12 : memref<128x16xf32, #tpu.memory_space<vmem>>) offsets(%dma_start3A_24 : memref<128xi32, #tpu.memory_space<vmem>>) semaphore(%arg14 : memref<!tpu.dma_semaphore, #tpu.memory_space<semaphore_mem>>)
    %scan3A = arith.constant 0 : i32
    %scan3A_28 = arith.constant 0 : i32
    %scan3A_29 = arith.constant 40 : i32
    %scan3A_30 = arith.addi %scan3A_28, %scan3A_29 : i32
    %scan3A_31 = arith.constant 1 : i32
    scf.for %scan3A_49 = %scan3A_28 to %scan3A_30 step %scan3A_31  : i32 {
      %mul3A_50 = arith.constant 2 : i32
      %mul3A_51 = arith.muli %mul3A_50, %scan3A_49 : i32
      %add3A_52 = arith.constant 0 : i32
      %add3A_53 = arith.addi %mul3A_51, %add3A_52 : i32
      %add3A_54 = arith.constant 1 : i32
      %add3A_55 = arith.addi %add3A_53, %add3A_54 : i32
      %ge3A = arith.constant 1 : i32
      %ge3A_56 = arith.cmpi sge, %add3A_53, %ge3A : i32
      %convert_element_type3A_57 = arith.extui %ge3A_56 : i1 to i32
      %cond3A_58 = arith.constant 0 : i32
      %cond3A_59 = arith.cmpi ne, %convert_element_type3A_57, %cond3A_58 : i32
      scf.if %cond3A_59 {
        %dma_wait3A_105 = arith.constant 0 : i32
        %dma_wait3A_106 = arith.constant 0 : i32
        %dma_wait3A_107 = tpu.memref_slice %arg8[%dma_wait3A_105, %dma_wait3A_106] : memref<10240x16xf32, #tpu.memory_space<vmem_shared>> -> memref<128x16xf32, #tpu.memory_space<vmem_shared>>
        %dma_wait3A_108 = arith.constant 0 : i32
        %dma_wait3A_109 = arith.constant 0 : i32
        %dma_wait3A_110 = tpu.memref_slice %arg8[%dma_wait3A_108, %dma_wait3A_109] : memref<10240x16xf32, #tpu.memory_space<vmem_shared>> -> memref<128x16xf32, #tpu.memory_space<vmem_shared>>
        tpu.wait_dma2 semaphore(%arg17 : memref<!tpu.dma_semaphore, #tpu.memory_space<semaphore_mem>>) src(%arg13 : memref<128x16xf32, #tpu.memory_space<vmem>>) dst(%dma_wait3A_110 : memref<128x16xf32, #tpu.memory_space<vmem_shared>>)
      } else {
      }
      %lt3A_60 = arith.constant 80 : i32
      %lt3A_61 = arith.cmpi slt, %add3A_55, %lt3A_60 : i32
      %convert_element_type3A_62 = arith.extui %lt3A_61 : i1 to i32
      %cond3A_63 = arith.constant 0 : i32
      %cond3A_64 = arith.cmpi ne, %convert_element_type3A_62, %cond3A_63 : i32
      scf.if %cond3A_64 {
        %dma_start3A_105 = arith.constant 0 : i32
        %dma_start3A_106 = tpu.memref_slice %arg10[%add3A_55, %dma_start3A_105] : memref<80x128xi32, #tpu.memory_space<vmem>> -> memref<1x128xi32, #tpu.memory_space<vmem>>
        %dma_start3A_107 = tpu.memref_squeeze %dma_start3A_106 : memref<1x128xi32, #tpu.memory_space<vmem>> -> memref<128xi32, #tpu.memory_space<vmem>>
        %dma_start3A_108 = arith.constant 0 : i32
        %dma_start3A_109 = arith.constant 0 : i32
        %dma_start3A_110 = tpu.memref_slice %arg9[%dma_start3A_108, %dma_start3A_109] : memref<10000x16xf32, #tpu.memory_space<vmem_shared>> -> memref<10000x16xf32, #tpu.memory_space<vmem_shared>>
        tpu.enqueue_indirect_dma source(%dma_start3A_110 : memref<10000x16xf32, #tpu.memory_space<vmem_shared>>) target(%arg13 : memref<128x16xf32, #tpu.memory_space<vmem>>) offsets(%dma_start3A_107 : memref<128xi32, #tpu.memory_space<vmem>>) semaphore(%arg15 : memref<!tpu.dma_semaphore, #tpu.memory_space<semaphore_mem>>)
      } else {
      }
      %dma_wait3A_65 = arith.constant 0 : i32
      %dma_wait3A_66 = arith.constant 0 : i32
      %dma_wait3A_67 = tpu.memref_slice %arg9[%dma_wait3A_65, %dma_wait3A_66] : memref<10000x16xf32, #tpu.memory_space<vmem_shared>> -> memref<128x16xf32, #tpu.memory_space<vmem_shared>>
      %dma_wait3A_68 = arith.constant 0 : i32
      %dma_wait3A_69 = arith.constant 0 : i32
      %dma_wait3A_70 = tpu.memref_slice %arg9[%dma_wait3A_68, %dma_wait3A_69] : memref<10000x16xf32, #tpu.memory_space<vmem_shared>> -> memref<128x16xf32, #tpu.memory_space<vmem_shared>>
      tpu.wait_dma2 semaphore(%arg14 : memref<!tpu.dma_semaphore, #tpu.memory_space<semaphore_mem>>) src(%dma_wait3A_70 : memref<128x16xf32, #tpu.memory_space<vmem_shared>>) dst(%arg12 : memref<128x16xf32, #tpu.memory_space<vmem>>)
      %dma_start3A_71 = arith.constant 0 : i32
      %dma_start3A_72 = tpu.memref_slice %arg11[%add3A_53, %dma_start3A_71] : memref<80x128xi32, #tpu.memory_space<vmem>> -> memref<1x128xi32, #tpu.memory_space<vmem>>
      %dma_start3A_73 = tpu.memref_squeeze %dma_start3A_72 : memref<1x128xi32, #tpu.memory_space<vmem>> -> memref<128xi32, #tpu.memory_space<vmem>>
      %dma_start3A_74 = arith.constant 0 : i32
      %dma_start3A_75 = arith.constant 0 : i32
      %dma_start3A_76 = tpu.memref_slice %arg8[%dma_start3A_74, %dma_start3A_75] : memref<10240x16xf32, #tpu.memory_space<vmem_shared>> -> memref<10240x16xf32, #tpu.memory_space<vmem_shared>>
      tpu.enqueue_indirect_dma source(%arg12 : memref<128x16xf32, #tpu.memory_space<vmem>>) target(%dma_start3A_76 : memref<10240x16xf32, #tpu.memory_space<vmem_shared>>) offsets(%dma_start3A_73 : memref<128xi32, #tpu.memory_space<vmem>>) semaphore(%arg16 : memref<!tpu.dma_semaphore, #tpu.memory_space<semaphore_mem>>) {add = true}
      %mul3A_77 = arith.constant 2 : i32
      %mul3A_78 = arith.muli %mul3A_77, %scan3A_49 : i32
      %add3A_79 = arith.constant 1 : i32
      %add3A_80 = arith.addi %mul3A_78, %add3A_79 : i32
      %add3A_81 = arith.constant 1 : i32
      %add3A_82 = arith.addi %add3A_80, %add3A_81 : i32
      %ge3A_83 = arith.constant 1 : i32
      %ge3A_84 = arith.cmpi sge, %add3A_80, %ge3A_83 : i32
      %convert_element_type3A_85 = arith.extui %ge3A_84 : i1 to i32
      %cond3A_86 = arith.constant 0 : i32
      %cond3A_87 = arith.cmpi ne, %convert_element_type3A_85, %cond3A_86 : i32
      scf.if %cond3A_87 {
        %dma_wait3A_105 = arith.constant 0 : i32
        %dma_wait3A_106 = arith.constant 0 : i32
        %dma_wait3A_107 = tpu.memref_slice %arg8[%dma_wait3A_105, %dma_wait3A_106] : memref<10240x16xf32, #tpu.memory_space<vmem_shared>> -> memref<128x16xf32, #tpu.memory_space<vmem_shared>>
        %dma_wait3A_108 = arith.constant 0 : i32
        %dma_wait3A_109 = arith.constant 0 : i32
        %dma_wait3A_110 = tpu.memref_slice %arg8[%dma_wait3A_108, %dma_wait3A_109] : memref<10240x16xf32, #tpu.memory_space<vmem_shared>> -> memref<128x16xf32, #tpu.memory_space<vmem_shared>>
        tpu.wait_dma2 semaphore(%arg16 : memref<!tpu.dma_semaphore, #tpu.memory_space<semaphore_mem>>) src(%arg12 : memref<128x16xf32, #tpu.memory_space<vmem>>) dst(%dma_wait3A_110 : memref<128x16xf32, #tpu.memory_space<vmem_shared>>)
      } else {
      }
      %lt3A_88 = arith.constant 80 : i32
      %lt3A_89 = arith.cmpi slt, %add3A_82, %lt3A_88 : i32
      %convert_element_type3A_90 = arith.extui %lt3A_89 : i1 to i32
      %cond3A_91 = arith.constant 0 : i32
      %cond3A_92 = arith.cmpi ne, %convert_element_type3A_90, %cond3A_91 : i32
      scf.if %cond3A_92 {
        %dma_start3A_105 = arith.constant 0 : i32
        %dma_start3A_106 = tpu.memref_slice %arg10[%add3A_82, %dma_start3A_105] : memref<80x128xi32, #tpu.memory_space<vmem>> -> memref<1x128xi32, #tpu.memory_space<vmem>>
        %dma_start3A_107 = tpu.memref_squeeze %dma_start3A_106 : memref<1x128xi32, #tpu.memory_space<vmem>> -> memref<128xi32, #tpu.memory_space<vmem>>
        %dma_start3A_108 = arith.constant 0 : i32
        %dma_start3A_109 = arith.constant 0 : i32
        %dma_start3A_110 = tpu.memref_slice %arg9[%dma_start3A_108, %dma_start3A_109] : memref<10000x16xf32, #tpu.memory_space<vmem_shared>> -> memref<10000x16xf32, #tpu.memory_space<vmem_shared>>
        tpu.enqueue_indirect_dma source(%dma_start3A_110 : memref<10000x16xf32, #tpu.memory_space<vmem_shared>>) target(%arg12 : memref<128x16xf32, #tpu.memory_space<vmem>>) offsets(%dma_start3A_107 : memref<128xi32, #tpu.memory_space<vmem>>) semaphore(%arg14 : memref<!tpu.dma_semaphore, #tpu.memory_space<semaphore_mem>>)
      } else {
      }
      %dma_wait3A_93 = arith.constant 0 : i32
      %dma_wait3A_94 = arith.constant 0 : i32
      %dma_wait3A_95 = tpu.memref_slice %arg9[%dma_wait3A_93, %dma_wait3A_94] : memref<10000x16xf32, #tpu.memory_space<vmem_shared>> -> memref<128x16xf32, #tpu.memory_space<vmem_shared>>
      %dma_wait3A_96 = arith.constant 0 : i32
      %dma_wait3A_97 = arith.constant 0 : i32
      %dma_wait3A_98 = tpu.memref_slice %arg9[%dma_wait3A_96, %dma_wait3A_97] : memref<10000x16xf32, #tpu.memory_space<vmem_shared>> -> memref<128x16xf32, #tpu.memory_space<vmem_shared>>
      tpu.wait_dma2 semaphore(%arg15 : memref<!tpu.dma_semaphore, #tpu.memory_space<semaphore_mem>>) src(%dma_wait3A_98 : memref<128x16xf32, #tpu.memory_space<vmem_shared>>) dst(%arg13 : memref<128x16xf32, #tpu.memory_space<vmem>>)
      %dma_start3A_99 = arith.constant 0 : i32
      %dma_start3A_100 = tpu.memref_slice %arg11[%add3A_80, %dma_start3A_99] : memref<80x128xi32, #tpu.memory_space<vmem>> -> memref<1x128xi32, #tpu.memory_space<vmem>>
      %dma_start3A_101 = tpu.memref_squeeze %dma_start3A_100 : memref<1x128xi32, #tpu.memory_space<vmem>> -> memref<128xi32, #tpu.memory_space<vmem>>
      %dma_start3A_102 = arith.constant 0 : i32
      %dma_start3A_103 = arith.constant 0 : i32
      %dma_start3A_104 = tpu.memref_slice %arg8[%dma_start3A_102, %dma_start3A_103] : memref<10240x16xf32, #tpu.memory_space<vmem_shared>> -> memref<10240x16xf32, #tpu.memory_space<vmem_shared>>
      tpu.enqueue_indirect_dma source(%arg13 : memref<128x16xf32, #tpu.memory_space<vmem>>) target(%dma_start3A_104 : memref<10240x16xf32, #tpu.memory_space<vmem_shared>>) offsets(%dma_start3A_101 : memref<128xi32, #tpu.memory_space<vmem>>) semaphore(%arg17 : memref<!tpu.dma_semaphore, #tpu.memory_space<semaphore_mem>>) {add = true}
    }
    %scan3A_32 = arith.constant 40 : i32
    %dma_wait3A = arith.constant 0 : i32
    %dma_wait3A_33 = arith.constant 0 : i32
    %dma_wait3A_34 = tpu.memref_slice %arg8[%dma_wait3A, %dma_wait3A_33] : memref<10240x16xf32, #tpu.memory_space<vmem_shared>> -> memref<128x16xf32, #tpu.memory_space<vmem_shared>>
    %dma_wait3A_35 = arith.constant 0 : i32
    %dma_wait3A_36 = arith.constant 0 : i32
    %dma_wait3A_37 = tpu.memref_slice %arg8[%dma_wait3A_35, %dma_wait3A_36] : memref<10240x16xf32, #tpu.memory_space<vmem_shared>> -> memref<128x16xf32, #tpu.memory_space<vmem_shared>>
    tpu.wait_dma2 semaphore(%arg17 : memref<!tpu.dma_semaphore, #tpu.memory_space<semaphore_mem>>) src(%arg13 : memref<128x16xf32, #tpu.memory_space<vmem>>) dst(%dma_wait3A_37 : memref<128x16xf32, #tpu.memory_space<vmem_shared>>)
    %barrier3A_38 = arith.constant 0 : index
    tpu.barrier barrier_id(%barrier3A_38)
    %eq3A_39 = arith.constant 0 : i32
    %eq3A_40 = arith.cmpi eq, %arg0, %eq3A_39 : i32
    %convert_element_type3A_41 = arith.extui %eq3A_40 : i1 to i32
    %cond3A_42 = arith.constant 0 : i32
    %cond3A_43 = arith.cmpi ne, %convert_element_type3A_41, %cond3A_42 : i32
    scf.if %cond3A_43 {
      %mul3A_49 = arith.constant 640 : i32
      %mul3A_50 = arith.muli %arg1, %mul3A_49 : i32
      %mul3A_51 = arith.constant 640 : i32
      %mul3A_52 = arith.muli %arg1, %mul3A_51 : i32
      "tpu.region"() ({
        %run_scoped3A = tpu.sem_alloc : memref<!tpu.dma_semaphore, #tpu.memory_space<semaphore_mem>>
        %dma_start3A_53 = arith.constant 0 : i32
        %dma_start3A_54 = tpu.memref_slice %arg6[%mul3A_52, %dma_start3A_53] : memref<10240x16xf32, #tpu.memory_space<hbm>> -> memref<640x16xf32, #tpu.memory_space<hbm>>
        %dma_start3A_55 = arith.constant 0 : i32
        %dma_start3A_56 = tpu.memref_slice %arg8[%mul3A_50, %dma_start3A_55] : memref<10240x16xf32, #tpu.memory_space<vmem_shared>> -> memref<640x16xf32, #tpu.memory_space<vmem_shared>>
        tpu.enqueue_dma source(%dma_start3A_56 : memref<640x16xf32, #tpu.memory_space<vmem_shared>>) target(%dma_start3A_54 : memref<640x16xf32, #tpu.memory_space<hbm>>) target_semaphore(%run_scoped3A : memref<!tpu.dma_semaphore, #tpu.memory_space<semaphore_mem>>)
        %dma_wait3A_57 = arith.constant 0 : i32
        %dma_wait3A_58 = tpu.memref_slice %arg6[%mul3A_52, %dma_wait3A_57] : memref<10240x16xf32, #tpu.memory_space<hbm>> -> memref<640x16xf32, #tpu.memory_space<hbm>>
        %dma_wait3A_59 = arith.constant 0 : i32
        %dma_wait3A_60 = tpu.memref_slice %arg8[%mul3A_50, %dma_wait3A_59] : memref<10240x16xf32, #tpu.memory_space<vmem_shared>> -> memref<640x16xf32, #tpu.memory_space<vmem_shared>>
        tpu.wait_dma2 semaphore(%run_scoped3A : memref<!tpu.dma_semaphore, #tpu.memory_space<semaphore_mem>>) src(%dma_wait3A_60 : memref<640x16xf32, #tpu.memory_space<vmem_shared>>) dst(%dma_wait3A_58 : memref<640x16xf32, #tpu.memory_space<hbm>>)
        tpu.yield
      }) : () -> ()
    } else {
    }
    %eq3A_44 = arith.constant 1 : i32
    %eq3A_45 = arith.cmpi eq, %arg0, %eq3A_44 : i32
    %convert_element_type3A_46 = arith.extui %eq3A_45 : i1 to i32
    %cond3A_47 = arith.constant 0 : i32
    %cond3A_48 = arith.cmpi ne, %convert_element_type3A_46, %cond3A_47 : i32
    scf.if %cond3A_48 {
      %mul3A_49 = arith.constant 640 : i32
      %mul3A_50 = arith.muli %arg1, %mul3A_49 : i32
      %mul3A_51 = arith.constant 640 : i32
      %mul3A_52 = arith.muli %arg1, %mul3A_51 : i32
      "tpu.region"() ({
        %run_scoped3A = tpu.sem_alloc : memref<!tpu.dma_semaphore, #tpu.memory_space<semaphore_mem>>
        %dma_start3A_53 = arith.constant 0 : i32
        %dma_start3A_54 = tpu.memref_slice %arg7[%mul3A_52, %dma_start3A_53] : memref<10240x16xf32, #tpu.memory_space<hbm>> -> memref<640x16xf32, #tpu.memory_space<hbm>>
        %dma_start3A_55 = arith.constant 0 : i32
        %dma_start3A_56 = tpu.memref_slice %arg8[%mul3A_50, %dma_start3A_55] : memref<10240x16xf32, #tpu.memory_space<vmem_shared>> -> memref<640x16xf32, #tpu.memory_space<vmem_shared>>
        tpu.enqueue_dma source(%dma_start3A_56 : memref<640x16xf32, #tpu.memory_space<vmem_shared>>) target(%dma_start3A_54 : memref<640x16xf32, #tpu.memory_space<hbm>>) target_semaphore(%run_scoped3A : memref<!tpu.dma_semaphore, #tpu.memory_space<semaphore_mem>>)
        %dma_wait3A_57 = arith.constant 0 : i32
        %dma_wait3A_58 = tpu.memref_slice %arg7[%mul3A_52, %dma_wait3A_57] : memref<10240x16xf32, #tpu.memory_space<hbm>> -> memref<640x16xf32, #tpu.memory_space<hbm>>
        %dma_wait3A_59 = arith.constant 0 : i32
        %dma_wait3A_60 = tpu.memref_slice %arg8[%mul3A_50, %dma_wait3A_59] : memref<10240x16xf32, #tpu.memory_space<vmem_shared>> -> memref<640x16xf32, #tpu.memory_space<vmem_shared>>
        tpu.wait_dma2 semaphore(%run_scoped3A : memref<!tpu.dma_semaphore, #tpu.memory_space<semaphore_mem>>) src(%dma_wait3A_60 : memref<640x16xf32, #tpu.memory_space<vmem_shared>>) dst(%dma_wait3A_58 : memref<640x16xf32, #tpu.memory_space<hbm>>)
        tpu.yield
      }) : () -> ()
    } else {
    }
    return
  }
}

#map = affine_map<(d0, d1) -> (0, 0)>
#map1 = affine_map<(d0, d1) -> (0, 0, 0)>
module attributes {stable_mosaic.version = 14 : i64} {
  func.func @k(%arg0: i32, %arg1: i32, %arg2: memref<10000x16xf32, #tpu.memory_space<hbm>>, %arg3: memref<32x80x128xi32, #tpu.memory_space<hbm>>, %arg4: memref<32x80x128xi32, #tpu.memory_space<hbm>>, %arg5: memref<640x16xf32, #tpu.memory_space<hbm>>, %arg6: memref<10240x16xf32, #tpu.memory_space<hbm>>, %arg7: memref<10240x16xf32, #tpu.memory_space<hbm>>, %arg8: memref<10240x16xf32, #tpu.memory_space<vmem_shared>>, %arg9: memref<10000x16xf32, #tpu.memory_space<vmem_shared>>, %arg10: memref<80x128xi32, #tpu.memory_space<vmem>>, %arg11: memref<80x128xi32, #tpu.memory_space<vmem>>, %arg12: memref<128x16xf32, #tpu.memory_space<vmem>>, %arg13: memref<128x16xf32, #tpu.memory_space<vmem>>, %arg14: memref<!tpu.dma_semaphore, #tpu.memory_space<semaphore_mem>>, %arg15: memref<!tpu.dma_semaphore, #tpu.memory_space<semaphore_mem>>, %arg16: memref<!tpu.dma_semaphore, #tpu.memory_space<semaphore_mem>>, %arg17: memref<!tpu.dma_semaphore, #tpu.memory_space<semaphore_mem>>) attributes {dimension_semantics = [#tpu.dimension_semantics<core_parallel>, #tpu.dimension_semantics<subcore_parallel>], iteration_bounds = array<i64: 2, 16>, scalar_prefetch = 0 : i64, scratch_operands = 10 : i64, tpu.core_type = #tpu.core_type<sc_vector_subcore>, window_params = [{transform_indices = #map}, {transform_indices = #map1}, {transform_indices = #map1}, {transform_indices = #map}, {transform_indices = #map}, {transform_indices = #map}]} {
    %mul3A = arith.constant 16 : i32
    %mul3A_0 = arith.muli %arg0, %mul3A : i32
    %add3A = arith.addi %mul3A_0, %arg1 : i32
    "tpu.region"() ({
      %run_scoped3A = tpu.sem_alloc : memref<!tpu.dma_semaphore, #tpu.memory_space<semaphore_mem>>
      %dma_start3A_49 = arith.constant 0 : i32
      %dma_start3A_50 = arith.constant 0 : i32
      %dma_start3A_51 = tpu.memref_slice %arg3[%add3A, %dma_start3A_49, %dma_start3A_50] : memref<32x80x128xi32, #tpu.memory_space<hbm>> -> memref<1x80x128xi32, #tpu.memory_space<hbm>>
      %dma_start3A_52 = tpu.memref_squeeze %dma_start3A_51 : memref<1x80x128xi32, #tpu.memory_space<hbm>> -> memref<80x128xi32, #tpu.memory_space<hbm>>
      %dma_start3A_53 = arith.constant 0 : i32
      %dma_start3A_54 = arith.constant 0 : i32
      %dma_start3A_55 = tpu.memref_slice %arg3[%add3A, %dma_start3A_53, %dma_start3A_54] : memref<32x80x128xi32, #tpu.memory_space<hbm>> -> memref<1x80x128xi32, #tpu.memory_space<hbm>>
      %dma_start3A_56 = tpu.memref_squeeze %dma_start3A_55 : memref<1x80x128xi32, #tpu.memory_space<hbm>> -> memref<80x128xi32, #tpu.memory_space<hbm>>
      tpu.enqueue_dma source(%dma_start3A_56 : memref<80x128xi32, #tpu.memory_space<hbm>>) target(%arg10 : memref<80x128xi32, #tpu.memory_space<vmem>>) target_semaphore(%run_scoped3A : memref<!tpu.dma_semaphore, #tpu.memory_space<semaphore_mem>>)
      %dma_wait3A_57 = arith.constant 0 : i32
      %dma_wait3A_58 = arith.constant 0 : i32
      %dma_wait3A_59 = tpu.memref_slice %arg3[%add3A, %dma_wait3A_57, %dma_wait3A_58] : memref<32x80x128xi32, #tpu.memory_space<hbm>> -> memref<1x80x128xi32, #tpu.memory_space<hbm>>
      %dma_wait3A_60 = tpu.memref_squeeze %dma_wait3A_59 : memref<1x80x128xi32, #tpu.memory_space<hbm>> -> memref<80x128xi32, #tpu.memory_space<hbm>>
      %dma_wait3A_61 = arith.constant 0 : i32
      %dma_wait3A_62 = arith.constant 0 : i32
      %dma_wait3A_63 = tpu.memref_slice %arg3[%add3A, %dma_wait3A_61, %dma_wait3A_62] : memref<32x80x128xi32, #tpu.memory_space<hbm>> -> memref<1x80x128xi32, #tpu.memory_space<hbm>>
      %dma_wait3A_64 = tpu.memref_squeeze %dma_wait3A_63 : memref<1x80x128xi32, #tpu.memory_space<hbm>> -> memref<80x128xi32, #tpu.memory_space<hbm>>
      tpu.wait_dma2 semaphore(%run_scoped3A : memref<!tpu.dma_semaphore, #tpu.memory_space<semaphore_mem>>) src(%dma_wait3A_64 : memref<80x128xi32, #tpu.memory_space<hbm>>) dst(%arg10 : memref<80x128xi32, #tpu.memory_space<vmem>>)
      tpu.yield
    }) : () -> ()
    "tpu.region"() ({
      %run_scoped3A = tpu.sem_alloc : memref<!tpu.dma_semaphore, #tpu.memory_space<semaphore_mem>>
      %dma_start3A_49 = arith.constant 0 : i32
      %dma_start3A_50 = arith.constant 0 : i32
      %dma_start3A_51 = tpu.memref_slice %arg4[%add3A, %dma_start3A_49, %dma_start3A_50] : memref<32x80x128xi32, #tpu.memory_space<hbm>> -> memref<1x80x128xi32, #tpu.memory_space<hbm>>
      %dma_start3A_52 = tpu.memref_squeeze %dma_start3A_51 : memref<1x80x128xi32, #tpu.memory_space<hbm>> -> memref<80x128xi32, #tpu.memory_space<hbm>>
      %dma_start3A_53 = arith.constant 0 : i32
      %dma_start3A_54 = arith.constant 0 : i32
      %dma_start3A_55 = tpu.memref_slice %arg4[%add3A, %dma_start3A_53, %dma_start3A_54] : memref<32x80x128xi32, #tpu.memory_space<hbm>> -> memref<1x80x128xi32, #tpu.memory_space<hbm>>
      %dma_start3A_56 = tpu.memref_squeeze %dma_start3A_55 : memref<1x80x128xi32, #tpu.memory_space<hbm>> -> memref<80x128xi32, #tpu.memory_space<hbm>>
      tpu.enqueue_dma source(%dma_start3A_56 : memref<80x128xi32, #tpu.memory_space<hbm>>) target(%arg11 : memref<80x128xi32, #tpu.memory_space<vmem>>) target_semaphore(%run_scoped3A : memref<!tpu.dma_semaphore, #tpu.memory_space<semaphore_mem>>)
      %dma_wait3A_57 = arith.constant 0 : i32
      %dma_wait3A_58 = arith.constant 0 : i32
      %dma_wait3A_59 = tpu.memref_slice %arg4[%add3A, %dma_wait3A_57, %dma_wait3A_58] : memref<32x80x128xi32, #tpu.memory_space<hbm>> -> memref<1x80x128xi32, #tpu.memory_space<hbm>>
      %dma_wait3A_60 = tpu.memref_squeeze %dma_wait3A_59 : memref<1x80x128xi32, #tpu.memory_space<hbm>> -> memref<80x128xi32, #tpu.memory_space<hbm>>
      %dma_wait3A_61 = arith.constant 0 : i32
      %dma_wait3A_62 = arith.constant 0 : i32
      %dma_wait3A_63 = tpu.memref_slice %arg4[%add3A, %dma_wait3A_61, %dma_wait3A_62] : memref<32x80x128xi32, #tpu.memory_space<hbm>> -> memref<1x80x128xi32, #tpu.memory_space<hbm>>
      %dma_wait3A_64 = tpu.memref_squeeze %dma_wait3A_63 : memref<1x80x128xi32, #tpu.memory_space<hbm>> -> memref<80x128xi32, #tpu.memory_space<hbm>>
      tpu.wait_dma2 semaphore(%run_scoped3A : memref<!tpu.dma_semaphore, #tpu.memory_space<semaphore_mem>>) src(%dma_wait3A_64 : memref<80x128xi32, #tpu.memory_space<hbm>>) dst(%arg11 : memref<80x128xi32, #tpu.memory_space<vmem>>)
      tpu.yield
    }) : () -> ()
    %eq3A = arith.constant 0 : i32
    %eq3A_1 = arith.cmpi eq, %arg0, %eq3A : i32
    %lt3A = arith.constant 15 : i32
    %lt3A_2 = arith.cmpi slt, %arg1, %lt3A : i32
    %and3A = arith.andi %eq3A_1, %lt3A_2 : i1
    %convert_element_type3A = arith.extui %and3A : i1 to i32
    %cond3A = arith.constant 0 : i32
    %cond3A_3 = arith.cmpi ne, %convert_element_type3A, %cond3A : i32
    scf.if %cond3A_3 {
      %mul3A_49 = arith.constant 640 : i32
      %mul3A_50 = arith.muli %arg1, %mul3A_49 : i32
      %mul3A_51 = arith.constant 640 : i32
      %mul3A_52 = arith.muli %arg1, %mul3A_51 : i32
      "tpu.region"() ({
        %run_scoped3A = tpu.sem_alloc : memref<!tpu.dma_semaphore, #tpu.memory_space<semaphore_mem>>
        %dma_start3A_53 = arith.constant 0 : i32
        %dma_start3A_54 = tpu.memref_slice %arg8[%mul3A_52, %dma_start3A_53] : memref<10240x16xf32, #tpu.memory_space<vmem_shared>> -> memref<640x16xf32, #tpu.memory_space<vmem_shared>>
        %dma_start3A_55 = arith.constant 0 : i32
        %dma_start3A_56 = tpu.memref_slice %arg2[%mul3A_50, %dma_start3A_55] : memref<10000x16xf32, #tpu.memory_space<hbm>> -> memref<640x16xf32, #tpu.memory_space<hbm>>
        tpu.enqueue_dma source(%dma_start3A_56 : memref<640x16xf32, #tpu.memory_space<hbm>>) target(%dma_start3A_54 : memref<640x16xf32, #tpu.memory_space<vmem_shared>>) target_semaphore(%run_scoped3A : memref<!tpu.dma_semaphore, #tpu.memory_space<semaphore_mem>>)
        %dma_wait3A_57 = arith.constant 0 : i32
        %dma_wait3A_58 = tpu.memref_slice %arg8[%mul3A_52, %dma_wait3A_57] : memref<10240x16xf32, #tpu.memory_space<vmem_shared>> -> memref<640x16xf32, #tpu.memory_space<vmem_shared>>
        %dma_wait3A_59 = arith.constant 0 : i32
        %dma_wait3A_60 = tpu.memref_slice %arg2[%mul3A_50, %dma_wait3A_59] : memref<10000x16xf32, #tpu.memory_space<hbm>> -> memref<640x16xf32, #tpu.memory_space<hbm>>
        tpu.wait_dma2 semaphore(%run_scoped3A : memref<!tpu.dma_semaphore, #tpu.memory_space<semaphore_mem>>) src(%dma_wait3A_60 : memref<640x16xf32, #tpu.memory_space<hbm>>) dst(%dma_wait3A_58 : memref<640x16xf32, #tpu.memory_space<vmem_shared>>)
        tpu.yield
      }) : () -> ()
    } else {
    }
    %eq3A_4 = arith.constant 0 : i32
    %eq3A_5 = arith.cmpi eq, %arg0, %eq3A_4 : i32
    %eq3A_6 = arith.constant 15 : i32
    %eq3A_7 = arith.cmpi eq, %arg1, %eq3A_6 : i32
    %and3A_8 = arith.andi %eq3A_5, %eq3A_7 : i1
    %convert_element_type3A_9 = arith.extui %and3A_8 : i1 to i32
    %cond3A_10 = arith.constant 0 : i32
    %cond3A_11 = arith.cmpi ne, %convert_element_type3A_9, %cond3A_10 : i32
    scf.if %cond3A_11 {
      "tpu.region"() ({
        %run_scoped3A = tpu.sem_alloc : memref<!tpu.dma_semaphore, #tpu.memory_space<semaphore_mem>>
        %dma_start3A_49 = arith.constant 9600 : i32
        %dma_start3A_50 = arith.constant 0 : i32
        %dma_start3A_51 = tpu.memref_slice %arg8[%dma_start3A_49, %dma_start3A_50] : memref<10240x16xf32, #tpu.memory_space<vmem_shared>> -> memref<640x16xf32, #tpu.memory_space<vmem_shared>>
        tpu.enqueue_dma source(%arg5 : memref<640x16xf32, #tpu.memory_space<hbm>>) target(%dma_start3A_51 : memref<640x16xf32, #tpu.memory_space<vmem_shared>>) target_semaphore(%run_scoped3A : memref<!tpu.dma_semaphore, #tpu.memory_space<semaphore_mem>>)
        %dma_wait3A_52 = arith.constant 9600 : i32
        %dma_wait3A_53 = arith.constant 0 : i32
        %dma_wait3A_54 = tpu.memref_slice %arg8[%dma_wait3A_52, %dma_wait3A_53] : memref<10240x16xf32, #tpu.memory_space<vmem_shared>> -> memref<640x16xf32, #tpu.memory_space<vmem_shared>>
        tpu.wait_dma2 semaphore(%run_scoped3A : memref<!tpu.dma_semaphore, #tpu.memory_space<semaphore_mem>>) src(%arg5 : memref<640x16xf32, #tpu.memory_space<hbm>>) dst(%dma_wait3A_54 : memref<640x16xf32, #tpu.memory_space<vmem_shared>>)
        tpu.yield
      }) : () -> ()
      "tpu.region"() ({
        %run_scoped3A = tpu.sem_alloc : memref<!tpu.dma_semaphore, #tpu.memory_space<semaphore_mem>>
        %dma_start3A_49 = arith.constant 9600 : i32
        %dma_start3A_50 = arith.constant 0 : i32
        %dma_start3A_51 = tpu.memref_slice %arg8[%dma_start3A_49, %dma_start3A_50] : memref<10240x16xf32, #tpu.memory_space<vmem_shared>> -> memref<400x16xf32, #tpu.memory_space<vmem_shared>>
        %dma_start3A_52 = arith.constant 9600 : i32
        %dma_start3A_53 = arith.constant 0 : i32
        %dma_start3A_54 = tpu.memref_slice %arg2[%dma_start3A_52, %dma_start3A_53] : memref<10000x16xf32, #tpu.memory_space<hbm>> -> memref<400x16xf32, #tpu.memory_space<hbm>>
        tpu.enqueue_dma source(%dma_start3A_54 : memref<400x16xf32, #tpu.memory_space<hbm>>) target(%dma_start3A_51 : memref<400x16xf32, #tpu.memory_space<vmem_shared>>) target_semaphore(%run_scoped3A : memref<!tpu.dma_semaphore, #tpu.memory_space<semaphore_mem>>)
        %dma_wait3A_55 = arith.constant 9600 : i32
        %dma_wait3A_56 = arith.constant 0 : i32
        %dma_wait3A_57 = tpu.memref_slice %arg8[%dma_wait3A_55, %dma_wait3A_56] : memref<10240x16xf32, #tpu.memory_space<vmem_shared>> -> memref<400x16xf32, #tpu.memory_space<vmem_shared>>
        %dma_wait3A_58 = arith.constant 9600 : i32
        %dma_wait3A_59 = arith.constant 0 : i32
        %dma_wait3A_60 = tpu.memref_slice %arg2[%dma_wait3A_58, %dma_wait3A_59] : memref<10000x16xf32, #tpu.memory_space<hbm>> -> memref<400x16xf32, #tpu.memory_space<hbm>>
        tpu.wait_dma2 semaphore(%run_scoped3A : memref<!tpu.dma_semaphore, #tpu.memory_space<semaphore_mem>>) src(%dma_wait3A_60 : memref<400x16xf32, #tpu.memory_space<hbm>>) dst(%dma_wait3A_57 : memref<400x16xf32, #tpu.memory_space<vmem_shared>>)
        tpu.yield
      }) : () -> ()
    } else {
    }
    %eq3A_12 = arith.constant 1 : i32
    %eq3A_13 = arith.cmpi eq, %arg0, %eq3A_12 : i32
    %convert_element_type3A_14 = arith.extui %eq3A_13 : i1 to i32
    %cond3A_15 = arith.constant 0 : i32
    %cond3A_16 = arith.cmpi ne, %convert_element_type3A_14, %cond3A_15 : i32
    scf.if %cond3A_16 {
      %mul3A_49 = arith.constant 640 : i32
      %mul3A_50 = arith.muli %arg1, %mul3A_49 : i32
      "tpu.region"() ({
        %run_scoped3A = tpu.sem_alloc : memref<!tpu.dma_semaphore, #tpu.memory_space<semaphore_mem>>
        %dma_start3A_51 = arith.constant 0 : i32
        %dma_start3A_52 = tpu.memref_slice %arg8[%mul3A_50, %dma_start3A_51] : memref<10240x16xf32, #tpu.memory_space<vmem_shared>> -> memref<640x16xf32, #tpu.memory_space<vmem_shared>>
        tpu.enqueue_dma source(%arg5 : memref<640x16xf32, #tpu.memory_space<hbm>>) target(%dma_start3A_52 : memref<640x16xf32, #tpu.memory_space<vmem_shared>>) target_semaphore(%run_scoped3A : memref<!tpu.dma_semaphore, #tpu.memory_space<semaphore_mem>>)
        %dma_wait3A_53 = arith.constant 0 : i32
        %dma_wait3A_54 = tpu.memref_slice %arg8[%mul3A_50, %dma_wait3A_53] : memref<10240x16xf32, #tpu.memory_space<vmem_shared>> -> memref<640x16xf32, #tpu.memory_space<vmem_shared>>
        tpu.wait_dma2 semaphore(%run_scoped3A : memref<!tpu.dma_semaphore, #tpu.memory_space<semaphore_mem>>) src(%arg5 : memref<640x16xf32, #tpu.memory_space<hbm>>) dst(%dma_wait3A_54 : memref<640x16xf32, #tpu.memory_space<vmem_shared>>)
        tpu.yield
      }) : () -> ()
    } else {
    }
    %lt3A_17 = arith.constant 8 : i32
    %lt3A_18 = arith.cmpi slt, %arg1, %lt3A_17 : i32
    %convert_element_type3A_19 = arith.extui %lt3A_18 : i1 to i32
    %cond3A_20 = arith.constant 0 : i32
    %cond3A_21 = arith.cmpi ne, %convert_element_type3A_19, %cond3A_20 : i32
    scf.if %cond3A_21 {
      %mul3A_49 = arith.constant 1250 : i32
      %mul3A_50 = arith.muli %arg1, %mul3A_49 : i32
      %mul3A_51 = arith.constant 1250 : i32
      %mul3A_52 = arith.muli %arg1, %mul3A_51 : i32
      "tpu.region"() ({
        %run_scoped3A = tpu.sem_alloc : memref<!tpu.dma_semaphore, #tpu.memory_space<semaphore_mem>>
        %dma_start3A_53 = arith.constant 0 : i32
        %dma_start3A_54 = tpu.memref_slice %arg9[%mul3A_52, %dma_start3A_53] : memref<10000x16xf32, #tpu.memory_space<vmem_shared>> -> memref<1250x16xf32, #tpu.memory_space<vmem_shared>>
        %dma_start3A_55 = arith.constant 0 : i32
        %dma_start3A_56 = tpu.memref_slice %arg2[%mul3A_50, %dma_start3A_55] : memref<10000x16xf32, #tpu.memory_space<hbm>> -> memref<1250x16xf32, #tpu.memory_space<hbm>>
        tpu.enqueue_dma source(%dma_start3A_56 : memref<1250x16xf32, #tpu.memory_space<hbm>>) target(%dma_start3A_54 : memref<1250x16xf32, #tpu.memory_space<vmem_shared>>) target_semaphore(%run_scoped3A : memref<!tpu.dma_semaphore, #tpu.memory_space<semaphore_mem>>)
        %dma_wait3A_57 = arith.constant 0 : i32
        %dma_wait3A_58 = tpu.memref_slice %arg9[%mul3A_52, %dma_wait3A_57] : memref<10000x16xf32, #tpu.memory_space<vmem_shared>> -> memref<1250x16xf32, #tpu.memory_space<vmem_shared>>
        %dma_wait3A_59 = arith.constant 0 : i32
        %dma_wait3A_60 = tpu.memref_slice %arg2[%mul3A_50, %dma_wait3A_59] : memref<10000x16xf32, #tpu.memory_space<hbm>> -> memref<1250x16xf32, #tpu.memory_space<hbm>>
        tpu.wait_dma2 semaphore(%run_scoped3A : memref<!tpu.dma_semaphore, #tpu.memory_space<semaphore_mem>>) src(%dma_wait3A_60 : memref<1250x16xf32, #tpu.memory_space<hbm>>) dst(%dma_wait3A_58 : memref<1250x16xf32, #tpu.memory_space<vmem_shared>>)
        tpu.yield
      }) : () -> ()
    } else {
    }
    %barrier3A = arith.constant 0 : index
    tpu.barrier barrier_id(%barrier3A)
    %dma_start3A = arith.constant 0 : i32
    %dma_start3A_22 = arith.constant 0 : i32
    %dma_start3A_23 = tpu.memref_slice %arg10[%dma_start3A, %dma_start3A_22] : memref<80x128xi32, #tpu.memory_space<vmem>> -> memref<1x128xi32, #tpu.memory_space<vmem>>
    %dma_start3A_24 = tpu.memref_squeeze %dma_start3A_23 : memref<1x128xi32, #tpu.memory_space<vmem>> -> memref<128xi32, #tpu.memory_space<vmem>>
    %dma_start3A_25 = arith.constant 0 : i32
    %dma_start3A_26 = arith.constant 0 : i32
    %dma_start3A_27 = tpu.memref_slice %arg9[%dma_start3A_25, %dma_start3A_26] : memref<10000x16xf32, #tpu.memory_space<vmem_shared>> -> memref<10000x16xf32, #tpu.memory_space<vmem_shared>>
    tpu.enqueue_indirect_dma source(%dma_start3A_27 : memref<10000x16xf32, #tpu.memory_space<vmem_shared>>) target(%arg12 : memref<128x16xf32, #tpu.memory_space<vmem>>) offsets(%dma_start3A_24 : memref<128xi32, #tpu.memory_space<vmem>>) semaphore(%arg14 : memref<!tpu.dma_semaphore, #tpu.memory_space<semaphore_mem>>)
    %scan3A = arith.constant 0 : i32
    %scan3A_28 = arith.constant 0 : i32
    %scan3A_29 = arith.constant 40 : i32
    %scan3A_30 = arith.addi %scan3A_28, %scan3A_29 : i32
    %scan3A_31 = arith.constant 1 : i32
    scf.for %scan3A_49 = %scan3A_28 to %scan3A_30 step %scan3A_31  : i32 {
      %mul3A_50 = arith.constant 2 : i32
      %mul3A_51 = arith.muli %mul3A_50, %scan3A_49 : i32
      %add3A_52 = arith.constant 0 : i32
      %add3A_53 = arith.addi %mul3A_51, %add3A_52 : i32
      %add3A_54 = arith.constant 1 : i32
      %add3A_55 = arith.addi %add3A_53, %add3A_54 : i32
      %ge3A = arith.constant 1 : i32
      %ge3A_56 = arith.cmpi sge, %add3A_53, %ge3A : i32
      %convert_element_type3A_57 = arith.extui %ge3A_56 : i1 to i32
      %cond3A_58 = arith.constant 0 : i32
      %cond3A_59 = arith.cmpi ne, %convert_element_type3A_57, %cond3A_58 : i32
      scf.if %cond3A_59 {
        %dma_wait3A_105 = arith.constant 0 : i32
        %dma_wait3A_106 = arith.constant 0 : i32
        %dma_wait3A_107 = tpu.memref_slice %arg8[%dma_wait3A_105, %dma_wait3A_106] : memref<10240x16xf32, #tpu.memory_space<vmem_shared>> -> memref<128x16xf32, #tpu.memory_space<vmem_shared>>
        %dma_wait3A_108 = arith.constant 0 : i32
        %dma_wait3A_109 = arith.constant 0 : i32
        %dma_wait3A_110 = tpu.memref_slice %arg8[%dma_wait3A_108, %dma_wait3A_109] : memref<10240x16xf32, #tpu.memory_space<vmem_shared>> -> memref<128x16xf32, #tpu.memory_space<vmem_shared>>
        tpu.wait_dma2 semaphore(%arg17 : memref<!tpu.dma_semaphore, #tpu.memory_space<semaphore_mem>>) src(%arg13 : memref<128x16xf32, #tpu.memory_space<vmem>>) dst(%dma_wait3A_110 : memref<128x16xf32, #tpu.memory_space<vmem_shared>>)
      } else {
      }
      %lt3A_60 = arith.constant 80 : i32
      %lt3A_61 = arith.cmpi slt, %add3A_55, %lt3A_60 : i32
      %convert_element_type3A_62 = arith.extui %lt3A_61 : i1 to i32
      %cond3A_63 = arith.constant 0 : i32
      %cond3A_64 = arith.cmpi ne, %convert_element_type3A_62, %cond3A_63 : i32
      scf.if %cond3A_64 {
        %dma_start3A_105 = arith.constant 0 : i32
        %dma_start3A_106 = tpu.memref_slice %arg10[%add3A_55, %dma_start3A_105] : memref<80x128xi32, #tpu.memory_space<vmem>> -> memref<1x128xi32, #tpu.memory_space<vmem>>
        %dma_start3A_107 = tpu.memref_squeeze %dma_start3A_106 : memref<1x128xi32, #tpu.memory_space<vmem>> -> memref<128xi32, #tpu.memory_space<vmem>>
        %dma_start3A_108 = arith.constant 0 : i32
        %dma_start3A_109 = arith.constant 0 : i32
        %dma_start3A_110 = tpu.memref_slice %arg9[%dma_start3A_108, %dma_start3A_109] : memref<10000x16xf32, #tpu.memory_space<vmem_shared>> -> memref<10000x16xf32, #tpu.memory_space<vmem_shared>>
        tpu.enqueue_indirect_dma source(%dma_start3A_110 : memref<10000x16xf32, #tpu.memory_space<vmem_shared>>) target(%arg13 : memref<128x16xf32, #tpu.memory_space<vmem>>) offsets(%dma_start3A_107 : memref<128xi32, #tpu.memory_space<vmem>>) semaphore(%arg15 : memref<!tpu.dma_semaphore, #tpu.memory_space<semaphore_mem>>)
      } else {
      }
      %dma_wait3A_65 = arith.constant 0 : i32
      %dma_wait3A_66 = arith.constant 0 : i32
      %dma_wait3A_67 = tpu.memref_slice %arg9[%dma_wait3A_65, %dma_wait3A_66] : memref<10000x16xf32, #tpu.memory_space<vmem_shared>> -> memref<128x16xf32, #tpu.memory_space<vmem_shared>>
      %dma_wait3A_68 = arith.constant 0 : i32
      %dma_wait3A_69 = arith.constant 0 : i32
      %dma_wait3A_70 = tpu.memref_slice %arg9[%dma_wait3A_68, %dma_wait3A_69] : memref<10000x16xf32, #tpu.memory_space<vmem_shared>> -> memref<128x16xf32, #tpu.memory_space<vmem_shared>>
      tpu.wait_dma2 semaphore(%arg14 : memref<!tpu.dma_semaphore, #tpu.memory_space<semaphore_mem>>) src(%dma_wait3A_70 : memref<128x16xf32, #tpu.memory_space<vmem_shared>>) dst(%arg12 : memref<128x16xf32, #tpu.memory_space<vmem>>)
      %dma_start3A_71 = arith.constant 0 : i32
      %dma_start3A_72 = tpu.memref_slice %arg11[%add3A_53, %dma_start3A_71] : memref<80x128xi32, #tpu.memory_space<vmem>> -> memref<1x128xi32, #tpu.memory_space<vmem>>
      %dma_start3A_73 = tpu.memref_squeeze %dma_start3A_72 : memref<1x128xi32, #tpu.memory_space<vmem>> -> memref<128xi32, #tpu.memory_space<vmem>>
      %dma_start3A_74 = arith.constant 0 : i32
      %dma_start3A_75 = arith.constant 0 : i32
      %dma_start3A_76 = tpu.memref_slice %arg8[%dma_start3A_74, %dma_start3A_75] : memref<10240x16xf32, #tpu.memory_space<vmem_shared>> -> memref<10240x16xf32, #tpu.memory_space<vmem_shared>>
      tpu.enqueue_indirect_dma source(%arg12 : memref<128x16xf32, #tpu.memory_space<vmem>>) target(%dma_start3A_76 : memref<10240x16xf32, #tpu.memory_space<vmem_shared>>) offsets(%dma_start3A_73 : memref<128xi32, #tpu.memory_space<vmem>>) semaphore(%arg16 : memref<!tpu.dma_semaphore, #tpu.memory_space<semaphore_mem>>) {add = true}
      %mul3A_77 = arith.constant 2 : i32
      %mul3A_78 = arith.muli %mul3A_77, %scan3A_49 : i32
      %add3A_79 = arith.constant 1 : i32
      %add3A_80 = arith.addi %mul3A_78, %add3A_79 : i32
      %add3A_81 = arith.constant 1 : i32
      %add3A_82 = arith.addi %add3A_80, %add3A_81 : i32
      %ge3A_83 = arith.constant 1 : i32
      %ge3A_84 = arith.cmpi sge, %add3A_80, %ge3A_83 : i32
      %convert_element_type3A_85 = arith.extui %ge3A_84 : i1 to i32
      %cond3A_86 = arith.constant 0 : i32
      %cond3A_87 = arith.cmpi ne, %convert_element_type3A_85, %cond3A_86 : i32
      scf.if %cond3A_87 {
        %dma_wait3A_105 = arith.constant 0 : i32
        %dma_wait3A_106 = arith.constant 0 : i32
        %dma_wait3A_107 = tpu.memref_slice %arg8[%dma_wait3A_105, %dma_wait3A_106] : memref<10240x16xf32, #tpu.memory_space<vmem_shared>> -> memref<128x16xf32, #tpu.memory_space<vmem_shared>>
        %dma_wait3A_108 = arith.constant 0 : i32
        %dma_wait3A_109 = arith.constant 0 : i32
        %dma_wait3A_110 = tpu.memref_slice %arg8[%dma_wait3A_108, %dma_wait3A_109] : memref<10240x16xf32, #tpu.memory_space<vmem_shared>> -> memref<128x16xf32, #tpu.memory_space<vmem_shared>>
        tpu.wait_dma2 semaphore(%arg16 : memref<!tpu.dma_semaphore, #tpu.memory_space<semaphore_mem>>) src(%arg12 : memref<128x16xf32, #tpu.memory_space<vmem>>) dst(%dma_wait3A_110 : memref<128x16xf32, #tpu.memory_space<vmem_shared>>)
      } else {
      }
      %lt3A_88 = arith.constant 80 : i32
      %lt3A_89 = arith.cmpi slt, %add3A_82, %lt3A_88 : i32
      %convert_element_type3A_90 = arith.extui %lt3A_89 : i1 to i32
      %cond3A_91 = arith.constant 0 : i32
      %cond3A_92 = arith.cmpi ne, %convert_element_type3A_90, %cond3A_91 : i32
      scf.if %cond3A_92 {
        %dma_start3A_105 = arith.constant 0 : i32
        %dma_start3A_106 = tpu.memref_slice %arg10[%add3A_82, %dma_start3A_105] : memref<80x128xi32, #tpu.memory_space<vmem>> -> memref<1x128xi32, #tpu.memory_space<vmem>>
        %dma_start3A_107 = tpu.memref_squeeze %dma_start3A_106 : memref<1x128xi32, #tpu.memory_space<vmem>> -> memref<128xi32, #tpu.memory_space<vmem>>
        %dma_start3A_108 = arith.constant 0 : i32
        %dma_start3A_109 = arith.constant 0 : i32
        %dma_start3A_110 = tpu.memref_slice %arg9[%dma_start3A_108, %dma_start3A_109] : memref<10000x16xf32, #tpu.memory_space<vmem_shared>> -> memref<10000x16xf32, #tpu.memory_space<vmem_shared>>
        tpu.enqueue_indirect_dma source(%dma_start3A_110 : memref<10000x16xf32, #tpu.memory_space<vmem_shared>>) target(%arg12 : memref<128x16xf32, #tpu.memory_space<vmem>>) offsets(%dma_start3A_107 : memref<128xi32, #tpu.memory_space<vmem>>) semaphore(%arg14 : memref<!tpu.dma_semaphore, #tpu.memory_space<semaphore_mem>>)
      } else {
      }
      %dma_wait3A_93 = arith.constant 0 : i32
      %dma_wait3A_94 = arith.constant 0 : i32
      %dma_wait3A_95 = tpu.memref_slice %arg9[%dma_wait3A_93, %dma_wait3A_94] : memref<10000x16xf32, #tpu.memory_space<vmem_shared>> -> memref<128x16xf32, #tpu.memory_space<vmem_shared>>
      %dma_wait3A_96 = arith.constant 0 : i32
      %dma_wait3A_97 = arith.constant 0 : i32
      %dma_wait3A_98 = tpu.memref_slice %arg9[%dma_wait3A_96, %dma_wait3A_97] : memref<10000x16xf32, #tpu.memory_space<vmem_shared>> -> memref<128x16xf32, #tpu.memory_space<vmem_shared>>
      tpu.wait_dma2 semaphore(%arg15 : memref<!tpu.dma_semaphore, #tpu.memory_space<semaphore_mem>>) src(%dma_wait3A_98 : memref<128x16xf32, #tpu.memory_space<vmem_shared>>) dst(%arg13 : memref<128x16xf32, #tpu.memory_space<vmem>>)
      %dma_start3A_99 = arith.constant 0 : i32
      %dma_start3A_100 = tpu.memref_slice %arg11[%add3A_80, %dma_start3A_99] : memref<80x128xi32, #tpu.memory_space<vmem>> -> memref<1x128xi32, #tpu.memory_space<vmem>>
      %dma_start3A_101 = tpu.memref_squeeze %dma_start3A_100 : memref<1x128xi32, #tpu.memory_space<vmem>> -> memref<128xi32, #tpu.memory_space<vmem>>
      %dma_start3A_102 = arith.constant 0 : i32
      %dma_start3A_103 = arith.constant 0 : i32
      %dma_start3A_104 = tpu.memref_slice %arg8[%dma_start3A_102, %dma_start3A_103] : memref<10240x16xf32, #tpu.memory_space<vmem_shared>> -> memref<10240x16xf32, #tpu.memory_space<vmem_shared>>
      tpu.enqueue_indirect_dma source(%arg13 : memref<128x16xf32, #tpu.memory_space<vmem>>) target(%dma_start3A_104 : memref<10240x16xf32, #tpu.memory_space<vmem_shared>>) offsets(%dma_start3A_101 : memref<128xi32, #tpu.memory_space<vmem>>) semaphore(%arg17 : memref<!tpu.dma_semaphore, #tpu.memory_space<semaphore_mem>>) {add = true}
    }
    %scan3A_32 = arith.constant 40 : i32
    %dma_wait3A = arith.constant 0 : i32
    %dma_wait3A_33 = arith.constant 0 : i32
    %dma_wait3A_34 = tpu.memref_slice %arg8[%dma_wait3A, %dma_wait3A_33] : memref<10240x16xf32, #tpu.memory_space<vmem_shared>> -> memref<128x16xf32, #tpu.memory_space<vmem_shared>>
    %dma_wait3A_35 = arith.constant 0 : i32
    %dma_wait3A_36 = arith.constant 0 : i32
    %dma_wait3A_37 = tpu.memref_slice %arg8[%dma_wait3A_35, %dma_wait3A_36] : memref<10240x16xf32, #tpu.memory_space<vmem_shared>> -> memref<128x16xf32, #tpu.memory_space<vmem_shared>>
    tpu.wait_dma2 semaphore(%arg17 : memref<!tpu.dma_semaphore, #tpu.memory_space<semaphore_mem>>) src(%arg13 : memref<128x16xf32, #tpu.memory_space<vmem>>) dst(%dma_wait3A_37 : memref<128x16xf32, #tpu.memory_space<vmem_shared>>)
    %barrier3A_38 = arith.constant 0 : index
    tpu.barrier barrier_id(%barrier3A_38)
    %eq3A_39 = arith.constant 0 : i32
    %eq3A_40 = arith.cmpi eq, %arg0, %eq3A_39 : i32
    %convert_element_type3A_41 = arith.extui %eq3A_40 : i1 to i32
    %cond3A_42 = arith.constant 0 : i32
    %cond3A_43 = arith.cmpi ne, %convert_element_type3A_41, %cond3A_42 : i32
    scf.if %cond3A_43 {
      %mul3A_49 = arith.constant 640 : i32
      %mul3A_50 = arith.muli %arg1, %mul3A_49 : i32
      %mul3A_51 = arith.constant 640 : i32
      %mul3A_52 = arith.muli %arg1, %mul3A_51 : i32
      "tpu.region"() ({
        %run_scoped3A = tpu.sem_alloc : memref<!tpu.dma_semaphore, #tpu.memory_space<semaphore_mem>>
        %dma_start3A_53 = arith.constant 0 : i32
        %dma_start3A_54 = tpu.memref_slice %arg6[%mul3A_52, %dma_start3A_53] : memref<10240x16xf32, #tpu.memory_space<hbm>> -> memref<640x16xf32, #tpu.memory_space<hbm>>
        %dma_start3A_55 = arith.constant 0 : i32
        %dma_start3A_56 = tpu.memref_slice %arg8[%mul3A_50, %dma_start3A_55] : memref<10240x16xf32, #tpu.memory_space<vmem_shared>> -> memref<640x16xf32, #tpu.memory_space<vmem_shared>>
        tpu.enqueue_dma source(%dma_start3A_56 : memref<640x16xf32, #tpu.memory_space<vmem_shared>>) target(%dma_start3A_54 : memref<640x16xf32, #tpu.memory_space<hbm>>) target_semaphore(%run_scoped3A : memref<!tpu.dma_semaphore, #tpu.memory_space<semaphore_mem>>)
        %dma_wait3A_57 = arith.constant 0 : i32
        %dma_wait3A_58 = tpu.memref_slice %arg6[%mul3A_52, %dma_wait3A_57] : memref<10240x16xf32, #tpu.memory_space<hbm>> -> memref<640x16xf32, #tpu.memory_space<hbm>>
        %dma_wait3A_59 = arith.constant 0 : i32
        %dma_wait3A_60 = tpu.memref_slice %arg8[%mul3A_50, %dma_wait3A_59] : memref<10240x16xf32, #tpu.memory_space<vmem_shared>> -> memref<640x16xf32, #tpu.memory_space<vmem_shared>>
        tpu.wait_dma2 semaphore(%run_scoped3A : memref<!tpu.dma_semaphore, #tpu.memory_space<semaphore_mem>>) src(%dma_wait3A_60 : memref<640x16xf32, #tpu.memory_space<vmem_shared>>) dst(%dma_wait3A_58 : memref<640x16xf32, #tpu.memory_space<hbm>>)
        tpu.yield
      }) : () -> ()
    } else {
    }
    %eq3A_44 = arith.constant 1 : i32
    %eq3A_45 = arith.cmpi eq, %arg0, %eq3A_44 : i32
    %convert_element_type3A_46 = arith.extui %eq3A_45 : i1 to i32
    %cond3A_47 = arith.constant 0 : i32
    %cond3A_48 = arith.cmpi ne, %convert_element_type3A_46, %cond3A_47 : i32
    scf.if %cond3A_48 {
      %mul3A_49 = arith.constant 640 : i32
      %mul3A_50 = arith.muli %arg1, %mul3A_49 : i32
      %mul3A_51 = arith.constant 640 : i32
      %mul3A_52 = arith.muli %arg1, %mul3A_51 : i32
      "tpu.region"() ({
        %run_scoped3A = tpu.sem_alloc : memref<!tpu.dma_semaphore, #tpu.memory_space<semaphore_mem>>
        %dma_start3A_53 = arith.constant 0 : i32
        %dma_start3A_54 = tpu.memref_slice %arg7[%mul3A_52, %dma_start3A_53] : memref<10240x16xf32, #tpu.memory_space<hbm>> -> memref<640x16xf32, #tpu.memory_space<hbm>>
        %dma_start3A_55 = arith.constant 0 : i32
        %dma_start3A_56 = tpu.memref_slice %arg8[%mul3A_50, %dma_start3A_55] : memref<10240x16xf32, #tpu.memory_space<vmem_shared>> -> memref<640x16xf32, #tpu.memory_space<vmem_shared>>
        tpu.enqueue_dma source(%dma_start3A_56 : memref<640x16xf32, #tpu.memory_space<vmem_shared>>) target(%dma_start3A_54 : memref<640x16xf32, #tpu.memory_space<hbm>>) target_semaphore(%run_scoped3A : memref<!tpu.dma_semaphore, #tpu.memory_space<semaphore_mem>>)
        %dma_wait3A_57 = arith.constant 0 : i32
        %dma_wait3A_58 = tpu.memref_slice %arg7[%mul3A_52, %dma_wait3A_57] : memref<10240x16xf32, #tpu.memory_space<hbm>> -> memref<640x16xf32, #tpu.memory_space<hbm>>
        %dma_wait3A_59 = arith.constant 0 : i32
        %dma_wait3A_60 = tpu.memref_slice %arg8[%mul3A_50, %dma_wait3A_59] : memref<10240x16xf32, #tpu.memory_space<vmem_shared>> -> memref<640x16xf32, #tpu.memory_space<vmem_shared>>
        tpu.wait_dma2 semaphore(%run_scoped3A : memref<!tpu.dma_semaphore, #tpu.memory_space<semaphore_mem>>) src(%dma_wait3A_60 : memref<640x16xf32, #tpu.memory_space<vmem_shared>>) dst(%dma_wait3A_58 : memref<640x16xf32, #tpu.memory_space<hbm>>)
        tpu.yield
      }) : () -> ()
    } else {
    }
    return
  }
}

#map = affine_map<(d0, d1) -> (0, 0, 0)>
#map1 = affine_map<(d0, d1) -> (0, 0)>
module attributes {stable_mosaic.version = 14 : i64} {
  func.func @k(%arg0: i32, %arg1: i32, %arg2: memref<32x80x128xi32, #tpu.memory_space<hbm>>, %arg3: memref<32x3x128xi32, #tpu.memory_space<hbm>>, %arg4: memref<128x16xf32, #tpu.memory_space<hbm>>, %arg5: memref<640x16xf32, #tpu.memory_space<hbm>>, %arg6: memref<8x16xf32, #tpu.memory_space<hbm>>, %arg7: memref<10240x16xf32, #tpu.memory_space<hbm>>, %arg8: memref<10240x16xf32, #tpu.memory_space<hbm>>, %arg9: memref<128x16xf32, #tpu.memory_space<hbm>>, %arg10: memref<128x16xf32, #tpu.memory_space<hbm>>, %arg11: memref<10240x16xf32, #tpu.memory_space<vmem_shared>>, %arg12: memref<128x16xf32, #tpu.memory_space<vmem_shared>>, %arg13: memref<80x128xi32, #tpu.memory_space<vmem>>, %arg14: memref<3x128xi32, #tpu.memory_space<vmem>>, %arg15: memref<128x16xf32, #tpu.memory_space<vmem>>) attributes {dimension_semantics = [#tpu.dimension_semantics<core_parallel>, #tpu.dimension_semantics<subcore_parallel>], iteration_bounds = array<i64: 2, 16>, scalar_prefetch = 0 : i64, scratch_operands = 5 : i64, tpu.core_type = #tpu.core_type<sc_vector_subcore>, window_params = [{transform_indices = #map}, {transform_indices = #map}, {transform_indices = #map1}, {transform_indices = #map1}, {transform_indices = #map1}, {transform_indices = #map1}, {transform_indices = #map1}, {transform_indices = #map1}, {transform_indices = #map1}]} {
    %mul3A = arith.constant 16 : i32
    %mul3A_0 = arith.muli %arg0, %mul3A : i32
    %add3A = arith.addi %mul3A_0, %arg1 : i32
    "tpu.region"() ({
      %run_scoped3A = tpu.sem_alloc : memref<!tpu.dma_semaphore, #tpu.memory_space<semaphore_mem>>
      %dma_start3A = arith.constant 0 : i32
      %dma_start3A_24 = arith.constant 0 : i32
      %dma_start3A_25 = tpu.memref_slice %arg2[%add3A, %dma_start3A, %dma_start3A_24] : memref<32x80x128xi32, #tpu.memory_space<hbm>> -> memref<1x80x128xi32, #tpu.memory_space<hbm>>
      %dma_start3A_26 = tpu.memref_squeeze %dma_start3A_25 : memref<1x80x128xi32, #tpu.memory_space<hbm>> -> memref<80x128xi32, #tpu.memory_space<hbm>>
      %dma_start3A_27 = arith.constant 0 : i32
      %dma_start3A_28 = arith.constant 0 : i32
      %dma_start3A_29 = tpu.memref_slice %arg2[%add3A, %dma_start3A_27, %dma_start3A_28] : memref<32x80x128xi32, #tpu.memory_space<hbm>> -> memref<1x80x128xi32, #tpu.memory_space<hbm>>
      %dma_start3A_30 = tpu.memref_squeeze %dma_start3A_29 : memref<1x80x128xi32, #tpu.memory_space<hbm>> -> memref<80x128xi32, #tpu.memory_space<hbm>>
      tpu.enqueue_dma source(%dma_start3A_30 : memref<80x128xi32, #tpu.memory_space<hbm>>) target(%arg13 : memref<80x128xi32, #tpu.memory_space<vmem>>) target_semaphore(%run_scoped3A : memref<!tpu.dma_semaphore, #tpu.memory_space<semaphore_mem>>)
      %dma_wait3A = arith.constant 0 : i32
      %dma_wait3A_31 = arith.constant 0 : i32
      %dma_wait3A_32 = tpu.memref_slice %arg2[%add3A, %dma_wait3A, %dma_wait3A_31] : memref<32x80x128xi32, #tpu.memory_space<hbm>> -> memref<1x80x128xi32, #tpu.memory_space<hbm>>
      %dma_wait3A_33 = tpu.memref_squeeze %dma_wait3A_32 : memref<1x80x128xi32, #tpu.memory_space<hbm>> -> memref<80x128xi32, #tpu.memory_space<hbm>>
      %dma_wait3A_34 = arith.constant 0 : i32
      %dma_wait3A_35 = arith.constant 0 : i32
      %dma_wait3A_36 = tpu.memref_slice %arg2[%add3A, %dma_wait3A_34, %dma_wait3A_35] : memref<32x80x128xi32, #tpu.memory_space<hbm>> -> memref<1x80x128xi32, #tpu.memory_space<hbm>>
      %dma_wait3A_37 = tpu.memref_squeeze %dma_wait3A_36 : memref<1x80x128xi32, #tpu.memory_space<hbm>> -> memref<80x128xi32, #tpu.memory_space<hbm>>
      tpu.wait_dma2 semaphore(%run_scoped3A : memref<!tpu.dma_semaphore, #tpu.memory_space<semaphore_mem>>) src(%dma_wait3A_37 : memref<80x128xi32, #tpu.memory_space<hbm>>) dst(%arg13 : memref<80x128xi32, #tpu.memory_space<vmem>>)
      tpu.yield
    }) : () -> ()
    "tpu.region"() ({
      %run_scoped3A = tpu.sem_alloc : memref<!tpu.dma_semaphore, #tpu.memory_space<semaphore_mem>>
      %dma_start3A = arith.constant 0 : i32
      %dma_start3A_24 = arith.constant 0 : i32
      %dma_start3A_25 = tpu.memref_slice %arg3[%add3A, %dma_start3A, %dma_start3A_24] : memref<32x3x128xi32, #tpu.memory_space<hbm>> -> memref<1x3x128xi32, #tpu.memory_space<hbm>>
      %dma_start3A_26 = tpu.memref_squeeze %dma_start3A_25 : memref<1x3x128xi32, #tpu.memory_space<hbm>> -> memref<3x128xi32, #tpu.memory_space<hbm>>
      %dma_start3A_27 = arith.constant 0 : i32
      %dma_start3A_28 = arith.constant 0 : i32
      %dma_start3A_29 = tpu.memref_slice %arg3[%add3A, %dma_start3A_27, %dma_start3A_28] : memref<32x3x128xi32, #tpu.memory_space<hbm>> -> memref<1x3x128xi32, #tpu.memory_space<hbm>>
      %dma_start3A_30 = tpu.memref_squeeze %dma_start3A_29 : memref<1x3x128xi32, #tpu.memory_space<hbm>> -> memref<3x128xi32, #tpu.memory_space<hbm>>
      tpu.enqueue_dma source(%dma_start3A_30 : memref<3x128xi32, #tpu.memory_space<hbm>>) target(%arg14 : memref<3x128xi32, #tpu.memory_space<vmem>>) target_semaphore(%run_scoped3A : memref<!tpu.dma_semaphore, #tpu.memory_space<semaphore_mem>>)
      %dma_wait3A = arith.constant 0 : i32
      %dma_wait3A_31 = arith.constant 0 : i32
      %dma_wait3A_32 = tpu.memref_slice %arg3[%add3A, %dma_wait3A, %dma_wait3A_31] : memref<32x3x128xi32, #tpu.memory_space<hbm>> -> memref<1x3x128xi32, #tpu.memory_space<hbm>>
      %dma_wait3A_33 = tpu.memref_squeeze %dma_wait3A_32 : memref<1x3x128xi32, #tpu.memory_space<hbm>> -> memref<3x128xi32, #tpu.memory_space<hbm>>
      %dma_wait3A_34 = arith.constant 0 : i32
      %dma_wait3A_35 = arith.constant 0 : i32
      %dma_wait3A_36 = tpu.memref_slice %arg3[%add3A, %dma_wait3A_34, %dma_wait3A_35] : memref<32x3x128xi32, #tpu.memory_space<hbm>> -> memref<1x3x128xi32, #tpu.memory_space<hbm>>
      %dma_wait3A_37 = tpu.memref_squeeze %dma_wait3A_36 : memref<1x3x128xi32, #tpu.memory_space<hbm>> -> memref<3x128xi32, #tpu.memory_space<hbm>>
      tpu.wait_dma2 semaphore(%run_scoped3A : memref<!tpu.dma_semaphore, #tpu.memory_space<semaphore_mem>>) src(%dma_wait3A_37 : memref<3x128xi32, #tpu.memory_space<hbm>>) dst(%arg14 : memref<3x128xi32, #tpu.memory_space<vmem>>)
      tpu.yield
    }) : () -> ()
    %mul3A_1 = arith.constant 640 : i32
    %mul3A_2 = arith.muli %arg1, %mul3A_1 : i32
    "tpu.region"() ({
      %run_scoped3A = tpu.sem_alloc : memref<!tpu.dma_semaphore, #tpu.memory_space<semaphore_mem>>
      %dma_start3A = arith.constant 0 : i32
      %dma_start3A_24 = tpu.memref_slice %arg11[%mul3A_2, %dma_start3A] : memref<10240x16xf32, #tpu.memory_space<vmem_shared>> -> memref<640x16xf32, #tpu.memory_space<vmem_shared>>
      tpu.enqueue_dma source(%arg5 : memref<640x16xf32, #tpu.memory_space<hbm>>) target(%dma_start3A_24 : memref<640x16xf32, #tpu.memory_space<vmem_shared>>) target_semaphore(%run_scoped3A : memref<!tpu.dma_semaphore, #tpu.memory_space<semaphore_mem>>)
      %dma_wait3A = arith.constant 0 : i32
      %dma_wait3A_25 = tpu.memref_slice %arg11[%mul3A_2, %dma_wait3A] : memref<10240x16xf32, #tpu.memory_space<vmem_shared>> -> memref<640x16xf32, #tpu.memory_space<vmem_shared>>
      tpu.wait_dma2 semaphore(%run_scoped3A : memref<!tpu.dma_semaphore, #tpu.memory_space<semaphore_mem>>) src(%arg5 : memref<640x16xf32, #tpu.memory_space<hbm>>) dst(%dma_wait3A_25 : memref<640x16xf32, #tpu.memory_space<vmem_shared>>)
      tpu.yield
    }) : () -> ()
    %mul3A_3 = arith.constant 8 : i32
    %mul3A_4 = arith.muli %arg1, %mul3A_3 : i32
    "tpu.region"() ({
      %run_scoped3A = tpu.sem_alloc : memref<!tpu.dma_semaphore, #tpu.memory_space<semaphore_mem>>
      %dma_start3A = arith.constant 0 : i32
      %dma_start3A_24 = tpu.memref_slice %arg12[%mul3A_4, %dma_start3A] : memref<128x16xf32, #tpu.memory_space<vmem_shared>> -> memref<8x16xf32, #tpu.memory_space<vmem_shared>>
      tpu.enqueue_dma source(%arg6 : memref<8x16xf32, #tpu.memory_space<hbm>>) target(%dma_start3A_24 : memref<8x16xf32, #tpu.memory_space<vmem_shared>>) target_semaphore(%run_scoped3A : memref<!tpu.dma_semaphore, #tpu.memory_space<semaphore_mem>>)
      %dma_wait3A = arith.constant 0 : i32
      %dma_wait3A_25 = tpu.memref_slice %arg12[%mul3A_4, %dma_wait3A] : memref<128x16xf32, #tpu.memory_space<vmem_shared>> -> memref<8x16xf32, #tpu.memory_space<vmem_shared>>
      tpu.wait_dma2 semaphore(%run_scoped3A : memref<!tpu.dma_semaphore, #tpu.memory_space<semaphore_mem>>) src(%arg6 : memref<8x16xf32, #tpu.memory_space<hbm>>) dst(%dma_wait3A_25 : memref<8x16xf32, #tpu.memory_space<vmem_shared>>)
      tpu.yield
    }) : () -> ()
    "tpu.region"() ({
      %run_scoped3A = tpu.sem_alloc : memref<!tpu.dma_semaphore, #tpu.memory_space<semaphore_mem>>
      tpu.enqueue_dma source(%arg4 : memref<128x16xf32, #tpu.memory_space<hbm>>) target(%arg15 : memref<128x16xf32, #tpu.memory_space<vmem>>) target_semaphore(%run_scoped3A : memref<!tpu.dma_semaphore, #tpu.memory_space<semaphore_mem>>)
      tpu.wait_dma2 semaphore(%run_scoped3A : memref<!tpu.dma_semaphore, #tpu.memory_space<semaphore_mem>>) src(%arg4 : memref<128x16xf32, #tpu.memory_space<hbm>>) dst(%arg15 : memref<128x16xf32, #tpu.memory_space<vmem>>)
      tpu.yield
    }) : () -> ()
    %barrier3A = arith.constant 0 : index
    tpu.barrier barrier_id(%barrier3A)
    %scan3A = arith.constant 0 : i32
    %scan3A_5 = arith.constant 0 : i32
    %scan3A_6 = arith.constant 80 : i32
    %scan3A_7 = arith.addi %scan3A_5, %scan3A_6 : i32
    %scan3A_8 = arith.constant 1 : i32
    scf.for %scan3A_24 = %scan3A_5 to %scan3A_7 step %scan3A_8  : i32 {
      "tpu.region"() ({
        %run_scoped3A = tpu.sem_alloc : memref<!tpu.dma_semaphore, #tpu.memory_space<semaphore_mem>>
        %dma_start3A = arith.constant 0 : i32
        %dma_start3A_25 = tpu.memref_slice %arg13[%scan3A_24, %dma_start3A] : memref<80x128xi32, #tpu.memory_space<vmem>> -> memref<1x128xi32, #tpu.memory_space<vmem>>
        %dma_start3A_26 = tpu.memref_squeeze %dma_start3A_25 : memref<1x128xi32, #tpu.memory_space<vmem>> -> memref<128xi32, #tpu.memory_space<vmem>>
        %dma_start3A_27 = arith.constant 0 : i32
        %dma_start3A_28 = arith.constant 0 : i32
        %dma_start3A_29 = tpu.memref_slice %arg11[%dma_start3A_27, %dma_start3A_28] : memref<10240x16xf32, #tpu.memory_space<vmem_shared>> -> memref<10240x16xf32, #tpu.memory_space<vmem_shared>>
        tpu.enqueue_indirect_dma source(%arg15 : memref<128x16xf32, #tpu.memory_space<vmem>>) target(%dma_start3A_29 : memref<10240x16xf32, #tpu.memory_space<vmem_shared>>) offsets(%dma_start3A_26 : memref<128xi32, #tpu.memory_space<vmem>>) semaphore(%run_scoped3A : memref<!tpu.dma_semaphore, #tpu.memory_space<semaphore_mem>>) {add = true}
        %dma_wait3A = arith.constant 0 : i32
        %dma_wait3A_30 = tpu.memref_slice %arg13[%scan3A_24, %dma_wait3A] : memref<80x128xi32, #tpu.memory_space<vmem>> -> memref<1x128xi32, #tpu.memory_space<vmem>>
        %dma_wait3A_31 = tpu.memref_squeeze %dma_wait3A_30 : memref<1x128xi32, #tpu.memory_space<vmem>> -> memref<128xi32, #tpu.memory_space<vmem>>
        %dma_wait3A_32 = arith.constant 0 : i32
        %dma_wait3A_33 = arith.constant 0 : i32
        %dma_wait3A_34 = tpu.memref_slice %arg11[%dma_wait3A_32, %dma_wait3A_33] : memref<10240x16xf32, #tpu.memory_space<vmem_shared>> -> memref<10240x16xf32, #tpu.memory_space<vmem_shared>>
        tpu.wait_indirect_dma semaphore(%run_scoped3A : memref<!tpu.dma_semaphore, #tpu.memory_space<semaphore_mem>>) src(%arg15 : memref<128x16xf32, #tpu.memory_space<vmem>>) dst(%dma_wait3A_34 : memref<10240x16xf32, #tpu.memory_space<vmem_shared>>)
        tpu.yield
      }) : () -> ()
    }
    %scan3A_9 = arith.constant 80 : i32
    %scan3A_10 = arith.constant 0 : i32
    %scan3A_11 = arith.constant 0 : i32
    %scan3A_12 = arith.constant 3 : i32
    %scan3A_13 = arith.addi %scan3A_11, %scan3A_12 : i32
    %scan3A_14 = arith.constant 1 : i32
    scf.for %scan3A_24 = %scan3A_11 to %scan3A_13 step %scan3A_14  : i32 {
      "tpu.region"() ({
        %run_scoped3A = tpu.sem_alloc : memref<!tpu.dma_semaphore, #tpu.memory_space<semaphore_mem>>
        %dma_start3A = arith.constant 0 : i32
        %dma_start3A_25 = tpu.memref_slice %arg14[%scan3A_24, %dma_start3A] : memref<3x128xi32, #tpu.memory_space<vmem>> -> memref<1x128xi32, #tpu.memory_space<vmem>>
        %dma_start3A_26 = tpu.memref_squeeze %dma_start3A_25 : memref<1x128xi32, #tpu.memory_space<vmem>> -> memref<128xi32, #tpu.memory_space<vmem>>
        %dma_start3A_27 = arith.constant 0 : i32
        %dma_start3A_28 = arith.constant 0 : i32
        %dma_start3A_29 = tpu.memref_slice %arg12[%dma_start3A_27, %dma_start3A_28] : memref<128x16xf32, #tpu.memory_space<vmem_shared>> -> memref<128x16xf32, #tpu.memory_space<vmem_shared>>
        tpu.enqueue_indirect_dma source(%arg15 : memref<128x16xf32, #tpu.memory_space<vmem>>) target(%dma_start3A_29 : memref<128x16xf32, #tpu.memory_space<vmem_shared>>) offsets(%dma_start3A_26 : memref<128xi32, #tpu.memory_space<vmem>>) semaphore(%run_scoped3A : memref<!tpu.dma_semaphore, #tpu.memory_space<semaphore_mem>>) {add = true}
        %dma_wait3A = arith.constant 0 : i32
        %dma_wait3A_30 = tpu.memref_slice %arg14[%scan3A_24, %dma_wait3A] : memref<3x128xi32, #tpu.memory_space<vmem>> -> memref<1x128xi32, #tpu.memory_space<vmem>>
        %dma_wait3A_31 = tpu.memref_squeeze %dma_wait3A_30 : memref<1x128xi32, #tpu.memory_space<vmem>> -> memref<128xi32, #tpu.memory_space<vmem>>
        %dma_wait3A_32 = arith.constant 0 : i32
        %dma_wait3A_33 = arith.constant 0 : i32
        %dma_wait3A_34 = tpu.memref_slice %arg12[%dma_wait3A_32, %dma_wait3A_33] : memref<128x16xf32, #tpu.memory_space<vmem_shared>> -> memref<128x16xf32, #tpu.memory_space<vmem_shared>>
        tpu.wait_indirect_dma semaphore(%run_scoped3A : memref<!tpu.dma_semaphore, #tpu.memory_space<semaphore_mem>>) src(%arg15 : memref<128x16xf32, #tpu.memory_space<vmem>>) dst(%dma_wait3A_34 : memref<128x16xf32, #tpu.memory_space<vmem_shared>>)
        tpu.yield
      }) : () -> ()
    }
    %scan3A_15 = arith.constant 3 : i32
    %barrier3A_16 = arith.constant 0 : index
    tpu.barrier barrier_id(%barrier3A_16)
    %eq3A = arith.constant 0 : i32
    %eq3A_17 = arith.cmpi eq, %arg0, %eq3A : i32
    %convert_element_type3A = arith.extui %eq3A_17 : i1 to i32
    %cond3A = arith.constant 0 : i32
    %cond3A_18 = arith.cmpi ne, %convert_element_type3A, %cond3A : i32
    scf.if %cond3A_18 {
      %mul3A_24 = arith.constant 640 : i32
      %mul3A_25 = arith.muli %arg1, %mul3A_24 : i32
      %mul3A_26 = arith.constant 640 : i32
      %mul3A_27 = arith.muli %arg1, %mul3A_26 : i32
      "tpu.region"() ({
        %run_scoped3A = tpu.sem_alloc : memref<!tpu.dma_semaphore, #tpu.memory_space<semaphore_mem>>
        %dma_start3A = arith.constant 0 : i32
        %dma_start3A_32 = tpu.memref_slice %arg7[%mul3A_27, %dma_start3A] : memref<10240x16xf32, #tpu.memory_space<hbm>> -> memref<640x16xf32, #tpu.memory_space<hbm>>
        %dma_start3A_33 = arith.constant 0 : i32
        %dma_start3A_34 = tpu.memref_slice %arg11[%mul3A_25, %dma_start3A_33] : memref<10240x16xf32, #tpu.memory_space<vmem_shared>> -> memref<640x16xf32, #tpu.memory_space<vmem_shared>>
        tpu.enqueue_dma source(%dma_start3A_34 : memref<640x16xf32, #tpu.memory_space<vmem_shared>>) target(%dma_start3A_32 : memref<640x16xf32, #tpu.memory_space<hbm>>) target_semaphore(%run_scoped3A : memref<!tpu.dma_semaphore, #tpu.memory_space<semaphore_mem>>)
        %dma_wait3A = arith.constant 0 : i32
        %dma_wait3A_35 = tpu.memref_slice %arg7[%mul3A_27, %dma_wait3A] : memref<10240x16xf32, #tpu.memory_space<hbm>> -> memref<640x16xf32, #tpu.memory_space<hbm>>
        %dma_wait3A_36 = arith.constant 0 : i32
        %dma_wait3A_37 = tpu.memref_slice %arg11[%mul3A_25, %dma_wait3A_36] : memref<10240x16xf32, #tpu.memory_space<vmem_shared>> -> memref<640x16xf32, #tpu.memory_space<vmem_shared>>
        tpu.wait_dma2 semaphore(%run_scoped3A : memref<!tpu.dma_semaphore, #tpu.memory_space<semaphore_mem>>) src(%dma_wait3A_37 : memref<640x16xf32, #tpu.memory_space<vmem_shared>>) dst(%dma_wait3A_35 : memref<640x16xf32, #tpu.memory_space<hbm>>)
        tpu.yield
      }) : () -> ()
      %mul3A_28 = arith.constant 8 : i32
      %mul3A_29 = arith.muli %arg1, %mul3A_28 : i32
      %mul3A_30 = arith.constant 8 : i32
      %mul3A_31 = arith.muli %arg1, %mul3A_30 : i32
      "tpu.region"() ({
        %run_scoped3A = tpu.sem_alloc : memref<!tpu.dma_semaphore, #tpu.memory_space<semaphore_mem>>
        %dma_start3A = arith.constant 0 : i32
        %dma_start3A_32 = tpu.memref_slice %arg9[%mul3A_31, %dma_start3A] : memref<128x16xf32, #tpu.memory_space<hbm>> -> memref<8x16xf32, #tpu.memory_space<hbm>>
        %dma_start3A_33 = arith.constant 0 : i32
        %dma_start3A_34 = tpu.memref_slice %arg12[%mul3A_29, %dma_start3A_33] : memref<128x16xf32, #tpu.memory_space<vmem_shared>> -> memref<8x16xf32, #tpu.memory_space<vmem_shared>>
        tpu.enqueue_dma source(%dma_start3A_34 : memref<8x16xf32, #tpu.memory_space<vmem_shared>>) target(%dma_start3A_32 : memref<8x16xf32, #tpu.memory_space<hbm>>) target_semaphore(%run_scoped3A : memref<!tpu.dma_semaphore, #tpu.memory_space<semaphore_mem>>)
        %dma_wait3A = arith.constant 0 : i32
        %dma_wait3A_35 = tpu.memref_slice %arg9[%mul3A_31, %dma_wait3A] : memref<128x16xf32, #tpu.memory_space<hbm>> -> memref<8x16xf32, #tpu.memory_space<hbm>>
        %dma_wait3A_36 = arith.constant 0 : i32
        %dma_wait3A_37 = tpu.memref_slice %arg12[%mul3A_29, %dma_wait3A_36] : memref<128x16xf32, #tpu.memory_space<vmem_shared>> -> memref<8x16xf32, #tpu.memory_space<vmem_shared>>
        tpu.wait_dma2 semaphore(%run_scoped3A : memref<!tpu.dma_semaphore, #tpu.memory_space<semaphore_mem>>) src(%dma_wait3A_37 : memref<8x16xf32, #tpu.memory_space<vmem_shared>>) dst(%dma_wait3A_35 : memref<8x16xf32, #tpu.memory_space<hbm>>)
        tpu.yield
      }) : () -> ()
    } else {
    }
    %eq3A_19 = arith.constant 1 : i32
    %eq3A_20 = arith.cmpi eq, %arg0, %eq3A_19 : i32
    %convert_element_type3A_21 = arith.extui %eq3A_20 : i1 to i32
    %cond3A_22 = arith.constant 0 : i32
    %cond3A_23 = arith.cmpi ne, %convert_element_type3A_21, %cond3A_22 : i32
    scf.if %cond3A_23 {
      %mul3A_24 = arith.constant 640 : i32
      %mul3A_25 = arith.muli %arg1, %mul3A_24 : i32
      %mul3A_26 = arith.constant 640 : i32
      %mul3A_27 = arith.muli %arg1, %mul3A_26 : i32
      "tpu.region"() ({
        %run_scoped3A = tpu.sem_alloc : memref<!tpu.dma_semaphore, #tpu.memory_space<semaphore_mem>>
        %dma_start3A = arith.constant 0 : i32
        %dma_start3A_32 = tpu.memref_slice %arg8[%mul3A_27, %dma_start3A] : memref<10240x16xf32, #tpu.memory_space<hbm>> -> memref<640x16xf32, #tpu.memory_space<hbm>>
        %dma_start3A_33 = arith.constant 0 : i32
        %dma_start3A_34 = tpu.memref_slice %arg11[%mul3A_25, %dma_start3A_33] : memref<10240x16xf32, #tpu.memory_space<vmem_shared>> -> memref<640x16xf32, #tpu.memory_space<vmem_shared>>
        tpu.enqueue_dma source(%dma_start3A_34 : memref<640x16xf32, #tpu.memory_space<vmem_shared>>) target(%dma_start3A_32 : memref<640x16xf32, #tpu.memory_space<hbm>>) target_semaphore(%run_scoped3A : memref<!tpu.dma_semaphore, #tpu.memory_space<semaphore_mem>>)
        %dma_wait3A = arith.constant 0 : i32
        %dma_wait3A_35 = tpu.memref_slice %arg8[%mul3A_27, %dma_wait3A] : memref<10240x16xf32, #tpu.memory_space<hbm>> -> memref<640x16xf32, #tpu.memory_space<hbm>>
        %dma_wait3A_36 = arith.constant 0 : i32
        %dma_wait3A_37 = tpu.memref_slice %arg11[%mul3A_25, %dma_wait3A_36] : memref<10240x16xf32, #tpu.memory_space<vmem_shared>> -> memref<640x16xf32, #tpu.memory_space<vmem_shared>>
        tpu.wait_dma2 semaphore(%run_scoped3A : memref<!tpu.dma_semaphore, #tpu.memory_space<semaphore_mem>>) src(%dma_wait3A_37 : memref<640x16xf32, #tpu.memory_space<vmem_shared>>) dst(%dma_wait3A_35 : memref<640x16xf32, #tpu.memory_space<hbm>>)
        tpu.yield
      }) : () -> ()
      %mul3A_28 = arith.constant 8 : i32
      %mul3A_29 = arith.muli %arg1, %mul3A_28 : i32
      %mul3A_30 = arith.constant 8 : i32
      %mul3A_31 = arith.muli %arg1, %mul3A_30 : i32
      "tpu.region"() ({
        %run_scoped3A = tpu.sem_alloc : memref<!tpu.dma_semaphore, #tpu.memory_space<semaphore_mem>>
        %dma_start3A = arith.constant 0 : i32
        %dma_start3A_32 = tpu.memref_slice %arg10[%mul3A_31, %dma_start3A] : memref<128x16xf32, #tpu.memory_space<hbm>> -> memref<8x16xf32, #tpu.memory_space<hbm>>
        %dma_start3A_33 = arith.constant 0 : i32
        %dma_start3A_34 = tpu.memref_slice %arg12[%mul3A_29, %dma_start3A_33] : memref<128x16xf32, #tpu.memory_space<vmem_shared>> -> memref<8x16xf32, #tpu.memory_space<vmem_shared>>
        tpu.enqueue_dma source(%dma_start3A_34 : memref<8x16xf32, #tpu.memory_space<vmem_shared>>) target(%dma_start3A_32 : memref<8x16xf32, #tpu.memory_space<hbm>>) target_semaphore(%run_scoped3A : memref<!tpu.dma_semaphore, #tpu.memory_space<semaphore_mem>>)
        %dma_wait3A = arith.constant 0 : i32
        %dma_wait3A_35 = tpu.memref_slice %arg10[%mul3A_31, %dma_wait3A] : memref<128x16xf32, #tpu.memory_space<hbm>> -> memref<8x16xf32, #tpu.memory_space<hbm>>
        %dma_wait3A_36 = arith.constant 0 : i32
        %dma_wait3A_37 = tpu.memref_slice %arg12[%mul3A_29, %dma_wait3A_36] : memref<128x16xf32, #tpu.memory_space<vmem_shared>> -> memref<8x16xf32, #tpu.memory_space<vmem_shared>>
        tpu.wait_dma2 semaphore(%run_scoped3A : memref<!tpu.dma_semaphore, #tpu.memory_space<semaphore_mem>>) src(%dma_wait3A_37 : memref<8x16xf32, #tpu.memory_space<vmem_shared>>) dst(%dma_wait3A_35 : memref<8x16xf32, #tpu.memory_space<hbm>>)
        tpu.yield
      }) : () -> ()
    } else {
    }
    return
  }
}

#map = affine_map<(d0, d1) -> (0, 0)>
#map1 = affine_map<(d0, d1) -> (0, 0, 0)>
module attributes {stable_mosaic.version = 14 : i64} {
  func.func @k(%arg0: i32, %arg1: i32, %arg2: memref<10000x32xf32, #tpu.memory_space<hbm>>, %arg3: memref<32x80x128xi32, #tpu.memory_space<hbm>>, %arg4: memref<32x80x128xi32, #tpu.memory_space<hbm>>, %arg5: memref<640x32xf32, #tpu.memory_space<hbm>>, %arg6: memref<10240x32xf32, #tpu.memory_space<hbm>>, %arg7: memref<10240x32xf32, #tpu.memory_space<hbm>>, %arg8: memref<10240x32xf32, #tpu.memory_space<vmem_shared>>, %arg9: memref<10000x32xf32, #tpu.memory_space<vmem_shared>>, %arg10: memref<80x128xi32, #tpu.memory_space<vmem>>, %arg11: memref<80x128xi32, #tpu.memory_space<vmem>>, %arg12: memref<128x32xf32, #tpu.memory_space<vmem>>, %arg13: memref<128x32xf32, #tpu.memory_space<vmem>>, %arg14: memref<!tpu.dma_semaphore, #tpu.memory_space<semaphore_mem>>, %arg15: memref<!tpu.dma_semaphore, #tpu.memory_space<semaphore_mem>>, %arg16: memref<!tpu.dma_semaphore, #tpu.memory_space<semaphore_mem>>, %arg17: memref<!tpu.dma_semaphore, #tpu.memory_space<semaphore_mem>>) attributes {dimension_semantics = [#tpu.dimension_semantics<core_parallel>, #tpu.dimension_semantics<subcore_parallel>], iteration_bounds = array<i64: 2, 16>, scalar_prefetch = 0 : i64, scratch_operands = 10 : i64, tpu.core_type = #tpu.core_type<sc_vector_subcore>, window_params = [{transform_indices = #map}, {transform_indices = #map1}, {transform_indices = #map1}, {transform_indices = #map}, {transform_indices = #map}, {transform_indices = #map}]} {
    %mul3A = arith.constant 16 : i32
    %mul3A_0 = arith.muli %arg0, %mul3A : i32
    %add3A = arith.addi %mul3A_0, %arg1 : i32
    "tpu.region"() ({
      %run_scoped3A = tpu.sem_alloc : memref<!tpu.dma_semaphore, #tpu.memory_space<semaphore_mem>>
      %dma_start3A_49 = arith.constant 0 : i32
      %dma_start3A_50 = arith.constant 0 : i32
      %dma_start3A_51 = tpu.memref_slice %arg3[%add3A, %dma_start3A_49, %dma_start3A_50] : memref<32x80x128xi32, #tpu.memory_space<hbm>> -> memref<1x80x128xi32, #tpu.memory_space<hbm>>
      %dma_start3A_52 = tpu.memref_squeeze %dma_start3A_51 : memref<1x80x128xi32, #tpu.memory_space<hbm>> -> memref<80x128xi32, #tpu.memory_space<hbm>>
      %dma_start3A_53 = arith.constant 0 : i32
      %dma_start3A_54 = arith.constant 0 : i32
      %dma_start3A_55 = tpu.memref_slice %arg3[%add3A, %dma_start3A_53, %dma_start3A_54] : memref<32x80x128xi32, #tpu.memory_space<hbm>> -> memref<1x80x128xi32, #tpu.memory_space<hbm>>
      %dma_start3A_56 = tpu.memref_squeeze %dma_start3A_55 : memref<1x80x128xi32, #tpu.memory_space<hbm>> -> memref<80x128xi32, #tpu.memory_space<hbm>>
      tpu.enqueue_dma source(%dma_start3A_56 : memref<80x128xi32, #tpu.memory_space<hbm>>) target(%arg10 : memref<80x128xi32, #tpu.memory_space<vmem>>) target_semaphore(%run_scoped3A : memref<!tpu.dma_semaphore, #tpu.memory_space<semaphore_mem>>)
      %dma_wait3A_57 = arith.constant 0 : i32
      %dma_wait3A_58 = arith.constant 0 : i32
      %dma_wait3A_59 = tpu.memref_slice %arg3[%add3A, %dma_wait3A_57, %dma_wait3A_58] : memref<32x80x128xi32, #tpu.memory_space<hbm>> -> memref<1x80x128xi32, #tpu.memory_space<hbm>>
      %dma_wait3A_60 = tpu.memref_squeeze %dma_wait3A_59 : memref<1x80x128xi32, #tpu.memory_space<hbm>> -> memref<80x128xi32, #tpu.memory_space<hbm>>
      %dma_wait3A_61 = arith.constant 0 : i32
      %dma_wait3A_62 = arith.constant 0 : i32
      %dma_wait3A_63 = tpu.memref_slice %arg3[%add3A, %dma_wait3A_61, %dma_wait3A_62] : memref<32x80x128xi32, #tpu.memory_space<hbm>> -> memref<1x80x128xi32, #tpu.memory_space<hbm>>
      %dma_wait3A_64 = tpu.memref_squeeze %dma_wait3A_63 : memref<1x80x128xi32, #tpu.memory_space<hbm>> -> memref<80x128xi32, #tpu.memory_space<hbm>>
      tpu.wait_dma2 semaphore(%run_scoped3A : memref<!tpu.dma_semaphore, #tpu.memory_space<semaphore_mem>>) src(%dma_wait3A_64 : memref<80x128xi32, #tpu.memory_space<hbm>>) dst(%arg10 : memref<80x128xi32, #tpu.memory_space<vmem>>)
      tpu.yield
    }) : () -> ()
    "tpu.region"() ({
      %run_scoped3A = tpu.sem_alloc : memref<!tpu.dma_semaphore, #tpu.memory_space<semaphore_mem>>
      %dma_start3A_49 = arith.constant 0 : i32
      %dma_start3A_50 = arith.constant 0 : i32
      %dma_start3A_51 = tpu.memref_slice %arg4[%add3A, %dma_start3A_49, %dma_start3A_50] : memref<32x80x128xi32, #tpu.memory_space<hbm>> -> memref<1x80x128xi32, #tpu.memory_space<hbm>>
      %dma_start3A_52 = tpu.memref_squeeze %dma_start3A_51 : memref<1x80x128xi32, #tpu.memory_space<hbm>> -> memref<80x128xi32, #tpu.memory_space<hbm>>
      %dma_start3A_53 = arith.constant 0 : i32
      %dma_start3A_54 = arith.constant 0 : i32
      %dma_start3A_55 = tpu.memref_slice %arg4[%add3A, %dma_start3A_53, %dma_start3A_54] : memref<32x80x128xi32, #tpu.memory_space<hbm>> -> memref<1x80x128xi32, #tpu.memory_space<hbm>>
      %dma_start3A_56 = tpu.memref_squeeze %dma_start3A_55 : memref<1x80x128xi32, #tpu.memory_space<hbm>> -> memref<80x128xi32, #tpu.memory_space<hbm>>
      tpu.enqueue_dma source(%dma_start3A_56 : memref<80x128xi32, #tpu.memory_space<hbm>>) target(%arg11 : memref<80x128xi32, #tpu.memory_space<vmem>>) target_semaphore(%run_scoped3A : memref<!tpu.dma_semaphore, #tpu.memory_space<semaphore_mem>>)
      %dma_wait3A_57 = arith.constant 0 : i32
      %dma_wait3A_58 = arith.constant 0 : i32
      %dma_wait3A_59 = tpu.memref_slice %arg4[%add3A, %dma_wait3A_57, %dma_wait3A_58] : memref<32x80x128xi32, #tpu.memory_space<hbm>> -> memref<1x80x128xi32, #tpu.memory_space<hbm>>
      %dma_wait3A_60 = tpu.memref_squeeze %dma_wait3A_59 : memref<1x80x128xi32, #tpu.memory_space<hbm>> -> memref<80x128xi32, #tpu.memory_space<hbm>>
      %dma_wait3A_61 = arith.constant 0 : i32
      %dma_wait3A_62 = arith.constant 0 : i32
      %dma_wait3A_63 = tpu.memref_slice %arg4[%add3A, %dma_wait3A_61, %dma_wait3A_62] : memref<32x80x128xi32, #tpu.memory_space<hbm>> -> memref<1x80x128xi32, #tpu.memory_space<hbm>>
      %dma_wait3A_64 = tpu.memref_squeeze %dma_wait3A_63 : memref<1x80x128xi32, #tpu.memory_space<hbm>> -> memref<80x128xi32, #tpu.memory_space<hbm>>
      tpu.wait_dma2 semaphore(%run_scoped3A : memref<!tpu.dma_semaphore, #tpu.memory_space<semaphore_mem>>) src(%dma_wait3A_64 : memref<80x128xi32, #tpu.memory_space<hbm>>) dst(%arg11 : memref<80x128xi32, #tpu.memory_space<vmem>>)
      tpu.yield
    }) : () -> ()
    %eq3A = arith.constant 0 : i32
    %eq3A_1 = arith.cmpi eq, %arg0, %eq3A : i32
    %lt3A = arith.constant 15 : i32
    %lt3A_2 = arith.cmpi slt, %arg1, %lt3A : i32
    %and3A = arith.andi %eq3A_1, %lt3A_2 : i1
    %convert_element_type3A = arith.extui %and3A : i1 to i32
    %cond3A = arith.constant 0 : i32
    %cond3A_3 = arith.cmpi ne, %convert_element_type3A, %cond3A : i32
    scf.if %cond3A_3 {
      %mul3A_49 = arith.constant 640 : i32
      %mul3A_50 = arith.muli %arg1, %mul3A_49 : i32
      %mul3A_51 = arith.constant 640 : i32
      %mul3A_52 = arith.muli %arg1, %mul3A_51 : i32
      "tpu.region"() ({
        %run_scoped3A = tpu.sem_alloc : memref<!tpu.dma_semaphore, #tpu.memory_space<semaphore_mem>>
        %dma_start3A_53 = arith.constant 0 : i32
        %dma_start3A_54 = tpu.memref_slice %arg8[%mul3A_52, %dma_start3A_53] : memref<10240x32xf32, #tpu.memory_space<vmem_shared>> -> memref<640x32xf32, #tpu.memory_space<vmem_shared>>
        %dma_start3A_55 = arith.constant 0 : i32
        %dma_start3A_56 = tpu.memref_slice %arg2[%mul3A_50, %dma_start3A_55] : memref<10000x32xf32, #tpu.memory_space<hbm>> -> memref<640x32xf32, #tpu.memory_space<hbm>>
        tpu.enqueue_dma source(%dma_start3A_56 : memref<640x32xf32, #tpu.memory_space<hbm>>) target(%dma_start3A_54 : memref<640x32xf32, #tpu.memory_space<vmem_shared>>) target_semaphore(%run_scoped3A : memref<!tpu.dma_semaphore, #tpu.memory_space<semaphore_mem>>)
        %dma_wait3A_57 = arith.constant 0 : i32
        %dma_wait3A_58 = tpu.memref_slice %arg8[%mul3A_52, %dma_wait3A_57] : memref<10240x32xf32, #tpu.memory_space<vmem_shared>> -> memref<640x32xf32, #tpu.memory_space<vmem_shared>>
        %dma_wait3A_59 = arith.constant 0 : i32
        %dma_wait3A_60 = tpu.memref_slice %arg2[%mul3A_50, %dma_wait3A_59] : memref<10000x32xf32, #tpu.memory_space<hbm>> -> memref<640x32xf32, #tpu.memory_space<hbm>>
        tpu.wait_dma2 semaphore(%run_scoped3A : memref<!tpu.dma_semaphore, #tpu.memory_space<semaphore_mem>>) src(%dma_wait3A_60 : memref<640x32xf32, #tpu.memory_space<hbm>>) dst(%dma_wait3A_58 : memref<640x32xf32, #tpu.memory_space<vmem_shared>>)
        tpu.yield
      }) : () -> ()
    } else {
    }
    %eq3A_4 = arith.constant 0 : i32
    %eq3A_5 = arith.cmpi eq, %arg0, %eq3A_4 : i32
    %eq3A_6 = arith.constant 15 : i32
    %eq3A_7 = arith.cmpi eq, %arg1, %eq3A_6 : i32
    %and3A_8 = arith.andi %eq3A_5, %eq3A_7 : i1
    %convert_element_type3A_9 = arith.extui %and3A_8 : i1 to i32
    %cond3A_10 = arith.constant 0 : i32
    %cond3A_11 = arith.cmpi ne, %convert_element_type3A_9, %cond3A_10 : i32
    scf.if %cond3A_11 {
      "tpu.region"() ({
        %run_scoped3A = tpu.sem_alloc : memref<!tpu.dma_semaphore, #tpu.memory_space<semaphore_mem>>
        %dma_start3A_49 = arith.constant 9600 : i32
        %dma_start3A_50 = arith.constant 0 : i32
        %dma_start3A_51 = tpu.memref_slice %arg8[%dma_start3A_49, %dma_start3A_50] : memref<10240x32xf32, #tpu.memory_space<vmem_shared>> -> memref<640x32xf32, #tpu.memory_space<vmem_shared>>
        tpu.enqueue_dma source(%arg5 : memref<640x32xf32, #tpu.memory_space<hbm>>) target(%dma_start3A_51 : memref<640x32xf32, #tpu.memory_space<vmem_shared>>) target_semaphore(%run_scoped3A : memref<!tpu.dma_semaphore, #tpu.memory_space<semaphore_mem>>)
        %dma_wait3A_52 = arith.constant 9600 : i32
        %dma_wait3A_53 = arith.constant 0 : i32
        %dma_wait3A_54 = tpu.memref_slice %arg8[%dma_wait3A_52, %dma_wait3A_53] : memref<10240x32xf32, #tpu.memory_space<vmem_shared>> -> memref<640x32xf32, #tpu.memory_space<vmem_shared>>
        tpu.wait_dma2 semaphore(%run_scoped3A : memref<!tpu.dma_semaphore, #tpu.memory_space<semaphore_mem>>) src(%arg5 : memref<640x32xf32, #tpu.memory_space<hbm>>) dst(%dma_wait3A_54 : memref<640x32xf32, #tpu.memory_space<vmem_shared>>)
        tpu.yield
      }) : () -> ()
      "tpu.region"() ({
        %run_scoped3A = tpu.sem_alloc : memref<!tpu.dma_semaphore, #tpu.memory_space<semaphore_mem>>
        %dma_start3A_49 = arith.constant 9600 : i32
        %dma_start3A_50 = arith.constant 0 : i32
        %dma_start3A_51 = tpu.memref_slice %arg8[%dma_start3A_49, %dma_start3A_50] : memref<10240x32xf32, #tpu.memory_space<vmem_shared>> -> memref<400x32xf32, #tpu.memory_space<vmem_shared>>
        %dma_start3A_52 = arith.constant 9600 : i32
        %dma_start3A_53 = arith.constant 0 : i32
        %dma_start3A_54 = tpu.memref_slice %arg2[%dma_start3A_52, %dma_start3A_53] : memref<10000x32xf32, #tpu.memory_space<hbm>> -> memref<400x32xf32, #tpu.memory_space<hbm>>
        tpu.enqueue_dma source(%dma_start3A_54 : memref<400x32xf32, #tpu.memory_space<hbm>>) target(%dma_start3A_51 : memref<400x32xf32, #tpu.memory_space<vmem_shared>>) target_semaphore(%run_scoped3A : memref<!tpu.dma_semaphore, #tpu.memory_space<semaphore_mem>>)
        %dma_wait3A_55 = arith.constant 9600 : i32
        %dma_wait3A_56 = arith.constant 0 : i32
        %dma_wait3A_57 = tpu.memref_slice %arg8[%dma_wait3A_55, %dma_wait3A_56] : memref<10240x32xf32, #tpu.memory_space<vmem_shared>> -> memref<400x32xf32, #tpu.memory_space<vmem_shared>>
        %dma_wait3A_58 = arith.constant 9600 : i32
        %dma_wait3A_59 = arith.constant 0 : i32
        %dma_wait3A_60 = tpu.memref_slice %arg2[%dma_wait3A_58, %dma_wait3A_59] : memref<10000x32xf32, #tpu.memory_space<hbm>> -> memref<400x32xf32, #tpu.memory_space<hbm>>
        tpu.wait_dma2 semaphore(%run_scoped3A : memref<!tpu.dma_semaphore, #tpu.memory_space<semaphore_mem>>) src(%dma_wait3A_60 : memref<400x32xf32, #tpu.memory_space<hbm>>) dst(%dma_wait3A_57 : memref<400x32xf32, #tpu.memory_space<vmem_shared>>)
        tpu.yield
      }) : () -> ()
    } else {
    }
    %eq3A_12 = arith.constant 1 : i32
    %eq3A_13 = arith.cmpi eq, %arg0, %eq3A_12 : i32
    %convert_element_type3A_14 = arith.extui %eq3A_13 : i1 to i32
    %cond3A_15 = arith.constant 0 : i32
    %cond3A_16 = arith.cmpi ne, %convert_element_type3A_14, %cond3A_15 : i32
    scf.if %cond3A_16 {
      %mul3A_49 = arith.constant 640 : i32
      %mul3A_50 = arith.muli %arg1, %mul3A_49 : i32
      "tpu.region"() ({
        %run_scoped3A = tpu.sem_alloc : memref<!tpu.dma_semaphore, #tpu.memory_space<semaphore_mem>>
        %dma_start3A_51 = arith.constant 0 : i32
        %dma_start3A_52 = tpu.memref_slice %arg8[%mul3A_50, %dma_start3A_51] : memref<10240x32xf32, #tpu.memory_space<vmem_shared>> -> memref<640x32xf32, #tpu.memory_space<vmem_shared>>
        tpu.enqueue_dma source(%arg5 : memref<640x32xf32, #tpu.memory_space<hbm>>) target(%dma_start3A_52 : memref<640x32xf32, #tpu.memory_space<vmem_shared>>) target_semaphore(%run_scoped3A : memref<!tpu.dma_semaphore, #tpu.memory_space<semaphore_mem>>)
        %dma_wait3A_53 = arith.constant 0 : i32
        %dma_wait3A_54 = tpu.memref_slice %arg8[%mul3A_50, %dma_wait3A_53] : memref<10240x32xf32, #tpu.memory_space<vmem_shared>> -> memref<640x32xf32, #tpu.memory_space<vmem_shared>>
        tpu.wait_dma2 semaphore(%run_scoped3A : memref<!tpu.dma_semaphore, #tpu.memory_space<semaphore_mem>>) src(%arg5 : memref<640x32xf32, #tpu.memory_space<hbm>>) dst(%dma_wait3A_54 : memref<640x32xf32, #tpu.memory_space<vmem_shared>>)
        tpu.yield
      }) : () -> ()
    } else {
    }
    %lt3A_17 = arith.constant 8 : i32
    %lt3A_18 = arith.cmpi slt, %arg1, %lt3A_17 : i32
    %convert_element_type3A_19 = arith.extui %lt3A_18 : i1 to i32
    %cond3A_20 = arith.constant 0 : i32
    %cond3A_21 = arith.cmpi ne, %convert_element_type3A_19, %cond3A_20 : i32
    scf.if %cond3A_21 {
      %mul3A_49 = arith.constant 1250 : i32
      %mul3A_50 = arith.muli %arg1, %mul3A_49 : i32
      %mul3A_51 = arith.constant 1250 : i32
      %mul3A_52 = arith.muli %arg1, %mul3A_51 : i32
      "tpu.region"() ({
        %run_scoped3A = tpu.sem_alloc : memref<!tpu.dma_semaphore, #tpu.memory_space<semaphore_mem>>
        %dma_start3A_53 = arith.constant 0 : i32
        %dma_start3A_54 = tpu.memref_slice %arg9[%mul3A_52, %dma_start3A_53] : memref<10000x32xf32, #tpu.memory_space<vmem_shared>> -> memref<1250x32xf32, #tpu.memory_space<vmem_shared>>
        %dma_start3A_55 = arith.constant 0 : i32
        %dma_start3A_56 = tpu.memref_slice %arg2[%mul3A_50, %dma_start3A_55] : memref<10000x32xf32, #tpu.memory_space<hbm>> -> memref<1250x32xf32, #tpu.memory_space<hbm>>
        tpu.enqueue_dma source(%dma_start3A_56 : memref<1250x32xf32, #tpu.memory_space<hbm>>) target(%dma_start3A_54 : memref<1250x32xf32, #tpu.memory_space<vmem_shared>>) target_semaphore(%run_scoped3A : memref<!tpu.dma_semaphore, #tpu.memory_space<semaphore_mem>>)
        %dma_wait3A_57 = arith.constant 0 : i32
        %dma_wait3A_58 = tpu.memref_slice %arg9[%mul3A_52, %dma_wait3A_57] : memref<10000x32xf32, #tpu.memory_space<vmem_shared>> -> memref<1250x32xf32, #tpu.memory_space<vmem_shared>>
        %dma_wait3A_59 = arith.constant 0 : i32
        %dma_wait3A_60 = tpu.memref_slice %arg2[%mul3A_50, %dma_wait3A_59] : memref<10000x32xf32, #tpu.memory_space<hbm>> -> memref<1250x32xf32, #tpu.memory_space<hbm>>
        tpu.wait_dma2 semaphore(%run_scoped3A : memref<!tpu.dma_semaphore, #tpu.memory_space<semaphore_mem>>) src(%dma_wait3A_60 : memref<1250x32xf32, #tpu.memory_space<hbm>>) dst(%dma_wait3A_58 : memref<1250x32xf32, #tpu.memory_space<vmem_shared>>)
        tpu.yield
      }) : () -> ()
    } else {
    }
    %barrier3A = arith.constant 0 : index
    tpu.barrier barrier_id(%barrier3A)
    %dma_start3A = arith.constant 0 : i32
    %dma_start3A_22 = arith.constant 0 : i32
    %dma_start3A_23 = tpu.memref_slice %arg10[%dma_start3A, %dma_start3A_22] : memref<80x128xi32, #tpu.memory_space<vmem>> -> memref<1x128xi32, #tpu.memory_space<vmem>>
    %dma_start3A_24 = tpu.memref_squeeze %dma_start3A_23 : memref<1x128xi32, #tpu.memory_space<vmem>> -> memref<128xi32, #tpu.memory_space<vmem>>
    %dma_start3A_25 = arith.constant 0 : i32
    %dma_start3A_26 = arith.constant 0 : i32
    %dma_start3A_27 = tpu.memref_slice %arg9[%dma_start3A_25, %dma_start3A_26] : memref<10000x32xf32, #tpu.memory_space<vmem_shared>> -> memref<10000x32xf32, #tpu.memory_space<vmem_shared>>
    tpu.enqueue_indirect_dma source(%dma_start3A_27 : memref<10000x32xf32, #tpu.memory_space<vmem_shared>>) target(%arg12 : memref<128x32xf32, #tpu.memory_space<vmem>>) offsets(%dma_start3A_24 : memref<128xi32, #tpu.memory_space<vmem>>) semaphore(%arg14 : memref<!tpu.dma_semaphore, #tpu.memory_space<semaphore_mem>>)
    %scan3A = arith.constant 0 : i32
    %scan3A_28 = arith.constant 0 : i32
    %scan3A_29 = arith.constant 40 : i32
    %scan3A_30 = arith.addi %scan3A_28, %scan3A_29 : i32
    %scan3A_31 = arith.constant 1 : i32
    scf.for %scan3A_49 = %scan3A_28 to %scan3A_30 step %scan3A_31  : i32 {
      %mul3A_50 = arith.constant 2 : i32
      %mul3A_51 = arith.muli %mul3A_50, %scan3A_49 : i32
      %add3A_52 = arith.constant 0 : i32
      %add3A_53 = arith.addi %mul3A_51, %add3A_52 : i32
      %add3A_54 = arith.constant 1 : i32
      %add3A_55 = arith.addi %add3A_53, %add3A_54 : i32
      %ge3A = arith.constant 1 : i32
      %ge3A_56 = arith.cmpi sge, %add3A_53, %ge3A : i32
      %convert_element_type3A_57 = arith.extui %ge3A_56 : i1 to i32
      %cond3A_58 = arith.constant 0 : i32
      %cond3A_59 = arith.cmpi ne, %convert_element_type3A_57, %cond3A_58 : i32
      scf.if %cond3A_59 {
        %dma_wait3A_105 = arith.constant 0 : i32
        %dma_wait3A_106 = arith.constant 0 : i32
        %dma_wait3A_107 = tpu.memref_slice %arg8[%dma_wait3A_105, %dma_wait3A_106] : memref<10240x32xf32, #tpu.memory_space<vmem_shared>> -> memref<128x32xf32, #tpu.memory_space<vmem_shared>>
        %dma_wait3A_108 = arith.constant 0 : i32
        %dma_wait3A_109 = arith.constant 0 : i32
        %dma_wait3A_110 = tpu.memref_slice %arg8[%dma_wait3A_108, %dma_wait3A_109] : memref<10240x32xf32, #tpu.memory_space<vmem_shared>> -> memref<128x32xf32, #tpu.memory_space<vmem_shared>>
        tpu.wait_dma2 semaphore(%arg17 : memref<!tpu.dma_semaphore, #tpu.memory_space<semaphore_mem>>) src(%arg13 : memref<128x32xf32, #tpu.memory_space<vmem>>) dst(%dma_wait3A_110 : memref<128x32xf32, #tpu.memory_space<vmem_shared>>)
      } else {
      }
      %lt3A_60 = arith.constant 80 : i32
      %lt3A_61 = arith.cmpi slt, %add3A_55, %lt3A_60 : i32
      %convert_element_type3A_62 = arith.extui %lt3A_61 : i1 to i32
      %cond3A_63 = arith.constant 0 : i32
      %cond3A_64 = arith.cmpi ne, %convert_element_type3A_62, %cond3A_63 : i32
      scf.if %cond3A_64 {
        %dma_start3A_105 = arith.constant 0 : i32
        %dma_start3A_106 = tpu.memref_slice %arg10[%add3A_55, %dma_start3A_105] : memref<80x128xi32, #tpu.memory_space<vmem>> -> memref<1x128xi32, #tpu.memory_space<vmem>>
        %dma_start3A_107 = tpu.memref_squeeze %dma_start3A_106 : memref<1x128xi32, #tpu.memory_space<vmem>> -> memref<128xi32, #tpu.memory_space<vmem>>
        %dma_start3A_108 = arith.constant 0 : i32
        %dma_start3A_109 = arith.constant 0 : i32
        %dma_start3A_110 = tpu.memref_slice %arg9[%dma_start3A_108, %dma_start3A_109] : memref<10000x32xf32, #tpu.memory_space<vmem_shared>> -> memref<10000x32xf32, #tpu.memory_space<vmem_shared>>
        tpu.enqueue_indirect_dma source(%dma_start3A_110 : memref<10000x32xf32, #tpu.memory_space<vmem_shared>>) target(%arg13 : memref<128x32xf32, #tpu.memory_space<vmem>>) offsets(%dma_start3A_107 : memref<128xi32, #tpu.memory_space<vmem>>) semaphore(%arg15 : memref<!tpu.dma_semaphore, #tpu.memory_space<semaphore_mem>>)
      } else {
      }
      %dma_wait3A_65 = arith.constant 0 : i32
      %dma_wait3A_66 = arith.constant 0 : i32
      %dma_wait3A_67 = tpu.memref_slice %arg9[%dma_wait3A_65, %dma_wait3A_66] : memref<10000x32xf32, #tpu.memory_space<vmem_shared>> -> memref<128x32xf32, #tpu.memory_space<vmem_shared>>
      %dma_wait3A_68 = arith.constant 0 : i32
      %dma_wait3A_69 = arith.constant 0 : i32
      %dma_wait3A_70 = tpu.memref_slice %arg9[%dma_wait3A_68, %dma_wait3A_69] : memref<10000x32xf32, #tpu.memory_space<vmem_shared>> -> memref<128x32xf32, #tpu.memory_space<vmem_shared>>
      tpu.wait_dma2 semaphore(%arg14 : memref<!tpu.dma_semaphore, #tpu.memory_space<semaphore_mem>>) src(%dma_wait3A_70 : memref<128x32xf32, #tpu.memory_space<vmem_shared>>) dst(%arg12 : memref<128x32xf32, #tpu.memory_space<vmem>>)
      %dma_start3A_71 = arith.constant 0 : i32
      %dma_start3A_72 = tpu.memref_slice %arg11[%add3A_53, %dma_start3A_71] : memref<80x128xi32, #tpu.memory_space<vmem>> -> memref<1x128xi32, #tpu.memory_space<vmem>>
      %dma_start3A_73 = tpu.memref_squeeze %dma_start3A_72 : memref<1x128xi32, #tpu.memory_space<vmem>> -> memref<128xi32, #tpu.memory_space<vmem>>
      %dma_start3A_74 = arith.constant 0 : i32
      %dma_start3A_75 = arith.constant 0 : i32
      %dma_start3A_76 = tpu.memref_slice %arg8[%dma_start3A_74, %dma_start3A_75] : memref<10240x32xf32, #tpu.memory_space<vmem_shared>> -> memref<10240x32xf32, #tpu.memory_space<vmem_shared>>
      tpu.enqueue_indirect_dma source(%arg12 : memref<128x32xf32, #tpu.memory_space<vmem>>) target(%dma_start3A_76 : memref<10240x32xf32, #tpu.memory_space<vmem_shared>>) offsets(%dma_start3A_73 : memref<128xi32, #tpu.memory_space<vmem>>) semaphore(%arg16 : memref<!tpu.dma_semaphore, #tpu.memory_space<semaphore_mem>>) {add = true}
      %mul3A_77 = arith.constant 2 : i32
      %mul3A_78 = arith.muli %mul3A_77, %scan3A_49 : i32
      %add3A_79 = arith.constant 1 : i32
      %add3A_80 = arith.addi %mul3A_78, %add3A_79 : i32
      %add3A_81 = arith.constant 1 : i32
      %add3A_82 = arith.addi %add3A_80, %add3A_81 : i32
      %ge3A_83 = arith.constant 1 : i32
      %ge3A_84 = arith.cmpi sge, %add3A_80, %ge3A_83 : i32
      %convert_element_type3A_85 = arith.extui %ge3A_84 : i1 to i32
      %cond3A_86 = arith.constant 0 : i32
      %cond3A_87 = arith.cmpi ne, %convert_element_type3A_85, %cond3A_86 : i32
      scf.if %cond3A_87 {
        %dma_wait3A_105 = arith.constant 0 : i32
        %dma_wait3A_106 = arith.constant 0 : i32
        %dma_wait3A_107 = tpu.memref_slice %arg8[%dma_wait3A_105, %dma_wait3A_106] : memref<10240x32xf32, #tpu.memory_space<vmem_shared>> -> memref<128x32xf32, #tpu.memory_space<vmem_shared>>
        %dma_wait3A_108 = arith.constant 0 : i32
        %dma_wait3A_109 = arith.constant 0 : i32
        %dma_wait3A_110 = tpu.memref_slice %arg8[%dma_wait3A_108, %dma_wait3A_109] : memref<10240x32xf32, #tpu.memory_space<vmem_shared>> -> memref<128x32xf32, #tpu.memory_space<vmem_shared>>
        tpu.wait_dma2 semaphore(%arg16 : memref<!tpu.dma_semaphore, #tpu.memory_space<semaphore_mem>>) src(%arg12 : memref<128x32xf32, #tpu.memory_space<vmem>>) dst(%dma_wait3A_110 : memref<128x32xf32, #tpu.memory_space<vmem_shared>>)
      } else {
      }
      %lt3A_88 = arith.constant 80 : i32
      %lt3A_89 = arith.cmpi slt, %add3A_82, %lt3A_88 : i32
      %convert_element_type3A_90 = arith.extui %lt3A_89 : i1 to i32
      %cond3A_91 = arith.constant 0 : i32
      %cond3A_92 = arith.cmpi ne, %convert_element_type3A_90, %cond3A_91 : i32
      scf.if %cond3A_92 {
        %dma_start3A_105 = arith.constant 0 : i32
        %dma_start3A_106 = tpu.memref_slice %arg10[%add3A_82, %dma_start3A_105] : memref<80x128xi32, #tpu.memory_space<vmem>> -> memref<1x128xi32, #tpu.memory_space<vmem>>
        %dma_start3A_107 = tpu.memref_squeeze %dma_start3A_106 : memref<1x128xi32, #tpu.memory_space<vmem>> -> memref<128xi32, #tpu.memory_space<vmem>>
        %dma_start3A_108 = arith.constant 0 : i32
        %dma_start3A_109 = arith.constant 0 : i32
        %dma_start3A_110 = tpu.memref_slice %arg9[%dma_start3A_108, %dma_start3A_109] : memref<10000x32xf32, #tpu.memory_space<vmem_shared>> -> memref<10000x32xf32, #tpu.memory_space<vmem_shared>>
        tpu.enqueue_indirect_dma source(%dma_start3A_110 : memref<10000x32xf32, #tpu.memory_space<vmem_shared>>) target(%arg12 : memref<128x32xf32, #tpu.memory_space<vmem>>) offsets(%dma_start3A_107 : memref<128xi32, #tpu.memory_space<vmem>>) semaphore(%arg14 : memref<!tpu.dma_semaphore, #tpu.memory_space<semaphore_mem>>)
      } else {
      }
      %dma_wait3A_93 = arith.constant 0 : i32
      %dma_wait3A_94 = arith.constant 0 : i32
      %dma_wait3A_95 = tpu.memref_slice %arg9[%dma_wait3A_93, %dma_wait3A_94] : memref<10000x32xf32, #tpu.memory_space<vmem_shared>> -> memref<128x32xf32, #tpu.memory_space<vmem_shared>>
      %dma_wait3A_96 = arith.constant 0 : i32
      %dma_wait3A_97 = arith.constant 0 : i32
      %dma_wait3A_98 = tpu.memref_slice %arg9[%dma_wait3A_96, %dma_wait3A_97] : memref<10000x32xf32, #tpu.memory_space<vmem_shared>> -> memref<128x32xf32, #tpu.memory_space<vmem_shared>>
      tpu.wait_dma2 semaphore(%arg15 : memref<!tpu.dma_semaphore, #tpu.memory_space<semaphore_mem>>) src(%dma_wait3A_98 : memref<128x32xf32, #tpu.memory_space<vmem_shared>>) dst(%arg13 : memref<128x32xf32, #tpu.memory_space<vmem>>)
      %dma_start3A_99 = arith.constant 0 : i32
      %dma_start3A_100 = tpu.memref_slice %arg11[%add3A_80, %dma_start3A_99] : memref<80x128xi32, #tpu.memory_space<vmem>> -> memref<1x128xi32, #tpu.memory_space<vmem>>
      %dma_start3A_101 = tpu.memref_squeeze %dma_start3A_100 : memref<1x128xi32, #tpu.memory_space<vmem>> -> memref<128xi32, #tpu.memory_space<vmem>>
      %dma_start3A_102 = arith.constant 0 : i32
      %dma_start3A_103 = arith.constant 0 : i32
      %dma_start3A_104 = tpu.memref_slice %arg8[%dma_start3A_102, %dma_start3A_103] : memref<10240x32xf32, #tpu.memory_space<vmem_shared>> -> memref<10240x32xf32, #tpu.memory_space<vmem_shared>>
      tpu.enqueue_indirect_dma source(%arg13 : memref<128x32xf32, #tpu.memory_space<vmem>>) target(%dma_start3A_104 : memref<10240x32xf32, #tpu.memory_space<vmem_shared>>) offsets(%dma_start3A_101 : memref<128xi32, #tpu.memory_space<vmem>>) semaphore(%arg17 : memref<!tpu.dma_semaphore, #tpu.memory_space<semaphore_mem>>) {add = true}
    }
    %scan3A_32 = arith.constant 40 : i32
    %dma_wait3A = arith.constant 0 : i32
    %dma_wait3A_33 = arith.constant 0 : i32
    %dma_wait3A_34 = tpu.memref_slice %arg8[%dma_wait3A, %dma_wait3A_33] : memref<10240x32xf32, #tpu.memory_space<vmem_shared>> -> memref<128x32xf32, #tpu.memory_space<vmem_shared>>
    %dma_wait3A_35 = arith.constant 0 : i32
    %dma_wait3A_36 = arith.constant 0 : i32
    %dma_wait3A_37 = tpu.memref_slice %arg8[%dma_wait3A_35, %dma_wait3A_36] : memref<10240x32xf32, #tpu.memory_space<vmem_shared>> -> memref<128x32xf32, #tpu.memory_space<vmem_shared>>
    tpu.wait_dma2 semaphore(%arg17 : memref<!tpu.dma_semaphore, #tpu.memory_space<semaphore_mem>>) src(%arg13 : memref<128x32xf32, #tpu.memory_space<vmem>>) dst(%dma_wait3A_37 : memref<128x32xf32, #tpu.memory_space<vmem_shared>>)
    %barrier3A_38 = arith.constant 0 : index
    tpu.barrier barrier_id(%barrier3A_38)
    %eq3A_39 = arith.constant 0 : i32
    %eq3A_40 = arith.cmpi eq, %arg0, %eq3A_39 : i32
    %convert_element_type3A_41 = arith.extui %eq3A_40 : i1 to i32
    %cond3A_42 = arith.constant 0 : i32
    %cond3A_43 = arith.cmpi ne, %convert_element_type3A_41, %cond3A_42 : i32
    scf.if %cond3A_43 {
      %mul3A_49 = arith.constant 640 : i32
      %mul3A_50 = arith.muli %arg1, %mul3A_49 : i32
      %mul3A_51 = arith.constant 640 : i32
      %mul3A_52 = arith.muli %arg1, %mul3A_51 : i32
      "tpu.region"() ({
        %run_scoped3A = tpu.sem_alloc : memref<!tpu.dma_semaphore, #tpu.memory_space<semaphore_mem>>
        %dma_start3A_53 = arith.constant 0 : i32
        %dma_start3A_54 = tpu.memref_slice %arg6[%mul3A_52, %dma_start3A_53] : memref<10240x32xf32, #tpu.memory_space<hbm>> -> memref<640x32xf32, #tpu.memory_space<hbm>>
        %dma_start3A_55 = arith.constant 0 : i32
        %dma_start3A_56 = tpu.memref_slice %arg8[%mul3A_50, %dma_start3A_55] : memref<10240x32xf32, #tpu.memory_space<vmem_shared>> -> memref<640x32xf32, #tpu.memory_space<vmem_shared>>
        tpu.enqueue_dma source(%dma_start3A_56 : memref<640x32xf32, #tpu.memory_space<vmem_shared>>) target(%dma_start3A_54 : memref<640x32xf32, #tpu.memory_space<hbm>>) target_semaphore(%run_scoped3A : memref<!tpu.dma_semaphore, #tpu.memory_space<semaphore_mem>>)
        %dma_wait3A_57 = arith.constant 0 : i32
        %dma_wait3A_58 = tpu.memref_slice %arg6[%mul3A_52, %dma_wait3A_57] : memref<10240x32xf32, #tpu.memory_space<hbm>> -> memref<640x32xf32, #tpu.memory_space<hbm>>
        %dma_wait3A_59 = arith.constant 0 : i32
        %dma_wait3A_60 = tpu.memref_slice %arg8[%mul3A_50, %dma_wait3A_59] : memref<10240x32xf32, #tpu.memory_space<vmem_shared>> -> memref<640x32xf32, #tpu.memory_space<vmem_shared>>
        tpu.wait_dma2 semaphore(%run_scoped3A : memref<!tpu.dma_semaphore, #tpu.memory_space<semaphore_mem>>) src(%dma_wait3A_60 : memref<640x32xf32, #tpu.memory_space<vmem_shared>>) dst(%dma_wait3A_58 : memref<640x32xf32, #tpu.memory_space<hbm>>)
        tpu.yield
      }) : () -> ()
    } else {
    }
    %eq3A_44 = arith.constant 1 : i32
    %eq3A_45 = arith.cmpi eq, %arg0, %eq3A_44 : i32
    %convert_element_type3A_46 = arith.extui %eq3A_45 : i1 to i32
    %cond3A_47 = arith.constant 0 : i32
    %cond3A_48 = arith.cmpi ne, %convert_element_type3A_46, %cond3A_47 : i32
    scf.if %cond3A_48 {
      %mul3A_49 = arith.constant 640 : i32
      %mul3A_50 = arith.muli %arg1, %mul3A_49 : i32
      %mul3A_51 = arith.constant 640 : i32
      %mul3A_52 = arith.muli %arg1, %mul3A_51 : i32
      "tpu.region"() ({
        %run_scoped3A = tpu.sem_alloc : memref<!tpu.dma_semaphore, #tpu.memory_space<semaphore_mem>>
        %dma_start3A_53 = arith.constant 0 : i32
        %dma_start3A_54 = tpu.memref_slice %arg7[%mul3A_52, %dma_start3A_53] : memref<10240x32xf32, #tpu.memory_space<hbm>> -> memref<640x32xf32, #tpu.memory_space<hbm>>
        %dma_start3A_55 = arith.constant 0 : i32
        %dma_start3A_56 = tpu.memref_slice %arg8[%mul3A_50, %dma_start3A_55] : memref<10240x32xf32, #tpu.memory_space<vmem_shared>> -> memref<640x32xf32, #tpu.memory_space<vmem_shared>>
        tpu.enqueue_dma source(%dma_start3A_56 : memref<640x32xf32, #tpu.memory_space<vmem_shared>>) target(%dma_start3A_54 : memref<640x32xf32, #tpu.memory_space<hbm>>) target_semaphore(%run_scoped3A : memref<!tpu.dma_semaphore, #tpu.memory_space<semaphore_mem>>)
        %dma_wait3A_57 = arith.constant 0 : i32
        %dma_wait3A_58 = tpu.memref_slice %arg7[%mul3A_52, %dma_wait3A_57] : memref<10240x32xf32, #tpu.memory_space<hbm>> -> memref<640x32xf32, #tpu.memory_space<hbm>>
        %dma_wait3A_59 = arith.constant 0 : i32
        %dma_wait3A_60 = tpu.memref_slice %arg8[%mul3A_50, %dma_wait3A_59] : memref<10240x32xf32, #tpu.memory_space<vmem_shared>> -> memref<640x32xf32, #tpu.memory_space<vmem_shared>>
        tpu.wait_dma2 semaphore(%run_scoped3A : memref<!tpu.dma_semaphore, #tpu.memory_space<semaphore_mem>>) src(%dma_wait3A_60 : memref<640x32xf32, #tpu.memory_space<vmem_shared>>) dst(%dma_wait3A_58 : memref<640x32xf32, #tpu.memory_space<hbm>>)
        tpu.yield
      }) : () -> ()
    } else {
    }
    return
  }
}

#map = affine_map<(d0, d1) -> (0, 0)>
#map1 = affine_map<(d0, d1) -> (0, 0, 0)>
module attributes {stable_mosaic.version = 14 : i64} {
  func.func @k(%arg0: i32, %arg1: i32, %arg2: memref<10000x64xf32, #tpu.memory_space<hbm>>, %arg3: memref<32x80x128xi32, #tpu.memory_space<hbm>>, %arg4: memref<32x80x128xi32, #tpu.memory_space<hbm>>, %arg5: memref<640x64xf32, #tpu.memory_space<hbm>>, %arg6: memref<10240x16xf32, #tpu.memory_space<hbm>>, %arg7: memref<16x8x80xi32, #tpu.memory_space<hbm>>, %arg8: memref<8x64xf32, #tpu.memory_space<hbm>>, %arg9: memref<128x64xf32, #tpu.memory_space<hbm>>, %arg10: memref<128x64xf32, #tpu.memory_space<hbm>>, %arg11: memref<10240x64xf32, #tpu.memory_space<vmem_shared>>, %arg12: memref<10000x64xf32, #tpu.memory_space<vmem_shared>>, %arg13: memref<128x64xf32, #tpu.memory_space<vmem_shared>>, %arg14: memref<80x128xi32, #tpu.memory_space<vmem>>, %arg15: memref<80x128xi32, #tpu.memory_space<vmem>>, %arg16: memref<128x64xf32, #tpu.memory_space<vmem>>, %arg17: memref<128x64xf32, #tpu.memory_space<vmem>>, %arg18: memref<80x64xf32, #tpu.memory_space<vmem>>, %arg19: memref<80x16xf32, #tpu.memory_space<vmem>>, %arg20: memref<8x80xi32, #tpu.memory_space<vmem>>, %arg21: memref<!tpu.dma_semaphore, #tpu.memory_space<semaphore_mem>>, %arg22: memref<!tpu.dma_semaphore, #tpu.memory_space<semaphore_mem>>, %arg23: memref<!tpu.dma_semaphore, #tpu.memory_space<semaphore_mem>>, %arg24: memref<!tpu.dma_semaphore, #tpu.memory_space<semaphore_mem>>) attributes {dimension_semantics = [#tpu.dimension_semantics<core_parallel>, #tpu.dimension_semantics<subcore_parallel>], iteration_bounds = array<i64: 2, 16>, scalar_prefetch = 0 : i64, scratch_operands = 14 : i64, tpu.core_type = #tpu.core_type<sc_vector_subcore>, window_params = [{transform_indices = #map}, {transform_indices = #map1}, {transform_indices = #map1}, {transform_indices = #map}, {transform_indices = #map}, {transform_indices = #map1}, {transform_indices = #map}, {transform_indices = #map}, {transform_indices = #map}]} {
    "tpu.region"() ({
      %run_scoped3A = tpu.sem_alloc : memref<!tpu.dma_semaphore, #tpu.memory_space<semaphore_mem>>
      %dma_start3A_58 = arith.constant 0 : i32
      %dma_start3A_59 = arith.constant 0 : i32
      %dma_start3A_60 = tpu.memref_slice %arg7[%arg1, %dma_start3A_58, %dma_start3A_59] : memref<16x8x80xi32, #tpu.memory_space<hbm>> -> memref<1x8x80xi32, #tpu.memory_space<hbm>>
      %dma_start3A_61 = tpu.memref_squeeze %dma_start3A_60 : memref<1x8x80xi32, #tpu.memory_space<hbm>> -> memref<8x80xi32, #tpu.memory_space<hbm>>
      %dma_start3A_62 = arith.constant 0 : i32
      %dma_start3A_63 = arith.constant 0 : i32
      %dma_start3A_64 = tpu.memref_slice %arg7[%arg1, %dma_start3A_62, %dma_start3A_63] : memref<16x8x80xi32, #tpu.memory_space<hbm>> -> memref<1x8x80xi32, #tpu.memory_space<hbm>>
      %dma_start3A_65 = tpu.memref_squeeze %dma_start3A_64 : memref<1x8x80xi32, #tpu.memory_space<hbm>> -> memref<8x80xi32, #tpu.memory_space<hbm>>
      tpu.enqueue_dma source(%dma_start3A_65 : memref<8x80xi32, #tpu.memory_space<hbm>>) target(%arg20 : memref<8x80xi32, #tpu.memory_space<vmem>>) target_semaphore(%run_scoped3A : memref<!tpu.dma_semaphore, #tpu.memory_space<semaphore_mem>>)
      %dma_wait3A_66 = arith.constant 0 : i32
      %dma_wait3A_67 = arith.constant 0 : i32
      %dma_wait3A_68 = tpu.memref_slice %arg7[%arg1, %dma_wait3A_66, %dma_wait3A_67] : memref<16x8x80xi32, #tpu.memory_space<hbm>> -> memref<1x8x80xi32, #tpu.memory_space<hbm>>
      %dma_wait3A_69 = tpu.memref_squeeze %dma_wait3A_68 : memref<1x8x80xi32, #tpu.memory_space<hbm>> -> memref<8x80xi32, #tpu.memory_space<hbm>>
      %dma_wait3A_70 = arith.constant 0 : i32
      %dma_wait3A_71 = arith.constant 0 : i32
      %dma_wait3A_72 = tpu.memref_slice %arg7[%arg1, %dma_wait3A_70, %dma_wait3A_71] : memref<16x8x80xi32, #tpu.memory_space<hbm>> -> memref<1x8x80xi32, #tpu.memory_space<hbm>>
      %dma_wait3A_73 = tpu.memref_squeeze %dma_wait3A_72 : memref<1x8x80xi32, #tpu.memory_space<hbm>> -> memref<8x80xi32, #tpu.memory_space<hbm>>
      tpu.wait_dma2 semaphore(%run_scoped3A : memref<!tpu.dma_semaphore, #tpu.memory_space<semaphore_mem>>) src(%dma_wait3A_73 : memref<8x80xi32, #tpu.memory_space<hbm>>) dst(%arg20 : memref<8x80xi32, #tpu.memory_space<vmem>>)
      tpu.yield
    }) : () -> ()
    %mul3A = arith.constant 8 : i32
    %mul3A_0 = arith.muli %arg1, %mul3A : i32
    "tpu.region"() ({
      %run_scoped3A = tpu.sem_alloc : memref<!tpu.dma_semaphore, #tpu.memory_space<semaphore_mem>>
      %dma_start3A_58 = arith.constant 0 : i32
      %dma_start3A_59 = tpu.memref_slice %arg13[%mul3A_0, %dma_start3A_58] : memref<128x64xf32, #tpu.memory_space<vmem_shared>> -> memref<8x64xf32, #tpu.memory_space<vmem_shared>>
      tpu.enqueue_dma source(%arg8 : memref<8x64xf32, #tpu.memory_space<hbm>>) target(%dma_start3A_59 : memref<8x64xf32, #tpu.memory_space<vmem_shared>>) target_semaphore(%run_scoped3A : memref<!tpu.dma_semaphore, #tpu.memory_space<semaphore_mem>>)
      %dma_wait3A_60 = arith.constant 0 : i32
      %dma_wait3A_61 = tpu.memref_slice %arg13[%mul3A_0, %dma_wait3A_60] : memref<128x64xf32, #tpu.memory_space<vmem_shared>> -> memref<8x64xf32, #tpu.memory_space<vmem_shared>>
      tpu.wait_dma2 semaphore(%run_scoped3A : memref<!tpu.dma_semaphore, #tpu.memory_space<semaphore_mem>>) src(%arg8 : memref<8x64xf32, #tpu.memory_space<hbm>>) dst(%dma_wait3A_61 : memref<8x64xf32, #tpu.memory_space<vmem_shared>>)
      tpu.yield
    }) : () -> ()
    %mul3A_1 = arith.constant 16 : i32
    %mul3A_2 = arith.muli %arg0, %mul3A_1 : i32
    %add3A = arith.addi %mul3A_2, %arg1 : i32
    "tpu.region"() ({
      %run_scoped3A = tpu.sem_alloc : memref<!tpu.dma_semaphore, #tpu.memory_space<semaphore_mem>>
      %dma_start3A_58 = arith.constant 0 : i32
      %dma_start3A_59 = arith.constant 0 : i32
      %dma_start3A_60 = tpu.memref_slice %arg3[%add3A, %dma_start3A_58, %dma_start3A_59] : memref<32x80x128xi32, #tpu.memory_space<hbm>> -> memref<1x80x128xi32, #tpu.memory_space<hbm>>
      %dma_start3A_61 = tpu.memref_squeeze %dma_start3A_60 : memref<1x80x128xi32, #tpu.memory_space<hbm>> -> memref<80x128xi32, #tpu.memory_space<hbm>>
      %dma_start3A_62 = arith.constant 0 : i32
      %dma_start3A_63 = arith.constant 0 : i32
      %dma_start3A_64 = tpu.memref_slice %arg3[%add3A, %dma_start3A_62, %dma_start3A_63] : memref<32x80x128xi32, #tpu.memory_space<hbm>> -> memref<1x80x128xi32, #tpu.memory_space<hbm>>
      %dma_start3A_65 = tpu.memref_squeeze %dma_start3A_64 : memref<1x80x128xi32, #tpu.memory_space<hbm>> -> memref<80x128xi32, #tpu.memory_space<hbm>>
      tpu.enqueue_dma source(%dma_start3A_65 : memref<80x128xi32, #tpu.memory_space<hbm>>) target(%arg14 : memref<80x128xi32, #tpu.memory_space<vmem>>) target_semaphore(%run_scoped3A : memref<!tpu.dma_semaphore, #tpu.memory_space<semaphore_mem>>)
      %dma_wait3A_66 = arith.constant 0 : i32
      %dma_wait3A_67 = arith.constant 0 : i32
      %dma_wait3A_68 = tpu.memref_slice %arg3[%add3A, %dma_wait3A_66, %dma_wait3A_67] : memref<32x80x128xi32, #tpu.memory_space<hbm>> -> memref<1x80x128xi32, #tpu.memory_space<hbm>>
      %dma_wait3A_69 = tpu.memref_squeeze %dma_wait3A_68 : memref<1x80x128xi32, #tpu.memory_space<hbm>> -> memref<80x128xi32, #tpu.memory_space<hbm>>
      %dma_wait3A_70 = arith.constant 0 : i32
      %dma_wait3A_71 = arith.constant 0 : i32
      %dma_wait3A_72 = tpu.memref_slice %arg3[%add3A, %dma_wait3A_70, %dma_wait3A_71] : memref<32x80x128xi32, #tpu.memory_space<hbm>> -> memref<1x80x128xi32, #tpu.memory_space<hbm>>
      %dma_wait3A_73 = tpu.memref_squeeze %dma_wait3A_72 : memref<1x80x128xi32, #tpu.memory_space<hbm>> -> memref<80x128xi32, #tpu.memory_space<hbm>>
      tpu.wait_dma2 semaphore(%run_scoped3A : memref<!tpu.dma_semaphore, #tpu.memory_space<semaphore_mem>>) src(%dma_wait3A_73 : memref<80x128xi32, #tpu.memory_space<hbm>>) dst(%arg14 : memref<80x128xi32, #tpu.memory_space<vmem>>)
      tpu.yield
    }) : () -> ()
    "tpu.region"() ({
      %run_scoped3A = tpu.sem_alloc : memref<!tpu.dma_semaphore, #tpu.memory_space<semaphore_mem>>
      %dma_start3A_58 = arith.constant 0 : i32
      %dma_start3A_59 = arith.constant 0 : i32
      %dma_start3A_60 = tpu.memref_slice %arg4[%add3A, %dma_start3A_58, %dma_start3A_59] : memref<32x80x128xi32, #tpu.memory_space<hbm>> -> memref<1x80x128xi32, #tpu.memory_space<hbm>>
      %dma_start3A_61 = tpu.memref_squeeze %dma_start3A_60 : memref<1x80x128xi32, #tpu.memory_space<hbm>> -> memref<80x128xi32, #tpu.memory_space<hbm>>
      %dma_start3A_62 = arith.constant 0 : i32
      %dma_start3A_63 = arith.constant 0 : i32
      %dma_start3A_64 = tpu.memref_slice %arg4[%add3A, %dma_start3A_62, %dma_start3A_63] : memref<32x80x128xi32, #tpu.memory_space<hbm>> -> memref<1x80x128xi32, #tpu.memory_space<hbm>>
      %dma_start3A_65 = tpu.memref_squeeze %dma_start3A_64 : memref<1x80x128xi32, #tpu.memory_space<hbm>> -> memref<80x128xi32, #tpu.memory_space<hbm>>
      tpu.enqueue_dma source(%dma_start3A_65 : memref<80x128xi32, #tpu.memory_space<hbm>>) target(%arg15 : memref<80x128xi32, #tpu.memory_space<vmem>>) target_semaphore(%run_scoped3A : memref<!tpu.dma_semaphore, #tpu.memory_space<semaphore_mem>>)
      %dma_wait3A_66 = arith.constant 0 : i32
      %dma_wait3A_67 = arith.constant 0 : i32
      %dma_wait3A_68 = tpu.memref_slice %arg4[%add3A, %dma_wait3A_66, %dma_wait3A_67] : memref<32x80x128xi32, #tpu.memory_space<hbm>> -> memref<1x80x128xi32, #tpu.memory_space<hbm>>
      %dma_wait3A_69 = tpu.memref_squeeze %dma_wait3A_68 : memref<1x80x128xi32, #tpu.memory_space<hbm>> -> memref<80x128xi32, #tpu.memory_space<hbm>>
      %dma_wait3A_70 = arith.constant 0 : i32
      %dma_wait3A_71 = arith.constant 0 : i32
      %dma_wait3A_72 = tpu.memref_slice %arg4[%add3A, %dma_wait3A_70, %dma_wait3A_71] : memref<32x80x128xi32, #tpu.memory_space<hbm>> -> memref<1x80x128xi32, #tpu.memory_space<hbm>>
      %dma_wait3A_73 = tpu.memref_squeeze %dma_wait3A_72 : memref<1x80x128xi32, #tpu.memory_space<hbm>> -> memref<80x128xi32, #tpu.memory_space<hbm>>
      tpu.wait_dma2 semaphore(%run_scoped3A : memref<!tpu.dma_semaphore, #tpu.memory_space<semaphore_mem>>) src(%dma_wait3A_73 : memref<80x128xi32, #tpu.memory_space<hbm>>) dst(%arg15 : memref<80x128xi32, #tpu.memory_space<vmem>>)
      tpu.yield
    }) : () -> ()
    %eq3A = arith.constant 0 : i32
    %eq3A_3 = arith.cmpi eq, %arg0, %eq3A : i32
    %lt3A = arith.constant 15 : i32
    %lt3A_4 = arith.cmpi slt, %arg1, %lt3A : i32
    %and3A = arith.andi %eq3A_3, %lt3A_4 : i1
    %convert_element_type3A = arith.extui %and3A : i1 to i32
    %cond3A = arith.constant 0 : i32
    %cond3A_5 = arith.cmpi ne, %convert_element_type3A, %cond3A : i32
    scf.if %cond3A_5 {
      %mul3A_58 = arith.constant 640 : i32
      %mul3A_59 = arith.muli %arg1, %mul3A_58 : i32
      %mul3A_60 = arith.constant 640 : i32
      %mul3A_61 = arith.muli %arg1, %mul3A_60 : i32
      "tpu.region"() ({
        %run_scoped3A = tpu.sem_alloc : memref<!tpu.dma_semaphore, #tpu.memory_space<semaphore_mem>>
        %dma_start3A_62 = arith.constant 0 : i32
        %dma_start3A_63 = tpu.memref_slice %arg11[%mul3A_61, %dma_start3A_62] : memref<10240x64xf32, #tpu.memory_space<vmem_shared>> -> memref<640x64xf32, #tpu.memory_space<vmem_shared>>
        %dma_start3A_64 = arith.constant 0 : i32
        %dma_start3A_65 = tpu.memref_slice %arg2[%mul3A_59, %dma_start3A_64] : memref<10000x64xf32, #tpu.memory_space<hbm>> -> memref<640x64xf32, #tpu.memory_space<hbm>>
        tpu.enqueue_dma source(%dma_start3A_65 : memref<640x64xf32, #tpu.memory_space<hbm>>) target(%dma_start3A_63 : memref<640x64xf32, #tpu.memory_space<vmem_shared>>) target_semaphore(%run_scoped3A : memref<!tpu.dma_semaphore, #tpu.memory_space<semaphore_mem>>)
        %dma_wait3A_66 = arith.constant 0 : i32
        %dma_wait3A_67 = tpu.memref_slice %arg11[%mul3A_61, %dma_wait3A_66] : memref<10240x64xf32, #tpu.memory_space<vmem_shared>> -> memref<640x64xf32, #tpu.memory_space<vmem_shared>>
        %dma_wait3A_68 = arith.constant 0 : i32
        %dma_wait3A_69 = tpu.memref_slice %arg2[%mul3A_59, %dma_wait3A_68] : memref<10000x64xf32, #tpu.memory_space<hbm>> -> memref<640x64xf32, #tpu.memory_space<hbm>>
        tpu.wait_dma2 semaphore(%run_scoped3A : memref<!tpu.dma_semaphore, #tpu.memory_space<semaphore_mem>>) src(%dma_wait3A_69 : memref<640x64xf32, #tpu.memory_space<hbm>>) dst(%dma_wait3A_67 : memref<640x64xf32, #tpu.memory_space<vmem_shared>>)
        tpu.yield
      }) : () -> ()
    } else {
    }
    %eq3A_6 = arith.constant 0 : i32
    %eq3A_7 = arith.cmpi eq, %arg0, %eq3A_6 : i32
    %eq3A_8 = arith.constant 15 : i32
    %eq3A_9 = arith.cmpi eq, %arg1, %eq3A_8 : i32
    %and3A_10 = arith.andi %eq3A_7, %eq3A_9 : i1
    %convert_element_type3A_11 = arith.extui %and3A_10 : i1 to i32
    %cond3A_12 = arith.constant 0 : i32
    %cond3A_13 = arith.cmpi ne, %convert_element_type3A_11, %cond3A_12 : i32
    scf.if %cond3A_13 {
      "tpu.region"() ({
        %run_scoped3A = tpu.sem_alloc : memref<!tpu.dma_semaphore, #tpu.memory_space<semaphore_mem>>
        %dma_start3A_58 = arith.constant 9600 : i32
        %dma_start3A_59 = arith.constant 0 : i32
        %dma_start3A_60 = tpu.memref_slice %arg11[%dma_start3A_58, %dma_start3A_59] : memref<10240x64xf32, #tpu.memory_space<vmem_shared>> -> memref<640x64xf32, #tpu.memory_space<vmem_shared>>
        tpu.enqueue_dma source(%arg5 : memref<640x64xf32, #tpu.memory_space<hbm>>) target(%dma_start3A_60 : memref<640x64xf32, #tpu.memory_space<vmem_shared>>) target_semaphore(%run_scoped3A : memref<!tpu.dma_semaphore, #tpu.memory_space<semaphore_mem>>)
        %dma_wait3A_61 = arith.constant 9600 : i32
        %dma_wait3A_62 = arith.constant 0 : i32
        %dma_wait3A_63 = tpu.memref_slice %arg11[%dma_wait3A_61, %dma_wait3A_62] : memref<10240x64xf32, #tpu.memory_space<vmem_shared>> -> memref<640x64xf32, #tpu.memory_space<vmem_shared>>
        tpu.wait_dma2 semaphore(%run_scoped3A : memref<!tpu.dma_semaphore, #tpu.memory_space<semaphore_mem>>) src(%arg5 : memref<640x64xf32, #tpu.memory_space<hbm>>) dst(%dma_wait3A_63 : memref<640x64xf32, #tpu.memory_space<vmem_shared>>)
        tpu.yield
      }) : () -> ()
      "tpu.region"() ({
        %run_scoped3A = tpu.sem_alloc : memref<!tpu.dma_semaphore, #tpu.memory_space<semaphore_mem>>
        %dma_start3A_58 = arith.constant 9600 : i32
        %dma_start3A_59 = arith.constant 0 : i32
        %dma_start3A_60 = tpu.memref_slice %arg11[%dma_start3A_58, %dma_start3A_59] : memref<10240x64xf32, #tpu.memory_space<vmem_shared>> -> memref<400x64xf32, #tpu.memory_space<vmem_shared>>
        %dma_start3A_61 = arith.constant 9600 : i32
        %dma_start3A_62 = arith.constant 0 : i32
        %dma_start3A_63 = tpu.memref_slice %arg2[%dma_start3A_61, %dma_start3A_62] : memref<10000x64xf32, #tpu.memory_space<hbm>> -> memref<400x64xf32, #tpu.memory_space<hbm>>
        tpu.enqueue_dma source(%dma_start3A_63 : memref<400x64xf32, #tpu.memory_space<hbm>>) target(%dma_start3A_60 : memref<400x64xf32, #tpu.memory_space<vmem_shared>>) target_semaphore(%run_scoped3A : memref<!tpu.dma_semaphore, #tpu.memory_space<semaphore_mem>>)
        %dma_wait3A_64 = arith.constant 9600 : i32
        %dma_wait3A_65 = arith.constant 0 : i32
        %dma_wait3A_66 = tpu.memref_slice %arg11[%dma_wait3A_64, %dma_wait3A_65] : memref<10240x64xf32, #tpu.memory_space<vmem_shared>> -> memref<400x64xf32, #tpu.memory_space<vmem_shared>>
        %dma_wait3A_67 = arith.constant 9600 : i32
        %dma_wait3A_68 = arith.constant 0 : i32
        %dma_wait3A_69 = tpu.memref_slice %arg2[%dma_wait3A_67, %dma_wait3A_68] : memref<10000x64xf32, #tpu.memory_space<hbm>> -> memref<400x64xf32, #tpu.memory_space<hbm>>
        tpu.wait_dma2 semaphore(%run_scoped3A : memref<!tpu.dma_semaphore, #tpu.memory_space<semaphore_mem>>) src(%dma_wait3A_69 : memref<400x64xf32, #tpu.memory_space<hbm>>) dst(%dma_wait3A_66 : memref<400x64xf32, #tpu.memory_space<vmem_shared>>)
        tpu.yield
      }) : () -> ()
    } else {
    }
    %eq3A_14 = arith.constant 1 : i32
    %eq3A_15 = arith.cmpi eq, %arg0, %eq3A_14 : i32
    %convert_element_type3A_16 = arith.extui %eq3A_15 : i1 to i32
    %cond3A_17 = arith.constant 0 : i32
    %cond3A_18 = arith.cmpi ne, %convert_element_type3A_16, %cond3A_17 : i32
    scf.if %cond3A_18 {
      %mul3A_58 = arith.constant 640 : i32
      %mul3A_59 = arith.muli %arg1, %mul3A_58 : i32
      "tpu.region"() ({
        %run_scoped3A = tpu.sem_alloc : memref<!tpu.dma_semaphore, #tpu.memory_space<semaphore_mem>>
        %dma_start3A_60 = arith.constant 0 : i32
        %dma_start3A_61 = tpu.memref_slice %arg11[%mul3A_59, %dma_start3A_60] : memref<10240x64xf32, #tpu.memory_space<vmem_shared>> -> memref<640x64xf32, #tpu.memory_space<vmem_shared>>
        tpu.enqueue_dma source(%arg5 : memref<640x64xf32, #tpu.memory_space<hbm>>) target(%dma_start3A_61 : memref<640x64xf32, #tpu.memory_space<vmem_shared>>) target_semaphore(%run_scoped3A : memref<!tpu.dma_semaphore, #tpu.memory_space<semaphore_mem>>)
        %dma_wait3A_62 = arith.constant 0 : i32
        %dma_wait3A_63 = tpu.memref_slice %arg11[%mul3A_59, %dma_wait3A_62] : memref<10240x64xf32, #tpu.memory_space<vmem_shared>> -> memref<640x64xf32, #tpu.memory_space<vmem_shared>>
        tpu.wait_dma2 semaphore(%run_scoped3A : memref<!tpu.dma_semaphore, #tpu.memory_space<semaphore_mem>>) src(%arg5 : memref<640x64xf32, #tpu.memory_space<hbm>>) dst(%dma_wait3A_63 : memref<640x64xf32, #tpu.memory_space<vmem_shared>>)
        tpu.yield
      }) : () -> ()
    } else {
    }
    %lt3A_19 = arith.constant 8 : i32
    %lt3A_20 = arith.cmpi slt, %arg1, %lt3A_19 : i32
    %convert_element_type3A_21 = arith.extui %lt3A_20 : i1 to i32
    %cond3A_22 = arith.constant 0 : i32
    %cond3A_23 = arith.cmpi ne, %convert_element_type3A_21, %cond3A_22 : i32
    scf.if %cond3A_23 {
      %mul3A_58 = arith.constant 1250 : i32
      %mul3A_59 = arith.muli %arg1, %mul3A_58 : i32
      %mul3A_60 = arith.constant 1250 : i32
      %mul3A_61 = arith.muli %arg1, %mul3A_60 : i32
      "tpu.region"() ({
        %run_scoped3A = tpu.sem_alloc : memref<!tpu.dma_semaphore, #tpu.memory_space<semaphore_mem>>
        %dma_start3A_62 = arith.constant 0 : i32
        %dma_start3A_63 = tpu.memref_slice %arg12[%mul3A_61, %dma_start3A_62] : memref<10000x64xf32, #tpu.memory_space<vmem_shared>> -> memref<1250x64xf32, #tpu.memory_space<vmem_shared>>
        %dma_start3A_64 = arith.constant 0 : i32
        %dma_start3A_65 = tpu.memref_slice %arg2[%mul3A_59, %dma_start3A_64] : memref<10000x64xf32, #tpu.memory_space<hbm>> -> memref<1250x64xf32, #tpu.memory_space<hbm>>
        tpu.enqueue_dma source(%dma_start3A_65 : memref<1250x64xf32, #tpu.memory_space<hbm>>) target(%dma_start3A_63 : memref<1250x64xf32, #tpu.memory_space<vmem_shared>>) target_semaphore(%run_scoped3A : memref<!tpu.dma_semaphore, #tpu.memory_space<semaphore_mem>>)
        %dma_wait3A_66 = arith.constant 0 : i32
        %dma_wait3A_67 = tpu.memref_slice %arg12[%mul3A_61, %dma_wait3A_66] : memref<10000x64xf32, #tpu.memory_space<vmem_shared>> -> memref<1250x64xf32, #tpu.memory_space<vmem_shared>>
        %dma_wait3A_68 = arith.constant 0 : i32
        %dma_wait3A_69 = tpu.memref_slice %arg2[%mul3A_59, %dma_wait3A_68] : memref<10000x64xf32, #tpu.memory_space<hbm>> -> memref<1250x64xf32, #tpu.memory_space<hbm>>
        tpu.wait_dma2 semaphore(%run_scoped3A : memref<!tpu.dma_semaphore, #tpu.memory_space<semaphore_mem>>) src(%dma_wait3A_69 : memref<1250x64xf32, #tpu.memory_space<hbm>>) dst(%dma_wait3A_67 : memref<1250x64xf32, #tpu.memory_space<vmem_shared>>)
        tpu.yield
      }) : () -> ()
    } else {
    }
    %barrier3A = arith.constant 0 : index
    tpu.barrier barrier_id(%barrier3A)
    %dma_start3A = arith.constant 0 : i32
    %dma_start3A_24 = arith.constant 0 : i32
    %dma_start3A_25 = tpu.memref_slice %arg14[%dma_start3A, %dma_start3A_24] : memref<80x128xi32, #tpu.memory_space<vmem>> -> memref<1x128xi32, #tpu.memory_space<vmem>>
    %dma_start3A_26 = tpu.memref_squeeze %dma_start3A_25 : memref<1x128xi32, #tpu.memory_space<vmem>> -> memref<128xi32, #tpu.memory_space<vmem>>
    %dma_start3A_27 = arith.constant 0 : i32
    %dma_start3A_28 = arith.constant 0 : i32
    %dma_start3A_29 = tpu.memref_slice %arg12[%dma_start3A_27, %dma_start3A_28] : memref<10000x64xf32, #tpu.memory_space<vmem_shared>> -> memref<10000x64xf32, #tpu.memory_space<vmem_shared>>
    tpu.enqueue_indirect_dma source(%dma_start3A_29 : memref<10000x64xf32, #tpu.memory_space<vmem_shared>>) target(%arg16 : memref<128x64xf32, #tpu.memory_space<vmem>>) offsets(%dma_start3A_26 : memref<128xi32, #tpu.memory_space<vmem>>) semaphore(%arg21 : memref<!tpu.dma_semaphore, #tpu.memory_space<semaphore_mem>>)
    %scan3A = arith.constant 0 : i32
    %scan3A_30 = arith.constant 0 : i32
    %scan3A_31 = arith.constant 40 : i32
    %scan3A_32 = arith.addi %scan3A_30, %scan3A_31 : i32
    %scan3A_33 = arith.constant 1 : i32
    scf.for %scan3A_58 = %scan3A_30 to %scan3A_32 step %scan3A_33  : i32 {
      %mul3A_59 = arith.constant 2 : i32
      %mul3A_60 = arith.muli %mul3A_59, %scan3A_58 : i32
      %add3A_61 = arith.constant 0 : i32
      %add3A_62 = arith.addi %mul3A_60, %add3A_61 : i32
      %add3A_63 = arith.constant 1 : i32
      %add3A_64 = arith.addi %add3A_62, %add3A_63 : i32
      %ge3A = arith.constant 1 : i32
      %ge3A_65 = arith.cmpi sge, %add3A_62, %ge3A : i32
      %convert_element_type3A_66 = arith.extui %ge3A_65 : i1 to i32
      %cond3A_67 = arith.constant 0 : i32
      %cond3A_68 = arith.cmpi ne, %convert_element_type3A_66, %cond3A_67 : i32
      scf.if %cond3A_68 {
        %dma_wait3A_114 = arith.constant 0 : i32
        %dma_wait3A_115 = arith.constant 0 : i32
        %dma_wait3A_116 = tpu.memref_slice %arg11[%dma_wait3A_114, %dma_wait3A_115] : memref<10240x64xf32, #tpu.memory_space<vmem_shared>> -> memref<128x64xf32, #tpu.memory_space<vmem_shared>>
        %dma_wait3A_117 = arith.constant 0 : i32
        %dma_wait3A_118 = arith.constant 0 : i32
        %dma_wait3A_119 = tpu.memref_slice %arg11[%dma_wait3A_117, %dma_wait3A_118] : memref<10240x64xf32, #tpu.memory_space<vmem_shared>> -> memref<128x64xf32, #tpu.memory_space<vmem_shared>>
        tpu.wait_dma2 semaphore(%arg24 : memref<!tpu.dma_semaphore, #tpu.memory_space<semaphore_mem>>) src(%arg17 : memref<128x64xf32, #tpu.memory_space<vmem>>) dst(%dma_wait3A_119 : memref<128x64xf32, #tpu.memory_space<vmem_shared>>)
      } else {
      }
      %lt3A_69 = arith.constant 80 : i32
      %lt3A_70 = arith.cmpi slt, %add3A_64, %lt3A_69 : i32
      %convert_element_type3A_71 = arith.extui %lt3A_70 : i1 to i32
      %cond3A_72 = arith.constant 0 : i32
      %cond3A_73 = arith.cmpi ne, %convert_element_type3A_71, %cond3A_72 : i32
      scf.if %cond3A_73 {
        %dma_start3A_114 = arith.constant 0 : i32
        %dma_start3A_115 = tpu.memref_slice %arg14[%add3A_64, %dma_start3A_114] : memref<80x128xi32, #tpu.memory_space<vmem>> -> memref<1x128xi32, #tpu.memory_space<vmem>>
        %dma_start3A_116 = tpu.memref_squeeze %dma_start3A_115 : memref<1x128xi32, #tpu.memory_space<vmem>> -> memref<128xi32, #tpu.memory_space<vmem>>
        %dma_start3A_117 = arith.constant 0 : i32
        %dma_start3A_118 = arith.constant 0 : i32
        %dma_start3A_119 = tpu.memref_slice %arg12[%dma_start3A_117, %dma_start3A_118] : memref<10000x64xf32, #tpu.memory_space<vmem_shared>> -> memref<10000x64xf32, #tpu.memory_space<vmem_shared>>
        tpu.enqueue_indirect_dma source(%dma_start3A_119 : memref<10000x64xf32, #tpu.memory_space<vmem_shared>>) target(%arg17 : memref<128x64xf32, #tpu.memory_space<vmem>>) offsets(%dma_start3A_116 : memref<128xi32, #tpu.memory_space<vmem>>) semaphore(%arg22 : memref<!tpu.dma_semaphore, #tpu.memory_space<semaphore_mem>>)
      } else {
      }
      %dma_wait3A_74 = arith.constant 0 : i32
      %dma_wait3A_75 = arith.constant 0 : i32
      %dma_wait3A_76 = tpu.memref_slice %arg12[%dma_wait3A_74, %dma_wait3A_75] : memref<10000x64xf32, #tpu.memory_space<vmem_shared>> -> memref<128x64xf32, #tpu.memory_space<vmem_shared>>
      %dma_wait3A_77 = arith.constant 0 : i32
      %dma_wait3A_78 = arith.constant 0 : i32
      %dma_wait3A_79 = tpu.memref_slice %arg12[%dma_wait3A_77, %dma_wait3A_78] : memref<10000x64xf32, #tpu.memory_space<vmem_shared>> -> memref<128x64xf32, #tpu.memory_space<vmem_shared>>
      tpu.wait_dma2 semaphore(%arg21 : memref<!tpu.dma_semaphore, #tpu.memory_space<semaphore_mem>>) src(%dma_wait3A_79 : memref<128x64xf32, #tpu.memory_space<vmem_shared>>) dst(%arg16 : memref<128x64xf32, #tpu.memory_space<vmem>>)
      %dma_start3A_80 = arith.constant 0 : i32
      %dma_start3A_81 = tpu.memref_slice %arg15[%add3A_62, %dma_start3A_80] : memref<80x128xi32, #tpu.memory_space<vmem>> -> memref<1x128xi32, #tpu.memory_space<vmem>>
      %dma_start3A_82 = tpu.memref_squeeze %dma_start3A_81 : memref<1x128xi32, #tpu.memory_space<vmem>> -> memref<128xi32, #tpu.memory_space<vmem>>
      %dma_start3A_83 = arith.constant 0 : i32
      %dma_start3A_84 = arith.constant 0 : i32
      %dma_start3A_85 = tpu.memref_slice %arg11[%dma_start3A_83, %dma_start3A_84] : memref<10240x64xf32, #tpu.memory_space<vmem_shared>> -> memref<10240x64xf32, #tpu.memory_space<vmem_shared>>
      tpu.enqueue_indirect_dma source(%arg16 : memref<128x64xf32, #tpu.memory_space<vmem>>) target(%dma_start3A_85 : memref<10240x64xf32, #tpu.memory_space<vmem_shared>>) offsets(%dma_start3A_82 : memref<128xi32, #tpu.memory_space<vmem>>) semaphore(%arg23 : memref<!tpu.dma_semaphore, #tpu.memory_space<semaphore_mem>>) {add = true}
      %mul3A_86 = arith.constant 2 : i32
      %mul3A_87 = arith.muli %mul3A_86, %scan3A_58 : i32
      %add3A_88 = arith.constant 1 : i32
      %add3A_89 = arith.addi %mul3A_87, %add3A_88 : i32
      %add3A_90 = arith.constant 1 : i32
      %add3A_91 = arith.addi %add3A_89, %add3A_90 : i32
      %ge3A_92 = arith.constant 1 : i32
      %ge3A_93 = arith.cmpi sge, %add3A_89, %ge3A_92 : i32
      %convert_element_type3A_94 = arith.extui %ge3A_93 : i1 to i32
      %cond3A_95 = arith.constant 0 : i32
      %cond3A_96 = arith.cmpi ne, %convert_element_type3A_94, %cond3A_95 : i32
      scf.if %cond3A_96 {
        %dma_wait3A_114 = arith.constant 0 : i32
        %dma_wait3A_115 = arith.constant 0 : i32
        %dma_wait3A_116 = tpu.memref_slice %arg11[%dma_wait3A_114, %dma_wait3A_115] : memref<10240x64xf32, #tpu.memory_space<vmem_shared>> -> memref<128x64xf32, #tpu.memory_space<vmem_shared>>
        %dma_wait3A_117 = arith.constant 0 : i32
        %dma_wait3A_118 = arith.constant 0 : i32
        %dma_wait3A_119 = tpu.memref_slice %arg11[%dma_wait3A_117, %dma_wait3A_118] : memref<10240x64xf32, #tpu.memory_space<vmem_shared>> -> memref<128x64xf32, #tpu.memory_space<vmem_shared>>
        tpu.wait_dma2 semaphore(%arg23 : memref<!tpu.dma_semaphore, #tpu.memory_space<semaphore_mem>>) src(%arg16 : memref<128x64xf32, #tpu.memory_space<vmem>>) dst(%dma_wait3A_119 : memref<128x64xf32, #tpu.memory_space<vmem_shared>>)
      } else {
      }
      %lt3A_97 = arith.constant 80 : i32
      %lt3A_98 = arith.cmpi slt, %add3A_91, %lt3A_97 : i32
      %convert_element_type3A_99 = arith.extui %lt3A_98 : i1 to i32
      %cond3A_100 = arith.constant 0 : i32
      %cond3A_101 = arith.cmpi ne, %convert_element_type3A_99, %cond3A_100 : i32
      scf.if %cond3A_101 {
        %dma_start3A_114 = arith.constant 0 : i32
        %dma_start3A_115 = tpu.memref_slice %arg14[%add3A_91, %dma_start3A_114] : memref<80x128xi32, #tpu.memory_space<vmem>> -> memref<1x128xi32, #tpu.memory_space<vmem>>
        %dma_start3A_116 = tpu.memref_squeeze %dma_start3A_115 : memref<1x128xi32, #tpu.memory_space<vmem>> -> memref<128xi32, #tpu.memory_space<vmem>>
        %dma_start3A_117 = arith.constant 0 : i32
        %dma_start3A_118 = arith.constant 0 : i32
        %dma_start3A_119 = tpu.memref_slice %arg12[%dma_start3A_117, %dma_start3A_118] : memref<10000x64xf32, #tpu.memory_space<vmem_shared>> -> memref<10000x64xf32, #tpu.memory_space<vmem_shared>>
        tpu.enqueue_indirect_dma source(%dma_start3A_119 : memref<10000x64xf32, #tpu.memory_space<vmem_shared>>) target(%arg16 : memref<128x64xf32, #tpu.memory_space<vmem>>) offsets(%dma_start3A_116 : memref<128xi32, #tpu.memory_space<vmem>>) semaphore(%arg21 : memref<!tpu.dma_semaphore, #tpu.memory_space<semaphore_mem>>)
      } else {
      }
      %dma_wait3A_102 = arith.constant 0 : i32
      %dma_wait3A_103 = arith.constant 0 : i32
      %dma_wait3A_104 = tpu.memref_slice %arg12[%dma_wait3A_102, %dma_wait3A_103] : memref<10000x64xf32, #tpu.memory_space<vmem_shared>> -> memref<128x64xf32, #tpu.memory_space<vmem_shared>>
      %dma_wait3A_105 = arith.constant 0 : i32
      %dma_wait3A_106 = arith.constant 0 : i32
      %dma_wait3A_107 = tpu.memref_slice %arg12[%dma_wait3A_105, %dma_wait3A_106] : memref<10000x64xf32, #tpu.memory_space<vmem_shared>> -> memref<128x64xf32, #tpu.memory_space<vmem_shared>>
      tpu.wait_dma2 semaphore(%arg22 : memref<!tpu.dma_semaphore, #tpu.memory_space<semaphore_mem>>) src(%dma_wait3A_107 : memref<128x64xf32, #tpu.memory_space<vmem_shared>>) dst(%arg17 : memref<128x64xf32, #tpu.memory_space<vmem>>)
      %dma_start3A_108 = arith.constant 0 : i32
      %dma_start3A_109 = tpu.memref_slice %arg15[%add3A_89, %dma_start3A_108] : memref<80x128xi32, #tpu.memory_space<vmem>> -> memref<1x128xi32, #tpu.memory_space<vmem>>
      %dma_start3A_110 = tpu.memref_squeeze %dma_start3A_109 : memref<1x128xi32, #tpu.memory_space<vmem>> -> memref<128xi32, #tpu.memory_space<vmem>>
      %dma_start3A_111 = arith.constant 0 : i32
      %dma_start3A_112 = arith.constant 0 : i32
      %dma_start3A_113 = tpu.memref_slice %arg11[%dma_start3A_111, %dma_start3A_112] : memref<10240x64xf32, #tpu.memory_space<vmem_shared>> -> memref<10240x64xf32, #tpu.memory_space<vmem_shared>>
      tpu.enqueue_indirect_dma source(%arg17 : memref<128x64xf32, #tpu.memory_space<vmem>>) target(%dma_start3A_113 : memref<10240x64xf32, #tpu.memory_space<vmem_shared>>) offsets(%dma_start3A_110 : memref<128xi32, #tpu.memory_space<vmem>>) semaphore(%arg24 : memref<!tpu.dma_semaphore, #tpu.memory_space<semaphore_mem>>) {add = true}
    }
    %scan3A_34 = arith.constant 40 : i32
    %dma_wait3A = arith.constant 0 : i32
    %dma_wait3A_35 = arith.constant 0 : i32
    %dma_wait3A_36 = tpu.memref_slice %arg11[%dma_wait3A, %dma_wait3A_35] : memref<10240x64xf32, #tpu.memory_space<vmem_shared>> -> memref<128x64xf32, #tpu.memory_space<vmem_shared>>
    %dma_wait3A_37 = arith.constant 0 : i32
    %dma_wait3A_38 = arith.constant 0 : i32
    %dma_wait3A_39 = tpu.memref_slice %arg11[%dma_wait3A_37, %dma_wait3A_38] : memref<10240x64xf32, #tpu.memory_space<vmem_shared>> -> memref<128x64xf32, #tpu.memory_space<vmem_shared>>
    tpu.wait_dma2 semaphore(%arg24 : memref<!tpu.dma_semaphore, #tpu.memory_space<semaphore_mem>>) src(%arg17 : memref<128x64xf32, #tpu.memory_space<vmem>>) dst(%dma_wait3A_39 : memref<128x64xf32, #tpu.memory_space<vmem_shared>>)
    %barrier3A_40 = arith.constant 0 : index
    tpu.barrier barrier_id(%barrier3A_40)
    %scan3A_41 = arith.constant 0 : i32
    %scan3A_42 = arith.constant 0 : i32
    %scan3A_43 = arith.constant 8 : i32
    %scan3A_44 = arith.addi %scan3A_42, %scan3A_43 : i32
    %scan3A_45 = arith.constant 1 : i32
    scf.for %scan3A_58 = %scan3A_42 to %scan3A_44 step %scan3A_45  : i32 {
      %mul3A_59 = arith.constant 640 : i32
      %mul3A_60 = arith.muli %arg1, %mul3A_59 : i32
      %mul3A_61 = arith.constant 80 : i32
      %mul3A_62 = arith.muli %scan3A_58, %mul3A_61 : i32
      %add3A_63 = arith.addi %mul3A_60, %mul3A_62 : i32
      "tpu.region"() ({
        %run_scoped3A = tpu.sem_alloc : memref<!tpu.dma_semaphore, #tpu.memory_space<semaphore_mem>>
        %dma_start3A_75 = arith.constant 0 : i32
        %dma_start3A_76 = tpu.memref_slice %arg11[%add3A_63, %dma_start3A_75] : memref<10240x64xf32, #tpu.memory_space<vmem_shared>> -> memref<80x64xf32, #tpu.memory_space<vmem_shared>>
        %dma_start3A_77 = arith.constant 0 : i32
        %dma_start3A_78 = tpu.memref_slice %arg11[%add3A_63, %dma_start3A_77] : memref<10240x64xf32, #tpu.memory_space<vmem_shared>> -> memref<80x64xf32, #tpu.memory_space<vmem_shared>>
        tpu.enqueue_dma source(%dma_start3A_78 : memref<80x64xf32, #tpu.memory_space<vmem_shared>>) target(%arg18 : memref<80x64xf32, #tpu.memory_space<vmem>>) target_semaphore(%run_scoped3A : memref<!tpu.dma_semaphore, #tpu.memory_space<semaphore_mem>>)
        %dma_wait3A_79 = arith.constant 0 : i32
        %dma_wait3A_80 = tpu.memref_slice %arg11[%add3A_63, %dma_wait3A_79] : memref<10240x64xf32, #tpu.memory_space<vmem_shared>> -> memref<80x64xf32, #tpu.memory_space<vmem_shared>>
        %dma_wait3A_81 = arith.constant 0 : i32
        %dma_wait3A_82 = tpu.memref_slice %arg11[%add3A_63, %dma_wait3A_81] : memref<10240x64xf32, #tpu.memory_space<vmem_shared>> -> memref<80x64xf32, #tpu.memory_space<vmem_shared>>
        tpu.wait_dma2 semaphore(%run_scoped3A : memref<!tpu.dma_semaphore, #tpu.memory_space<semaphore_mem>>) src(%dma_wait3A_82 : memref<80x64xf32, #tpu.memory_space<vmem_shared>>) dst(%arg18 : memref<80x64xf32, #tpu.memory_space<vmem>>)
        tpu.yield
      }) : () -> ()
      %mul3A_64 = arith.constant 640 : i32
      %mul3A_65 = arith.muli %arg1, %mul3A_64 : i32
      %mul3A_66 = arith.constant 80 : i32
      %mul3A_67 = arith.muli %scan3A_58, %mul3A_66 : i32
      %add3A_68 = arith.addi %mul3A_65, %mul3A_67 : i32
      "tpu.region"() ({
        %run_scoped3A = tpu.sem_alloc : memref<!tpu.dma_semaphore, #tpu.memory_space<semaphore_mem>>
        %dma_start3A_75 = arith.constant 0 : i32
        %dma_start3A_76 = tpu.memref_slice %arg6[%add3A_68, %dma_start3A_75] : memref<10240x16xf32, #tpu.memory_space<hbm>> -> memref<80x16xf32, #tpu.memory_space<hbm>>
        %dma_start3A_77 = arith.constant 0 : i32
        %dma_start3A_78 = tpu.memref_slice %arg6[%add3A_68, %dma_start3A_77] : memref<10240x16xf32, #tpu.memory_space<hbm>> -> memref<80x16xf32, #tpu.memory_space<hbm>>
        tpu.enqueue_dma source(%dma_start3A_78 : memref<80x16xf32, #tpu.memory_space<hbm>>) target(%arg19 : memref<80x16xf32, #tpu.memory_space<vmem>>) target_semaphore(%run_scoped3A : memref<!tpu.dma_semaphore, #tpu.memory_space<semaphore_mem>>)
        %dma_wait3A_79 = arith.constant 0 : i32
        %dma_wait3A_80 = tpu.memref_slice %arg6[%add3A_68, %dma_wait3A_79] : memref<10240x16xf32, #tpu.memory_space<hbm>> -> memref<80x16xf32, #tpu.memory_space<hbm>>
        %dma_wait3A_81 = arith.constant 0 : i32
        %dma_wait3A_82 = tpu.memref_slice %arg6[%add3A_68, %dma_wait3A_81] : memref<10240x16xf32, #tpu.memory_space<hbm>> -> memref<80x16xf32, #tpu.memory_space<hbm>>
        tpu.wait_dma2 semaphore(%run_scoped3A : memref<!tpu.dma_semaphore, #tpu.memory_space<semaphore_mem>>) src(%dma_wait3A_82 : memref<80x16xf32, #tpu.memory_space<hbm>>) dst(%arg19 : memref<80x16xf32, #tpu.memory_space<vmem>>)
        tpu.yield
      }) : () -> ()
      %scan3A_69 = arith.constant 0 : i32
      %scan3A_70 = arith.constant 0 : i32
      %scan3A_71 = arith.constant 80 : i32
      %scan3A_72 = arith.addi %scan3A_70, %scan3A_71 : i32
      %scan3A_73 = arith.constant 1 : i32
      scf.for %scan3A_75 = %scan3A_70 to %scan3A_72 step %scan3A_73  : i32 {
        %get3A = arith.index_cast %scan3A_75 : i32 to index
        %get3A_76 = arith.constant 0 : index
        %get3A_77 = tpu.vector_load %arg19[%get3A, %get3A_76] {strides = array<i32>} : memref<80x16xf32, #tpu.memory_space<vmem>>, vector<1x16xf32>,
        %get3A_78 = vector.shape_cast %get3A_77 : vector<1x16xf32> to vector<16xf32>
        %get3A_79 = arith.index_cast %scan3A_75 : i32 to index
        %get3A_80 = arith.constant 0 : index
        %get3A_81 = tpu.vector_load %arg18[%get3A_79, %get3A_80] {strides = array<i32>} : memref<80x64xf32, #tpu.memory_space<vmem>>, vector<1x16xf32>,
        %get3A_82 = vector.shape_cast %get3A_81 : vector<1x16xf32> to vector<16xf32>
        %mul3A_83 = arith.mulf %get3A_82, %get3A_78 : vector<16xf32>
        %swap3A = arith.index_cast %scan3A_75 : i32 to index
        %swap3A_84 = arith.constant 0 : index
        %swap3A_85 = tpu.vector_load %arg18[%swap3A, %swap3A_84] {strides = array<i32>} : memref<80x64xf32, #tpu.memory_space<vmem>>, vector<1x16xf32>,
        %swap3A_86 = vector.shape_cast %swap3A_85 : vector<1x16xf32> to vector<16xf32>
        %swap3A_87 = vector.shape_cast %mul3A_83 : vector<16xf32> to vector<1x16xf32>
        tpu.vector_store %arg18[%swap3A, %swap3A_84], %swap3A_87 {strides = array<i32>} : memref<80x64xf32, #tpu.memory_space<vmem>>, vector<1x16xf32>,
        %get3A_88 = arith.index_cast %scan3A_75 : i32 to index
        %get3A_89 = arith.constant 16 : index
        %get3A_90 = tpu.vector_load %arg18[%get3A_88, %get3A_89] {strides = array<i32>} : memref<80x64xf32, #tpu.memory_space<vmem>>, vector<1x16xf32>,
        %get3A_91 = vector.shape_cast %get3A_90 : vector<1x16xf32> to vector<16xf32>
        %mul3A_92 = arith.mulf %get3A_91, %get3A_78 : vector<16xf32>
        %swap3A_93 = arith.index_cast %scan3A_75 : i32 to index
        %swap3A_94 = arith.constant 16 : index
        %swap3A_95 = tpu.vector_load %arg18[%swap3A_93, %swap3A_94] {strides = array<i32>} : memref<80x64xf32, #tpu.memory_space<vmem>>, vector<1x16xf32>,
        %swap3A_96 = vector.shape_cast %swap3A_95 : vector<1x16xf32> to vector<16xf32>
        %swap3A_97 = vector.shape_cast %mul3A_92 : vector<16xf32> to vector<1x16xf32>
        tpu.vector_store %arg18[%swap3A_93, %swap3A_94], %swap3A_97 {strides = array<i32>} : memref<80x64xf32, #tpu.memory_space<vmem>>, vector<1x16xf32>,
        %get3A_98 = arith.index_cast %scan3A_75 : i32 to index
        %get3A_99 = arith.constant 32 : index
        %get3A_100 = tpu.vector_load %arg18[%get3A_98, %get3A_99] {strides = array<i32>} : memref<80x64xf32, #tpu.memory_space<vmem>>, vector<1x16xf32>,
        %get3A_101 = vector.shape_cast %get3A_100 : vector<1x16xf32> to vector<16xf32>
        %mul3A_102 = arith.mulf %get3A_101, %get3A_78 : vector<16xf32>
        %swap3A_103 = arith.index_cast %scan3A_75 : i32 to index
        %swap3A_104 = arith.constant 32 : index
        %swap3A_105 = tpu.vector_load %arg18[%swap3A_103, %swap3A_104] {strides = array<i32>} : memref<80x64xf32, #tpu.memory_space<vmem>>, vector<1x16xf32>,
        %swap3A_106 = vector.shape_cast %swap3A_105 : vector<1x16xf32> to vector<16xf32>
        %swap3A_107 = vector.shape_cast %mul3A_102 : vector<16xf32> to vector<1x16xf32>
        tpu.vector_store %arg18[%swap3A_103, %swap3A_104], %swap3A_107 {strides = array<i32>} : memref<80x64xf32, #tpu.memory_space<vmem>>, vector<1x16xf32>,
        %get3A_108 = arith.index_cast %scan3A_75 : i32 to index
        %get3A_109 = arith.constant 48 : index
        %get3A_110 = tpu.vector_load %arg18[%get3A_108, %get3A_109] {strides = array<i32>} : memref<80x64xf32, #tpu.memory_space<vmem>>, vector<1x16xf32>,
        %get3A_111 = vector.shape_cast %get3A_110 : vector<1x16xf32> to vector<16xf32>
        %mul3A_112 = arith.mulf %get3A_111, %get3A_78 : vector<16xf32>
        %swap3A_113 = arith.index_cast %scan3A_75 : i32 to index
        %swap3A_114 = arith.constant 48 : index
        %swap3A_115 = tpu.vector_load %arg18[%swap3A_113, %swap3A_114] {strides = array<i32>} : memref<80x64xf32, #tpu.memory_space<vmem>>, vector<1x16xf32>,
        %swap3A_116 = vector.shape_cast %swap3A_115 : vector<1x16xf32> to vector<16xf32>
        %swap3A_117 = vector.shape_cast %mul3A_112 : vector<16xf32> to vector<1x16xf32>
        tpu.vector_store %arg18[%swap3A_113, %swap3A_114], %swap3A_117 {strides = array<i32>} : memref<80x64xf32, #tpu.memory_space<vmem>>, vector<1x16xf32>,
      }
      %scan3A_74 = arith.constant 80 : i32
      "tpu.region"() ({
        %run_scoped3A = tpu.sem_alloc : memref<!tpu.dma_semaphore, #tpu.memory_space<semaphore_mem>>
        %dma_start3A_75 = arith.constant 0 : i32
        %dma_start3A_76 = tpu.memref_slice %arg20[%scan3A_58, %dma_start3A_75] : memref<8x80xi32, #tpu.memory_space<vmem>> -> memref<1x80xi32, #tpu.memory_space<vmem>>
        %dma_start3A_77 = tpu.memref_squeeze %dma_start3A_76 : memref<1x80xi32, #tpu.memory_space<vmem>> -> memref<80xi32, #tpu.memory_space<vmem>>
        %dma_start3A_78 = arith.constant 0 : i32
        %dma_start3A_79 = arith.constant 0 : i32
        %dma_start3A_80 = tpu.memref_slice %arg13[%dma_start3A_78, %dma_start3A_79] : memref<128x64xf32, #tpu.memory_space<vmem_shared>> -> memref<128x64xf32, #tpu.memory_space<vmem_shared>>
        tpu.enqueue_indirect_dma source(%arg18 : memref<80x64xf32, #tpu.memory_space<vmem>>) target(%dma_start3A_80 : memref<128x64xf32, #tpu.memory_space<vmem_shared>>) offsets(%dma_start3A_77 : memref<80xi32, #tpu.memory_space<vmem>>) semaphore(%run_scoped3A : memref<!tpu.dma_semaphore, #tpu.memory_space<semaphore_mem>>) {add = true}
        %dma_wait3A_81 = arith.constant 0 : i32
        %dma_wait3A_82 = tpu.memref_slice %arg20[%scan3A_58, %dma_wait3A_81] : memref<8x80xi32, #tpu.memory_space<vmem>> -> memref<1x80xi32, #tpu.memory_space<vmem>>
        %dma_wait3A_83 = tpu.memref_squeeze %dma_wait3A_82 : memref<1x80xi32, #tpu.memory_space<vmem>> -> memref<80xi32, #tpu.memory_space<vmem>>
        %dma_wait3A_84 = arith.constant 0 : i32
        %dma_wait3A_85 = arith.constant 0 : i32
        %dma_wait3A_86 = tpu.memref_slice %arg13[%dma_wait3A_84, %dma_wait3A_85] : memref<128x64xf32, #tpu.memory_space<vmem_shared>> -> memref<128x64xf32, #tpu.memory_space<vmem_shared>>
        tpu.wait_indirect_dma semaphore(%run_scoped3A : memref<!tpu.dma_semaphore, #tpu.memory_space<semaphore_mem>>) src(%arg18 : memref<80x64xf32, #tpu.memory_space<vmem>>) dst(%dma_wait3A_86 : memref<128x64xf32, #tpu.memory_space<vmem_shared>>)
        tpu.yield
      }) : () -> ()
    }
    %scan3A_46 = arith.constant 8 : i32
    %barrier3A_47 = arith.constant 0 : index
    tpu.barrier barrier_id(%barrier3A_47)
    %eq3A_48 = arith.constant 0 : i32
    %eq3A_49 = arith.cmpi eq, %arg0, %eq3A_48 : i32
    %convert_element_type3A_50 = arith.extui %eq3A_49 : i1 to i32
    %cond3A_51 = arith.constant 0 : i32
    %cond3A_52 = arith.cmpi ne, %convert_element_type3A_50, %cond3A_51 : i32
    scf.if %cond3A_52 {
      %mul3A_58 = arith.constant 8 : i32
      %mul3A_59 = arith.muli %arg1, %mul3A_58 : i32
      %mul3A_60 = arith.constant 8 : i32
      %mul3A_61 = arith.muli %arg1, %mul3A_60 : i32
      "tpu.region"() ({
        %run_scoped3A = tpu.sem_alloc : memref<!tpu.dma_semaphore, #tpu.memory_space<semaphore_mem>>
        %dma_start3A_62 = arith.constant 0 : i32
        %dma_start3A_63 = tpu.memref_slice %arg9[%mul3A_61, %dma_start3A_62] : memref<128x64xf32, #tpu.memory_space<hbm>> -> memref<8x64xf32, #tpu.memory_space<hbm>>
        %dma_start3A_64 = arith.constant 0 : i32
        %dma_start3A_65 = tpu.memref_slice %arg13[%mul3A_59, %dma_start3A_64] : memref<128x64xf32, #tpu.memory_space<vmem_shared>> -> memref<8x64xf32, #tpu.memory_space<vmem_shared>>
        tpu.enqueue_dma source(%dma_start3A_65 : memref<8x64xf32, #tpu.memory_space<vmem_shared>>) target(%dma_start3A_63 : memref<8x64xf32, #tpu.memory_space<hbm>>) target_semaphore(%run_scoped3A : memref<!tpu.dma_semaphore, #tpu.memory_space<semaphore_mem>>)
        %dma_wait3A_66 = arith.constant 0 : i32
        %dma_wait3A_67 = tpu.memref_slice %arg9[%mul3A_61, %dma_wait3A_66] : memref<128x64xf32, #tpu.memory_space<hbm>> -> memref<8x64xf32, #tpu.memory_space<hbm>>
        %dma_wait3A_68 = arith.constant 0 : i32
        %dma_wait3A_69 = tpu.memref_slice %arg13[%mul3A_59, %dma_wait3A_68] : memref<128x64xf32, #tpu.memory_space<vmem_shared>> -> memref<8x64xf32, #tpu.memory_space<vmem_shared>>
        tpu.wait_dma2 semaphore(%run_scoped3A : memref<!tpu.dma_semaphore, #tpu.memory_space<semaphore_mem>>) src(%dma_wait3A_69 : memref<8x64xf32, #tpu.memory_space<vmem_shared>>) dst(%dma_wait3A_67 : memref<8x64xf32, #tpu.memory_space<hbm>>)
        tpu.yield
      }) : () -> ()
    } else {
    }
    %eq3A_53 = arith.constant 1 : i32
    %eq3A_54 = arith.cmpi eq, %arg0, %eq3A_53 : i32
    %convert_element_type3A_55 = arith.extui %eq3A_54 : i1 to i32
    %cond3A_56 = arith.constant 0 : i32
    %cond3A_57 = arith.cmpi ne, %convert_element_type3A_55, %cond3A_56 : i32
    scf.if %cond3A_57 {
      %mul3A_58 = arith.constant 8 : i32
      %mul3A_59 = arith.muli %arg1, %mul3A_58 : i32
      %mul3A_60 = arith.constant 8 : i32
      %mul3A_61 = arith.muli %arg1, %mul3A_60 : i32
      "tpu.region"() ({
        %run_scoped3A = tpu.sem_alloc : memref<!tpu.dma_semaphore, #tpu.memory_space<semaphore_mem>>
        %dma_start3A_62 = arith.constant 0 : i32
        %dma_start3A_63 = tpu.memref_slice %arg10[%mul3A_61, %dma_start3A_62] : memref<128x64xf32, #tpu.memory_space<hbm>> -> memref<8x64xf32, #tpu.memory_space<hbm>>
        %dma_start3A_64 = arith.constant 0 : i32
        %dma_start3A_65 = tpu.memref_slice %arg13[%mul3A_59, %dma_start3A_64] : memref<128x64xf32, #tpu.memory_space<vmem_shared>> -> memref<8x64xf32, #tpu.memory_space<vmem_shared>>
        tpu.enqueue_dma source(%dma_start3A_65 : memref<8x64xf32, #tpu.memory_space<vmem_shared>>) target(%dma_start3A_63 : memref<8x64xf32, #tpu.memory_space<hbm>>) target_semaphore(%run_scoped3A : memref<!tpu.dma_semaphore, #tpu.memory_space<semaphore_mem>>)
        %dma_wait3A_66 = arith.constant 0 : i32
        %dma_wait3A_67 = tpu.memref_slice %arg10[%mul3A_61, %dma_wait3A_66] : memref<128x64xf32, #tpu.memory_space<hbm>> -> memref<8x64xf32, #tpu.memory_space<hbm>>
        %dma_wait3A_68 = arith.constant 0 : i32
        %dma_wait3A_69 = tpu.memref_slice %arg13[%mul3A_59, %dma_wait3A_68] : memref<128x64xf32, #tpu.memory_space<vmem_shared>> -> memref<8x64xf32, #tpu.memory_space<vmem_shared>>
        tpu.wait_dma2 semaphore(%run_scoped3A : memref<!tpu.dma_semaphore, #tpu.memory_space<semaphore_mem>>) src(%dma_wait3A_69 : memref<8x64xf32, #tpu.memory_space<vmem_shared>>) dst(%dma_wait3A_67 : memref<8x64xf32, #tpu.memory_space<hbm>>)
        tpu.yield
      }) : () -> ()
    } else {
    }
    return
  }
}

module attributes {stable_mosaic.version = 14 : i64} {
  func.func @body(%arg0: i32, %arg1: memref<1000x128xf32, #tpu.memory_space<vmem>>, %arg2: memref<128x16xf32, #tpu.memory_space<vmem>>, %arg3: memref<1000x16xf32, #tpu.memory_space<vmem>>) attributes {dimension_semantics = [#tpu.dimension_semantics<arbitrary>], iteration_bounds = array<i64: 10>, scalar_prefetch = 0 : i64, scratch_operands = 0 : i64, tpu.core_type = #tpu.core_type<tc>, window_params = [{transform_indices = @transform_0, window_bounds = array<i64: 1000, 128>}, {pipeline_mode = #tpu.pipeline_mode<synchronous>, transform_indices = @transform_1, window_bounds = array<i64: 128, 16>}, {transform_indices = @transform_2, window_bounds = array<i64: 1000, 16>}]} {
    %get3A = arith.constant 0 : index
    %get3A_0 = arith.constant 0 : index
    %get3A_1 = vector.load %arg1[%get3A, %get3A_0] : memref<1000x128xf32, #tpu.memory_space<vmem>>, vector<1000x128xf32>
    %get3A_2 = arith.constant 0 : index
    %get3A_3 = arith.constant 0 : index
    %get3A_4 = vector.load %arg2[%get3A_2, %get3A_3] : memref<128x16xf32, #tpu.memory_space<vmem>>, vector<128x16xf32>
    %dot_general3A = arith.constant dense<0.000000e+00> : vector<1000x16xf32>
    %dot_general3A_5 = tpu.matmul %get3A_1, %get3A_4, %dot_general3A {dimension_numbers = #tpu.dot_dimension_numbers<[1], [0], [0], [1], [0, 0, 1, 1], [], []>, transpose_lhs_hint = false} : vector<1000x128xf32>, vector<128x16xf32>, vector<1000x16xf32> -> vector<1000x16xf32>
    %swap3A = arith.constant 0 : index
    %swap3A_6 = arith.constant 0 : index
    %swap3A_7 = vector.load %arg3[%swap3A, %swap3A_6] : memref<1000x16xf32, #tpu.memory_space<vmem>>, vector<1000x16xf32>
    tpu.vector_store %arg3[%swap3A, %swap3A_6], %dot_general3A_5 {strides = array<i32>} : memref<1000x16xf32, #tpu.memory_space<vmem>>, vector<1000x16xf32>,
    return
  }
  func.func @transform_0(%arg0: i32) -> (i32, i32) {
    %c0_i32 = arith.constant 0 : i32
    %c0_i32_0 = arith.constant 0 : i32
    return %arg0, %c0_i32 : i32, i32
  }
  func.func @transform_1(%arg0: i32) -> (i32, i32) {
    %c0_i32 = arith.constant 0 : i32
    %c0_i32_0 = arith.constant 0 : i32
    %c0_i32_1 = arith.constant 0 : i32
    return %c0_i32, %c0_i32_0 : i32, i32
  }
  func.func @transform_2(%arg0: i32) -> (i32, i32) {
    %c0_i32 = arith.constant 0 : i32
    %c0_i32_0 = arith.constant 0 : i32
    return %arg0, %c0_i32 : i32, i32
  }
}

module attributes {stable_mosaic.version = 14 : i64} {
  func.func @body(%arg0: i32, %arg1: memref<1000x16xf32, #tpu.memory_space<vmem>>, %arg2: memref<1000x16xf32, #tpu.memory_space<vmem>>, %arg3: memref<1000x16xf32, #tpu.memory_space<vmem>>, %arg4: memref<1000x8xf32, #tpu.memory_space<vmem>>, %arg5: memref<1000x16xf32, #tpu.memory_space<vmem>>, %arg6: memref<1000x16xf32, #tpu.memory_space<vmem>>) attributes {dimension_semantics = [#tpu.dimension_semantics<arbitrary>], iteration_bounds = array<i64: 10>, scalar_prefetch = 0 : i64, scratch_operands = 0 : i64, tpu.core_type = #tpu.core_type<tc>, window_params = [{transform_indices = @transform_0, window_bounds = array<i64: 1000, 16>}, {transform_indices = @transform_1, window_bounds = array<i64: 1000, 16>}, {transform_indices = @transform_2, window_bounds = array<i64: 1000, 16>}, {transform_indices = @transform_3, window_bounds = array<i64: 1000, 8>}, {transform_indices = @transform_4, window_bounds = array<i64: 1000, 16>}, {transform_indices = @transform_5, window_bounds = array<i64: 1000, 16>}]} {
    %get3A = arith.constant 0 : index
    %get3A_0 = arith.constant 0 : index
    %get3A_1 = vector.load %arg1[%get3A, %get3A_0] : memref<1000x16xf32, #tpu.memory_space<vmem>>, vector<1000x1xf32>
    %get3A_2 = arith.constant 0 : index
    %get3A_3 = arith.constant 0 : index
    %get3A_4 = vector.load %arg2[%get3A_2, %get3A_3] : memref<1000x16xf32, #tpu.memory_space<vmem>>, vector<1000x1xf32>
    %add3A = arith.addf %get3A_1, %get3A_4 : vector<1000x1xf32>
    %add3A_5 = arith.constant 1.000000e+00 : f32
    %add3A_6 = vector.broadcast %add3A_5 : f32 to vector<1000x1xf32>
    %add3A_7 = arith.addf %add3A, %add3A_6 : vector<1000x1xf32>
    %max3A = arith.constant 9.99999996E-13 : f32
    %max3A_8 = vector.broadcast %max3A : f32 to vector<1000x1xf32>
    %max3A_9 = arith.maximumf %add3A_7, %max3A_8 : vector<1000x1xf32>
    %rsqrt3A = math.rsqrt %max3A_9 : vector<1000x1xf32>
    %broadcast_in_dim3A = vector.shape_cast %rsqrt3A : vector<1000x1xf32> to vector<1000x1xf32>
    %broadcast_in_dim3A_10 = vector.broadcast %broadcast_in_dim3A : vector<1000x1xf32> to vector<1000x8xf32>
    %swap3A = arith.constant 0 : index
    %swap3A_11 = arith.constant 0 : index
    %swap3A_12 = vector.load %arg4[%swap3A, %swap3A_11] : memref<1000x8xf32, #tpu.memory_space<vmem>>, vector<1000x8xf32>
    tpu.vector_store %arg4[%swap3A, %swap3A_11], %broadcast_in_dim3A_10 {strides = array<i32>} : memref<1000x8xf32, #tpu.memory_space<vmem>>, vector<1000x8xf32>,
    %broadcast_in_dim3A_13 = vector.shape_cast %rsqrt3A : vector<1000x1xf32> to vector<1000x1xf32>
    %broadcast_in_dim3A_14 = vector.broadcast %broadcast_in_dim3A_13 : vector<1000x1xf32> to vector<1000x16xf32>
    %swap3A_15 = arith.constant 0 : index
    %swap3A_16 = arith.constant 0 : index
    %swap3A_17 = vector.load %arg5[%swap3A_15, %swap3A_16] : memref<1000x16xf32, #tpu.memory_space<vmem>>, vector<1000x16xf32>
    tpu.vector_store %arg5[%swap3A_15, %swap3A_16], %broadcast_in_dim3A_14 {strides = array<i32>} : memref<1000x16xf32, #tpu.memory_space<vmem>>, vector<1000x16xf32>,
    %get3A_18 = arith.constant 0 : index
    %get3A_19 = arith.constant 0 : index
    %get3A_20 = vector.load %arg3[%get3A_18, %get3A_19] : memref<1000x16xf32, #tpu.memory_space<vmem>>, vector<1000x16xf32>
    %mul3A = vector.broadcast %rsqrt3A : vector<1000x1xf32> to vector<1000x16xf32>
    %mul3A_21 = arith.mulf %mul3A, %get3A_20 : vector<1000x16xf32>
    %swap3A_22 = arith.constant 0 : index
    %swap3A_23 = arith.constant 0 : index
    %swap3A_24 = vector.load %arg6[%swap3A_22, %swap3A_23] : memref<1000x16xf32, #tpu.memory_space<vmem>>, vector<1000x16xf32>
    tpu.vector_store %arg6[%swap3A_22, %swap3A_23], %mul3A_21 {strides = array<i32>} : memref<1000x16xf32, #tpu.memory_space<vmem>>, vector<1000x16xf32>,
    return
  }
  func.func @transform_0(%arg0: i32) -> (i32, i32) {
    %c0_i32 = arith.constant 0 : i32
    %c0_i32_0 = arith.constant 0 : i32
    return %arg0, %c0_i32 : i32, i32
  }
  func.func @transform_1(%arg0: i32) -> (i32, i32) {
    %c0_i32 = arith.constant 0 : i32
    %c0_i32_0 = arith.constant 0 : i32
    return %arg0, %c0_i32 : i32, i32
  }
  func.func @transform_2(%arg0: i32) -> (i32, i32) {
    %c0_i32 = arith.constant 0 : i32
    %c0_i32_0 = arith.constant 0 : i32
    return %arg0, %c0_i32 : i32, i32
  }
  func.func @transform_3(%arg0: i32) -> (i32, i32) {
    %c0_i32 = arith.constant 0 : i32
    %c0_i32_0 = arith.constant 0 : i32
    return %arg0, %c0_i32 : i32, i32
  }
  func.func @transform_4(%arg0: i32) -> (i32, i32) {
    %c0_i32 = arith.constant 0 : i32
    %c0_i32_0 = arith.constant 0 : i32
    return %arg0, %c0_i32 : i32, i32
  }
  func.func @transform_5(%arg0: i32) -> (i32, i32) {
    %c0_i32 = arith.constant 0 : i32
    %c0_i32_0 = arith.constant 0 : i32
    return %arg0, %c0_i32 : i32, i32
  }
}

module attributes {stable_mosaic.version = 14 : i64} {
  func.func @body(%arg0: i32, %arg1: memref<1000x16xf32, #tpu.memory_space<vmem>>, %arg2: memref<1000x16xf32, #tpu.memory_space<vmem>>, %arg3: memref<1000x8xf32, #tpu.memory_space<vmem>>, %arg4: memref<1x16xf32, #tpu.memory_space<vmem>>, %arg5: memref<1000x16xf32, #tpu.memory_space<vmem>>) attributes {dimension_semantics = [#tpu.dimension_semantics<arbitrary>], iteration_bounds = array<i64: 10>, scalar_prefetch = 0 : i64, scratch_operands = 0 : i64, tpu.core_type = #tpu.core_type<tc>, window_params = [{transform_indices = @transform_0, window_bounds = array<i64: 1000, 16>}, {transform_indices = @transform_1, window_bounds = array<i64: 1000, 16>}, {transform_indices = @transform_2, window_bounds = array<i64: 1000, 8>}, {pipeline_mode = #tpu.pipeline_mode<synchronous>, transform_indices = @transform_3, window_bounds = array<i64: 1, 16>}, {transform_indices = @transform_4, window_bounds = array<i64: 1000, 16>}]} {
    %get3A = arith.constant 0 : index
    %get3A_0 = arith.constant 0 : index
    %get3A_1 = vector.load %arg3[%get3A, %get3A_0] : memref<1000x8xf32, #tpu.memory_space<vmem>>, vector<1000x1xf32>
    %get3A_2 = arith.constant 0 : index
    %get3A_3 = arith.constant 0 : index
    %get3A_4 = vector.load %arg1[%get3A_2, %get3A_3] : memref<1000x16xf32, #tpu.memory_space<vmem>>, vector<1000x16xf32>
    %get3A_5 = arith.constant 0 : index
    %get3A_6 = arith.constant 0 : index
    %get3A_7 = vector.load %arg2[%get3A_5, %get3A_6] : memref<1000x16xf32, #tpu.memory_space<vmem>>, vector<1000x16xf32>
    %add3A = arith.addf %get3A_4, %get3A_7 : vector<1000x16xf32>
    %mul3A = vector.broadcast %get3A_1 : vector<1000x1xf32> to vector<1000x16xf32>
    %mul3A_8 = arith.mulf %mul3A, %add3A : vector<1000x16xf32>
    %get3A_9 = arith.constant 0 : index
    %get3A_10 = arith.constant 0 : index
    %get3A_11 = vector.load %arg4[%get3A_9, %get3A_10] : memref<1x16xf32, #tpu.memory_space<vmem>>, vector<1x16xf32>
    %add3A_12 = vector.broadcast %get3A_11 : vector<1x16xf32> to vector<1000x16xf32>
    %add3A_13 = arith.addf %mul3A_8, %add3A_12 : vector<1000x16xf32>
    %tanh3A = math.tanh %add3A_13 : vector<1000x16xf32>
    %mul3A_14 = vector.broadcast %get3A_1 : vector<1000x1xf32> to vector<1000x16xf32>
    %mul3A_15 = arith.mulf %mul3A_14, %tanh3A : vector<1000x16xf32>
    %swap3A = arith.constant 0 : index
    %swap3A_16 = arith.constant 0 : index
    %swap3A_17 = vector.load %arg5[%swap3A, %swap3A_16] : memref<1000x16xf32, #tpu.memory_space<vmem>>, vector<1000x16xf32>
    tpu.vector_store %arg5[%swap3A, %swap3A_16], %mul3A_15 {strides = array<i32>} : memref<1000x16xf32, #tpu.memory_space<vmem>>, vector<1000x16xf32>,
    return
  }
  func.func @transform_0(%arg0: i32) -> (i32, i32) {
    %c0_i32 = arith.constant 0 : i32
    %c0_i32_0 = arith.constant 0 : i32
    return %arg0, %c0_i32 : i32, i32
  }
  func.func @transform_1(%arg0: i32) -> (i32, i32) {
    %c0_i32 = arith.constant 0 : i32
    %c0_i32_0 = arith.constant 0 : i32
    return %arg0, %c0_i32 : i32, i32
  }
  func.func @transform_2(%arg0: i32) -> (i32, i32) {
    %c0_i32 = arith.constant 0 : i32
    %c0_i32_0 = arith.constant 0 : i32
    return %arg0, %c0_i32 : i32, i32
  }
  func.func @transform_3(%arg0: i32) -> (i32, i32) {
    %c0_i32 = arith.constant 0 : i32
    %c0_i32_0 = arith.constant 0 : i32
    %c0_i32_1 = arith.constant 0 : i32
    return %c0_i32, %c0_i32_0 : i32, i32
  }
  func.func @transform_4(%arg0: i32) -> (i32, i32) {
    %c0_i32 = arith.constant 0 : i32
    %c0_i32_0 = arith.constant 0 : i32
    return %arg0, %c0_i32 : i32, i32
  }
}

module attributes {stable_mosaic.version = 14 : i64} {
  func.func @body(%arg0: i32, %arg1: memref<1000x16xf32, #tpu.memory_space<vmem>>, %arg2: memref<1000x16xf32, #tpu.memory_space<vmem>>, %arg3: memref<1000x8xf32, #tpu.memory_space<vmem>>, %arg4: memref<16x32xf32, #tpu.memory_space<vmem>>, %arg5: memref<1x32xf32, #tpu.memory_space<vmem>>, %arg6: memref<1000x32xf32, #tpu.memory_space<vmem>>) attributes {dimension_semantics = [#tpu.dimension_semantics<arbitrary>], iteration_bounds = array<i64: 10>, scalar_prefetch = 0 : i64, scratch_operands = 0 : i64, tpu.core_type = #tpu.core_type<tc>, window_params = [{transform_indices = @transform_0, window_bounds = array<i64: 1000, 16>}, {transform_indices = @transform_1, window_bounds = array<i64: 1000, 16>}, {transform_indices = @transform_2, window_bounds = array<i64: 1000, 8>}, {pipeline_mode = #tpu.pipeline_mode<synchronous>, transform_indices = @transform_3, window_bounds = array<i64: 16, 32>}, {pipeline_mode = #tpu.pipeline_mode<synchronous>, transform_indices = @transform_4, window_bounds = array<i64: 1, 32>}, {transform_indices = @transform_5, window_bounds = array<i64: 1000, 32>}]} {
    %get3A = arith.constant 0 : index
    %get3A_0 = arith.constant 0 : index
    %get3A_1 = vector.load %arg3[%get3A, %get3A_0] : memref<1000x8xf32, #tpu.memory_space<vmem>>, vector<1000x1xf32>
    %get3A_2 = arith.constant 0 : index
    %get3A_3 = arith.constant 0 : index
    %get3A_4 = vector.load %arg1[%get3A_2, %get3A_3] : memref<1000x16xf32, #tpu.memory_space<vmem>>, vector<1000x16xf32>
    %get3A_5 = arith.constant 0 : index
    %get3A_6 = arith.constant 0 : index
    %get3A_7 = vector.load %arg2[%get3A_5, %get3A_6] : memref<1000x16xf32, #tpu.memory_space<vmem>>, vector<1000x16xf32>
    %add3A = arith.addf %get3A_4, %get3A_7 : vector<1000x16xf32>
    %mul3A = vector.broadcast %get3A_1 : vector<1000x1xf32> to vector<1000x16xf32>
    %mul3A_8 = arith.mulf %mul3A, %add3A : vector<1000x16xf32>
    %get3A_9 = arith.constant 0 : index
    %get3A_10 = arith.constant 0 : index
    %get3A_11 = vector.load %arg4[%get3A_9, %get3A_10] : memref<16x32xf32, #tpu.memory_space<vmem>>, vector<16x32xf32>
    %dot_general3A = arith.constant dense<0.000000e+00> : vector<1000x32xf32>
    %dot_general3A_12 = tpu.matmul %mul3A_8, %get3A_11, %dot_general3A {dimension_numbers = #tpu.dot_dimension_numbers<[1], [0], [0], [1], [0, 0, 1, 1], [], []>, transpose_lhs_hint = false} : vector<1000x16xf32>, vector<16x32xf32>, vector<1000x32xf32> -> vector<1000x32xf32>
    %get3A_13 = arith.constant 0 : index
    %get3A_14 = arith.constant 0 : index
    %get3A_15 = vector.load %arg5[%get3A_13, %get3A_14] : memref<1x32xf32, #tpu.memory_space<vmem>>, vector<1x32xf32>
    %add3A_16 = vector.broadcast %get3A_15 : vector<1x32xf32> to vector<1000x32xf32>
    %add3A_17 = arith.addf %dot_general3A_12, %add3A_16 : vector<1000x32xf32>
    %tanh3A = math.tanh %add3A_17 : vector<1000x32xf32>
    %mul3A_18 = vector.broadcast %get3A_1 : vector<1000x1xf32> to vector<1000x32xf32>
    %mul3A_19 = arith.mulf %mul3A_18, %tanh3A : vector<1000x32xf32>
    %swap3A = arith.constant 0 : index
    %swap3A_20 = arith.constant 0 : index
    %swap3A_21 = vector.load %arg6[%swap3A, %swap3A_20] : memref<1000x32xf32, #tpu.memory_space<vmem>>, vector<1000x32xf32>
    tpu.vector_store %arg6[%swap3A, %swap3A_20], %mul3A_19 {strides = array<i32>} : memref<1000x32xf32, #tpu.memory_space<vmem>>, vector<1000x32xf32>,
    return
  }
  func.func @transform_0(%arg0: i32) -> (i32, i32) {
    %c0_i32 = arith.constant 0 : i32
    %c0_i32_0 = arith.constant 0 : i32
    return %arg0, %c0_i32 : i32, i32
  }
  func.func @transform_1(%arg0: i32) -> (i32, i32) {
    %c0_i32 = arith.constant 0 : i32
    %c0_i32_0 = arith.constant 0 : i32
    return %arg0, %c0_i32 : i32, i32
  }
  func.func @transform_2(%arg0: i32) -> (i32, i32) {
    %c0_i32 = arith.constant 0 : i32
    %c0_i32_0 = arith.constant 0 : i32
    return %arg0, %c0_i32 : i32, i32
  }
  func.func @transform_3(%arg0: i32) -> (i32, i32) {
    %c0_i32 = arith.constant 0 : i32
    %c0_i32_0 = arith.constant 0 : i32
    %c0_i32_1 = arith.constant 0 : i32
    return %c0_i32, %c0_i32_0 : i32, i32
  }
  func.func @transform_4(%arg0: i32) -> (i32, i32) {
    %c0_i32 = arith.constant 0 : i32
    %c0_i32_0 = arith.constant 0 : i32
    %c0_i32_1 = arith.constant 0 : i32
    return %c0_i32, %c0_i32_0 : i32, i32
  }
  func.func @transform_5(%arg0: i32) -> (i32, i32) {
    %c0_i32 = arith.constant 0 : i32
    %c0_i32_0 = arith.constant 0 : i32
    return %arg0, %c0_i32 : i32, i32
  }
}

module attributes {stable_mosaic.version = 14 : i64} {
  func.func @body(%arg0: i32, %arg1: memref<1000x32xf32, #tpu.memory_space<vmem>>, %arg2: memref<1000x32xf32, #tpu.memory_space<vmem>>, %arg3: memref<1000x8xf32, #tpu.memory_space<vmem>>, %arg4: memref<32x64xf32, #tpu.memory_space<vmem>>, %arg5: memref<1x64xf32, #tpu.memory_space<vmem>>, %arg6: memref<1000x64xf32, #tpu.memory_space<vmem>>) attributes {dimension_semantics = [#tpu.dimension_semantics<arbitrary>], iteration_bounds = array<i64: 10>, scalar_prefetch = 0 : i64, scratch_operands = 0 : i64, tpu.core_type = #tpu.core_type<tc>, window_params = [{transform_indices = @transform_0, window_bounds = array<i64: 1000, 32>}, {transform_indices = @transform_1, window_bounds = array<i64: 1000, 32>}, {transform_indices = @transform_2, window_bounds = array<i64: 1000, 8>}, {pipeline_mode = #tpu.pipeline_mode<synchronous>, transform_indices = @transform_3, window_bounds = array<i64: 32, 64>}, {pipeline_mode = #tpu.pipeline_mode<synchronous>, transform_indices = @transform_4, window_bounds = array<i64: 1, 64>}, {transform_indices = @transform_5, window_bounds = array<i64: 1000, 64>}]} {
    %get3A = arith.constant 0 : index
    %get3A_0 = arith.constant 0 : index
    %get3A_1 = vector.load %arg3[%get3A, %get3A_0] : memref<1000x8xf32, #tpu.memory_space<vmem>>, vector<1000x1xf32>
    %get3A_2 = arith.constant 0 : index
    %get3A_3 = arith.constant 0 : index
    %get3A_4 = vector.load %arg1[%get3A_2, %get3A_3] : memref<1000x32xf32, #tpu.memory_space<vmem>>, vector<1000x32xf32>
    %get3A_5 = arith.constant 0 : index
    %get3A_6 = arith.constant 0 : index
    %get3A_7 = vector.load %arg2[%get3A_5, %get3A_6] : memref<1000x32xf32, #tpu.memory_space<vmem>>, vector<1000x32xf32>
    %add3A = arith.addf %get3A_4, %get3A_7 : vector<1000x32xf32>
    %mul3A = vector.broadcast %get3A_1 : vector<1000x1xf32> to vector<1000x32xf32>
    %mul3A_8 = arith.mulf %mul3A, %add3A : vector<1000x32xf32>
    %get3A_9 = arith.constant 0 : index
    %get3A_10 = arith.constant 0 : index
    %get3A_11 = vector.load %arg4[%get3A_9, %get3A_10] : memref<32x64xf32, #tpu.memory_space<vmem>>, vector<32x64xf32>
    %dot_general3A = arith.constant dense<0.000000e+00> : vector<1000x64xf32>
    %dot_general3A_12 = tpu.matmul %mul3A_8, %get3A_11, %dot_general3A {dimension_numbers = #tpu.dot_dimension_numbers<[1], [0], [0], [1], [0, 0, 1, 1], [], []>, transpose_lhs_hint = false} : vector<1000x32xf32>, vector<32x64xf32>, vector<1000x64xf32> -> vector<1000x64xf32>
    %get3A_13 = arith.constant 0 : index
    %get3A_14 = arith.constant 0 : index
    %get3A_15 = vector.load %arg5[%get3A_13, %get3A_14] : memref<1x64xf32, #tpu.memory_space<vmem>>, vector<1x64xf32>
    %add3A_16 = vector.broadcast %get3A_15 : vector<1x64xf32> to vector<1000x64xf32>
    %add3A_17 = arith.addf %dot_general3A_12, %add3A_16 : vector<1000x64xf32>
    %tanh3A = math.tanh %add3A_17 : vector<1000x64xf32>
    %mul3A_18 = vector.broadcast %get3A_1 : vector<1000x1xf32> to vector<1000x64xf32>
    %mul3A_19 = arith.mulf %mul3A_18, %tanh3A : vector<1000x64xf32>
    %swap3A = arith.constant 0 : index
    %swap3A_20 = arith.constant 0 : index
    %swap3A_21 = vector.load %arg6[%swap3A, %swap3A_20] : memref<1000x64xf32, #tpu.memory_space<vmem>>, vector<1000x64xf32>
    tpu.vector_store %arg6[%swap3A, %swap3A_20], %mul3A_19 {strides = array<i32>} : memref<1000x64xf32, #tpu.memory_space<vmem>>, vector<1000x64xf32>,
    return
  }
  func.func @transform_0(%arg0: i32) -> (i32, i32) {
    %c0_i32 = arith.constant 0 : i32
    %c0_i32_0 = arith.constant 0 : i32
    return %arg0, %c0_i32 : i32, i32
  }
  func.func @transform_1(%arg0: i32) -> (i32, i32) {
    %c0_i32 = arith.constant 0 : i32
    %c0_i32_0 = arith.constant 0 : i32
    return %arg0, %c0_i32 : i32, i32
  }
  func.func @transform_2(%arg0: i32) -> (i32, i32) {
    %c0_i32 = arith.constant 0 : i32
    %c0_i32_0 = arith.constant 0 : i32
    return %arg0, %c0_i32 : i32, i32
  }
  func.func @transform_3(%arg0: i32) -> (i32, i32) {
    %c0_i32 = arith.constant 0 : i32
    %c0_i32_0 = arith.constant 0 : i32
    %c0_i32_1 = arith.constant 0 : i32
    return %c0_i32, %c0_i32_0 : i32, i32
  }
  func.func @transform_4(%arg0: i32) -> (i32, i32) {
    %c0_i32 = arith.constant 0 : i32
    %c0_i32_0 = arith.constant 0 : i32
    %c0_i32_1 = arith.constant 0 : i32
    return %c0_i32, %c0_i32_0 : i32, i32
  }
  func.func @transform_5(%arg0: i32) -> (i32, i32) {
    %c0_i32 = arith.constant 0 : i32
    %c0_i32_0 = arith.constant 0 : i32
    return %arg0, %c0_i32 : i32, i32
  }
}

module attributes {stable_mosaic.version = 14 : i64} {
  func.func @body(%arg0: memref<128x64xf32, #tpu.memory_space<vmem>>, %arg1: memref<128x64xf32, #tpu.memory_space<vmem>>, %arg2: memref<128x16xf32, #tpu.memory_space<vmem>>, %arg3: memref<128x16xf32, #tpu.memory_space<vmem>>, %arg4: memref<64x128xf32, #tpu.memory_space<vmem>>, %arg5: memref<1x128xf32, #tpu.memory_space<vmem>>, %arg6: memref<128x16xf32, #tpu.memory_space<vmem>>, %arg7: memref<1x16xf32, #tpu.memory_space<vmem>>, %arg8: memref<64x16xf32, #tpu.memory_space<vmem>>) attributes {dimension_semantics = [], scalar_prefetch = 0 : i64, scratch_operands = 0 : i64, tpu.core_type = #tpu.core_type<tc>} {
    %get3A = arith.constant 0 : index
    %get3A_0 = arith.constant 0 : index
    %get3A_1 = vector.load %arg0[%get3A, %get3A_0] : memref<128x64xf32, #tpu.memory_space<vmem>>, vector<64x64xf32>
    %get3A_2 = arith.constant 0 : index
    %get3A_3 = arith.constant 0 : index
    %get3A_4 = vector.load %arg1[%get3A_2, %get3A_3] : memref<128x64xf32, #tpu.memory_space<vmem>>, vector<64x64xf32>
    %add3A = arith.addf %get3A_1, %get3A_4 : vector<64x64xf32>
    %get3A_5 = arith.constant 0 : index
    %get3A_6 = arith.constant 0 : index
    %get3A_7 = vector.load %arg2[%get3A_5, %get3A_6] : memref<128x16xf32, #tpu.memory_space<vmem>>, vector<64x1xf32>
    %get3A_8 = arith.constant 0 : index
    %get3A_9 = arith.constant 0 : index
    %get3A_10 = vector.load %arg3[%get3A_8, %get3A_9] : memref<128x16xf32, #tpu.memory_space<vmem>>, vector<64x1xf32>
    %add3A_11 = arith.addf %get3A_7, %get3A_10 : vector<64x1xf32>
    %max3A = arith.constant 1.000000e+00 : f32
    %max3A_12 = vector.broadcast %max3A : f32 to vector<64x1xf32>
    %max3A_13 = arith.maximumf %add3A_11, %max3A_12 : vector<64x1xf32>
    %div3A = vector.broadcast %max3A_13 : vector<64x1xf32> to vector<64x64xf32>
    %div3A_14 = arith.divf %add3A, %div3A : vector<64x64xf32>
    %get3A_15 = arith.constant 0 : index
    %get3A_16 = arith.constant 0 : index
    %get3A_17 = vector.load %arg4[%get3A_15, %get3A_16] : memref<64x128xf32, #tpu.memory_space<vmem>>, vector<64x128xf32>
    %dot_general3A = arith.constant dense<0.000000e+00> : vector<64x128xf32>
    %dot_general3A_18 = tpu.matmul %div3A_14, %get3A_17, %dot_general3A {dimension_numbers = #tpu.dot_dimension_numbers<[1], [0], [0], [1], [0, 0, 1, 1], [], []>, transpose_lhs_hint = false} : vector<64x64xf32>, vector<64x128xf32>, vector<64x128xf32> -> vector<64x128xf32>
    %div3A_19 = arith.divf %add3A_11, %max3A_13 : vector<64x1xf32>
    %get3A_20 = arith.constant 0 : index
    %get3A_21 = arith.constant 0 : index
    %get3A_22 = vector.load %arg5[%get3A_20, %get3A_21] : memref<1x128xf32, #tpu.memory_space<vmem>>, vector<1x128xf32>
    %mul3A = vector.broadcast %div3A_19 : vector<64x1xf32> to vector<64x128xf32>
    %mul3A_23 = vector.broadcast %get3A_22 : vector<1x128xf32> to vector<64x128xf32>
    %mul3A_24 = arith.mulf %mul3A, %mul3A_23 : vector<64x128xf32>
    %add3A_25 = arith.addf %dot_general3A_18, %mul3A_24 : vector<64x128xf32>
    %get3A_26 = arith.constant 0 : index
    %get3A_27 = arith.constant 0 : index
    %get3A_28 = vector.load %arg6[%get3A_26, %get3A_27] : memref<128x16xf32, #tpu.memory_space<vmem>>, vector<128x16xf32>
    %dot_general3A_29 = arith.constant dense<0.000000e+00> : vector<64x16xf32>
    %dot_general3A_30 = tpu.matmul %add3A_25, %get3A_28, %dot_general3A_29 {dimension_numbers = #tpu.dot_dimension_numbers<[1], [0], [0], [1], [0, 0, 1, 1], [], []>, transpose_lhs_hint = false} : vector<64x128xf32>, vector<128x16xf32>, vector<64x16xf32> -> vector<64x16xf32>
    %get3A_31 = arith.constant 0 : index
    %get3A_32 = arith.constant 0 : index
    %get3A_33 = vector.load %arg7[%get3A_31, %get3A_32] : memref<1x16xf32, #tpu.memory_space<vmem>>, vector<1x16xf32>
    %add3A_34 = vector.broadcast %get3A_33 : vector<1x16xf32> to vector<64x16xf32>
    %add3A_35 = arith.addf %dot_general3A_30, %add3A_34 : vector<64x16xf32>
    %swap3A = arith.constant 0 : index
    %swap3A_36 = arith.constant 0 : index
    %swap3A_37 = vector.load %arg8[%swap3A, %swap3A_36] : memref<64x16xf32, #tpu.memory_space<vmem>>, vector<64x16xf32>
    tpu.vector_store %arg8[%swap3A, %swap3A_36], %add3A_35 {strides = array<i32>} : memref<64x16xf32, #tpu.memory_space<vmem>>, vector<64x16xf32>,
    return
  }
}

</mosaic_0001>

<sc_bundles>
// kernel: kernel.13.cloned.1.call-start
scs
__scs_entry_jumppad:
0x0: {  	(pc) =	sbr.rel $0x88, $3  }
0x1: {  	(tag) =	ssettag $0x0;
	lr =	simm.s32 $0x1  }
0x2: {  	[smem:$0x3F94] =	sst lr;
	_ =	strace $0xD0000000  }
0x3: {  	_ = 	snop  }
0x4: {  	_ = 	snop  }
0x5: {  	_ = 	snop  }
0x6: {  	_ = 	snop  }
0x7: {  	_ = 	snop  }
__scs_overlays_trampoline_lowered:
0x8: {  	[smem:$0x3FA3] =	sst s0  }
0x9: {  	[smem:$0x3FA4] =	sst s1  }
0xa: {  	[smem:$0x3FA5] =	sst s2  }
0xb: {  	[smem:$0x3FA6] =	sst s3  }
0xc: {  	[smem:$0x3FA7] =	sst s4  }
0xd: {  	[smem:$0x3FA8] =	sst s5  }
0xe: {  	[smem:$0x3FA9] =	sst s6  }
0xf: {  	[smem:$0x3FAA] =	sst s7  }
0x10: {  	[smem:$0x3FAB] =	sst s8  }
0x11: {  	[smem:$0x3FAC] =	sst s9;
	s0 =	simm.s32 @!p0 $0x0  }
0x12: {  	s1 =	sld [smem:$0x3F92];
	s0 =	simm.s32 @p0 $0x1  }
0x13: {  	[smem:$0x3FAD] =	sst s0;
	s0 =	simm.s32 @!p1 $0x0  }
0x14: {  	s2 =	sld [smem:$0x3F91];
	s0 =	simm.s32 @p1 $0x1  }
0x15: {  	[smem:$0x3FAE] =	sst s0;
	s0 =	simm.s32 @!p2 $0x0  }
0x16: {  	s3 =	sld [smem:$0x3FDB];
	s0 =	simm.s32 @p2 $0x1  }
0x17: {  	s4 =	simm.s32 $0x1BF5;
	[smem:$0x3FB0] =	sst s0  }
0x18: {  	s0 =	sld [smem:$0x3F93];
	_ =	swait.ge [sflag:s4], $0x0  }
0x19: {  	s7 =	sld [smem:$0x3F94]  }
0x1a: {  	s8 =	sadd.s32 $0xFFFFE003, lr  }
0x1b: {  	s9 =	sadd.s32 $0xFFFFFEF7, lr;
	s5 =	simm.s32 $0xFFFFFFFF;
	p2 =	slt.u32 s8, $0xFFFFF086  }
0x1c: {  	p1 =	slt.u32 s9, $0xF7A;
	s5 =	simm.s32 @!p2 $0x0  }
0x1d: {  	s5 =	simm.s32 @p1 $0x1;
	p0 =	seq.s32 s7, s2  }
0x1e: {  	s7 =	smul.u32 @!p0 $0xF7A, s2;
	p2 =	seq.s32 @!p0 s5, $0x0  }
0x1f: {  	s9 =	smul.u32 $0xF7A, s1;
	s8 =	simm.s32 @!p0 $0x1BF5;
	p2 =	por !p2, p0  }
0x20: {  	[sflag:s8] =	ssyncset.s32 @!p0 $0xFFFFF086;
	s6 =	sadd.s32 @!p0 s3, s7;
	s7 =	simm.s32 @!p0 $0x108  }
0x21: {  	s3 =	sadd.s32 s3, s9;
	s6 =	sadd.s32 @!p0 $0x88, s6;
	s7 =	simm.s32 @p2 $0x1082  }
0x22: {  	[simem:s7], [sflag:s8] =	dma.local @!p0 [hbm:s6], $0xF7A  }
0x23: {  	s9 =	sor.u32 $0xD0000000, s2;
	s6 =	simm.s32 $0x108;
	_ =	swait.ge @!p0 [sflag:s8], $0x0  }
0x24: {  	s3 =	sadd.s32 $0x88, s3;
	s6 =	simm.s32 @!p1 $0x1082;
	[sflag:s4] =	ssyncset.s32 $0xFFFFF086  }
0x25: {  	[simem:s6], [sflag:s4] =	dma.local [hbm:s3], $0xF7A  }
0x26: {  	[smem:$0x3F94] =	sst s1;
	(tag) =	ssettag s2;
	_ =	strace s9  }
0x27: {  	s1 =	sld [smem:$0x3FA4]  }
0x28: {  	s2 =	sld [smem:$0x3FA5]  }
0x29: {  	s4 =	sld [smem:$0x3FA7]  }
0x2a: {  	p0 =	seq.s32 s5, $0x0;
	s5 =	sld [smem:$0x3FA8]  }
0x2b: {  	s6 =	sld [smem:$0x3FA9]  }
0x2c: {  	s7 =	sld [smem:$0x3FAA]  }
0x2d: {  	s3 =	simm.s32 $0x108;
	s8 =	sld [smem:$0x3FAB]  }
0x2e: {  	s3 =	simm.s32 @!p0 $0x1082;
	s9 =	sld [smem:$0x3FAC]  }
0x2f: {  	lr =	sadd.s32 s0, s3;
	s0 =	sld [smem:$0x3FA3]  }
0x30: {  	s3 =	sld [smem:$0x3FA6]  }
0x31: {  	[smem:$0x3FAF] =	sst s10  }
0x32: {  	s10 =	sld [smem:$0x3FAD];
	_ =	sdelay $0x3  }
0x33: {  	p0 =	seq.s32 s10, $0x1;
	s10 =	sld [smem:$0x3FAF];
	_ =	sdelay $0x3  }
0x34: {  	[smem:$0x3FAF] =	sst s10  }
0x35: {  	s10 =	sld [smem:$0x3FAE];
	_ =	sdelay $0x3  }
0x36: {  	p1 =	seq.s32 s10, $0x1;
	s10 =	sld [smem:$0x3FAF];
	_ =	sdelay $0x3  }
0x37: {  	[smem:$0x3FAF] =	sst s10  }
0x38: {  	s10 =	sld [smem:$0x3FB0]  }
0x39: {  	_ = 	snop;
	(pc) =	sbr.ind lr, $3  }
0x3a: {  	_ = 	snop  }
0x3b: {  	_ = 	snop  }
0x3c: {  	p2 =	seq.s32 s10, $0x1;
	s10 =	sld [smem:$0x3FAF]  }
0x3d: {  	_ =	shalt  }
0x3e: {  	_ =	shalt  }
0x3f: {  	_ =	shalt  }
0x40: {  	_ =	shalt  }
0x41: {  	_ =	shalt  }
0x42: {  	_ =	shalt  }
0x43: {  	_ =	shalt  }
0x44: {  	_ =	shalt  }
0x45: {  	_ =	shalt  }
0x46: {  	_ =	shalt  }
0x47: {  	_ =	shalt  }
0x48: {  	_ =	shalt  }
0x49: {  	_ =	shalt  }
0x4a: {  	_ =	shalt  }
0x4b: {  	_ =	shalt  }
0x4c: {  	_ =	shalt  }
0x4d: {  	_ =	shalt  }
0x4e: {  	_ =	shalt  }
0x4f: {  	_ =	shalt  }
0x50: {  	_ =	shalt  }
0x51: {  	_ =	shalt  }
0x52: {  	_ =	shalt  }
0x53: {  	_ =	shalt  }
0x54: {  	_ =	shalt  }
0x55: {  	_ =	shalt  }
0x56: {  	_ =	shalt  }
0x57: {  	_ =	shalt  }
0x58: {  	_ =	shalt  }
0x59: {  	_ =	shalt  }
0x5a: {  	_ =	shalt  }
0x5b: {  	_ =	shalt  }
0x5c: {  	_ =	shalt  }
0x5d: {  	_ =	shalt  }
0x5e: {  	_ =	shalt  }
0x5f: {  	_ =	shalt  }
0x60: {  	_ =	shalt  }
0x61: {  	_ =	shalt  }
0x62: {  	_ =	shalt  }
0x63: {  	_ =	shalt  }
0x64: {  	_ =	shalt  }
0x65: {  	_ =	shalt  }
0x66: {  	_ =	shalt  }
0x67: {  	_ =	shalt  }
0x68: {  	_ =	shalt  }
0x69: {  	_ =	shalt  }
0x6a: {  	_ =	shalt  }
0x6b: {  	_ =	shalt  }
0x6c: {  	_ =	shalt  }
0x6d: {  	_ =	shalt  }
0x6e: {  	_ =	shalt  }
0x6f: {  	_ =	shalt  }
0x70: {  	_ =	shalt  }
0x71: {  	_ =	shalt  }
0x72: {  	_ =	shalt  }
0x73: {  	_ =	shalt  }
0x74: {  	_ =	shalt  }
0x75: {  	_ =	shalt  }
0x76: {  	_ =	shalt  }
0x77: {  	_ =	shalt  }
0x78: {  	_ =	shalt  }
0x79: {  	_ =	shalt  }
0x7a: {  	_ =	shalt  }
0x7b: {  	_ =	shalt  }
0x7c: {  	_ =	shalt  }
0x7d: {  	_ =	shalt  }
0x7e: {  	_ =	shalt  }
0x7f: {  	_ =	shalt  }
0x80: {  	_ =	shalt  }
0x81: {  	_ =	shalt  }
0x82: {  	_ =	shalt  }
0x83: {  	_ =	shalt  }
0x84: {  	_ =	shalt  }
0x85: {  	_ =	shalt  }
0x86: {  	_ =	shalt  }
0x87: {  	_ =	shalt  }
.Lfunc_end0:
.L_simem_size_0:
called_computation_lowered:
.L_overlay_start_0:
0x88: {  	s2 =	sld [smem:$0x3FD9]  }
0x89: {  	s3 =	sld [smem:$0x3FFE];
	_ =	sdelay $0x1  }
0x8a: {  	s1 =	srdreg.scid  }
0x8b: {  	s0 =	sand.u32 $0x1, s1  }
0x8c: {  	s17 =	sshll.u32 s0, $0xA;
	s2 =	sadd.s32 s3, s2  }
0x8d: {  	s2 =	sadd.s32 s2, s17  }
0x8e: {  	[smem:$0x3FBB] =	sst s2  }
0x8f: {  	_ = 	snop  }
0x90: {  	s2 =	sld [smem:$0x3FD0];
	(tm) =	ssettm $0x1  }
0x91: {  	s18 =	sld [smem:$0x3FFB];
	_ =	sdelay $0x3  }
0x92: {  	_ =	strace s18  }
0x93: {  	s3 =	sld [smem:$0x3FFC];
	_ =	sdelay $0x3  }
0x94: {  	_ =	strace s3  }
0x95: {  	s3 =	sld [smem:$0x3FFD];
	_ =	sdelay $0x3  }
0x96: {  	_ =	strace s3  }
0x97: {  	_ =	strace $0x8FFFFFFF  }
0x98: {  	s19 =	sld [smem:$0x3FDB];
	_ =	sdelay $0x1  }
0x99: {  	s4 =	simm.s32 $_scs_section_size  }
0x9a: {  	s5 =	simm.s32 $_size__tile_overlayer_lowered;
	s6 =	simm.s32 $_tile_overlayer_lowered  }
0x9b: {  	s22 =	simm.s32 $0x1BFF;
	s21 =	sshll.u32 s6, $0x1;
	s3 =	sadd.s32 s4, s19  }
0x9c: {  	s7 =	simm.s32 $0x0;
	s20 =	sshll.u32 s5, $0x1;
	s5 =	sadd.s32 s21, s3  }
0x9d: {  	[timem:s7], [sflag:s22] =	dma.local [hbm:s5], s20  }
0x9e: {  	_ =	swait.ge [sflag:s22], s20  }
0x9f: {  	s4 =	ssub.s32 $0x0, s20;
	[sflag:s22] =	ssyncset.done $0x0  }
0xa0: {  	[sflag:s22] =	ssyncadd.s32 s4;
	_ =	sdelay $0x1  }
0xa1: {  	s23 =	simm.s32 $0x1B8B  }
0xa2: {  	_ =	swait.ge [sflag:s23], $0x1  }
0xa3: {  	[sflag:s23] =	ssyncset.done $0x0  }
0xa4: {  	s25 =	simm.s32 $0x1B8E;
	s24 =	sld [smem:$0x3FFE];
	[sflag:s23] =	ssyncadd.s32 $0xFFFFFFFF  }
0xa5: {  	s26 =	simm.s32 $execute0_lowered;
	[smem:$0x3FD2] =	sst s25  }
0xa6: {  	s5 =	sshll.u32 s26, $0x1;
	_ =	strace $0x80000046;
	[dreg:$0x1] =	wrdreg $0xFFFFFFFF  }
0xa7: {  	s28 =	simm.s32 $_size_execute0_lowered;
	s3 =	sadd.s32 s3, s5;
	[dreg:$0x0] =	wrdreg $0x0  }
0xa8: {  	s5 =	sshll.u32 s28, $0x1;
	[dreg:$0x2] =	wrdreg s3  }
0xa9: {  	[dreg:$0x3] =	wrdreg s5  }
0xaa: {  	[dreg:$0x4] =	wrdreg $0xC0  }
0xab: {  	_ =	task [dreg:s7], $0x5FFFF  }
0xac: {  	[dreg:$0x1] =	wrdreg $0xFFFFFFFF  }
0xad: {  	[dreg:$0x0] =	wrdreg $0x60  }
0xae: {  	[dreg:$0x2] =	wrdreg s24  }
0xaf: {  	[dreg:$0x3] =	wrdreg s2  }
0xb0: {  	[dreg:$0x4] =	wrdreg $0x0  }
0xb1: {  	[dreg:$0x5] =	wrdreg $0x28000  }
0xb2: {  	[dreg:$0x6] =	wrdreg $0x9  }
0xb3: {  	_ =	task.clear_ibuf [dreg:s7], $0x7FFFF;
	_ =	strace $0x90000046  }
0xb4: {  	s29 =	simm.s32 $0x9;
	_ =	strace $0x80000048  }
0xb5: {  	_ =	swait.ge [sflag:s29], $0x1  }
0xb6: {  	[sflag:s29] =	ssyncadd.s32 $0xFFFFFFFF  }
0xb7: {  	_ =	strace $0x90000048  }
0xb8: {  	_ =	sfence  }
0xb9: {  	s30 =	sld [smem:$0x0];
	_ =	sdelay $0x2  }
0xba: {  	s31 =	sshll.u32 s1, $0xD;
	s1 =	sshrl.u32 s1, $0x2  }
0xbb: {  	s3 =	sand.u32 $0x4000, s31;
	s1 =	sadd.s32 s1, s30  }
0xbc: {  	s0 =	sor.u32 s3, s0;
	s1 =	sshll.u32 s1, $0x11  }
0xbd: {  	s0 =	sor.u32 s1, s0  }
0xbe: {  	s0 =	sadd.s32 $0x8F2B, s0  }
0xbf: {  	[sflag:s0] =	ssyncadd.remote.s32 $0x1  }
0xc0: {  	_ =	sfence.sel $0xFFFF  }
0xc1: {  	[dreg:$0x0] =	wrdreg $0xFFFFFFFF;
	(pc) =	sbr.abs _section_cstart, $3  }
0xc2: {  	[dreg:$0x1] =	wrdreg $0xFFFFFFFF  }
0xc3: {  	_ =	task.clear_ibuf [dreg:s7], $0x2FFFF;
	_ =	strace $0x9FFFFFFF  }
0xc4: {  	(tm) =	ssettm $0x7FFFFFFF  }
0xc5: {  	_ =	shalt  }
tec
execute0_lowered:
.L_overlay_start_1:
0x0: {  	(tag) =	ssettag $0x1  }
0x1: {  	s8 =	rddreg [dreg:$0x0]  }
0x2: {  	s1 =	rddreg [dreg:$0x1]  }
0x3: {  	s0 =	srdreg.scid;
	s3 =	rddreg [dreg:$0x2]  }
0x4: {  	s4 =	rddreg [dreg:$0x3];
	s5 =	simm.s32 $0x0;
	s21 =	simm.s32 $0x5100  }
0x5: {  	s22 =	simm.s32 $0x5180;
	s23 =	simm.s32 $0x0;
	s10 =	sand.u32 $0x1, s0  }
0x6: {  	s0 =	stileid.u32;
	[smem:$0x7FF] =	sst s5;
	s12 =	sadd.s32 $0x14E00, s8  }
0x7: {  	s13 =	sadd.s32 $0xFE00, s8;
	s15 =	sadd.s32 $0x1A000, s8;
	s18 =	sadd.s32 $0x19E00, s8  }
0x8: {  	s2 =	sshll.u32 s10, $0x4;
	s14 =	ssub.s32 $0x2, s10;
	s17 =	smul.u32 $0x2800, s0  }
0x9: {  	s28 =	sshll.u32 s0, $0x7;
	p0 =	seq.s32 s10, $0x1;
	s30 =	sshll.u32 s0, $0x4  }
0xa: {  	s31 =	sshll.u32 s0, $0x6;
	s6 =	sor.u32 s0, s2;
	s2 =	rddreg [dreg:$0x4]  }
0xb: {  	_ =	strace $0x80000047;
	s16 =	sshrl.u32 s14, $0x1;
	s20 =	sadd.s32 s28, s4  }
0xc: {  	s12 =	smov.u32 @p0 s13;
	s15 =	smov.u32 @p0 s18;
	s7 =	smul.u32 $0x500, s6  }
0xd: {  	s13 =	simm.s32 $0x2880;
	s6 =	smul.u32 $0x30, s6;
	s14 =	ssub.s32 s14, s16  }
0xe: {  	s19 =	sadd.s32 s17, s3;
	s29 =	sshrl.u32 s17, $0x3;
	s16 =	sor.u32 $0x1C01, s31  }
0xf: {  	s18 =	sshrl.u32 s20, $0x3;
	s20 =	simm.s32 $0x80;
	s10 =	smax.u32 s14, $0x1  }
0x10: {  	s14 =	simm.s32 $0x1;
	s17 =	sshrl.u32 s19, $0x3;
	s19 =	simm.s32 $0x5200  }
0x11: {  	s9 =	sadd.s32 s7, s8;
	s11 =	sadd.s32 s6, s8;
	s6 =	sadd.s32 $0xF600, s8  }
0x12: {  	s7 =	sadd.s32 $0xFC00, s8;
	s8 =	sadd.s32 $0x5000, s9;
	s9 =	sadd.s32 $0xF000, s11  }
0x13: {  	s11 =	sadd.s32 s12, s29;
	s12 =	sadd.s32 s15, s30;
	s15 =	simm.s32 $0x5080  }
.LBB2_1:
0x14: {  	[tilespmem:s13], [sflag:$0x1] =	stream.linear.gather [hbm4b:s8+s5], $0x2800, $0x38;
	[tilespmem:$0x5A00] =	vst v63  }
0x15: {  	_ =	swait.ge [sflag:s14], $0x2800  }
0x16: {  	[sflag:s14] =	ssyncset.done $0x0  }
0x17: {  	[sflag:s14] =	ssyncadd.s32 $0xFFFFD800  }
0x18: {  	[tilespmem:s15], [sflag:$0x1] =	stream.linear.gather [hbm4b:s9+s5], $0x180, $0x38;
	[tilespmem:$0x5A00] =	vst v63  }
0x19: {  	_ =	swait.ge [sflag:s14], $0x180  }
0x1a: {  	[sflag:s14] =	ssyncset.done $0x0  }
0x1b: {  	[sflag:s14] =	ssyncadd.s32 $0xFFFFFE80  }
0x1c: {  	[spmem:s17], [sflag:s16] =	dma.local [hbm:s6], $0x500  }
0x1d: {  	_ =	swait.ge [sflag:s14], $0x500  }
0x1e: {  	[sflag:s14] =	ssyncset.done $0x0  }
0x1f: {  	[sflag:s14] =	ssyncadd.s32 $0xFFFFFB00  }
0x20: {  	[spmem:s18], [sflag:s16] =	dma.local [hbm:s7], $0x10  }
0x21: {  	_ =	swait.ge [sflag:s14], $0x10  }
0x22: {  	[sflag:s14] =	ssyncset.done $0x0  }
0x23: {  	[sflag:s14] =	ssyncadd.s32 $0xFFFFFFF0  }
0x24: {  	[tilespmem:s19], [sflag:$0x1] =	stream.linear.gather [hbm4b:s1+s5], $0x800, $0x38;
	[tilespmem:$0x5A00] =	vst v63  }
0x25: {  	_ =	swait.ge [sflag:s14], $0x800  }
0x26: {  	[sflag:s14] =	ssyncset.done $0x0  }
0x27: {  	[sflag:s14] =	ssyncadd.s32 $0xFFFFF800  }
0x28: {  	s24 =	simm.s32 $0x2880;
	[bflag:$0x0] =	sbarrier.arrive $0xFFFF  }
0x29: {  	[spmem:s3] =	stream.indirect.scatter.add.f32 [tilespmem:s19], [sflag:$0x1], $0x10, s24, s20, $0xb8;
	[tilespmem:$0x5A00] =	vst v63  }
0x2a: {  	s24 =	simm.s32 $0x200;
	_ =	swait.ge [sflag:s14], $0x800  }
.LBB2_2:
0x2b: {  	s25 =	sshra.s32 s24, $0x2;
	[sflag:s14] =	ssyncset.done $0x0;
	p0 =	sne.s32 s24, $0x9E00  }
.Ltmp0:
0x2c: {  	s25 =	sadd.s32 $0x2880, s25;
	[sflag:s14] =	ssyncadd.s32 $0xFFFFF800;
	(pc) =	sbr.rel @p0 .LBB2_2-.Ltmp0, $3  }
0x2d: {  	[spmem:s3] =	stream.indirect.scatter.add.f32 [tilespmem:s19], [sflag:$0x1], $0x10, s25, s20, $0xb8;
	[tilespmem:$0x5A00] =	vst v63  }
0x2e: {  	s24 =	sadd.s32 $0x200, s24;
	_ =	sdelay $0x1  }
0x2f: {  	_ =	swait.ge [sflag:s14], $0x800  }
0x30: {  	[sflag:s14] =	ssyncset.done $0x0  }
0x31: {  	[sflag:s14] =	ssyncadd.s32 $0xFFFFF800  }
0x32: {  	[spmem:s4] =	stream.indirect.scatter.add.f32 [tilespmem:s19], [sflag:$0x1], $0x10, s15, s20, $0xb8;
	[tilespmem:$0x5A00] =	vst v63  }
0x33: {  	_ =	swait.ge [sflag:s14], $0x800  }
0x34: {  	[sflag:s14] =	ssyncset.done $0x0  }
0x35: {  	[sflag:s14] =	ssyncadd.s32 $0xFFFFF800  }
0x36: {  	[spmem:s4] =	stream.indirect.scatter.add.f32 [tilespmem:s19], [sflag:$0x1], $0x10, s21, s20, $0xb8;
	[tilespmem:$0x5A00] =	vst v63  }
0x37: {  	_ =	swait.ge [sflag:s14], $0x800  }
0x38: {  	[sflag:s14] =	ssyncset.done $0x0  }
0x39: {  	[sflag:s14] =	ssyncadd.s32 $0xFFFFF800  }
0x3a: {  	[spmem:s4] =	stream.indirect.scatter.add.f32 [tilespmem:s19], [sflag:$0x1], $0x10, s22, s20, $0xb8;
	[tilespmem:$0x5A00] =	vst v63  }
0x3b: {  	_ =	swait.ge [sflag:s14], $0x800  }
0x3c: {  	[sflag:s14] =	ssyncset.done $0x0  }
0x3d: {  	[sflag:s14] =	ssyncadd.s32 $0xFFFFF800  }
0x3e: {  	[bflag:$0x0] =	sbarrier.arrive $0xFFFF  }
0x3f: {  	[hbm:s11], [sflag:s16] =	dma.local [spmem:s17], $0x500  }
0x40: {  	s23 =	sadd.s32 $0x1, s23;
	_ =	swait.ge [sflag:s14], $0x500  }
0x41: {  	p0 =	sne.s32 s23, s10;
	[sflag:s14] =	ssyncset.done $0x0  }
.Ltmp1:
0x42: {  	[sflag:s14] =	ssyncadd.s32 $0xFFFFFB00;
	(pc) =	sbr.rel @p0 .LBB2_1-.Ltmp1, $4  }
0x43: {  	[hbm:s12], [sflag:s16] =	dma.local [spmem:s18], $0x10  }
0x44: {  	_ =	swait.ge [sflag:s14], $0x10  }
0x45: {  	[sflag:s14] =	ssyncset.done $0x0  }
0x46: {  	[sflag:s14] =	ssyncadd.s32 $0xFFFFFFF0  }
0x47: {  	_ =	sfence.sel $0x180000  }
0x48: {  	[bflag:$0x0] =	sbarrier.arrive $0xFFFF  }
0x49: {  	p0 =	sne.s32 s0, $0x0;
	_ =	strace $0x90000047  }
0x4a: {  	s0 =	sadd.s32 @!p0 $0x100000, s2;
	[bflag:$0x2] =	sbarrier.arrive $0xFFFF  }
0x4b: {  	[sflag:s0] =	ssyncadd.tile.s32 @!p0 $0x1;
	_ =	shalt  }
.Lfunc_end2:
_tile_overlayer_lowered:
.L_overlay_start_2:
0x4c: {  	(tag) =	ssettag $0x2  }
0x4d: {  	s0 =	rddreg [dreg:$0x0];
	s2 =	stileid.u32  }
0x4e: {  	s1 =	rddreg [dreg:$0x1];
	p0 =	sne.s32 s2, $0x0  }
0x4f: {  	s3 =	rddreg [dreg:$0x2];
	[bflag:$0x3] =	sbarrier.arrive $0xFFFF;
	s2 =	simm.s32 @!p0 $0x1C01  }
0x50: {  	[timem:s3], [sflag:s2] =	dma.local @!p0 [hbm:s0], s1  }
0x51: {  	s0 =	simm.s32 @!p0 $0x1  }
0x52: {  	_ =	swait.ge @!p0 [sflag:s0], s1  }
0x53: {  	s1 =	ssub.s32 @!p0 $0x0, s1;
	[sflag:s0] =	ssyncset.done @!p0 $0x0  }
0x54: {  	[sflag:s0] =	ssyncadd.s32 @!p0 s1  }
0x55: {  	[bflag:$0x3] =	sbarrier.arrive $0xFFFF  }
0x56: {  	_ =	shalt  }

// kernel: kernel.16.cloned.1.call-start
scs
__scs_entry_jumppad:
0x0: {  	(pc) =	sbr.rel $0x88, $3  }
0x1: {  	(tag) =	ssettag $0x0;
	lr =	simm.s32 $0x1  }
0x2: {  	[smem:$0x3F94] =	sst lr;
	_ =	strace $0xD0000000  }
0x3: {  	_ = 	snop  }
0x4: {  	_ = 	snop  }
0x5: {  	_ = 	snop  }
0x6: {  	_ = 	snop  }
0x7: {  	_ = 	snop  }
__scs_overlays_trampoline_lowered:
0x8: {  	[smem:$0x3FA3] =	sst s0  }
0x9: {  	[smem:$0x3FA4] =	sst s1  }
0xa: {  	[smem:$0x3FA5] =	sst s2  }
0xb: {  	[smem:$0x3FA6] =	sst s3  }
0xc: {  	[smem:$0x3FA7] =	sst s4  }
0xd: {  	[smem:$0x3FA8] =	sst s5  }
0xe: {  	[smem:$0x3FA9] =	sst s6  }
0xf: {  	[smem:$0x3FAA] =	sst s7  }
0x10: {  	[smem:$0x3FAB] =	sst s8  }
0x11: {  	[smem:$0x3FAC] =	sst s9;
	s0 =	simm.s32 @!p0 $0x0  }
0x12: {  	s1 =	sld [smem:$0x3F92];
	s0 =	simm.s32 @p0 $0x1  }
0x13: {  	[smem:$0x3FAD] =	sst s0;
	s0 =	simm.s32 @!p1 $0x0  }
0x14: {  	s2 =	sld [smem:$0x3F91];
	s0 =	simm.s32 @p1 $0x1  }
0x15: {  	[smem:$0x3FAE] =	sst s0;
	s0 =	simm.s32 @!p2 $0x0  }
0x16: {  	s3 =	sld [smem:$0x3FDB];
	s0 =	simm.s32 @p2 $0x1  }
0x17: {  	s4 =	simm.s32 $0x1BF5;
	[smem:$0x3FB0] =	sst s0  }
0x18: {  	s0 =	sld [smem:$0x3F93];
	_ =	swait.ge [sflag:s4], $0x0  }
0x19: {  	s7 =	sld [smem:$0x3F94]  }
0x1a: {  	s8 =	sadd.s32 $0xFFFFE003, lr  }
0x1b: {  	s9 =	sadd.s32 $0xFFFFFEF7, lr;
	s5 =	simm.s32 $0xFFFFFFFF;
	p2 =	slt.u32 s8, $0xFFFFF086  }
0x1c: {  	p1 =	slt.u32 s9, $0xF7A;
	s5 =	simm.s32 @!p2 $0x0  }
0x1d: {  	s5 =	simm.s32 @p1 $0x1;
	p0 =	seq.s32 s7, s2  }
0x1e: {  	s7 =	smul.u32 @!p0 $0xF7A, s2;
	p2 =	seq.s32 @!p0 s5, $0x0  }
0x1f: {  	s9 =	smul.u32 $0xF7A, s1;
	s8 =	simm.s32 @!p0 $0x1BF5;
	p2 =	por !p2, p0  }
0x20: {  	[sflag:s8] =	ssyncset.s32 @!p0 $0xFFFFF086;
	s6 =	sadd.s32 @!p0 s3, s7;
	s7 =	simm.s32 @!p0 $0x108  }
0x21: {  	s3 =	sadd.s32 s3, s9;
	s6 =	sadd.s32 @!p0 $0x88, s6;
	s7 =	simm.s32 @p2 $0x1082  }
0x22: {  	[simem:s7], [sflag:s8] =	dma.local @!p0 [hbm:s6], $0xF7A  }
0x23: {  	s9 =	sor.u32 $0xD0000000, s2;
	s6 =	simm.s32 $0x108;
	_ =	swait.ge @!p0 [sflag:s8], $0x0  }
0x24: {  	s3 =	sadd.s32 $0x88, s3;
	s6 =	simm.s32 @!p1 $0x1082;
	[sflag:s4] =	ssyncset.s32 $0xFFFFF086  }
0x25: {  	[simem:s6], [sflag:s4] =	dma.local [hbm:s3], $0xF7A  }
0x26: {  	[smem:$0x3F94] =	sst s1;
	(tag) =	ssettag s2;
	_ =	strace s9  }
0x27: {  	s1 =	sld [smem:$0x3FA4]  }
0x28: {  	s2 =	sld [smem:$0x3FA5]  }
0x29: {  	s4 =	sld [smem:$0x3FA7]  }
0x2a: {  	p0 =	seq.s32 s5, $0x0;
	s5 =	sld [smem:$0x3FA8]  }
0x2b: {  	s6 =	sld [smem:$0x3FA9]  }
0x2c: {  	s7 =	sld [smem:$0x3FAA]  }
0x2d: {  	s3 =	simm.s32 $0x108;
	s8 =	sld [smem:$0x3FAB]  }
0x2e: {  	s3 =	simm.s32 @!p0 $0x1082;
	s9 =	sld [smem:$0x3FAC]  }
0x2f: {  	lr =	sadd.s32 s0, s3;
	s0 =	sld [smem:$0x3FA3]  }
0x30: {  	s3 =	sld [smem:$0x3FA6]  }
0x31: {  	[smem:$0x3FAF] =	sst s10  }
0x32: {  	s10 =	sld [smem:$0x3FAD];
	_ =	sdelay $0x3  }
0x33: {  	p0 =	seq.s32 s10, $0x1;
	s10 =	sld [smem:$0x3FAF];
	_ =	sdelay $0x3  }
0x34: {  	[smem:$0x3FAF] =	sst s10  }
0x35: {  	s10 =	sld [smem:$0x3FAE];
	_ =	sdelay $0x3  }
0x36: {  	p1 =	seq.s32 s10, $0x1;
	s10 =	sld [smem:$0x3FAF];
	_ =	sdelay $0x3  }
0x37: {  	[smem:$0x3FAF] =	sst s10  }
0x38: {  	s10 =	sld [smem:$0x3FB0]  }
0x39: {  	_ = 	snop;
	(pc) =	sbr.ind lr, $3  }
0x3a: {  	_ = 	snop  }
0x3b: {  	_ = 	snop  }
0x3c: {  	p2 =	seq.s32 s10, $0x1;
	s10 =	sld [smem:$0x3FAF]  }
0x3d: {  	_ =	shalt  }
0x3e: {  	_ =	shalt  }
0x3f: {  	_ =	shalt  }
0x40: {  	_ =	shalt  }
0x41: {  	_ =	shalt  }
0x42: {  	_ =	shalt  }
0x43: {  	_ =	shalt  }
0x44: {  	_ =	shalt  }
0x45: {  	_ =	shalt  }
0x46: {  	_ =	shalt  }
0x47: {  	_ =	shalt  }
0x48: {  	_ =	shalt  }
0x49: {  	_ =	shalt  }
0x4a: {  	_ =	shalt  }
0x4b: {  	_ =	shalt  }
0x4c: {  	_ =	shalt  }
0x4d: {  	_ =	shalt  }
0x4e: {  	_ =	shalt  }
0x4f: {  	_ =	shalt  }
0x50: {  	_ =	shalt  }
0x51: {  	_ =	shalt  }
0x52: {  	_ =	shalt  }
0x53: {  	_ =	shalt  }
0x54: {  	_ =	shalt  }
0x55: {  	_ =	shalt  }
0x56: {  	_ =	shalt  }
0x57: {  	_ =	shalt  }
0x58: {  	_ =	shalt  }
0x59: {  	_ =	shalt  }
0x5a: {  	_ =	shalt  }
0x5b: {  	_ =	shalt  }
0x5c: {  	_ =	shalt  }
0x5d: {  	_ =	shalt  }
0x5e: {  	_ =	shalt  }
0x5f: {  	_ =	shalt  }
0x60: {  	_ =	shalt  }
0x61: {  	_ =	shalt  }
0x62: {  	_ =	shalt  }
0x63: {  	_ =	shalt  }
0x64: {  	_ =	shalt  }
0x65: {  	_ =	shalt  }
0x66: {  	_ =	shalt  }
0x67: {  	_ =	shalt  }
0x68: {  	_ =	shalt  }
0x69: {  	_ =	shalt  }
0x6a: {  	_ =	shalt  }
0x6b: {  	_ =	shalt  }
0x6c: {  	_ =	shalt  }
0x6d: {  	_ =	shalt  }
0x6e: {  	_ =	shalt  }
0x6f: {  	_ =	shalt  }
0x70: {  	_ =	shalt  }
0x71: {  	_ =	shalt  }
0x72: {  	_ =	shalt  }
0x73: {  	_ =	shalt  }
0x74: {  	_ =	shalt  }
0x75: {  	_ =	shalt  }
0x76: {  	_ =	shalt  }
0x77: {  	_ =	shalt  }
0x78: {  	_ =	shalt  }
0x79: {  	_ =	shalt  }
0x7a: {  	_ =	shalt  }
0x7b: {  	_ =	shalt  }
0x7c: {  	_ =	shalt  }
0x7d: {  	_ =	shalt  }
0x7e: {  	_ =	shalt  }
0x7f: {  	_ =	shalt  }
0x80: {  	_ =	shalt  }
0x81: {  	_ =	shalt  }
0x82: {  	_ =	shalt  }
0x83: {  	_ =	shalt  }
0x84: {  	_ =	shalt  }
0x85: {  	_ =	shalt  }
0x86: {  	_ =	shalt  }
0x87: {  	_ =	shalt  }
.Lfunc_end0:
.L_simem_size_0:
called_computation.1_lowered:
.L_overlay_start_0:
0x88: {  	s2 =	sld [smem:$0x3FD9]  }
0x89: {  	s3 =	sld [smem:$0x3FFE];
	_ =	sdelay $0x1  }
0x8a: {  	s1 =	srdreg.scid  }
0x8b: {  	s0 =	sand.u32 $0x1, s1  }
0x8c: {  	s16 =	sshll.u32 s0, $0xA;
	s2 =	sadd.s32 s3, s2  }
0x8d: {  	s2 =	sadd.s32 s2, s16  }
0x8e: {  	[smem:$0x3FBB] =	sst s2  }
0x8f: {  	_ = 	snop  }
0x90: {  	(tm) =	ssettm $0x1  }
0x91: {  	s17 =	sld [smem:$0x3FFB];
	_ =	sdelay $0x3  }
0x92: {  	_ =	strace s17  }
0x93: {  	s2 =	sld [smem:$0x3FFC];
	_ =	sdelay $0x3  }
0x94: {  	_ =	strace s2  }
0x95: {  	s2 =	sld [smem:$0x3FFD];
	_ =	sdelay $0x3  }
0x96: {  	_ =	strace s2  }
0x97: {  	_ =	strace $0x8FFFFFFF  }
0x98: {  	s18 =	sld [smem:$0x3FDB];
	_ =	sdelay $0x1  }
0x99: {  	s19 =	simm.s32 $_scs_section_size  }
0x9a: {  	s4 =	simm.s32 $_size__tile_overlayer_lowered;
	s5 =	simm.s32 $_tile_overlayer_lowered  }
0x9b: {  	s22 =	simm.s32 $0x1BFF;
	s21 =	sshll.u32 s5, $0x1;
	s2 =	sadd.s32 s19, s18  }
0x9c: {  	s6 =	simm.s32 $0x0;
	s20 =	sshll.u32 s4, $0x1;
	s4 =	sadd.s32 s21, s2  }
0x9d: {  	[timem:s6], [sflag:s22] =	dma.local [hbm:s4], s20  }
0x9e: {  	_ =	swait.ge [sflag:s22], s20  }
0x9f: {  	s3 =	ssub.s32 $0x0, s20;
	[sflag:s22] =	ssyncset.done $0x0  }
0xa0: {  	[sflag:s22] =	ssyncadd.s32 s3;
	_ =	sdelay $0x1  }
0xa1: {  	s23 =	simm.s32 $0x1B8B  }
0xa2: {  	_ =	swait.ge [sflag:s23], $0x1  }
0xa3: {  	[sflag:s23] =	ssyncset.done $0x0  }
0xa4: {  	s25 =	simm.s32 $0x1B8E;
	s24 =	sld [smem:$0x3FFE];
	[sflag:s23] =	ssyncadd.s32 $0xFFFFFFFF  }
0xa5: {  	s26 =	simm.s32 $execute0_lowered;
	[smem:$0x3FD2] =	sst s25  }
0xa6: {  	s4 =	sshll.u32 s26, $0x1;
	_ =	strace $0x80000049;
	[dreg:$0x1] =	wrdreg $0xFFFFFFFF  }
0xa7: {  	s28 =	simm.s32 $_size_execute0_lowered;
	s2 =	sadd.s32 s2, s4;
	[dreg:$0x0] =	wrdreg $0x0  }
0xa8: {  	s4 =	sshll.u32 s28, $0x1;
	[dreg:$0x2] =	wrdreg s2  }
0xa9: {  	[dreg:$0x3] =	wrdreg s4  }
0xaa: {  	[dreg:$0x4] =	wrdreg $0xC0  }
0xab: {  	_ =	task [dreg:s6], $0x5FFFF  }
0xac: {  	[dreg:$0x1] =	wrdreg $0xFFFFFFFF  }
0xad: {  	[dreg:$0x0] =	wrdreg $0x60  }
0xae: {  	[dreg:$0x2] =	wrdreg s24  }
0xaf: {  	[dreg:$0x3] =	wrdreg $0x0  }
0xb0: {  	[dreg:$0x4] =	wrdreg $0x28000  }
0xb1: {  	[dreg:$0x5] =	wrdreg $0x9  }
0xb2: {  	_ =	task.clear_ibuf [dreg:s6], $0x6FFFF;
	_ =	strace $0x90000049  }
0xb3: {  	s29 =	simm.s32 $0x9;
	_ =	strace $0x8000004B  }
0xb4: {  	_ =	swait.ge [sflag:s29], $0x1  }
0xb5: {  	[sflag:s29] =	ssyncadd.s32 $0xFFFFFFFF  }
0xb6: {  	_ =	strace $0x9000004B  }
0xb7: {  	_ =	sfence  }
0xb8: {  	s30 =	sld [smem:$0x0];
	_ =	sdelay $0x2  }
0xb9: {  	s31 =	sshll.u32 s1, $0xD;
	s1 =	sshrl.u32 s1, $0x2  }
0xba: {  	s3 =	sand.u32 $0x4000, s31;
	s1 =	sadd.s32 s1, s30  }
0xbb: {  	s0 =	sor.u32 s3, s0;
	s1 =	sshll.u32 s1, $0x11  }
0xbc: {  	s0 =	sor.u32 s1, s0  }
0xbd: {  	s0 =	sadd.s32 $0x8F2B, s0  }
0xbe: {  	[sflag:s0] =	ssyncadd.remote.s32 $0x1  }
0xbf: {  	_ =	sfence.sel $0xFFFF  }
0xc0: {  	[dreg:$0x0] =	wrdreg $0xFFFFFFFF;
	(pc) =	sbr.abs _section_cstart, $3  }
0xc1: {  	[dreg:$0x1] =	wrdreg $0xFFFFFFFF  }
0xc2: {  	_ =	task.clear_ibuf [dreg:s6], $0x2FFFF;
	_ =	strace $0x9FFFFFFF  }
0xc3: {  	(tm) =	ssettm $0x7FFFFFFF  }
tec
execute0_lowered:
.L_overlay_start_1:
0x0: {  	(tag) =	ssettag $0x1  }
0x1: {  	s0 =	rddreg [dreg:$0x0]  }
0x2: {  	s2 =	rddreg [dreg:$0x1]  }
0x3: {  	s1 =	srdreg.scid;
	s3 =	rddreg [dreg:$0x2]  }
0x4: {  	s16 =	stileid.u32;
	s4 =	simm.s32 $0x0;
	s14 =	simm.s32 $0x5  }
0x5: {  	s15 =	simm.s32 $0x7710;
	s20 =	simm.s32 $0x80;
	s28 =	simm.s32 $0x3  }
0x6: {  	s30 =	simm.s32 $0x2;
	s31 =	simm.s32 $0x7790;
	s1 =	sand.u32 $0x1, s1  }
0x7: {  	[smem:$0x7FF] =	sst s4;
	s8 =	sadd.s32 $0xFC00, s0;
	s7 =	sadd.s32 $0xF600, s0  }
0x8: {  	s9 =	sadd.s32 $0x4B400, s0;
	s12 =	sadd.s32 $0x14C00, s0;
	s22 =	smul.u32 $0xA000, s16  }
0x9: {  	p1 =	sne.s32 s16, $0xF;
	p2 =	seq.s32 s16, $0xF;
	s23 =	smul.u32 $0x2800, s16  }
0xa: {  	s10 =	smul.u32 $0x4E20, s16;
	p3 =	sgt.u32 s16, $0x7;
	s26 =	sshll.u32 s16, $0x6  }
0xb: {  	s5 =	sshll.u32 s1, $0x4;
	_ =	strace $0x8000004A;
	s6 =	ssub.s32 $0x2, s1  }
0xc: {  	[dreg:$0x4] =	wrdreg s7;
	p0 =	seq.s32 s1, $0x0;
	s5 =	sor.u32 s16, s5  }
0xd: {  	s21 =	sshrl.u32 s6, $0x1;
	p1 =	por !p0, !p1;
	p2 =	por !p0, !p2  }
0xe: {  	s1 =	sshrl.u32 s22, $0x2;
	s22 =	sadd.s32 $0x25800, s2;
	s13 =	sshrl.u32 s23, $0x3  }
0xf: {  	s24 =	sadd.s32 s23, s2;
	s12 =	smov.u32 @p0 s9;
	s9 =	sshll.u32 @!p3 s16, $0x6  }
0x10: {  	s16 =	sor.u32 $0x1C05, s26;
	s23 =	simm.s32 $0xA710;
	s26 =	simm.s32 $0x1  }
0x11: {  	s5 =	smul.u32 $0x500, s5;
	s11 =	ssub.s32 s6, s21;
	p1 =	por !p1, !p1  }
0x12: {  	p2 =	por !p2, !p2;
	s1 =	sadd.s32 s1, s2;
	s25 =	sadd.s32 s8, s13  }
0x13: {  	s12 =	sadd.s32 s12, s13;
	s13 =	simm.s32 $0x4F10;
	s17 =	sshrl.u32 s24, $0x3  }
0x14: {  	s18 =	sor.u32 @!p3 $0x1C05, s9;
	s21 =	simm.s32 $0x9F10;
	s24 =	sshrl.u32 s22, $0x3  }
0x15: {  	[dreg:$0x6] =	wrdreg s25;
	s11 =	smax.u32 s11, $0x1;
	s29 =	sshrl.u32 s1, $0x3  }
0x16: {  	s1 =	simm.s32 $0x7690;
	s25 =	simm.s32 $0x9E10;
	s5 =	sadd.s32 s5, s0  }
0x17: {  	s0 =	sadd.s32 $0x14700, s0;
	[dreg:$0x7] =	wrdreg s29;
	s6 =	sadd.s32 $0x1A200, s5  }
0x18: {  	s7 =	sadd.s32 $0x5000, s5;
	s5 =	sadd.s32 s10, s3;
	s10 =	sshrl.u32 s10, $0x3  }
0x19: {  	[dreg:$0x5] =	wrdreg s0;
	s0 =	simm.s32 $0x4;
	s10 =	sadd.s32 s8, s10  }
0x1a: {  	s19 =	sshrl.u32 @!p3 s5, $0x3;
	s8 =	simm.s32 $0x9E90;
	s5 =	simm.s32 $0x0  }
.LBB2_1:
0x1b: {  	[tilespmem:s13], [sflag:$0x5] =	stream.linear.gather [hbm4b:s6+s4], $0x2800, $0x38;
	[tilespmem:$0xAF10] =	vst v63  }
0x1c: {  	_ =	swait.ge [sflag:s14], $0x2800  }
0x1d: {  	[sflag:s14] =	ssyncset.done $0x0  }
.Ltmp0:
0x1e: {  	[sflag:s14] =	ssyncadd.s32 $0xFFFFD800;
	(pc) =	sbr.rel @!p1 .LBB2_3-.Ltmp0, $4  }
0x1f: {  	[tilespmem:s15], [sflag:$0x5] =	stream.linear.gather [hbm4b:s7+s4], $0x2800, $0x38;
	[tilespmem:$0xAF10] =	vst v63  }
0x20: {  	_ =	swait.ge [sflag:s14], $0x2800  }
0x21: {  	[sflag:s14] =	ssyncset.done $0x0  }
0x22: {  	[sflag:s14] =	ssyncadd.s32 $0xFFFFD800  }
0x23: {  	s9 =	rddreg [dreg:$0x6]  }
0x24: {  	[spmem:s17], [sflag:s16] =	dma.local [hbm:s9], $0x500  }
.LBB2_7:
0x25: {  	_ =	swait.ge [sflag:s14], $0x500  }
0x26: {  	[sflag:s14] =	ssyncset.done $0x0  }
0x27: {  	[sflag:s14] =	ssyncadd.s32 $0xFFFFFB00  }
.LBB2_8:
0x28: {  	[spmem:s19], [sflag:s18] =	dma.local @!p3 [hbm:s10], $0x9C4  }
.Ltmp1:
0x29: {  	_ = 	snop;
	(pc) =	sbr.rel .LBB2_9-.Ltmp1, $4  }
0x2a: {  	s9 =	simm.s32 @!p3 $0x5  }
0x2b: {  	_ =	swait.ge @!p3 [sflag:s9], $0x9C4  }
0x2c: {  	[sflag:s9] =	ssyncset.done @!p3 $0x0  }
0x2d: {  	[sflag:s9] =	ssyncadd.s32 @!p3 $0xFFFFF63C  }
.LBB2_3:
.Ltmp2:
0x2e: {  	(pc) =	sbr.rel @!p2 .LBB2_5-.Ltmp2, $1  }
0x2f: {  	_ =	sdelay $0x3  }
0x30: {  	s9 =	rddreg [dreg:$0x4];
	s22 =	simm.s32 $0x1FC5  }
0x31: {  	[spmem:s24], [sflag:s22] =	dma.local [hbm:s9], $0x500  }
0x32: {  	_ =	swait.ge [sflag:s14], $0x500  }
0x33: {  	[sflag:s14] =	ssyncset.done $0x0  }
0x34: {  	s29 =	rddreg [dreg:$0x5];
	[sflag:s14] =	ssyncadd.s32 $0xFFFFFB00  }
0x35: {  	[spmem:s24], [sflag:s22] =	dma.local [hbm:s29], $0x320  }
0x36: {  	_ =	swait.ge [sflag:s14], $0x320  }
0x37: {  	[sflag:s14] =	ssyncset.done $0x0  }
0x38: {  	[sflag:s14] =	ssyncadd.s32 $0xFFFFFCE0  }
.LBB2_9:
0x39: {  	[bflag:$0x0] =	sbarrier.arrive $0xFFFF  }
0x3a: {  	[tilespmem:s21], [sflag:$0x1] =	stream.indirect.gather [spmem:s3], $0x10, s13, s20, $0xb8;
	[tilespmem:$0xAF10] =	vst v63  }
0x3b: {  	s9 =	simm.s32 $0x4F90  }
0x3c: {  	[tilespmem:s23], [sflag:$0x2] =	stream.indirect.gather [spmem:s3], $0x10, s9, s20, $0xb8;
	[tilespmem:$0xAF10] =	vst v63  }
0x3d: {  	_ =	swait.ge [sflag:s26], $0x800  }
0x3e: {  	[sflag:s26] =	ssyncset.done $0x0  }
0x3f: {  	[sflag:s26] =	ssyncadd.s32 $0xFFFFF800  }
0x40: {  	[spmem:s2] =	stream.indirect.scatter.add.f32 [tilespmem:s21], [sflag:$0x3], $0x10, s15, s20, $0xb8;
	[tilespmem:$0xAF10] =	vst v63  }
0x41: {  	_ =	swait.ge [sflag:s28], $0x800  }
0x42: {  	[sflag:s28] =	ssyncset.done $0x0  }
0x43: {  	s22 =	simm.s32 $0x5010;
	[sflag:s28] =	ssyncadd.s32 $0xFFFFF800  }
0x44: {  	[tilespmem:s21], [sflag:$0x1] =	stream.indirect.gather [spmem:s3], $0x10, s22, s20, $0xb8;
	[tilespmem:$0xAF10] =	vst v63  }
0x45: {  	_ =	swait.ge [sflag:s30], $0x800  }
0x46: {  	[sflag:s30] =	ssyncset.done $0x0  }
0x47: {  	[sflag:s30] =	ssyncadd.s32 $0xFFFFF800  }
0x48: {  	[spmem:s2] =	stream.indirect.scatter.add.f32 [tilespmem:s23], [sflag:$0x4], $0x10, s31, s20, $0xb8;
	[tilespmem:$0xAF10] =	vst v63  }
0x49: {  	_ =	swait.ge [sflag:s0], $0x800  }
0x4a: {  	[sflag:s0] =	ssyncset.done $0x0  }
0x4b: {  	s29 =	simm.s32 $0x5090;
	[sflag:s0] =	ssyncadd.s32 $0xFFFFF800  }
0x4c: {  	[tilespmem:s23], [sflag:$0x2] =	stream.indirect.gather [spmem:s3], $0x10, s29, s20, $0xb8;
	[tilespmem:$0xAF10] =	vst v63  }
0x4d: {  	_ =	swait.ge [sflag:s26], $0x800  }
0x4e: {  	[sflag:s26] =	ssyncset.done $0x0  }
0x4f: {  	s22 =	simm.s32 $0x7810;
	[sflag:s26] =	ssyncadd.s32 $0xFFFFF800  }
0x50: {  	[spmem:s2] =	stream.indirect.scatter.add.f32 [tilespmem:s21], [sflag:$0x3], $0x10, s22, s20, $0xb8;
	[tilespmem:$0xAF10] =	vst v63  }
0x51: {  	_ =	swait.ge [sflag:s28], $0x800  }
0x52: {  	[sflag:s28] =	ssyncset.done $0x0  }
0x53: {  	s29 =	simm.s32 $0x5110;
	[sflag:s28] =	ssyncadd.s32 $0xFFFFF800  }
0x54: {  	[tilespmem:s21], [sflag:$0x1] =	stream.indirect.gather [spmem:s3], $0x10, s29, s20, $0xb8;
	[tilespmem:$0xAF10] =	vst v63  }
0x55: {  	_ =	swait.ge [sflag:s30], $0x800  }
0x56: {  	[sflag:s30] =	ssyncset.done $0x0  }
0x57: {  	s9 =	simm.s32 $0xFFFF6C00;
	s22 =	simm.s32 $0x7890;
	[sflag:s30] =	ssyncadd.s32 $0xFFFFF800  }
.LBB2_10:
0x58: {  	[spmem:s2] =	stream.indirect.scatter.add.f32 [tilespmem:s23], [sflag:$0x4], $0x10, s22, s20, $0xb8;
	[tilespmem:$0xAF10] =	vst v63  }
0x59: {  	s22 =	smov.u32 s9  }
0x5a: {  	p4 =	sne.s32 s9, $0xFFFFFC00;
	s9 =	sadd.s32 $0x400, s9;
	_ =	swait.ge [sflag:s0], $0x800  }
0x5b: {  	s22 =	sshra.s32 s22, $0x2;
	[sflag:s0] =	ssyncset.done $0x0  }
0x5c: {  	s29 =	sadd.s32 $0x7690, s22;
	[sflag:s0] =	ssyncadd.s32 $0xFFFFF800  }
0x5d: {  	[tilespmem:s23], [sflag:$0x2] =	stream.indirect.gather [spmem:s3], $0x10, s29, s20, $0xb8;
	[tilespmem:$0xAF10] =	vst v63  }
0x5e: {  	_ =	swait.ge [sflag:s26], $0x800  }
0x5f: {  	[sflag:s26] =	ssyncset.done $0x0  }
0x60: {  	s29 =	sadd.s32 $0x9E10, s22;
	[sflag:s26] =	ssyncadd.s32 $0xFFFFF800  }
0x61: {  	[spmem:s2] =	stream.indirect.scatter.add.f32 [tilespmem:s21], [sflag:$0x3], $0x10, s29, s20, $0xb8;
	[tilespmem:$0xAF10] =	vst v63  }
0x62: {  	_ =	swait.ge [sflag:s28], $0x800  }
0x63: {  	[sflag:s28] =	ssyncset.done $0x0  }
.Ltmp3:
0x64: {  	s29 =	sadd.s32 $0x7710, s22;
	[sflag:s28] =	ssyncadd.s32 $0xFFFFF800;
	(pc) =	sbr.rel @p4 .LBB2_10-.Ltmp3, $4  }
0x65: {  	[tilespmem:s21], [sflag:$0x1] =	stream.indirect.gather [spmem:s3], $0x10, s29, s20, $0xb8;
	[tilespmem:$0xAF10] =	vst v63  }
0x66: {  	_ =	swait.ge [sflag:s30], $0x800  }
0x67: {  	[sflag:s30] =	ssyncset.done $0x0  }
0x68: {  	s22 =	sadd.s32 $0x9E90, s22;
	[sflag:s30] =	ssyncadd.s32 $0xFFFFF800  }
0x69: {  	[spmem:s2] =	stream.indirect.scatter.add.f32 [tilespmem:s23], [sflag:$0x4], $0x10, s22, s20, $0xb8;
	[tilespmem:$0xAF10] =	vst v63  }
0x6a: {  	_ =	swait.ge [sflag:s0], $0x800  }
0x6b: {  	[sflag:s0] =	ssyncset.done $0x0  }
0x6c: {  	[sflag:s0] =	ssyncadd.s32 $0xFFFFF800  }
0x6d: {  	[tilespmem:s23], [sflag:$0x2] =	stream.indirect.gather [spmem:s3], $0x10, s1, s20, $0xb8;
	[tilespmem:$0xAF10] =	vst v63  }
0x6e: {  	_ =	swait.ge [sflag:s26], $0x800  }
0x6f: {  	[sflag:s26] =	ssyncset.done $0x0  }
0x70: {  	[sflag:s26] =	ssyncadd.s32 $0xFFFFF800  }
0x71: {  	[spmem:s2] =	stream.indirect.scatter.add.f32 [tilespmem:s21], [sflag:$0x3], $0x10, s25, s20, $0xb8;
	[tilespmem:$0xAF10] =	vst v63  }
0x72: {  	_ =	swait.ge [sflag:s28], $0x800  }
0x73: {  	[sflag:s28] =	ssyncset.done $0x0  }
0x74: {  	[sflag:s28] =	ssyncadd.s32 $0xFFFFF800  }
0x75: {  	_ =	swait.ge [sflag:s30], $0x800  }
0x76: {  	[sflag:s30] =	ssyncset.done $0x0  }
0x77: {  	[sflag:s30] =	ssyncadd.s32 $0xFFFFF800  }
0x78: {  	[spmem:s2] =	stream.indirect.scatter.add.f32 [tilespmem:s23], [sflag:$0x4], $0x10, s8, s20, $0xb8;
	[tilespmem:$0xAF10] =	vst v63  }
0x79: {  	_ =	swait.ge [sflag:s0], $0x800  }
0x7a: {  	[sflag:s0] =	ssyncset.done $0x0  }
0x7b: {  	s5 =	sadd.s32 $0x1, s5;
	[sflag:s0] =	ssyncadd.s32 $0xFFFFF800  }
0x7c: {  	p4 =	sne.s32 s5, s11;
	[bflag:$0x0] =	sbarrier.arrive $0xFFFF  }
0x7d: {  	[hbm:s12], [sflag:s16] =	dma.local [spmem:s17], $0x500  }
.Ltmp4:
0x7e: {  	_ = 	snop;
	(pc) =	sbr.rel @p4 .LBB2_1-.Ltmp4, $4  }
.Ltmp5:
0x7f: {  	_ = 	snop;
	(pc) =	sbr.rel @!p4 .LBB2_12-.Ltmp5, $4  }
0x80: {  	_ =	swait.ge [sflag:s14], $0x500  }
0x81: {  	[sflag:s14] =	ssyncset.done $0x0  }
0x82: {  	[sflag:s14] =	ssyncadd.s32 $0xFFFFFB00  }
0x83: {  	_ = 	snop  }
.LBB2_5:
.Ltmp6:
0x84: {  	(pc) =	sbr.rel @p0 .LBB2_8-.Ltmp6, $1  }
0x85: {  	_ =	sdelay $0x3  }
.Ltmp7:
0x86: {  	(pc) =	sbr.rel .LBB2_7-.Ltmp7, $4  }
0x87: {  	_ = 	snop  }
0x88: {  	s9 =	rddreg [dreg:$0x4]  }
0x89: {  	s22 =	rddreg [dreg:$0x7]  }
0x8a: {  	[spmem:s22], [sflag:s16] =	dma.local [hbm:s9], $0x500  }
.LBB2_12:
0x8b: {  	_ =	sfence.sel $0x180000  }
0x8c: {  	[bflag:$0x0] =	sbarrier.arrive $0xFFFF  }
0x8d: {  	_ =	strace $0x9000004A  }
0x8e: {  	s0 =	stileid.u32;
	[bflag:$0x2] =	sbarrier.arrive $0xFFFF  }
0x8f: {  	p0 =	sne.s32 s0, $0x0;
	s0 =	rddreg [dreg:$0x3]  }
0x90: {  	s0 =	sadd.s32 @!p0 $0x100000, s0  }
0x91: {  	[sflag:s0] =	ssyncadd.tile.s32 @!p0 $0x1;
	_ =	shalt  }
.Lfunc_end2:
_tile_overlayer_lowered:
.L_overlay_start_2:
0x92: {  	(tag) =	ssettag $0x2  }
0x93: {  	s0 =	rddreg [dreg:$0x0];
	s2 =	stileid.u32  }
0x94: {  	s1 =	rddreg [dreg:$0x1];
	p0 =	sne.s32 s2, $0x0  }
0x95: {  	s3 =	rddreg [dreg:$0x2];
	[bflag:$0x3] =	sbarrier.arrive $0xFFFF;
	s2 =	simm.s32 @!p0 $0x1C05  }
0x96: {  	[timem:s3], [sflag:s2] =	dma.local @!p0 [hbm:s0], s1  }
0x97: {  	s0 =	simm.s32 @!p0 $0x5  }
0x98: {  	_ =	swait.ge @!p0 [sflag:s0], s1  }
0x99: {  	s1 =	ssub.s32 @!p0 $0x0, s1;
	[sflag:s0] =	ssyncset.done @!p0 $0x0  }
0x9a: {  	[sflag:s0] =	ssyncadd.s32 @!p0 s1  }
0x9b: {  	[bflag:$0x3] =	sbarrier.arrive $0xFFFF  }
0x9c: {  	_ =	shalt  }

// kernel: kernel.19.cloned.1.call-start
scs
__scs_entry_jumppad:
0x0: {  	(pc) =	sbr.rel $0x88, $3  }
0x1: {  	(tag) =	ssettag $0x0;
	lr =	simm.s32 $0x1  }
0x2: {  	[smem:$0x3F94] =	sst lr;
	_ =	strace $0xD0000000  }
0x3: {  	_ = 	snop  }
0x4: {  	_ = 	snop  }
0x5: {  	_ = 	snop  }
0x6: {  	_ = 	snop  }
0x7: {  	_ = 	snop  }
__scs_overlays_trampoline_lowered:
0x8: {  	[smem:$0x3FA3] =	sst s0  }
0x9: {  	[smem:$0x3FA4] =	sst s1  }
0xa: {  	[smem:$0x3FA5] =	sst s2  }
0xb: {  	[smem:$0x3FA6] =	sst s3  }
0xc: {  	[smem:$0x3FA7] =	sst s4  }
0xd: {  	[smem:$0x3FA8] =	sst s5  }
0xe: {  	[smem:$0x3FA9] =	sst s6  }
0xf: {  	[smem:$0x3FAA] =	sst s7  }
0x10: {  	[smem:$0x3FAB] =	sst s8  }
0x11: {  	[smem:$0x3FAC] =	sst s9;
	s0 =	simm.s32 @!p0 $0x0  }
0x12: {  	s1 =	sld [smem:$0x3F92];
	s0 =	simm.s32 @p0 $0x1  }
0x13: {  	[smem:$0x3FAD] =	sst s0;
	s0 =	simm.s32 @!p1 $0x0  }
0x14: {  	s2 =	sld [smem:$0x3F91];
	s0 =	simm.s32 @p1 $0x1  }
0x15: {  	[smem:$0x3FAE] =	sst s0;
	s0 =	simm.s32 @!p2 $0x0  }
0x16: {  	s3 =	sld [smem:$0x3FDB];
	s0 =	simm.s32 @p2 $0x1  }
0x17: {  	s4 =	simm.s32 $0x1BF5;
	[smem:$0x3FB0] =	sst s0  }
0x18: {  	s0 =	sld [smem:$0x3F93];
	_ =	swait.ge [sflag:s4], $0x0  }
0x19: {  	s7 =	sld [smem:$0x3F94]  }
0x1a: {  	s8 =	sadd.s32 $0xFFFFE003, lr  }
0x1b: {  	s9 =	sadd.s32 $0xFFFFFEF7, lr;
	s5 =	simm.s32 $0xFFFFFFFF;
	p2 =	slt.u32 s8, $0xFFFFF086  }
0x1c: {  	p1 =	slt.u32 s9, $0xF7A;
	s5 =	simm.s32 @!p2 $0x0  }
0x1d: {  	s5 =	simm.s32 @p1 $0x1;
	p0 =	seq.s32 s7, s2  }
0x1e: {  	s7 =	smul.u32 @!p0 $0xF7A, s2;
	p2 =	seq.s32 @!p0 s5, $0x0  }
0x1f: {  	s9 =	smul.u32 $0xF7A, s1;
	s8 =	simm.s32 @!p0 $0x1BF5;
	p2 =	por !p2, p0  }
0x20: {  	[sflag:s8] =	ssyncset.s32 @!p0 $0xFFFFF086;
	s6 =	sadd.s32 @!p0 s3, s7;
	s7 =	simm.s32 @!p0 $0x108  }
0x21: {  	s3 =	sadd.s32 s3, s9;
	s6 =	sadd.s32 @!p0 $0x88, s6;
	s7 =	simm.s32 @p2 $0x1082  }
0x22: {  	[simem:s7], [sflag:s8] =	dma.local @!p0 [hbm:s6], $0xF7A  }
0x23: {  	s9 =	sor.u32 $0xD0000000, s2;
	s6 =	simm.s32 $0x108;
	_ =	swait.ge @!p0 [sflag:s8], $0x0  }
0x24: {  	s3 =	sadd.s32 $0x88, s3;
	s6 =	simm.s32 @!p1 $0x1082;
	[sflag:s4] =	ssyncset.s32 $0xFFFFF086  }
0x25: {  	[simem:s6], [sflag:s4] =	dma.local [hbm:s3], $0xF7A  }
0x26: {  	[smem:$0x3F94] =	sst s1;
	(tag) =	ssettag s2;
	_ =	strace s9  }
0x27: {  	s1 =	sld [smem:$0x3FA4]  }
0x28: {  	s2 =	sld [smem:$0x3FA5]  }
0x29: {  	s4 =	sld [smem:$0x3FA7]  }
0x2a: {  	p0 =	seq.s32 s5, $0x0;
	s5 =	sld [smem:$0x3FA8]  }
0x2b: {  	s6 =	sld [smem:$0x3FA9]  }
0x2c: {  	s7 =	sld [smem:$0x3FAA]  }
0x2d: {  	s3 =	simm.s32 $0x108;
	s8 =	sld [smem:$0x3FAB]  }
0x2e: {  	s3 =	simm.s32 @!p0 $0x1082;
	s9 =	sld [smem:$0x3FAC]  }
0x2f: {  	lr =	sadd.s32 s0, s3;
	s0 =	sld [smem:$0x3FA3]  }
0x30: {  	s3 =	sld [smem:$0x3FA6]  }
0x31: {  	[smem:$0x3FAF] =	sst s10  }
0x32: {  	s10 =	sld [smem:$0x3FAD];
	_ =	sdelay $0x3  }
0x33: {  	p0 =	seq.s32 s10, $0x1;
	s10 =	sld [smem:$0x3FAF];
	_ =	sdelay $0x3  }
0x34: {  	[smem:$0x3FAF] =	sst s10  }
0x35: {  	s10 =	sld [smem:$0x3FAE];
	_ =	sdelay $0x3  }
0x36: {  	p1 =	seq.s32 s10, $0x1;
	s10 =	sld [smem:$0x3FAF];
	_ =	sdelay $0x3  }
0x37: {  	[smem:$0x3FAF] =	sst s10  }
0x38: {  	s10 =	sld [smem:$0x3FB0]  }
0x39: {  	_ = 	snop;
	(pc) =	sbr.ind lr, $3  }
0x3a: {  	_ = 	snop  }
0x3b: {  	_ = 	snop  }
0x3c: {  	p2 =	seq.s32 s10, $0x1;
	s10 =	sld [smem:$0x3FAF]  }
0x3d: {  	_ =	shalt  }
0x3e: {  	_ =	shalt  }
0x3f: {  	_ =	shalt  }
0x40: {  	_ =	shalt  }
0x41: {  	_ =	shalt  }
0x42: {  	_ =	shalt  }
0x43: {  	_ =	shalt  }
0x44: {  	_ =	shalt  }
0x45: {  	_ =	shalt  }
0x46: {  	_ =	shalt  }
0x47: {  	_ =	shalt  }
0x48: {  	_ =	shalt  }
0x49: {  	_ =	shalt  }
0x4a: {  	_ =	shalt  }
0x4b: {  	_ =	shalt  }
0x4c: {  	_ =	shalt  }
0x4d: {  	_ =	shalt  }
0x4e: {  	_ =	shalt  }
0x4f: {  	_ =	shalt  }
0x50: {  	_ =	shalt  }
0x51: {  	_ =	shalt  }
0x52: {  	_ =	shalt  }
0x53: {  	_ =	shalt  }
0x54: {  	_ =	shalt  }
0x55: {  	_ =	shalt  }
0x56: {  	_ =	shalt  }
0x57: {  	_ =	shalt  }
0x58: {  	_ =	shalt  }
0x59: {  	_ =	shalt  }
0x5a: {  	_ =	shalt  }
0x5b: {  	_ =	shalt  }
0x5c: {  	_ =	shalt  }
0x5d: {  	_ =	shalt  }
0x5e: {  	_ =	shalt  }
0x5f: {  	_ =	shalt  }
0x60: {  	_ =	shalt  }
0x61: {  	_ =	shalt  }
0x62: {  	_ =	shalt  }
0x63: {  	_ =	shalt  }
0x64: {  	_ =	shalt  }
0x65: {  	_ =	shalt  }
0x66: {  	_ =	shalt  }
0x67: {  	_ =	shalt  }
0x68: {  	_ =	shalt  }
0x69: {  	_ =	shalt  }
0x6a: {  	_ =	shalt  }
0x6b: {  	_ =	shalt  }
0x6c: {  	_ =	shalt  }
0x6d: {  	_ =	shalt  }
0x6e: {  	_ =	shalt  }
0x6f: {  	_ =	shalt  }
0x70: {  	_ =	shalt  }
0x71: {  	_ =	shalt  }
0x72: {  	_ =	shalt  }
0x73: {  	_ =	shalt  }
0x74: {  	_ =	shalt  }
0x75: {  	_ =	shalt  }
0x76: {  	_ =	shalt  }
0x77: {  	_ =	shalt  }
0x78: {  	_ =	shalt  }
0x79: {  	_ =	shalt  }
0x7a: {  	_ =	shalt  }
0x7b: {  	_ =	shalt  }
0x7c: {  	_ =	shalt  }
0x7d: {  	_ =	shalt  }
0x7e: {  	_ =	shalt  }
0x7f: {  	_ =	shalt  }
0x80: {  	_ =	shalt  }
0x81: {  	_ =	shalt  }
0x82: {  	_ =	shalt  }
0x83: {  	_ =	shalt  }
0x84: {  	_ =	shalt  }
0x85: {  	_ =	shalt  }
0x86: {  	_ =	shalt  }
0x87: {  	_ =	shalt  }
.Lfunc_end0:
.L_simem_size_0:
called_computation.2_lowered:
.L_overlay_start_0:
0x88: {  	s2 =	sld [smem:$0x3FD9]  }
0x89: {  	s3 =	sld [smem:$0x3FFE];
	_ =	sdelay $0x1  }
0x8a: {  	s1 =	srdreg.scid  }
0x8b: {  	s0 =	sand.u32 $0x1, s1  }
0x8c: {  	s16 =	sshll.u32 s0, $0xA;
	s2 =	sadd.s32 s3, s2  }
0x8d: {  	s2 =	sadd.s32 s2, s16  }
0x8e: {  	[smem:$0x3FBB] =	sst s2  }
0x8f: {  	_ = 	snop  }
0x90: {  	(tm) =	ssettm $0x1  }
0x91: {  	s17 =	sld [smem:$0x3FFB];
	_ =	sdelay $0x3  }
0x92: {  	_ =	strace s17  }
0x93: {  	s2 =	sld [smem:$0x3FFC];
	_ =	sdelay $0x3  }
0x94: {  	_ =	strace s2  }
0x95: {  	s2 =	sld [smem:$0x3FFD];
	_ =	sdelay $0x3  }
0x96: {  	_ =	strace s2  }
0x97: {  	_ =	strace $0x8FFFFFFF  }
0x98: {  	s18 =	sld [smem:$0x3FDB];
	_ =	sdelay $0x1  }
0x99: {  	s19 =	simm.s32 $_scs_section_size  }
0x9a: {  	s4 =	simm.s32 $_size__tile_overlayer_lowered;
	s5 =	simm.s32 $_tile_overlayer_lowered  }
0x9b: {  	s22 =	simm.s32 $0x1BFF;
	s21 =	sshll.u32 s5, $0x1;
	s2 =	sadd.s32 s19, s18  }
0x9c: {  	s6 =	simm.s32 $0x0;
	s20 =	sshll.u32 s4, $0x1;
	s4 =	sadd.s32 s21, s2  }
0x9d: {  	[timem:s6], [sflag:s22] =	dma.local [hbm:s4], s20  }
0x9e: {  	_ =	swait.ge [sflag:s22], s20  }
0x9f: {  	s3 =	ssub.s32 $0x0, s20;
	[sflag:s22] =	ssyncset.done $0x0  }
0xa0: {  	[sflag:s22] =	ssyncadd.s32 s3;
	_ =	sdelay $0x1  }
0xa1: {  	s23 =	simm.s32 $0x1B8B  }
0xa2: {  	_ =	swait.ge [sflag:s23], $0x1  }
0xa3: {  	[sflag:s23] =	ssyncset.done $0x0  }
0xa4: {  	s25 =	simm.s32 $0x1B8E;
	s24 =	sld [smem:$0x3FFE];
	[sflag:s23] =	ssyncadd.s32 $0xFFFFFFFF  }
0xa5: {  	s26 =	simm.s32 $execute0_lowered;
	[smem:$0x3FD2] =	sst s25  }
0xa6: {  	s4 =	sshll.u32 s26, $0x1;
	_ =	strace $0x8000004C;
	[dreg:$0x1] =	wrdreg $0xFFFFFFFF  }
0xa7: {  	s28 =	simm.s32 $_size_execute0_lowered;
	s2 =	sadd.s32 s2, s4;
	[dreg:$0x0] =	wrdreg $0x0  }
0xa8: {  	s4 =	sshll.u32 s28, $0x1;
	[dreg:$0x2] =	wrdreg s2  }
0xa9: {  	[dreg:$0x3] =	wrdreg s4  }
0xaa: {  	[dreg:$0x4] =	wrdreg $0xC0  }
0xab: {  	_ =	task [dreg:s6], $0x5FFFF  }
0xac: {  	[dreg:$0x1] =	wrdreg $0xFFFFFFFF  }
0xad: {  	[dreg:$0x0] =	wrdreg $0x60  }
0xae: {  	[dreg:$0x2] =	wrdreg s24  }
0xaf: {  	[dreg:$0x3] =	wrdreg $0x0  }
0xb0: {  	[dreg:$0x4] =	wrdreg $0x28000  }
0xb1: {  	[dreg:$0x5] =	wrdreg $0x9  }
0xb2: {  	_ =	task.clear_ibuf [dreg:s6], $0x6FFFF;
	_ =	strace $0x9000004C  }
0xb3: {  	s29 =	simm.s32 $0x9;
	_ =	strace $0x8000004E  }
0xb4: {  	_ =	swait.ge [sflag:s29], $0x1  }
0xb5: {  	[sflag:s29] =	ssyncadd.s32 $0xFFFFFFFF  }
0xb6: {  	_ =	strace $0x9000004E  }
0xb7: {  	_ =	sfence  }
0xb8: {  	s30 =	sld [smem:$0x0];
	_ =	sdelay $0x2  }
0xb9: {  	s31 =	sshll.u32 s1, $0xD;
	s1 =	sshrl.u32 s1, $0x2  }
0xba: {  	s3 =	sand.u32 $0x4000, s31;
	s1 =	sadd.s32 s1, s30  }
0xbb: {  	s0 =	sor.u32 s3, s0;
	s1 =	sshll.u32 s1, $0x11  }
0xbc: {  	s0 =	sor.u32 s1, s0  }
0xbd: {  	s0 =	sadd.s32 $0x8F2B, s0  }
0xbe: {  	[sflag:s0] =	ssyncadd.remote.s32 $0x1  }
0xbf: {  	_ =	sfence.sel $0xFFFF  }
0xc0: {  	[dreg:$0x0] =	wrdreg $0xFFFFFFFF;
	(pc) =	sbr.abs _section_cstart, $3  }
0xc1: {  	[dreg:$0x1] =	wrdreg $0xFFFFFFFF  }
0xc2: {  	_ =	task.clear_ibuf [dreg:s6], $0x2FFFF;
	_ =	strace $0x9FFFFFFF  }
0xc3: {  	(tm) =	ssettm $0x7FFFFFFF  }
tec
execute0_lowered:
.L_overlay_start_1:
0x0: {  	(tag) =	ssettag $0x1  }
0x1: {  	s0 =	rddreg [dreg:$0x0]  }
0x2: {  	s2 =	rddreg [dreg:$0x1]  }
0x3: {  	s1 =	srdreg.scid;
	s3 =	rddreg [dreg:$0x2]  }
0x4: {  	s16 =	stileid.u32;
	s4 =	simm.s32 $0x0;
	s14 =	simm.s32 $0x5  }
0x5: {  	s15 =	simm.s32 $0x7710;
	s20 =	simm.s32 $0x80;
	s28 =	simm.s32 $0x3  }
0x6: {  	s30 =	simm.s32 $0x2;
	s31 =	simm.s32 $0x7790;
	s1 =	sand.u32 $0x1, s1  }
0x7: {  	[smem:$0x7FF] =	sst s4;
	s8 =	sadd.s32 $0xFC00, s0;
	s7 =	sadd.s32 $0xF600, s0  }
0x8: {  	s9 =	sadd.s32 $0x4B400, s0;
	s12 =	sadd.s32 $0x14C00, s0;
	s22 =	smul.u32 $0xA000, s16  }
0x9: {  	p1 =	sne.s32 s16, $0xF;
	p2 =	seq.s32 s16, $0xF;
	s23 =	smul.u32 $0x2800, s16  }
0xa: {  	s10 =	smul.u32 $0x4E20, s16;
	p3 =	sgt.u32 s16, $0x7;
	s26 =	sshll.u32 s16, $0x6  }
0xb: {  	s5 =	sshll.u32 s1, $0x4;
	_ =	strace $0x8000004D;
	s6 =	ssub.s32 $0x2, s1  }
0xc: {  	[dreg:$0x4] =	wrdreg s7;
	p0 =	seq.s32 s1, $0x0;
	s5 =	sor.u32 s16, s5  }
0xd: {  	s21 =	sshrl.u32 s6, $0x1;
	p1 =	por !p0, !p1;
	p2 =	por !p0, !p2  }
0xe: {  	s1 =	sshrl.u32 s22, $0x2;
	s22 =	sadd.s32 $0x25800, s2;
	s13 =	sshrl.u32 s23, $0x3  }
0xf: {  	s24 =	sadd.s32 s23, s2;
	s12 =	smov.u32 @p0 s9;
	s9 =	sshll.u32 @!p3 s16, $0x6  }
0x10: {  	s16 =	sor.u32 $0x1C05, s26;
	s23 =	simm.s32 $0xA710;
	s26 =	simm.s32 $0x1  }
0x11: {  	s5 =	smul.u32 $0x500, s5;
	s11 =	ssub.s32 s6, s21;
	p1 =	por !p1, !p1  }
0x12: {  	p2 =	por !p2, !p2;
	s1 =	sadd.s32 s1, s2;
	s25 =	sadd.s32 s8, s13  }
0x13: {  	s12 =	sadd.s32 s12, s13;
	s13 =	simm.s32 $0x4F10;
	s17 =	sshrl.u32 s24, $0x3  }
0x14: {  	s18 =	sor.u32 @!p3 $0x1C05, s9;
	s21 =	simm.s32 $0x9F10;
	s24 =	sshrl.u32 s22, $0x3  }
0x15: {  	[dreg:$0x6] =	wrdreg s25;
	s11 =	smax.u32 s11, $0x1;
	s29 =	sshrl.u32 s1, $0x3  }
0x16: {  	s1 =	simm.s32 $0x7690;
	s25 =	simm.s32 $0x9E10;
	s5 =	sadd.s32 s5, s0  }
0x17: {  	s0 =	sadd.s32 $0x14700, s0;
	[dreg:$0x7] =	wrdreg s29;
	s6 =	sadd.s32 $0x1A200, s5  }
0x18: {  	s7 =	sadd.s32 $0x5000, s5;
	s5 =	sadd.s32 s10, s3;
	s10 =	sshrl.u32 s10, $0x3  }
0x19: {  	[dreg:$0x5] =	wrdreg s0;
	s0 =	simm.s32 $0x4;
	s10 =	sadd.s32 s8, s10  }
0x1a: {  	s19 =	sshrl.u32 @!p3 s5, $0x3;
	s8 =	simm.s32 $0x9E90;
	s5 =	simm.s32 $0x0  }
.LBB2_1:
0x1b: {  	[tilespmem:s13], [sflag:$0x5] =	stream.linear.gather [hbm4b:s6+s4], $0x2800, $0x38;
	[tilespmem:$0xAF10] =	vst v63  }
0x1c: {  	_ =	swait.ge [sflag:s14], $0x2800  }
0x1d: {  	[sflag:s14] =	ssyncset.done $0x0  }
.Ltmp0:
0x1e: {  	[sflag:s14] =	ssyncadd.s32 $0xFFFFD800;
	(pc) =	sbr.rel @!p1 .LBB2_3-.Ltmp0, $4  }
0x1f: {  	[tilespmem:s15], [sflag:$0x5] =	stream.linear.gather [hbm4b:s7+s4], $0x2800, $0x38;
	[tilespmem:$0xAF10] =	vst v63  }
0x20: {  	_ =	swait.ge [sflag:s14], $0x2800  }
0x21: {  	[sflag:s14] =	ssyncset.done $0x0  }
0x22: {  	[sflag:s14] =	ssyncadd.s32 $0xFFFFD800  }
0x23: {  	s9 =	rddreg [dreg:$0x6]  }
0x24: {  	[spmem:s17], [sflag:s16] =	dma.local [hbm:s9], $0x500  }
.LBB2_7:
0x25: {  	_ =	swait.ge [sflag:s14], $0x500  }
0x26: {  	[sflag:s14] =	ssyncset.done $0x0  }
0x27: {  	[sflag:s14] =	ssyncadd.s32 $0xFFFFFB00  }
.LBB2_8:
0x28: {  	[spmem:s19], [sflag:s18] =	dma.local @!p3 [hbm:s10], $0x9C4  }
.Ltmp1:
0x29: {  	_ = 	snop;
	(pc) =	sbr.rel .LBB2_9-.Ltmp1, $4  }
0x2a: {  	s9 =	simm.s32 @!p3 $0x5  }
0x2b: {  	_ =	swait.ge @!p3 [sflag:s9], $0x9C4  }
0x2c: {  	[sflag:s9] =	ssyncset.done @!p3 $0x0  }
0x2d: {  	[sflag:s9] =	ssyncadd.s32 @!p3 $0xFFFFF63C  }
.LBB2_3:
.Ltmp2:
0x2e: {  	(pc) =	sbr.rel @!p2 .LBB2_5-.Ltmp2, $1  }
0x2f: {  	_ =	sdelay $0x3  }
0x30: {  	s9 =	rddreg [dreg:$0x4];
	s22 =	simm.s32 $0x1FC5  }
0x31: {  	[spmem:s24], [sflag:s22] =	dma.local [hbm:s9], $0x500  }
0x32: {  	_ =	swait.ge [sflag:s14], $0x500  }
0x33: {  	[sflag:s14] =	ssyncset.done $0x0  }
0x34: {  	s29 =	rddreg [dreg:$0x5];
	[sflag:s14] =	ssyncadd.s32 $0xFFFFFB00  }
0x35: {  	[spmem:s24], [sflag:s22] =	dma.local [hbm:s29], $0x320  }
0x36: {  	_ =	swait.ge [sflag:s14], $0x320  }
0x37: {  	[sflag:s14] =	ssyncset.done $0x0  }
0x38: {  	[sflag:s14] =	ssyncadd.s32 $0xFFFFFCE0  }
.LBB2_9:
0x39: {  	[bflag:$0x0] =	sbarrier.arrive $0xFFFF  }
0x3a: {  	[tilespmem:s21], [sflag:$0x1] =	stream.indirect.gather [spmem:s3], $0x10, s13, s20, $0xb8;
	[tilespmem:$0xAF10] =	vst v63  }
0x3b: {  	s9 =	simm.s32 $0x4F90  }
0x3c: {  	[tilespmem:s23], [sflag:$0x2] =	stream.indirect.gather [spmem:s3], $0x10, s9, s20, $0xb8;
	[tilespmem:$0xAF10] =	vst v63  }
0x3d: {  	_ =	swait.ge [sflag:s26], $0x800  }
0x3e: {  	[sflag:s26] =	ssyncset.done $0x0  }
0x3f: {  	[sflag:s26] =	ssyncadd.s32 $0xFFFFF800  }
0x40: {  	[spmem:s2] =	stream.indirect.scatter.add.f32 [tilespmem:s21], [sflag:$0x3], $0x10, s15, s20, $0xb8;
	[tilespmem:$0xAF10] =	vst v63  }
0x41: {  	_ =	swait.ge [sflag:s28], $0x800  }
0x42: {  	[sflag:s28] =	ssyncset.done $0x0  }
0x43: {  	s22 =	simm.s32 $0x5010;
	[sflag:s28] =	ssyncadd.s32 $0xFFFFF800  }
0x44: {  	[tilespmem:s21], [sflag:$0x1] =	stream.indirect.gather [spmem:s3], $0x10, s22, s20, $0xb8;
	[tilespmem:$0xAF10] =	vst v63  }
0x45: {  	_ =	swait.ge [sflag:s30], $0x800  }
0x46: {  	[sflag:s30] =	ssyncset.done $0x0  }
0x47: {  	[sflag:s30] =	ssyncadd.s32 $0xFFFFF800  }
0x48: {  	[spmem:s2] =	stream.indirect.scatter.add.f32 [tilespmem:s23], [sflag:$0x4], $0x10, s31, s20, $0xb8;
	[tilespmem:$0xAF10] =	vst v63  }
0x49: {  	_ =	swait.ge [sflag:s0], $0x800  }
0x4a: {  	[sflag:s0] =	ssyncset.done $0x0  }
0x4b: {  	s29 =	simm.s32 $0x5090;
	[sflag:s0] =	ssyncadd.s32 $0xFFFFF800  }
0x4c: {  	[tilespmem:s23], [sflag:$0x2] =	stream.indirect.gather [spmem:s3], $0x10, s29, s20, $0xb8;
	[tilespmem:$0xAF10] =	vst v63  }
0x4d: {  	_ =	swait.ge [sflag:s26], $0x800  }
0x4e: {  	[sflag:s26] =	ssyncset.done $0x0  }
0x4f: {  	s22 =	simm.s32 $0x7810;
	[sflag:s26] =	ssyncadd.s32 $0xFFFFF800  }
0x50: {  	[spmem:s2] =	stream.indirect.scatter.add.f32 [tilespmem:s21], [sflag:$0x3], $0x10, s22, s20, $0xb8;
	[tilespmem:$0xAF10] =	vst v63  }
0x51: {  	_ =	swait.ge [sflag:s28], $0x800  }
0x52: {  	[sflag:s28] =	ssyncset.done $0x0  }
0x53: {  	s29 =	simm.s32 $0x5110;
	[sflag:s28] =	ssyncadd.s32 $0xFFFFF800  }
0x54: {  	[tilespmem:s21], [sflag:$0x1] =	stream.indirect.gather [spmem:s3], $0x10, s29, s20, $0xb8;
	[tilespmem:$0xAF10] =	vst v63  }
0x55: {  	_ =	swait.ge [sflag:s30], $0x800  }
0x56: {  	[sflag:s30] =	ssyncset.done $0x0  }
0x57: {  	s9 =	simm.s32 $0xFFFF6C00;
	s22 =	simm.s32 $0x7890;
	[sflag:s30] =	ssyncadd.s32 $0xFFFFF800  }
.LBB2_10:
0x58: {  	[spmem:s2] =	stream.indirect.scatter.add.f32 [tilespmem:s23], [sflag:$0x4], $0x10, s22, s20, $0xb8;
	[tilespmem:$0xAF10] =	vst v63  }
0x59: {  	s22 =	smov.u32 s9  }
0x5a: {  	p4 =	sne.s32 s9, $0xFFFFFC00;
	s9 =	sadd.s32 $0x400, s9;
	_ =	swait.ge [sflag:s0], $0x800  }
0x5b: {  	s22 =	sshra.s32 s22, $0x2;
	[sflag:s0] =	ssyncset.done $0x0  }
0x5c: {  	s29 =	sadd.s32 $0x7690, s22;
	[sflag:s0] =	ssyncadd.s32 $0xFFFFF800  }
0x5d: {  	[tilespmem:s23], [sflag:$0x2] =	stream.indirect.gather [spmem:s3], $0x10, s29, s20, $0xb8;
	[tilespmem:$0xAF10] =	vst v63  }
0x5e: {  	_ =	swait.ge [sflag:s26], $0x800  }
0x5f: {  	[sflag:s26] =	ssyncset.done $0x0  }
0x60: {  	s29 =	sadd.s32 $0x9E10, s22;
	[sflag:s26] =	ssyncadd.s32 $0xFFFFF800  }
0x61: {  	[spmem:s2] =	stream.indirect.scatter.add.f32 [tilespmem:s21], [sflag:$0x3], $0x10, s29, s20, $0xb8;
	[tilespmem:$0xAF10] =	vst v63  }
0x62: {  	_ =	swait.ge [sflag:s28], $0x800  }
0x63: {  	[sflag:s28] =	ssyncset.done $0x0  }
.Ltmp3:
0x64: {  	s29 =	sadd.s32 $0x7710, s22;
	[sflag:s28] =	ssyncadd.s32 $0xFFFFF800;
	(pc) =	sbr.rel @p4 .LBB2_10-.Ltmp3, $4  }
0x65: {  	[tilespmem:s21], [sflag:$0x1] =	stream.indirect.gather [spmem:s3], $0x10, s29, s20, $0xb8;
	[tilespmem:$0xAF10] =	vst v63  }
0x66: {  	_ =	swait.ge [sflag:s30], $0x800  }
0x67: {  	[sflag:s30] =	ssyncset.done $0x0  }
0x68: {  	s22 =	sadd.s32 $0x9E90, s22;
	[sflag:s30] =	ssyncadd.s32 $0xFFFFF800  }
0x69: {  	[spmem:s2] =	stream.indirect.scatter.add.f32 [tilespmem:s23], [sflag:$0x4], $0x10, s22, s20, $0xb8;
	[tilespmem:$0xAF10] =	vst v63  }
0x6a: {  	_ =	swait.ge [sflag:s0], $0x800  }
0x6b: {  	[sflag:s0] =	ssyncset.done $0x0  }
0x6c: {  	[sflag:s0] =	ssyncadd.s32 $0xFFFFF800  }
0x6d: {  	[tilespmem:s23], [sflag:$0x2] =	stream.indirect.gather [spmem:s3], $0x10, s1, s20, $0xb8;
	[tilespmem:$0xAF10] =	vst v63  }
0x6e: {  	_ =	swait.ge [sflag:s26], $0x800  }
0x6f: {  	[sflag:s26] =	ssyncset.done $0x0  }
0x70: {  	[sflag:s26] =	ssyncadd.s32 $0xFFFFF800  }
0x71: {  	[spmem:s2] =	stream.indirect.scatter.add.f32 [tilespmem:s21], [sflag:$0x3], $0x10, s25, s20, $0xb8;
	[tilespmem:$0xAF10] =	vst v63  }
0x72: {  	_ =	swait.ge [sflag:s28], $0x800  }
0x73: {  	[sflag:s28] =	ssyncset.done $0x0  }
0x74: {  	[sflag:s28] =	ssyncadd.s32 $0xFFFFF800  }
0x75: {  	_ =	swait.ge [sflag:s30], $0x800  }
0x76: {  	[sflag:s30] =	ssyncset.done $0x0  }
0x77: {  	[sflag:s30] =	ssyncadd.s32 $0xFFFFF800  }
0x78: {  	[spmem:s2] =	stream.indirect.scatter.add.f32 [tilespmem:s23], [sflag:$0x4], $0x10, s8, s20, $0xb8;
	[tilespmem:$0xAF10] =	vst v63  }
0x79: {  	_ =	swait.ge [sflag:s0], $0x800  }
0x7a: {  	[sflag:s0] =	ssyncset.done $0x0  }
0x7b: {  	s5 =	sadd.s32 $0x1, s5;
	[sflag:s0] =	ssyncadd.s32 $0xFFFFF800  }
0x7c: {  	p4 =	sne.s32 s5, s11;
	[bflag:$0x0] =	sbarrier.arrive $0xFFFF  }
0x7d: {  	[hbm:s12], [sflag:s16] =	dma.local [spmem:s17], $0x500  }
.Ltmp4:
0x7e: {  	_ = 	snop;
	(pc) =	sbr.rel @p4 .LBB2_1-.Ltmp4, $4  }
.Ltmp5:
0x7f: {  	_ = 	snop;
	(pc) =	sbr.rel @!p4 .LBB2_12-.Ltmp5, $4  }
0x80: {  	_ =	swait.ge [sflag:s14], $0x500  }
0x81: {  	[sflag:s14] =	ssyncset.done $0x0  }
0x82: {  	[sflag:s14] =	ssyncadd.s32 $0xFFFFFB00  }
0x83: {  	_ = 	snop  }
.LBB2_5:
.Ltmp6:
0x84: {  	(pc) =	sbr.rel @p0 .LBB2_8-.Ltmp6, $1  }
0x85: {  	_ =	sdelay $0x3  }
.Ltmp7:
0x86: {  	(pc) =	sbr.rel .LBB2_7-.Ltmp7, $4  }
0x87: {  	_ = 	snop  }
0x88: {  	s9 =	rddreg [dreg:$0x4]  }
0x89: {  	s22 =	rddreg [dreg:$0x7]  }
0x8a: {  	[spmem:s22], [sflag:s16] =	dma.local [hbm:s9], $0x500  }
.LBB2_12:
0x8b: {  	_ =	sfence.sel $0x180000  }
0x8c: {  	[bflag:$0x0] =	sbarrier.arrive $0xFFFF  }
0x8d: {  	_ =	strace $0x9000004D  }
0x8e: {  	s0 =	stileid.u32;
	[bflag:$0x2] =	sbarrier.arrive $0xFFFF  }
0x8f: {  	p0 =	sne.s32 s0, $0x0;
	s0 =	rddreg [dreg:$0x3]  }
0x90: {  	s0 =	sadd.s32 @!p0 $0x100000, s0  }
0x91: {  	[sflag:s0] =	ssyncadd.tile.s32 @!p0 $0x1;
	_ =	shalt  }
.Lfunc_end2:
_tile_overlayer_lowered:
.L_overlay_start_2:
0x92: {  	(tag) =	ssettag $0x2  }
0x93: {  	s0 =	rddreg [dreg:$0x0];
	s2 =	stileid.u32  }
0x94: {  	s1 =	rddreg [dreg:$0x1];
	p0 =	sne.s32 s2, $0x0  }
0x95: {  	s3 =	rddreg [dreg:$0x2];
	[bflag:$0x3] =	sbarrier.arrive $0xFFFF;
	s2 =	simm.s32 @!p0 $0x1C05  }
0x96: {  	[timem:s3], [sflag:s2] =	dma.local @!p0 [hbm:s0], s1  }
0x97: {  	s0 =	simm.s32 @!p0 $0x5  }
0x98: {  	_ =	swait.ge @!p0 [sflag:s0], s1  }
0x99: {  	s1 =	ssub.s32 @!p0 $0x0, s1;
	[sflag:s0] =	ssyncset.done @!p0 $0x0  }
0x9a: {  	[sflag:s0] =	ssyncadd.s32 @!p0 s1  }
0x9b: {  	[bflag:$0x3] =	sbarrier.arrive $0xFFFF  }
0x9c: {  	_ =	shalt  }

// kernel: kernel.22.cloned.1.call-start
scs
__scs_entry_jumppad:
0x0: {  	(pc) =	sbr.rel $0x88, $3  }
0x1: {  	(tag) =	ssettag $0x0;
	lr =	simm.s32 $0x1  }
0x2: {  	[smem:$0x3F94] =	sst lr;
	_ =	strace $0xD0000000  }
0x3: {  	_ = 	snop  }
0x4: {  	_ = 	snop  }
0x5: {  	_ = 	snop  }
0x6: {  	_ = 	snop  }
0x7: {  	_ = 	snop  }
__scs_overlays_trampoline_lowered:
0x8: {  	[smem:$0x3FA3] =	sst s0  }
0x9: {  	[smem:$0x3FA4] =	sst s1  }
0xa: {  	[smem:$0x3FA5] =	sst s2  }
0xb: {  	[smem:$0x3FA6] =	sst s3  }
0xc: {  	[smem:$0x3FA7] =	sst s4  }
0xd: {  	[smem:$0x3FA8] =	sst s5  }
0xe: {  	[smem:$0x3FA9] =	sst s6  }
0xf: {  	[smem:$0x3FAA] =	sst s7  }
0x10: {  	[smem:$0x3FAB] =	sst s8  }
0x11: {  	[smem:$0x3FAC] =	sst s9;
	s0 =	simm.s32 @!p0 $0x0  }
0x12: {  	s1 =	sld [smem:$0x3F92];
	s0 =	simm.s32 @p0 $0x1  }
0x13: {  	[smem:$0x3FAD] =	sst s0;
	s0 =	simm.s32 @!p1 $0x0  }
0x14: {  	s2 =	sld [smem:$0x3F91];
	s0 =	simm.s32 @p1 $0x1  }
0x15: {  	[smem:$0x3FAE] =	sst s0;
	s0 =	simm.s32 @!p2 $0x0  }
0x16: {  	s3 =	sld [smem:$0x3FDB];
	s0 =	simm.s32 @p2 $0x1  }
0x17: {  	s4 =	simm.s32 $0x1BF5;
	[smem:$0x3FB0] =	sst s0  }
0x18: {  	s0 =	sld [smem:$0x3F93];
	_ =	swait.ge [sflag:s4], $0x0  }
0x19: {  	s7 =	sld [smem:$0x3F94]  }
0x1a: {  	s8 =	sadd.s32 $0xFFFFE003, lr  }
0x1b: {  	s9 =	sadd.s32 $0xFFFFFEF7, lr;
	s5 =	simm.s32 $0xFFFFFFFF;
	p2 =	slt.u32 s8, $0xFFFFF086  }
0x1c: {  	p1 =	slt.u32 s9, $0xF7A;
	s5 =	simm.s32 @!p2 $0x0  }
0x1d: {  	s5 =	simm.s32 @p1 $0x1;
	p0 =	seq.s32 s7, s2  }
0x1e: {  	s7 =	smul.u32 @!p0 $0xF7A, s2;
	p2 =	seq.s32 @!p0 s5, $0x0  }
0x1f: {  	s9 =	smul.u32 $0xF7A, s1;
	s8 =	simm.s32 @!p0 $0x1BF5;
	p2 =	por !p2, p0  }
0x20: {  	[sflag:s8] =	ssyncset.s32 @!p0 $0xFFFFF086;
	s6 =	sadd.s32 @!p0 s3, s7;
	s7 =	simm.s32 @!p0 $0x108  }
0x21: {  	s3 =	sadd.s32 s3, s9;
	s6 =	sadd.s32 @!p0 $0x88, s6;
	s7 =	simm.s32 @p2 $0x1082  }
0x22: {  	[simem:s7], [sflag:s8] =	dma.local @!p0 [hbm:s6], $0xF7A  }
0x23: {  	s9 =	sor.u32 $0xD0000000, s2;
	s6 =	simm.s32 $0x108;
	_ =	swait.ge @!p0 [sflag:s8], $0x0  }
0x24: {  	s3 =	sadd.s32 $0x88, s3;
	s6 =	simm.s32 @!p1 $0x1082;
	[sflag:s4] =	ssyncset.s32 $0xFFFFF086  }
0x25: {  	[simem:s6], [sflag:s4] =	dma.local [hbm:s3], $0xF7A  }
0x26: {  	[smem:$0x3F94] =	sst s1;
	(tag) =	ssettag s2;
	_ =	strace s9  }
0x27: {  	s1 =	sld [smem:$0x3FA4]  }
0x28: {  	s2 =	sld [smem:$0x3FA5]  }
0x29: {  	s4 =	sld [smem:$0x3FA7]  }
0x2a: {  	p0 =	seq.s32 s5, $0x0;
	s5 =	sld [smem:$0x3FA8]  }
0x2b: {  	s6 =	sld [smem:$0x3FA9]  }
0x2c: {  	s7 =	sld [smem:$0x3FAA]  }
0x2d: {  	s3 =	simm.s32 $0x108;
	s8 =	sld [smem:$0x3FAB]  }
0x2e: {  	s3 =	simm.s32 @!p0 $0x1082;
	s9 =	sld [smem:$0x3FAC]  }
0x2f: {  	lr =	sadd.s32 s0, s3;
	s0 =	sld [smem:$0x3FA3]  }
0x30: {  	s3 =	sld [smem:$0x3FA6]  }
0x31: {  	[smem:$0x3FAF] =	sst s10  }
0x32: {  	s10 =	sld [smem:$0x3FAD];
	_ =	sdelay $0x3  }
0x33: {  	p0 =	seq.s32 s10, $0x1;
	s10 =	sld [smem:$0x3FAF];
	_ =	sdelay $0x3  }
0x34: {  	[smem:$0x3FAF] =	sst s10  }
0x35: {  	s10 =	sld [smem:$0x3FAE];
	_ =	sdelay $0x3  }
0x36: {  	p1 =	seq.s32 s10, $0x1;
	s10 =	sld [smem:$0x3FAF];
	_ =	sdelay $0x3  }
0x37: {  	[smem:$0x3FAF] =	sst s10  }
0x38: {  	s10 =	sld [smem:$0x3FB0]  }
0x39: {  	_ = 	snop;
	(pc) =	sbr.ind lr, $3  }
0x3a: {  	_ = 	snop  }
0x3b: {  	_ = 	snop  }
0x3c: {  	p2 =	seq.s32 s10, $0x1;
	s10 =	sld [smem:$0x3FAF]  }
0x3d: {  	_ =	shalt  }
0x3e: {  	_ =	shalt  }
0x3f: {  	_ =	shalt  }
0x40: {  	_ =	shalt  }
0x41: {  	_ =	shalt  }
0x42: {  	_ =	shalt  }
0x43: {  	_ =	shalt  }
0x44: {  	_ =	shalt  }
0x45: {  	_ =	shalt  }
0x46: {  	_ =	shalt  }
0x47: {  	_ =	shalt  }
0x48: {  	_ =	shalt  }
0x49: {  	_ =	shalt  }
0x4a: {  	_ =	shalt  }
0x4b: {  	_ =	shalt  }
0x4c: {  	_ =	shalt  }
0x4d: {  	_ =	shalt  }
0x4e: {  	_ =	shalt  }
0x4f: {  	_ =	shalt  }
0x50: {  	_ =	shalt  }
0x51: {  	_ =	shalt  }
0x52: {  	_ =	shalt  }
0x53: {  	_ =	shalt  }
0x54: {  	_ =	shalt  }
0x55: {  	_ =	shalt  }
0x56: {  	_ =	shalt  }
0x57: {  	_ =	shalt  }
0x58: {  	_ =	shalt  }
0x59: {  	_ =	shalt  }
0x5a: {  	_ =	shalt  }
0x5b: {  	_ =	shalt  }
0x5c: {  	_ =	shalt  }
0x5d: {  	_ =	shalt  }
0x5e: {  	_ =	shalt  }
0x5f: {  	_ =	shalt  }
0x60: {  	_ =	shalt  }
0x61: {  	_ =	shalt  }
0x62: {  	_ =	shalt  }
0x63: {  	_ =	shalt  }
0x64: {  	_ =	shalt  }
0x65: {  	_ =	shalt  }
0x66: {  	_ =	shalt  }
0x67: {  	_ =	shalt  }
0x68: {  	_ =	shalt  }
0x69: {  	_ =	shalt  }
0x6a: {  	_ =	shalt  }
0x6b: {  	_ =	shalt  }
0x6c: {  	_ =	shalt  }
0x6d: {  	_ =	shalt  }
0x6e: {  	_ =	shalt  }
0x6f: {  	_ =	shalt  }
0x70: {  	_ =	shalt  }
0x71: {  	_ =	shalt  }
0x72: {  	_ =	shalt  }
0x73: {  	_ =	shalt  }
0x74: {  	_ =	shalt  }
0x75: {  	_ =	shalt  }
0x76: {  	_ =	shalt  }
0x77: {  	_ =	shalt  }
0x78: {  	_ =	shalt  }
0x79: {  	_ =	shalt  }
0x7a: {  	_ =	shalt  }
0x7b: {  	_ =	shalt  }
0x7c: {  	_ =	shalt  }
0x7d: {  	_ =	shalt  }
0x7e: {  	_ =	shalt  }
0x7f: {  	_ =	shalt  }
0x80: {  	_ =	shalt  }
0x81: {  	_ =	shalt  }
0x82: {  	_ =	shalt  }
0x83: {  	_ =	shalt  }
0x84: {  	_ =	shalt  }
0x85: {  	_ =	shalt  }
0x86: {  	_ =	shalt  }
0x87: {  	_ =	shalt  }
.Lfunc_end0:
.L_simem_size_0:
called_computation.3_lowered:
.L_overlay_start_0:
0x88: {  	s2 =	sld [smem:$0x3FD9]  }
0x89: {  	s3 =	sld [smem:$0x3FFE];
	_ =	sdelay $0x1  }
0x8a: {  	s1 =	srdreg.scid  }
0x8b: {  	s0 =	sand.u32 $0x1, s1  }
0x8c: {  	s16 =	sshll.u32 s0, $0xA;
	s2 =	sadd.s32 s3, s2  }
0x8d: {  	s2 =	sadd.s32 s2, s16  }
0x8e: {  	[smem:$0x3FBB] =	sst s2  }
0x8f: {  	_ = 	snop  }
0x90: {  	(tm) =	ssettm $0x1  }
0x91: {  	s17 =	sld [smem:$0x3FFB];
	_ =	sdelay $0x3  }
0x92: {  	_ =	strace s17  }
0x93: {  	s2 =	sld [smem:$0x3FFC];
	_ =	sdelay $0x3  }
0x94: {  	_ =	strace s2  }
0x95: {  	s2 =	sld [smem:$0x3FFD];
	_ =	sdelay $0x3  }
0x96: {  	_ =	strace s2  }
0x97: {  	_ =	strace $0x8FFFFFFF  }
0x98: {  	s18 =	sld [smem:$0x3FDB];
	_ =	sdelay $0x1  }
0x99: {  	s19 =	simm.s32 $_scs_section_size  }
0x9a: {  	s4 =	simm.s32 $_size__tile_overlayer_lowered;
	s5 =	simm.s32 $_tile_overlayer_lowered  }
0x9b: {  	s22 =	simm.s32 $0x1BFF;
	s21 =	sshll.u32 s5, $0x1;
	s2 =	sadd.s32 s19, s18  }
0x9c: {  	s6 =	simm.s32 $0x0;
	s20 =	sshll.u32 s4, $0x1;
	s4 =	sadd.s32 s21, s2  }
0x9d: {  	[timem:s6], [sflag:s22] =	dma.local [hbm:s4], s20  }
0x9e: {  	_ =	swait.ge [sflag:s22], s20  }
0x9f: {  	s3 =	ssub.s32 $0x0, s20;
	[sflag:s22] =	ssyncset.done $0x0  }
0xa0: {  	[sflag:s22] =	ssyncadd.s32 s3;
	_ =	sdelay $0x1  }
0xa1: {  	s23 =	simm.s32 $0x1B8B  }
0xa2: {  	_ =	swait.ge [sflag:s23], $0x1  }
0xa3: {  	[sflag:s23] =	ssyncset.done $0x0  }
0xa4: {  	s25 =	simm.s32 $0x1B8E;
	s24 =	sld [smem:$0x3FFE];
	[sflag:s23] =	ssyncadd.s32 $0xFFFFFFFF  }
0xa5: {  	s26 =	simm.s32 $execute0_lowered;
	[smem:$0x3FD2] =	sst s25  }
0xa6: {  	s4 =	sshll.u32 s26, $0x1;
	_ =	strace $0x8000004F;
	[dreg:$0x1] =	wrdreg $0xFFFFFFFF  }
0xa7: {  	s28 =	simm.s32 $_size_execute0_lowered;
	s2 =	sadd.s32 s2, s4;
	[dreg:$0x0] =	wrdreg $0x0  }
0xa8: {  	s4 =	sshll.u32 s28, $0x1;
	[dreg:$0x2] =	wrdreg s2  }
0xa9: {  	[dreg:$0x3] =	wrdreg s4  }
0xaa: {  	[dreg:$0x4] =	wrdreg $0xC0  }
0xab: {  	_ =	task [dreg:s6], $0x5FFFF  }
0xac: {  	[dreg:$0x1] =	wrdreg $0xFFFFFFFF  }
0xad: {  	[dreg:$0x0] =	wrdreg $0x60  }
0xae: {  	[dreg:$0x2] =	wrdreg s24  }
0xaf: {  	[dreg:$0x3] =	wrdreg $0x0  }
0xb0: {  	[dreg:$0x4] =	wrdreg $0x50000  }
0xb1: {  	[dreg:$0x5] =	wrdreg $0x9  }
0xb2: {  	_ =	task.clear_ibuf [dreg:s6], $0x6FFFF;
	_ =	strace $0x9000004F  }
0xb3: {  	s29 =	simm.s32 $0x9;
	_ =	strace $0x80000051  }
0xb4: {  	_ =	swait.ge [sflag:s29], $0x1  }
0xb5: {  	[sflag:s29] =	ssyncadd.s32 $0xFFFFFFFF  }
0xb6: {  	_ =	strace $0x90000051  }
0xb7: {  	_ =	sfence  }
0xb8: {  	s30 =	sld [smem:$0x0];
	_ =	sdelay $0x2  }
0xb9: {  	s31 =	sshll.u32 s1, $0xD;
	s1 =	sshrl.u32 s1, $0x2  }
0xba: {  	s3 =	sand.u32 $0x4000, s31;
	s1 =	sadd.s32 s1, s30  }
0xbb: {  	s0 =	sor.u32 s3, s0;
	s1 =	sshll.u32 s1, $0x11  }
0xbc: {  	s0 =	sor.u32 s1, s0  }
0xbd: {  	s0 =	sadd.s32 $0x8F2B, s0  }
0xbe: {  	[sflag:s0] =	ssyncadd.remote.s32 $0x1  }
0xbf: {  	_ =	sfence.sel $0xFFFF  }
0xc0: {  	[dreg:$0x0] =	wrdreg $0xFFFFFFFF;
	(pc) =	sbr.abs _section_cstart, $3  }
0xc1: {  	[dreg:$0x1] =	wrdreg $0xFFFFFFFF  }
0xc2: {  	_ =	task.clear_ibuf [dreg:s6], $0x2FFFF;
	_ =	strace $0x9FFFFFFF  }
0xc3: {  	(tm) =	ssettm $0x7FFFFFFF  }
tec
execute0_lowered:
.L_overlay_start_1:
0x0: {  	(tag) =	ssettag $0x1  }
0x1: {  	s0 =	rddreg [dreg:$0x0]  }
0x2: {  	s2 =	rddreg [dreg:$0x1]  }
0x3: {  	s1 =	srdreg.scid;
	s3 =	rddreg [dreg:$0x2]  }
0x4: {  	s16 =	stileid.u32;
	s4 =	simm.s32 $0x0;
	s14 =	simm.s32 $0x5  }
0x5: {  	s15 =	simm.s32 $0xC620;
	s20 =	simm.s32 $0x80;
	s28 =	simm.s32 $0x3  }
0x6: {  	s30 =	simm.s32 $0x2;
	s31 =	simm.s32 $0xC6A0;
	s1 =	sand.u32 $0x1, s1  }
0x7: {  	[smem:$0x7FF] =	sst s4;
	s8 =	sadd.s32 $0xF000, s0;
	s7 =	sadd.s32 $0x18E00, s0  }
0x8: {  	s9 =	sadd.s32 $0x55400, s0;
	s12 =	sadd.s32 $0x4B400, s0;
	s22 =	smul.u32 $0x14000, s16  }
0x9: {  	p1 =	sne.s32 s16, $0xF;
	p2 =	seq.s32 s16, $0xF;
	s23 =	smul.u32 $0x5000, s16  }
0xa: {  	s10 =	smul.u32 $0x9C40, s16;
	p3 =	sgt.u32 s16, $0x7;
	s26 =	sshll.u32 s16, $0x6  }
0xb: {  	s5 =	sshll.u32 s1, $0x4;
	_ =	strace $0x80000050;
	s6 =	ssub.s32 $0x2, s1  }
0xc: {  	[dreg:$0x4] =	wrdreg s7;
	p0 =	seq.s32 s1, $0x0;
	s5 =	sor.u32 s16, s5  }
0xd: {  	s21 =	sshrl.u32 s6, $0x1;
	p1 =	por !p0, !p1;
	p2 =	por !p0, !p2  }
0xe: {  	s1 =	sshrl.u32 s22, $0x2;
	s22 =	sadd.s32 $0x4B000, s2;
	s13 =	sshrl.u32 s23, $0x3  }
0xf: {  	s24 =	sadd.s32 s23, s2;
	s12 =	smov.u32 @p0 s9;
	s9 =	sshll.u32 @!p3 s16, $0x6  }
0x10: {  	s16 =	sor.u32 $0x1C05, s26;
	s23 =	simm.s32 $0xFE20;
	s26 =	simm.s32 $0x1  }
0x11: {  	s5 =	smul.u32 $0x500, s5;
	s11 =	ssub.s32 s6, s21;
	p1 =	por !p1, !p1  }
0x12: {  	p2 =	por !p2, !p2;
	s1 =	sadd.s32 s1, s2;
	s25 =	sadd.s32 s8, s13  }
0x13: {  	s12 =	sadd.s32 s12, s13;
	s13 =	simm.s32 $0x9E20;
	s17 =	sshrl.u32 s24, $0x3  }
0x14: {  	s18 =	sor.u32 @!p3 $0x1C05, s9;
	s21 =	simm.s32 $0xEE20;
	s24 =	sshrl.u32 s22, $0x3  }
0x15: {  	[dreg:$0x6] =	wrdreg s25;
	s11 =	smax.u32 s11, $0x1;
	s29 =	sshrl.u32 s1, $0x3  }
0x16: {  	s1 =	simm.s32 $0xC5A0;
	s25 =	simm.s32 $0xED20;
	s5 =	sadd.s32 s5, s0  }
0x17: {  	s0 =	sadd.s32 $0x18600, s0;
	[dreg:$0x7] =	wrdreg s29;
	s6 =	sadd.s32 $0x1A200, s5  }
0x18: {  	s7 =	sadd.s32 $0x5000, s5;
	s5 =	sadd.s32 s10, s3;
	s10 =	sshrl.u32 s10, $0x3  }
0x19: {  	[dreg:$0x5] =	wrdreg s0;
	s0 =	simm.s32 $0x4;
	s10 =	sadd.s32 s8, s10  }
0x1a: {  	s19 =	sshrl.u32 @!p3 s5, $0x3;
	s8 =	simm.s32 $0xEDA0;
	s5 =	simm.s32 $0x0  }
.LBB2_1:
0x1b: {  	[tilespmem:s13], [sflag:$0x5] =	stream.linear.gather [hbm4b:s6+s4], $0x2800, $0x38;
	[tilespmem:$0x10E20] =	vst v63  }
0x1c: {  	_ =	swait.ge [sflag:s14], $0x2800  }
0x1d: {  	[sflag:s14] =	ssyncset.done $0x0  }
.Ltmp0:
0x1e: {  	[sflag:s14] =	ssyncadd.s32 $0xFFFFD800;
	(pc) =	sbr.rel @!p1 .LBB2_3-.Ltmp0, $4  }
0x1f: {  	[tilespmem:s15], [sflag:$0x5] =	stream.linear.gather [hbm4b:s7+s4], $0x2800, $0x38;
	[tilespmem:$0x10E20] =	vst v63  }
0x20: {  	_ =	swait.ge [sflag:s14], $0x2800  }
0x21: {  	[sflag:s14] =	ssyncset.done $0x0  }
0x22: {  	[sflag:s14] =	ssyncadd.s32 $0xFFFFD800  }
0x23: {  	s9 =	rddreg [dreg:$0x6]  }
0x24: {  	[spmem:s17], [sflag:s16] =	dma.local [hbm:s9], $0xA00  }
.LBB2_7:
0x25: {  	_ =	swait.ge [sflag:s14], $0xA00  }
0x26: {  	[sflag:s14] =	ssyncset.done $0x0  }
0x27: {  	[sflag:s14] =	ssyncadd.s32 $0xFFFFF600  }
.LBB2_8:
0x28: {  	[spmem:s19], [sflag:s18] =	dma.local @!p3 [hbm:s10], $0x1388  }
.Ltmp1:
0x29: {  	_ = 	snop;
	(pc) =	sbr.rel .LBB2_9-.Ltmp1, $4  }
0x2a: {  	s9 =	simm.s32 @!p3 $0x5  }
0x2b: {  	_ =	swait.ge @!p3 [sflag:s9], $0x1388  }
0x2c: {  	[sflag:s9] =	ssyncset.done @!p3 $0x0  }
0x2d: {  	[sflag:s9] =	ssyncadd.s32 @!p3 $0xFFFFEC78  }
.LBB2_3:
.Ltmp2:
0x2e: {  	(pc) =	sbr.rel @!p2 .LBB2_5-.Ltmp2, $1  }
0x2f: {  	_ =	sdelay $0x3  }
0x30: {  	s9 =	rddreg [dreg:$0x4];
	s22 =	simm.s32 $0x1FC5  }
0x31: {  	[spmem:s24], [sflag:s22] =	dma.local [hbm:s9], $0xA00  }
0x32: {  	_ =	swait.ge [sflag:s14], $0xA00  }
0x33: {  	[sflag:s14] =	ssyncset.done $0x0  }
0x34: {  	s29 =	rddreg [dreg:$0x5];
	[sflag:s14] =	ssyncadd.s32 $0xFFFFF600  }
0x35: {  	[spmem:s24], [sflag:s22] =	dma.local [hbm:s29], $0x640  }
0x36: {  	_ =	swait.ge [sflag:s14], $0x640  }
0x37: {  	[sflag:s14] =	ssyncset.done $0x0  }
0x38: {  	[sflag:s14] =	ssyncadd.s32 $0xFFFFF9C0  }
.LBB2_9:
0x39: {  	[bflag:$0x0] =	sbarrier.arrive $0xFFFF  }
0x3a: {  	[tilespmem:s21], [sflag:$0x1] =	stream.indirect.gather [spmem:s3], $0x20, s13, s20, $0xb8;
	[tilespmem:$0x10E20] =	vst v63  }
0x3b: {  	s9 =	simm.s32 $0x9EA0  }
0x3c: {  	[tilespmem:s23], [sflag:$0x2] =	stream.indirect.gather [spmem:s3], $0x20, s9, s20, $0xb8;
	[tilespmem:$0x10E20] =	vst v63  }
0x3d: {  	_ =	swait.ge [sflag:s26], $0x1000  }
0x3e: {  	[sflag:s26] =	ssyncset.done $0x0  }
0x3f: {  	[sflag:s26] =	ssyncadd.s32 $0xFFFFF000  }
0x40: {  	[spmem:s2] =	stream.indirect.scatter.add.f32 [tilespmem:s21], [sflag:$0x3], $0x20, s15, s20, $0xb8;
	[tilespmem:$0x10E20] =	vst v63  }
0x41: {  	_ =	swait.ge [sflag:s28], $0x1000  }
0x42: {  	[sflag:s28] =	ssyncset.done $0x0  }
0x43: {  	s22 =	simm.s32 $0x9F20;
	[sflag:s28] =	ssyncadd.s32 $0xFFFFF000  }
0x44: {  	[tilespmem:s21], [sflag:$0x1] =	stream.indirect.gather [spmem:s3], $0x20, s22, s20, $0xb8;
	[tilespmem:$0x10E20] =	vst v63  }
0x45: {  	_ =	swait.ge [sflag:s30], $0x1000  }
0x46: {  	[sflag:s30] =	ssyncset.done $0x0  }
0x47: {  	[sflag:s30] =	ssyncadd.s32 $0xFFFFF000  }
0x48: {  	[spmem:s2] =	stream.indirect.scatter.add.f32 [tilespmem:s23], [sflag:$0x4], $0x20, s31, s20, $0xb8;
	[tilespmem:$0x10E20] =	vst v63  }
0x49: {  	_ =	swait.ge [sflag:s0], $0x1000  }
0x4a: {  	[sflag:s0] =	ssyncset.done $0x0  }
0x4b: {  	s29 =	simm.s32 $0x9FA0;
	[sflag:s0] =	ssyncadd.s32 $0xFFFFF000  }
0x4c: {  	[tilespmem:s23], [sflag:$0x2] =	stream.indirect.gather [spmem:s3], $0x20, s29, s20, $0xb8;
	[tilespmem:$0x10E20] =	vst v63  }
0x4d: {  	_ =	swait.ge [sflag:s26], $0x1000  }
0x4e: {  	[sflag:s26] =	ssyncset.done $0x0  }
0x4f: {  	s22 =	simm.s32 $0xC720;
	[sflag:s26] =	ssyncadd.s32 $0xFFFFF000  }
0x50: {  	[spmem:s2] =	stream.indirect.scatter.add.f32 [tilespmem:s21], [sflag:$0x3], $0x20, s22, s20, $0xb8;
	[tilespmem:$0x10E20] =	vst v63  }
0x51: {  	_ =	swait.ge [sflag:s28], $0x1000  }
0x52: {  	[sflag:s28] =	ssyncset.done $0x0  }
0x53: {  	s29 =	simm.s32 $0xA020;
	[sflag:s28] =	ssyncadd.s32 $0xFFFFF000  }
0x54: {  	[tilespmem:s21], [sflag:$0x1] =	stream.indirect.gather [spmem:s3], $0x20, s29, s20, $0xb8;
	[tilespmem:$0x10E20] =	vst v63  }
0x55: {  	_ =	swait.ge [sflag:s30], $0x1000  }
0x56: {  	[sflag:s30] =	ssyncset.done $0x0  }
0x57: {  	s9 =	simm.s32 $0xFFFF6C00;
	s22 =	simm.s32 $0xC7A0;
	[sflag:s30] =	ssyncadd.s32 $0xFFFFF000  }
.LBB2_10:
0x58: {  	[spmem:s2] =	stream.indirect.scatter.add.f32 [tilespmem:s23], [sflag:$0x4], $0x20, s22, s20, $0xb8;
	[tilespmem:$0x10E20] =	vst v63  }
0x59: {  	s22 =	smov.u32 s9  }
0x5a: {  	p4 =	sne.s32 s9, $0xFFFFFC00;
	s9 =	sadd.s32 $0x400, s9;
	_ =	swait.ge [sflag:s0], $0x1000  }
0x5b: {  	s22 =	sshra.s32 s22, $0x2;
	[sflag:s0] =	ssyncset.done $0x0  }
0x5c: {  	s29 =	sadd.s32 $0xC5A0, s22;
	[sflag:s0] =	ssyncadd.s32 $0xFFFFF000  }
0x5d: {  	[tilespmem:s23], [sflag:$0x2] =	stream.indirect.gather [spmem:s3], $0x20, s29, s20, $0xb8;
	[tilespmem:$0x10E20] =	vst v63  }
0x5e: {  	_ =	swait.ge [sflag:s26], $0x1000  }
0x5f: {  	[sflag:s26] =	ssyncset.done $0x0  }
0x60: {  	s29 =	sadd.s32 $0xED20, s22;
	[sflag:s26] =	ssyncadd.s32 $0xFFFFF000  }
0x61: {  	[spmem:s2] =	stream.indirect.scatter.add.f32 [tilespmem:s21], [sflag:$0x3], $0x20, s29, s20, $0xb8;
	[tilespmem:$0x10E20] =	vst v63  }
0x62: {  	_ =	swait.ge [sflag:s28], $0x1000  }
0x63: {  	[sflag:s28] =	ssyncset.done $0x0  }
.Ltmp3:
0x64: {  	s29 =	sadd.s32 $0xC620, s22;
	[sflag:s28] =	ssyncadd.s32 $0xFFFFF000;
	(pc) =	sbr.rel @p4 .LBB2_10-.Ltmp3, $4  }
0x65: {  	[tilespmem:s21], [sflag:$0x1] =	stream.indirect.gather [spmem:s3], $0x20, s29, s20, $0xb8;
	[tilespmem:$0x10E20] =	vst v63  }
0x66: {  	_ =	swait.ge [sflag:s30], $0x1000  }
0x67: {  	[sflag:s30] =	ssyncset.done $0x0  }
0x68: {  	s22 =	sadd.s32 $0xEDA0, s22;
	[sflag:s30] =	ssyncadd.s32 $0xFFFFF000  }
0x69: {  	[spmem:s2] =	stream.indirect.scatter.add.f32 [tilespmem:s23], [sflag:$0x4], $0x20, s22, s20, $0xb8;
	[tilespmem:$0x10E20] =	vst v63  }
0x6a: {  	_ =	swait.ge [sflag:s0], $0x1000  }
0x6b: {  	[sflag:s0] =	ssyncset.done $0x0  }
0x6c: {  	[sflag:s0] =	ssyncadd.s32 $0xFFFFF000  }
0x6d: {  	[tilespmem:s23], [sflag:$0x2] =	stream.indirect.gather [spmem:s3], $0x20, s1, s20, $0xb8;
	[tilespmem:$0x10E20] =	vst v63  }
0x6e: {  	_ =	swait.ge [sflag:s26], $0x1000  }
0x6f: {  	[sflag:s26] =	ssyncset.done $0x0  }
0x70: {  	[sflag:s26] =	ssyncadd.s32 $0xFFFFF000  }
0x71: {  	[spmem:s2] =	stream.indirect.scatter.add.f32 [tilespmem:s21], [sflag:$0x3], $0x20, s25, s20, $0xb8;
	[tilespmem:$0x10E20] =	vst v63  }
0x72: {  	_ =	swait.ge [sflag:s28], $0x1000  }
0x73: {  	[sflag:s28] =	ssyncset.done $0x0  }
0x74: {  	[sflag:s28] =	ssyncadd.s32 $0xFFFFF000  }
0x75: {  	_ =	swait.ge [sflag:s30], $0x1000  }
0x76: {  	[sflag:s30] =	ssyncset.done $0x0  }
0x77: {  	[sflag:s30] =	ssyncadd.s32 $0xFFFFF000  }
0x78: {  	[spmem:s2] =	stream.indirect.scatter.add.f32 [tilespmem:s23], [sflag:$0x4], $0x20, s8, s20, $0xb8;
	[tilespmem:$0x10E20] =	vst v63  }
0x79: {  	_ =	swait.ge [sflag:s0], $0x1000  }
0x7a: {  	[sflag:s0] =	ssyncset.done $0x0  }
0x7b: {  	s5 =	sadd.s32 $0x1, s5;
	[sflag:s0] =	ssyncadd.s32 $0xFFFFF000  }
0x7c: {  	p4 =	sne.s32 s5, s11;
	[bflag:$0x0] =	sbarrier.arrive $0xFFFF  }
0x7d: {  	[hbm:s12], [sflag:s16] =	dma.local [spmem:s17], $0xA00  }
.Ltmp4:
0x7e: {  	_ = 	snop;
	(pc) =	sbr.rel @p4 .LBB2_1-.Ltmp4, $4  }
.Ltmp5:
0x7f: {  	_ = 	snop;
	(pc) =	sbr.rel @!p4 .LBB2_12-.Ltmp5, $4  }
0x80: {  	_ =	swait.ge [sflag:s14], $0xA00  }
0x81: {  	[sflag:s14] =	ssyncset.done $0x0  }
0x82: {  	[sflag:s14] =	ssyncadd.s32 $0xFFFFF600  }
0x83: {  	_ = 	snop  }
.LBB2_5:
.Ltmp6:
0x84: {  	(pc) =	sbr.rel @p0 .LBB2_8-.Ltmp6, $1  }
0x85: {  	_ =	sdelay $0x3  }
.Ltmp7:
0x86: {  	(pc) =	sbr.rel .LBB2_7-.Ltmp7, $4  }
0x87: {  	_ = 	snop  }
0x88: {  	s9 =	rddreg [dreg:$0x4]  }
0x89: {  	s22 =	rddreg [dreg:$0x7]  }
0x8a: {  	[spmem:s22], [sflag:s16] =	dma.local [hbm:s9], $0xA00  }
.LBB2_12:
0x8b: {  	_ =	sfence.sel $0x180000  }
0x8c: {  	[bflag:$0x0] =	sbarrier.arrive $0xFFFF  }
0x8d: {  	_ =	strace $0x90000050  }
0x8e: {  	s0 =	stileid.u32;
	[bflag:$0x2] =	sbarrier.arrive $0xFFFF  }
0x8f: {  	p0 =	sne.s32 s0, $0x0;
	s0 =	rddreg [dreg:$0x3]  }
0x90: {  	s0 =	sadd.s32 @!p0 $0x100000, s0  }
0x91: {  	[sflag:s0] =	ssyncadd.tile.s32 @!p0 $0x1;
	_ =	shalt  }
.Lfunc_end2:
_tile_overlayer_lowered:
.L_overlay_start_2:
0x92: {  	(tag) =	ssettag $0x2  }
0x93: {  	s0 =	rddreg [dreg:$0x0];
	s2 =	stileid.u32  }
0x94: {  	s1 =	rddreg [dreg:$0x1];
	p0 =	sne.s32 s2, $0x0  }
0x95: {  	s3 =	rddreg [dreg:$0x2];
	[bflag:$0x3] =	sbarrier.arrive $0xFFFF;
	s2 =	simm.s32 @!p0 $0x1C05  }
0x96: {  	[timem:s3], [sflag:s2] =	dma.local @!p0 [hbm:s0], s1  }
0x97: {  	s0 =	simm.s32 @!p0 $0x5  }
0x98: {  	_ =	swait.ge @!p0 [sflag:s0], s1  }
0x99: {  	s1 =	ssub.s32 @!p0 $0x0, s1;
	[sflag:s0] =	ssyncset.done @!p0 $0x0  }
0x9a: {  	[sflag:s0] =	ssyncadd.s32 @!p0 s1  }
0x9b: {  	[bflag:$0x3] =	sbarrier.arrive $0xFFFF  }
0x9c: {  	_ =	shalt  }

// kernel: kernel.25.cloned.1.call-start
scs
__scs_entry_jumppad:
0x0: {  	(pc) =	sbr.rel $0x88, $3  }
0x1: {  	(tag) =	ssettag $0x0;
	lr =	simm.s32 $0x1  }
0x2: {  	[smem:$0x3F94] =	sst lr;
	_ =	strace $0xD0000000  }
0x3: {  	_ = 	snop  }
0x4: {  	_ = 	snop  }
0x5: {  	_ = 	snop  }
0x6: {  	_ = 	snop  }
0x7: {  	_ = 	snop  }
__scs_overlays_trampoline_lowered:
0x8: {  	[smem:$0x3FA3] =	sst s0  }
0x9: {  	[smem:$0x3FA4] =	sst s1  }
0xa: {  	[smem:$0x3FA5] =	sst s2  }
0xb: {  	[smem:$0x3FA6] =	sst s3  }
0xc: {  	[smem:$0x3FA7] =	sst s4  }
0xd: {  	[smem:$0x3FA8] =	sst s5  }
0xe: {  	[smem:$0x3FA9] =	sst s6  }
0xf: {  	[smem:$0x3FAA] =	sst s7  }
0x10: {  	[smem:$0x3FAB] =	sst s8  }
0x11: {  	[smem:$0x3FAC] =	sst s9;
	s0 =	simm.s32 @!p0 $0x0  }
0x12: {  	s1 =	sld [smem:$0x3F92];
	s0 =	simm.s32 @p0 $0x1  }
0x13: {  	[smem:$0x3FAD] =	sst s0;
	s0 =	simm.s32 @!p1 $0x0  }
0x14: {  	s2 =	sld [smem:$0x3F91];
	s0 =	simm.s32 @p1 $0x1  }
0x15: {  	[smem:$0x3FAE] =	sst s0;
	s0 =	simm.s32 @!p2 $0x0  }
0x16: {  	s3 =	sld [smem:$0x3FDB];
	s0 =	simm.s32 @p2 $0x1  }
0x17: {  	s4 =	simm.s32 $0x1BF5;
	[smem:$0x3FB0] =	sst s0  }
0x18: {  	s0 =	sld [smem:$0x3F93];
	_ =	swait.ge [sflag:s4], $0x0  }
0x19: {  	s7 =	sld [smem:$0x3F94]  }
0x1a: {  	s8 =	sadd.s32 $0xFFFFE003, lr  }
0x1b: {  	s9 =	sadd.s32 $0xFFFFFEF7, lr;
	s5 =	simm.s32 $0xFFFFFFFF;
	p2 =	slt.u32 s8, $0xFFFFF086  }
0x1c: {  	p1 =	slt.u32 s9, $0xF7A;
	s5 =	simm.s32 @!p2 $0x0  }
0x1d: {  	s5 =	simm.s32 @p1 $0x1;
	p0 =	seq.s32 s7, s2  }
0x1e: {  	s7 =	smul.u32 @!p0 $0xF7A, s2;
	p2 =	seq.s32 @!p0 s5, $0x0  }
0x1f: {  	s9 =	smul.u32 $0xF7A, s1;
	s8 =	simm.s32 @!p0 $0x1BF5;
	p2 =	por !p2, p0  }
0x20: {  	[sflag:s8] =	ssyncset.s32 @!p0 $0xFFFFF086;
	s6 =	sadd.s32 @!p0 s3, s7;
	s7 =	simm.s32 @!p0 $0x108  }
0x21: {  	s3 =	sadd.s32 s3, s9;
	s6 =	sadd.s32 @!p0 $0x88, s6;
	s7 =	simm.s32 @p2 $0x1082  }
0x22: {  	[simem:s7], [sflag:s8] =	dma.local @!p0 [hbm:s6], $0xF7A  }
0x23: {  	s9 =	sor.u32 $0xD0000000, s2;
	s6 =	simm.s32 $0x108;
	_ =	swait.ge @!p0 [sflag:s8], $0x0  }
0x24: {  	s3 =	sadd.s32 $0x88, s3;
	s6 =	simm.s32 @!p1 $0x1082;
	[sflag:s4] =	ssyncset.s32 $0xFFFFF086  }
0x25: {  	[simem:s6], [sflag:s4] =	dma.local [hbm:s3], $0xF7A  }
0x26: {  	[smem:$0x3F94] =	sst s1;
	(tag) =	ssettag s2;
	_ =	strace s9  }
0x27: {  	s1 =	sld [smem:$0x3FA4]  }
0x28: {  	s2 =	sld [smem:$0x3FA5]  }
0x29: {  	s4 =	sld [smem:$0x3FA7]  }
0x2a: {  	p0 =	seq.s32 s5, $0x0;
	s5 =	sld [smem:$0x3FA8]  }
0x2b: {  	s6 =	sld [smem:$0x3FA9]  }
0x2c: {  	s7 =	sld [smem:$0x3FAA]  }
0x2d: {  	s3 =	simm.s32 $0x108;
	s8 =	sld [smem:$0x3FAB]  }
0x2e: {  	s3 =	simm.s32 @!p0 $0x1082;
	s9 =	sld [smem:$0x3FAC]  }
0x2f: {  	lr =	sadd.s32 s0, s3;
	s0 =	sld [smem:$0x3FA3]  }
0x30: {  	s3 =	sld [smem:$0x3FA6]  }
0x31: {  	[smem:$0x3FAF] =	sst s10  }
0x32: {  	s10 =	sld [smem:$0x3FAD];
	_ =	sdelay $0x3  }
0x33: {  	p0 =	seq.s32 s10, $0x1;
	s10 =	sld [smem:$0x3FAF];
	_ =	sdelay $0x3  }
0x34: {  	[smem:$0x3FAF] =	sst s10  }
0x35: {  	s10 =	sld [smem:$0x3FAE];
	_ =	sdelay $0x3  }
0x36: {  	p1 =	seq.s32 s10, $0x1;
	s10 =	sld [smem:$0x3FAF];
	_ =	sdelay $0x3  }
0x37: {  	[smem:$0x3FAF] =	sst s10  }
0x38: {  	s10 =	sld [smem:$0x3FB0]  }
0x39: {  	_ = 	snop;
	(pc) =	sbr.ind lr, $3  }
0x3a: {  	_ = 	snop  }
0x3b: {  	_ = 	snop  }
0x3c: {  	p2 =	seq.s32 s10, $0x1;
	s10 =	sld [smem:$0x3FAF]  }
0x3d: {  	_ =	shalt  }
0x3e: {  	_ =	shalt  }
0x3f: {  	_ =	shalt  }
0x40: {  	_ =	shalt  }
0x41: {  	_ =	shalt  }
0x42: {  	_ =	shalt  }
0x43: {  	_ =	shalt  }
0x44: {  	_ =	shalt  }
0x45: {  	_ =	shalt  }
0x46: {  	_ =	shalt  }
0x47: {  	_ =	shalt  }
0x48: {  	_ =	shalt  }
0x49: {  	_ =	shalt  }
0x4a: {  	_ =	shalt  }
0x4b: {  	_ =	shalt  }
0x4c: {  	_ =	shalt  }
0x4d: {  	_ =	shalt  }
0x4e: {  	_ =	shalt  }
0x4f: {  	_ =	shalt  }
0x50: {  	_ =	shalt  }
0x51: {  	_ =	shalt  }
0x52: {  	_ =	shalt  }
0x53: {  	_ =	shalt  }
0x54: {  	_ =	shalt  }
0x55: {  	_ =	shalt  }
0x56: {  	_ =	shalt  }
0x57: {  	_ =	shalt  }
0x58: {  	_ =	shalt  }
0x59: {  	_ =	shalt  }
0x5a: {  	_ =	shalt  }
0x5b: {  	_ =	shalt  }
0x5c: {  	_ =	shalt  }
0x5d: {  	_ =	shalt  }
0x5e: {  	_ =	shalt  }
0x5f: {  	_ =	shalt  }
0x60: {  	_ =	shalt  }
0x61: {  	_ =	shalt  }
0x62: {  	_ =	shalt  }
0x63: {  	_ =	shalt  }
0x64: {  	_ =	shalt  }
0x65: {  	_ =	shalt  }
0x66: {  	_ =	shalt  }
0x67: {  	_ =	shalt  }
0x68: {  	_ =	shalt  }
0x69: {  	_ =	shalt  }
0x6a: {  	_ =	shalt  }
0x6b: {  	_ =	shalt  }
0x6c: {  	_ =	shalt  }
0x6d: {  	_ =	shalt  }
0x6e: {  	_ =	shalt  }
0x6f: {  	_ =	shalt  }
0x70: {  	_ =	shalt  }
0x71: {  	_ =	shalt  }
0x72: {  	_ =	shalt  }
0x73: {  	_ =	shalt  }
0x74: {  	_ =	shalt  }
0x75: {  	_ =	shalt  }
0x76: {  	_ =	shalt  }
0x77: {  	_ =	shalt  }
0x78: {  	_ =	shalt  }
0x79: {  	_ =	shalt  }
0x7a: {  	_ =	shalt  }
0x7b: {  	_ =	shalt  }
0x7c: {  	_ =	shalt  }
0x7d: {  	_ =	shalt  }
0x7e: {  	_ =	shalt  }
0x7f: {  	_ =	shalt  }
0x80: {  	_ =	shalt  }
0x81: {  	_ =	shalt  }
0x82: {  	_ =	shalt  }
0x83: {  	_ =	shalt  }
0x84: {  	_ =	shalt  }
0x85: {  	_ =	shalt  }
0x86: {  	_ =	shalt  }
0x87: {  	_ =	shalt  }
.Lfunc_end0:
.L_simem_size_0:
called_computation.4_lowered:
.L_overlay_start_0:
0x88: {  	s2 =	sld [smem:$0x3FD9]  }
0x89: {  	s3 =	sld [smem:$0x3FFE];
	_ =	sdelay $0x1  }
0x8a: {  	s1 =	srdreg.scid  }
0x8b: {  	s0 =	sand.u32 $0x1, s1  }
0x8c: {  	s17 =	sshll.u32 s0, $0xA;
	s2 =	sadd.s32 s3, s2  }
0x8d: {  	s2 =	sadd.s32 s2, s17  }
0x8e: {  	[smem:$0x3FBB] =	sst s2  }
0x8f: {  	_ = 	snop  }
0x90: {  	s2 =	sld [smem:$0x3FD0];
	(tm) =	ssettm $0x1  }
0x91: {  	s18 =	sld [smem:$0x3FFB];
	_ =	sdelay $0x3  }
0x92: {  	_ =	strace s18  }
0x93: {  	s3 =	sld [smem:$0x3FFC];
	_ =	sdelay $0x3  }
0x94: {  	_ =	strace s3  }
0x95: {  	s3 =	sld [smem:$0x3FFD];
	_ =	sdelay $0x3  }
0x96: {  	_ =	strace s3  }
0x97: {  	_ =	strace $0x8FFFFFFF  }
0x98: {  	s19 =	sld [smem:$0x3FDB];
	_ =	sdelay $0x1  }
0x99: {  	s4 =	simm.s32 $_scs_section_size  }
0x9a: {  	s5 =	simm.s32 $_size__tile_overlayer_lowered;
	s6 =	simm.s32 $_tile_overlayer_lowered  }
0x9b: {  	s22 =	simm.s32 $0x1BFF;
	s21 =	sshll.u32 s6, $0x1;
	s3 =	sadd.s32 s4, s19  }
0x9c: {  	s7 =	simm.s32 $0x0;
	s20 =	sshll.u32 s5, $0x1;
	s5 =	sadd.s32 s21, s3  }
0x9d: {  	[timem:s7], [sflag:s22] =	dma.local [hbm:s5], s20  }
0x9e: {  	_ =	swait.ge [sflag:s22], s20  }
0x9f: {  	s4 =	ssub.s32 $0x0, s20;
	[sflag:s22] =	ssyncset.done $0x0  }
0xa0: {  	[sflag:s22] =	ssyncadd.s32 s4;
	_ =	sdelay $0x1  }
0xa1: {  	s23 =	simm.s32 $0x1B8B  }
0xa2: {  	_ =	swait.ge [sflag:s23], $0x1  }
0xa3: {  	[sflag:s23] =	ssyncset.done $0x0  }
0xa4: {  	s25 =	simm.s32 $0x1B8E;
	s24 =	sld [smem:$0x3FFE];
	[sflag:s23] =	ssyncadd.s32 $0xFFFFFFFF  }
0xa5: {  	s26 =	simm.s32 $execute0_lowered;
	[smem:$0x3FD2] =	sst s25  }
0xa6: {  	s5 =	sshll.u32 s26, $0x1;
	_ =	strace $0x80000052;
	[dreg:$0x1] =	wrdreg $0xFFFFFFFF  }
0xa7: {  	s28 =	simm.s32 $_size_execute0_lowered;
	s3 =	sadd.s32 s3, s5;
	[dreg:$0x0] =	wrdreg $0x0  }
0xa8: {  	s5 =	sshll.u32 s28, $0x1;
	[dreg:$0x2] =	wrdreg s3  }
0xa9: {  	[dreg:$0x3] =	wrdreg s5  }
0xaa: {  	[dreg:$0x4] =	wrdreg $0xC0  }
0xab: {  	_ =	task [dreg:s7], $0x5FFFF  }
0xac: {  	[dreg:$0x1] =	wrdreg $0xFFFFFFFF  }
0xad: {  	[dreg:$0x0] =	wrdreg $0x60  }
0xae: {  	[dreg:$0x2] =	wrdreg s24  }
0xaf: {  	[dreg:$0x3] =	wrdreg s2  }
0xb0: {  	[dreg:$0x4] =	wrdreg $0x13C400  }
0xb1: {  	[dreg:$0x5] =	wrdreg $0x0  }
0xb2: {  	[dreg:$0x6] =	wrdreg $0xA0000  }
0xb3: {  	[dreg:$0x7] =	wrdreg $0x9  }
0xb4: {  	_ =	task.clear_ibuf [dreg:s7], $0x8FFFF;
	_ =	strace $0x90000052  }
0xb5: {  	s29 =	simm.s32 $0x9;
	_ =	strace $0x80000054  }
0xb6: {  	_ =	swait.ge [sflag:s29], $0x1  }
0xb7: {  	[sflag:s29] =	ssyncadd.s32 $0xFFFFFFFF  }
0xb8: {  	_ =	strace $0x90000054  }
0xb9: {  	_ =	sfence  }
0xba: {  	s30 =	sld [smem:$0x0];
	_ =	sdelay $0x2  }
0xbb: {  	s31 =	sshll.u32 s1, $0xD;
	s1 =	sshrl.u32 s1, $0x2  }
0xbc: {  	s3 =	sand.u32 $0x4000, s31;
	s1 =	sadd.s32 s1, s30  }
0xbd: {  	s0 =	sor.u32 s3, s0;
	s1 =	sshll.u32 s1, $0x11  }
0xbe: {  	s0 =	sor.u32 s1, s0  }
0xbf: {  	s0 =	sadd.s32 $0x8F2B, s0  }
0xc0: {  	[sflag:s0] =	ssyncadd.remote.s32 $0x1  }
0xc1: {  	_ =	sfence.sel $0xFFFF  }
0xc2: {  	[dreg:$0x0] =	wrdreg $0xFFFFFFFF;
	(pc) =	sbr.abs _section_cstart, $3  }
0xc3: {  	[dreg:$0x1] =	wrdreg $0xFFFFFFFF  }
0xc4: {  	_ =	task.clear_ibuf [dreg:s7], $0x2FFFF;
	_ =	strace $0x9FFFFFFF  }
0xc5: {  	(tm) =	ssettm $0x7FFFFFFF  }
tec
execute0_lowered:
.L_overlay_start_1:
0x0: {  	(tag) =	ssettag $0x1  }
0x1: {  	s0 =	rddreg [dreg:$0x0]  }
0x2: {  	s1 =	rddreg [dreg:$0x2]  }
0x3: {  	s2 =	srdreg.scid;
	s4 =	rddreg [dreg:$0x3]  }
0x4: {  	s5 =	rddreg [dreg:$0x4];
	s16 =	stileid.u32  }
0x5: {  	s6 =	simm.s32 $0x0;
	s28 =	simm.s32 $0x16640;
	s29 =	simm.s32 $0x80  }
0x6: {  	s30 =	simm.s32 $0x18E40;
	s2 =	sand.u32 $0x1, s2;
	[smem:$0x7FF] =	sst s6  }
0x7: {  	s7 =	smul.u32 $0x280, s16;
	s8 =	sadd.s32 $0x29200, s0;
	s9 =	sadd.s32 $0xF000, s0  }
0x8: {  	s12 =	sadd.s32 $0x10800, s0;
	s14 =	sadd.s32 $0x10400, s0;
	s20 =	smul.u32 $0x28000, s16  }
0x9: {  	s17 =	sshll.u32 s16, $0x9;
	p1 =	sne.s32 s16, $0xF;
	s21 =	smul.u32 $0xA000, s16  }
0xa: {  	p2 =	seq.s32 s16, $0xF;
	s22 =	smul.u32 $0x13880, s16;
	s23 =	sadd.s32 $0x96000, s4  }
0xb: {  	p3 =	sgt.u32 s16, $0x7;
	s3 =	sshll.u32 s2, $0x4;
	_ =	strace $0x80000053  }
0xc: {  	[dreg:$0x6] =	wrdreg s9;
	s9 =	sadd.s32 $0x24200, s0;
	s11 =	ssub.s32 $0x2, s2  }
0xd: {  	s18 =	sadd.s32 s17, s1;
	p0 =	seq.s32 s2, $0x0;
	s17 =	sshll.u32 s16, $0x6  }
0xe: {  	s26 =	sshrl.u32 s23, $0x3;
	s3 =	sor.u32 s16, s3;
	s10 =	sshrl.u32 s7, $0x3  }
0xf: {  	s13 =	sshrl.u32 s11, $0x1;
	[dreg:$0x8] =	wrdreg s18;
	p1 =	por !p0, !p1  }
0x10: {  	p2 =	por !p0, !p2;
	s2 =	sshrl.u32 s20, $0x2;
	s24 =	sadd.s32 s21, s4  }
0x11: {  	s15 =	sshrl.u32 s22, $0x3;
	s14 =	smov.u32 @p0 s12;
	[dreg:$0x11] =	wrdreg s26  }
0x12: {  	s26 =	simm.s32 $0x13E40;
	s20 =	simm.s32 $0x4;
	s16 =	simm.s32 $0x0  }
0x13: {  	s3 =	smul.u32 $0x500, s3;
	s10 =	sadd.s32 s10, s0;
	s11 =	ssub.s32 s11, s13  }
0x14: {  	p1 =	por !p1, !p1;
	p2 =	por !p2, !p2;
	s10 =	sadd.s32 $0x19800, s10  }
0x15: {  	s2 =	sadd.s32 s2, s4;
	s25 =	smax.u32 s11, $0x1;
	[dreg:$0x7] =	wrdreg s10  }
0x16: {  	s31 =	sshrl.u32 s2, $0x3;
	s2 =	simm.s32 $0x1AE40;
	[dreg:$0xe] =	wrdreg s25  }
0x17: {  	s3 =	sadd.s32 s3, s0;
	s0 =	sadd.s32 $0x3BE00, s0;
	[dreg:$0x12] =	wrdreg s31  }
0x18: {  	s25 =	simm.s32 $0x3;
	s19 =	sadd.s32 $0x1A200, s3;
	[dreg:$0xb] =	wrdreg s0  }
0x19: {  	s3 =	sadd.s32 $0x5000, s3;
	s0 =	sshrl.u32 s24, $0x3;
	[dreg:$0x9] =	wrdreg s19  }
0x1a: {  	s24 =	simm.s32 $0x1CE40;
	[dreg:$0xa] =	wrdreg s3;
	s3 =	sshrl.u32 s21, $0x3  }
0x1b: {  	s19 =	sadd.s32 s14, s17;
	s21 =	simm.s32 $0x5;
	[dreg:$0xf] =	wrdreg s0  }
0x1c: {  	s14 =	simm.s32 $0x1E240;
	s3 =	sadd.s32 s8, s3;
	s8 =	sadd.s32 s8, s15  }
0x1d: {  	s15 =	simm.s32 $0x0;
	[dreg:$0xc] =	wrdreg s3;
	s3 =	sadd.s32 s22, s5  }
0x1e: {  	[dreg:$0xd] =	wrdreg s8;
	s8 =	simm.s32 $0x2;
	s0 =	sshrl.u32 @!p3 s3, $0x3  }
0x1f: {  	s3 =	simm.s32 $0x1;
	[dreg:$0x10] =	wrdreg s0;
	s0 =	simm.s32 $0x50  }
.LBB2_1:
0x20: {  	s10 =	rddreg [dreg:$0x7];
	s11 =	simm.s32 $0x1E740  }
0x21: {  	[tilespmem:s11], [sflag:$0x5] =	stream.linear.gather [hbm4b:s10+s6], $0x280, $0x38;
	[tilespmem:$0x1E9C0] =	vst v63  }
0x22: {  	_ =	swait.ge [sflag:s21], $0x280  }
0x23: {  	[sflag:s21] =	ssyncset.done $0x0  }
0x24: {  	s12 =	rddreg [dreg:$0x8];
	[sflag:s21] =	ssyncadd.s32 $0xFFFFFD80  }
0x25: {  	s31 =	sor.u32 $0x1C05, s17;
	s22 =	sshrl.u32 s12, $0x3;
	s13 =	rddreg [dreg:$0x1]  }
0x26: {  	[spmem:s22], [sflag:s31] =	dma.local [hbm:s13], $0x40  }
0x27: {  	_ =	swait.ge [sflag:s21], $0x40  }
0x28: {  	[sflag:s21] =	ssyncset.done $0x0  }
0x29: {  	s18 =	rddreg [dreg:$0x9];
	[sflag:s21] =	ssyncadd.s32 $0xFFFFFFC0  }
0x2a: {  	[tilespmem:s26], [sflag:$0x5] =	stream.linear.gather [hbm4b:s18+s6], $0x2800, $0x38;
	[tilespmem:$0x1E9C0] =	vst v63  }
0x2b: {  	_ =	swait.ge [sflag:s21], $0x2800  }
0x2c: {  	[sflag:s21] =	ssyncset.done $0x0  }
.Ltmp0:
0x2d: {  	s23 =	rddreg [dreg:$0xa];
	[sflag:s21] =	ssyncadd.s32 $0xFFFFD800;
	(pc) =	sbr.rel @!p1 .LBB2_3-.Ltmp0, $4  }
0x2e: {  	[tilespmem:s28], [sflag:$0x5] =	stream.linear.gather [hbm4b:s23+s6], $0x2800, $0x38;
	[tilespmem:$0x1E9C0] =	vst v63  }
0x2f: {  	_ =	swait.ge [sflag:s21], $0x2800  }
0x30: {  	[sflag:s21] =	ssyncset.done $0x0  }
0x31: {  	[sflag:s21] =	ssyncadd.s32 $0xFFFFD800  }
0x32: {  	s10 =	rddreg [dreg:$0xc]  }
0x33: {  	s11 =	rddreg [dreg:$0xf]  }
0x34: {  	[spmem:s11], [sflag:s31] =	dma.local [hbm:s10], $0x1400  }
.LBB2_7:
0x35: {  	_ =	swait.ge [sflag:s21], $0x1400  }
0x36: {  	[sflag:s21] =	ssyncset.done $0x0  }
0x37: {  	[sflag:s21] =	ssyncadd.s32 $0xFFFFEC00  }
.LBB2_8:
0x38: {  	s10 =	rddreg [dreg:$0xd]  }
0x39: {  	s11 =	rddreg [dreg:$0x10]  }
0x3a: {  	[spmem:s11], [sflag:s31] =	dma.local @!p3 [hbm:s10], $0x2710  }
.Ltmp1:
0x3b: {  	_ = 	snop;
	(pc) =	sbr.rel .LBB2_9-.Ltmp1, $4  }
0x3c: {  	s10 =	simm.s32 @!p3 $0x5  }
0x3d: {  	_ =	swait.ge @!p3 [sflag:s10], $0x2710  }
0x3e: {  	[sflag:s10] =	ssyncset.done @!p3 $0x0  }
0x3f: {  	[sflag:s10] =	ssyncadd.s32 @!p3 $0xFFFFD8F0  }
.LBB2_3:
.Ltmp2:
0x40: {  	(pc) =	sbr.rel @!p2 .LBB2_5-.Ltmp2, $1  }
0x41: {  	_ =	sdelay $0x3  }
0x42: {  	s10 =	rddreg [dreg:$0x6]  }
0x43: {  	s11 =	rddreg [dreg:$0x11]  }
0x44: {  	[spmem:s11], [sflag:s31] =	dma.local [hbm:s10], $0x1400  }
0x45: {  	_ =	swait.ge [sflag:s21], $0x1400  }
0x46: {  	[sflag:s21] =	ssyncset.done $0x0  }
0x47: {  	s23 =	rddreg [dreg:$0xb];
	[sflag:s21] =	ssyncadd.s32 $0xFFFFEC00  }
0x48: {  	[spmem:s11], [sflag:s31] =	dma.local [hbm:s23], $0xC80  }
0x49: {  	_ =	swait.ge [sflag:s21], $0xC80  }
0x4a: {  	[sflag:s21] =	ssyncset.done $0x0  }
0x4b: {  	[sflag:s21] =	ssyncadd.s32 $0xFFFFF380  }
.LBB2_9:
0x4c: {  	[bflag:$0x0] =	sbarrier.arrive $0xFFFF  }
0x4d: {  	[tilespmem:s30], [sflag:$0x1] =	stream.indirect.gather [spmem:s5], $0x40, s26, s29, $0xb8;
	[tilespmem:$0x1E9C0] =	vst v63  }
0x4e: {  	s10 =	simm.s32 $0x13EC0  }
0x4f: {  	[tilespmem:s2], [sflag:$0x2] =	stream.indirect.gather [spmem:s5], $0x40, s10, s29, $0xb8;
	[tilespmem:$0x1E9C0] =	vst v63  }
0x50: {  	_ =	swait.ge [sflag:s3], $0x2000  }
0x51: {  	[sflag:s3] =	ssyncset.done $0x0  }
0x52: {  	[sflag:s3] =	ssyncadd.s32 $0xFFFFE000  }
0x53: {  	[spmem:s4] =	stream.indirect.scatter.add.f32 [tilespmem:s30], [sflag:$0x3], $0x40, s28, s29, $0xb8;
	[tilespmem:$0x1E9C0] =	vst v63  }
0x54: {  	_ =	swait.ge [sflag:s25], $0x2000  }
0x55: {  	[sflag:s25] =	ssyncset.done $0x0  }
0x56: {  	s11 =	simm.s32 $0x13F40;
	[sflag:s25] =	ssyncadd.s32 $0xFFFFE000  }
0x57: {  	[tilespmem:s30], [sflag:$0x1] =	stream.indirect.gather [spmem:s5], $0x40, s11, s29, $0xb8;
	[tilespmem:$0x1E9C0] =	vst v63  }
0x58: {  	_ =	swait.ge [sflag:s8], $0x2000  }
0x59: {  	[sflag:s8] =	ssyncset.done $0x0  }
0x5a: {  	s12 =	simm.s32 $0x166C0;
	[sflag:s8] =	ssyncadd.s32 $0xFFFFE000  }
0x5b: {  	[spmem:s4] =	stream.indirect.scatter.add.f32 [tilespmem:s2], [sflag:$0x4], $0x40, s12, s29, $0xb8;
	[tilespmem:$0x1E9C0] =	vst v63  }
0x5c: {  	_ =	swait.ge [sflag:s20], $0x2000  }
0x5d: {  	[sflag:s20] =	ssyncset.done $0x0  }
0x5e: {  	s13 =	simm.s32 $0x13FC0;
	[sflag:s20] =	ssyncadd.s32 $0xFFFFE000  }
0x5f: {  	[tilespmem:s2], [sflag:$0x2] =	stream.indirect.gather [spmem:s5], $0x40, s13, s29, $0xb8;
	[tilespmem:$0x1E9C0] =	vst v63  }
0x60: {  	_ =	swait.ge [sflag:s3], $0x2000  }
0x61: {  	[sflag:s3] =	ssyncset.done $0x0  }
0x62: {  	s18 =	simm.s32 $0x16740;
	[sflag:s3] =	ssyncadd.s32 $0xFFFFE000  }
0x63: {  	[spmem:s4] =	stream.indirect.scatter.add.f32 [tilespmem:s30], [sflag:$0x3], $0x40, s18, s29, $0xb8;
	[tilespmem:$0x1E9C0] =	vst v63  }
0x64: {  	_ =	swait.ge [sflag:s25], $0x2000  }
0x65: {  	[sflag:s25] =	ssyncset.done $0x0  }
0x66: {  	s23 =	simm.s32 $0x14040;
	[sflag:s25] =	ssyncadd.s32 $0xFFFFE000  }
0x67: {  	[tilespmem:s30], [sflag:$0x1] =	stream.indirect.gather [spmem:s5], $0x40, s23, s29, $0xb8;
	[tilespmem:$0x1E9C0] =	vst v63  }
0x68: {  	_ =	swait.ge [sflag:s8], $0x2000  }
0x69: {  	[sflag:s8] =	ssyncset.done $0x0  }
0x6a: {  	s10 =	simm.s32 $0xFFFF6C00;
	s11 =	simm.s32 $0x167C0;
	[sflag:s8] =	ssyncadd.s32 $0xFFFFE000  }
.LBB2_10:
0x6b: {  	[spmem:s4] =	stream.indirect.scatter.add.f32 [tilespmem:s2], [sflag:$0x4], $0x40, s11, s29, $0xb8;
	[tilespmem:$0x1E9C0] =	vst v63  }
0x6c: {  	s11 =	smov.u32 s10  }
0x6d: {  	p4 =	sne.s32 s10, $0xFFFFFC00;
	s10 =	sadd.s32 $0x400, s10;
	_ =	swait.ge [sflag:s20], $0x2000  }
0x6e: {  	s11 =	sshra.s32 s11, $0x2;
	[sflag:s20] =	ssyncset.done $0x0  }
0x6f: {  	s12 =	sadd.s32 $0x165C0, s11;
	[sflag:s20] =	ssyncadd.s32 $0xFFFFE000  }
0x70: {  	[tilespmem:s2], [sflag:$0x2] =	stream.indirect.gather [spmem:s5], $0x40, s12, s29, $0xb8;
	[tilespmem:$0x1E9C0] =	vst v63  }
0x71: {  	_ =	swait.ge [sflag:s3], $0x2000  }
0x72: {  	[sflag:s3] =	ssyncset.done $0x0  }
0x73: {  	s12 =	sadd.s32 $0x18D40, s11;
	[sflag:s3] =	ssyncadd.s32 $0xFFFFE000  }
0x74: {  	[spmem:s4] =	stream.indirect.scatter.add.f32 [tilespmem:s30], [sflag:$0x3], $0x40, s12, s29, $0xb8;
	[tilespmem:$0x1E9C0] =	vst v63  }
0x75: {  	_ =	swait.ge [sflag:s25], $0x2000  }
0x76: {  	[sflag:s25] =	ssyncset.done $0x0  }
.Ltmp3:
0x77: {  	s12 =	sadd.s32 $0x16640, s11;
	[sflag:s25] =	ssyncadd.s32 $0xFFFFE000;
	(pc) =	sbr.rel @p4 .LBB2_10-.Ltmp3, $4  }
0x78: {  	[tilespmem:s30], [sflag:$0x1] =	stream.indirect.gather [spmem:s5], $0x40, s12, s29, $0xb8;
	[tilespmem:$0x1E9C0] =	vst v63  }
0x79: {  	_ =	swait.ge [sflag:s8], $0x2000  }
0x7a: {  	[sflag:s8] =	ssyncset.done $0x0  }
0x7b: {  	s11 =	sadd.s32 $0x18DC0, s11;
	[sflag:s8] =	ssyncadd.s32 $0xFFFFE000  }
0x7c: {  	[spmem:s4] =	stream.indirect.scatter.add.f32 [tilespmem:s2], [sflag:$0x4], $0x40, s11, s29, $0xb8;
	[tilespmem:$0x1E9C0] =	vst v63  }
0x7d: {  	_ =	swait.ge [sflag:s20], $0x2000  }
0x7e: {  	[sflag:s20] =	ssyncset.done $0x0  }
0x7f: {  	s10 =	simm.s32 $0x165C0;
	[sflag:s20] =	ssyncadd.s32 $0xFFFFE000  }
0x80: {  	[tilespmem:s2], [sflag:$0x2] =	stream.indirect.gather [spmem:s5], $0x40, s10, s29, $0xb8;
	[tilespmem:$0x1E9C0] =	vst v63  }
0x81: {  	_ =	swait.ge [sflag:s3], $0x2000  }
0x82: {  	[sflag:s3] =	ssyncset.done $0x0  }
0x83: {  	s18 =	simm.s32 $0x18D40;
	[sflag:s3] =	ssyncadd.s32 $0xFFFFE000  }
0x84: {  	[spmem:s4] =	stream.indirect.scatter.add.f32 [tilespmem:s30], [sflag:$0x3], $0x40, s18, s29, $0xb8;
	[tilespmem:$0x1E9C0] =	vst v63  }
0x85: {  	_ =	swait.ge [sflag:s25], $0x2000  }
0x86: {  	[sflag:s25] =	ssyncset.done $0x0  }
0x87: {  	[sflag:s25] =	ssyncadd.s32 $0xFFFFE000  }
0x88: {  	_ =	swait.ge [sflag:s8], $0x2000  }
0x89: {  	[sflag:s8] =	ssyncset.done $0x0  }
0x8a: {  	s23 =	simm.s32 $0x18DC0;
	[sflag:s8] =	ssyncadd.s32 $0xFFFFE000  }
0x8b: {  	[spmem:s4] =	stream.indirect.scatter.add.f32 [tilespmem:s2], [sflag:$0x4], $0x40, s23, s29, $0xb8;
	[tilespmem:$0x1E9C0] =	vst v63  }
0x8c: {  	_ =	swait.ge [sflag:s20], $0x2000  }
0x8d: {  	[sflag:s20] =	ssyncset.done $0x0  }
0x8e: {  	[sflag:s20] =	ssyncadd.s32 $0xFFFFE000  }
0x8f: {  	s23 =	simm.s32 $0x0;
	[bflag:$0x0] =	sbarrier.arrive $0xFFFF  }
.LBB2_12:
0x90: {  	s10 =	smul.u32 $0x50, s23;
	_ =	sdelay $0x1  }
0x91: {  	s11 =	sadd.s32 s7, s10  }
0x92: {  	s12 =	sshll.u32 s11, $0x6  }
0x93: {  	s12 =	sand.u32 $0x3FFFFFC0, s12  }
0x94: {  	s12 =	sadd.s32 s12, s4  }
0x95: {  	[tilespmem:s24], [sflag:$0x5] =	stream.linear.gather [spmem:s12], $0x1400, $0x38;
	[tilespmem:$0x1E9C0] =	vst v63  }
0x96: {  	_ =	swait.ge [sflag:s21], $0x1400  }
0x97: {  	s11 =	sshll.u32 s11, $0x1;
	[sflag:s21] =	ssyncset.done $0x0  }
0x98: {  	s11 =	sadd.s32 s9, s11;
	[sflag:s21] =	ssyncadd.s32 $0xFFFFEC00  }
0x99: {  	[tilespmem:s14], [sflag:$0x5] =	stream.linear.gather [hbm4b:s11+s16], $0x500, $0x38;
	[tilespmem:$0x1E9C0] =	vst v63  }
0x9a: {  	_ =	swait.ge [sflag:s21], $0x500  }
0x9b: {  	[sflag:s21] =	ssyncset.done $0x0  }
0x9c: {  	s11 =	simm.s32 $0x1CE60;
	[sflag:s21] =	ssyncadd.s32 $0xFFFFFB00  }
0x9d: {  	v0 =	vld [tilespmem:s11+$0xFFFFFFF0]  }
0x9e: {  	v2 =	vld [tilespmem:s11+$0x10]  }
0x9f: {  	s18 =	simm.s32 $0x0;
	v1 =	vld [tilespmem:s11+$0xFFFFFFE0]  }
0xa0: {  	v4 =	vld [tilespmem:s18+$0x1E240]  }
0xa1: {  	v5 =	vld [tilespmem:s11+$0x0];
	_ =	sdelay $0x3  }
0xa2: {  	v1 =	vmul.f32 v1, v4;
	v3 =	vmul.f32 v2, v4  }
0xa3: {  	s13 =	simm.s32 $0x1CE60;
	s12 =	simm.s32 $0x40;
	v2 =	vmul.f32 v0, v4;
	v0 =	vmul.f32 v5, v4  }
.LBB2_13:
0xa4: {  	p4 =	sne.s32 s12, $0x13C0  }
0xa5: {  	[tilespmem:s11+$0x10] =	vst v3;
	s13 =	sadd.s32 $0x40, s13;
	s18 =	smov.u32 s12;
	s12 =	sadd.s32 $0x40, s12  }
0xa6: {  	v4 =	vld [tilespmem:s13+$0xFFFFFFF0];
	[tilespmem:s11+$0xFFFFFFE0] =	vst v1  }
0xa7: {  	v3 =	vld [tilespmem:s13+$0x10];
	[tilespmem:s11+$0xFFFFFFF0] =	vst v2  }
0xa8: {  	s18 =	sshra.s32 s18, $0x2;
	v1 =	vld [tilespmem:s13+$0xFFFFFFE0];
	[tilespmem:s11+$0x0] =	vst v0;
	s11 =	smov.u32 s13  }
0xa9: {  	v0 =	vld [tilespmem:s18+$0x1E240]  }
0xaa: {  	v5 =	vld [tilespmem:s13+$0x0]  }
.Ltmp4:
0xab: {  	(pc) =	sbr.rel @p4 .LBB2_13-.Ltmp4, $3  }
0xac: {  	_ =	sdelay $0x1  }
0xad: {  	v1 =	vmul.f32 v1, v0;
	v3 =	vmul.f32 v3, v0  }
0xae: {  	v2 =	vmul.f32 v4, v0;
	v0 =	vmul.f32 v5, v0  }
0xaf: {  	[tilespmem:s11+$0x10] =	vst v3  }
0xb0: {  	[tilespmem:s11+$0xFFFFFFE0] =	vst v1;
	s23 =	sadd.s32 $0x1, s23  }
0xb1: {  	[tilespmem:s11+$0xFFFFFFF0] =	vst v2;
	p4 =	sne.s32 s23, $0x8  }
.Ltmp5:
0xb2: {  	s10 =	sadd.s32 $0x1E740, s10;
	[tilespmem:s11+$0x0] =	vst v0;
	(pc) =	sbr.rel @p4 .LBB2_12-.Ltmp5, $4  }
0xb3: {  	[spmem:s1] =	stream.indirect.scatter.add.f32 [tilespmem:s24], [sflag:$0x5], $0x40, s10, s0, $0xb8;
	[tilespmem:$0x1E9C0] =	vst v63  }
0xb4: {  	_ =	swait.ge [sflag:s21], $0x1400  }
0xb5: {  	[sflag:s21] =	ssyncset.done $0x0  }
0xb6: {  	[sflag:s21] =	ssyncadd.s32 $0xFFFFEC00  }
0xb7: {  	[bflag:$0x0] =	sbarrier.arrive $0xFFFF  }
0xb8: {  	[hbm:s19], [sflag:s31] =	dma.local [spmem:s22], $0x40  }
0xb9: {  	_ =	swait.ge [sflag:s21], $0x40  }
0xba: {  	s15 =	sadd.s32 $0x1, s15;
	s10 =	rddreg [dreg:$0xe]  }
0xbb: {  	p4 =	sne.s32 s15, s10  }
.Ltmp6:
0xbc: {  	_ = 	snop;
	(pc) =	sbr.rel @p4 .LBB2_1-.Ltmp6, $4  }
.Ltmp7:
0xbd: {  	_ = 	snop;
	(pc) =	sbr.rel @!p4 .LBB2_16-.Ltmp7, $4  }
0xbe: {  	_ = 	snop  }
0xbf: {  	[sflag:s21] =	ssyncset.done $0x0  }
0xc0: {  	[sflag:s21] =	ssyncadd.s32 $0xFFFFFFC0  }
0xc1: {  	_ = 	snop  }
.LBB2_5:
.Ltmp8:
0xc2: {  	(pc) =	sbr.rel @p0 .LBB2_8-.Ltmp8, $1  }
0xc3: {  	_ =	sdelay $0x3  }
.Ltmp9:
0xc4: {  	(pc) =	sbr.rel .LBB2_7-.Ltmp9, $4  }
0xc5: {  	_ = 	snop  }
0xc6: {  	s10 =	rddreg [dreg:$0x6]  }
0xc7: {  	s11 =	rddreg [dreg:$0x12]  }
0xc8: {  	[spmem:s11], [sflag:s31] =	dma.local [hbm:s10], $0x1400  }
.LBB2_16:
0xc9: {  	_ =	sfence.sel $0x180000  }
0xca: {  	[bflag:$0x0] =	sbarrier.arrive $0xFFFF  }
0xcb: {  	_ =	strace $0x90000053  }
0xcc: {  	s0 =	stileid.u32;
	[bflag:$0x2] =	sbarrier.arrive $0xFFFF  }
0xcd: {  	p0 =	sne.s32 s0, $0x0;
	s0 =	rddreg [dreg:$0x5]  }
0xce: {  	s0 =	sadd.s32 @!p0 $0x100000, s0  }
0xcf: {  	[sflag:s0] =	ssyncadd.tile.s32 @!p0 $0x1;
	_ =	shalt  }
.Lfunc_end2:
_tile_overlayer_lowered:
.L_overlay_start_2:
0xd0: {  	(tag) =	ssettag $0x2  }
0xd1: {  	s0 =	rddreg [dreg:$0x0];
	s2 =	stileid.u32  }
0xd2: {  	s1 =	rddreg [dreg:$0x1];
	p0 =	sne.s32 s2, $0x0  }
0xd3: {  	s3 =	rddreg [dreg:$0x2];
	[bflag:$0x3] =	sbarrier.arrive $0xFFFF;
	s2 =	simm.s32 @!p0 $0x1C05  }
0xd4: {  	[timem:s3], [sflag:s2] =	dma.local @!p0 [hbm:s0], s1  }
0xd5: {  	s0 =	simm.s32 @!p0 $0x5  }
0xd6: {  	_ =	swait.ge @!p0 [sflag:s0], s1  }
0xd7: {  	s1 =	ssub.s32 @!p0 $0x0, s1;
	[sflag:s0] =	ssyncset.done @!p0 $0x0  }
0xd8: {  	[sflag:s0] =	ssyncadd.s32 @!p0 s1  }
0xd9: {  	[bflag:$0x3] =	sbarrier.arrive $0xFFFF  }
0xda: {  	_ =	shalt  }

</sc_bundles>
